<compile_context>
chip_gen: v7x
topology: tpu7x:2x2x1
jax: 0.10.2.dev20260603
libtpu: 0.0.44.dev20260713+nightly
codegen_flags: <defaults>
</compile_context>

<pallas_src>
import functools
import math
from collections import defaultdict
from itertools import combinations

import numpy as np
import jax
import jax.numpy as jnp
from jax import lax
from jax.experimental import pallas as pl
from jax.experimental.pallas import tpu as pltpu
from jax.experimental.pallas import tpu_sc as plsc

_N_ATOMS = 100
_N_FEATURES = 64
_BATCH = 128
_BINS = 64
_STEP = 2.0 / (_BINS - 1)
_ISTEP = 1.0 / _STEP
_CKS = [(-1.0 + k * _STEP) * _ISTEP for k in range(_BINS)]
_INV2PI = 1.0 / (2.0 * math.pi)

_NW = 32
_F_SC = 64
_F_TC = _BATCH - _F_SC
_GROWS = 120
_GCOLS = 66
_WIN = 7
_FB = 8


def _schedule_segments():
    pairs = np.array(list(combinations(range(_N_ATOMS - 1), 2)), dtype=np.int64)
    pairs = pairs[pairs[:, 1] - pairs[:, 0] != 1]
    buckets = defaultdict(list)
    for idx, (_, j) in enumerate(pairs):
        buckets[j].append(idx)
    chunks = []
    while buckets:
        js = sorted(buckets, key=lambda j: -len(buckets[j]))[:16]
        chunks.append([buckets[j].pop() for j in js])
        for j in js:
            if not buckets[j]:
                del buckets[j]
    si, sj = [], []
    for chunk in chunks:
        ci = [int(pairs[s, 0]) for s in chunk]
        cj = [int(pairs[s, 1]) for s in chunk]
        for lane in range(len(chunk), 16):
            ci.append(0)
            cj.append(100 + lane)
        si.extend(ci)
        sj.extend(cj)
    return (np.asarray(si, np.int32), np.asarray(sj, np.int32), len(chunks))


_SEG_I, _SEG_J, _NCHUNK = _schedule_segments()



def _rsqrt16(v):
    y = plsc.bitcast(jnp.int32(0x5F3759DF) - (plsc.bitcast(v, jnp.int32) >> 1),
                     jnp.float32)
    for _ in range(2):
        y = y * (1.5 - 0.5 * v * y * y)
    return y


def _asin16(x):
    ax = jnp.abs(x)
    p = jnp.full((16,), -0.0012624911, jnp.float32)
    for c in (0.0066700901, -0.0170881256, 0.0308918810,
              -0.0501743046, 0.0889789874, -0.2145988016, 1.5707963050):
        p = p * ax + jnp.float32(c)
    t = jnp.maximum(1.0 - ax, 0.0)
    s = t * _rsqrt16(t)
    return jnp.sign(x) * (jnp.float32(1.5707963267948966) - s * p)


def _cross(a, b):
    return (a[1] * b[2] - a[2] * b[1],
            a[2] * b[0] - a[0] * b[2],
            a[0] * b[1] - a[1] * b[0])


def _dot(a, b):
    return a[0] * b[0] + a[1] * b[1] + a[2] * b[2]


def _normed(v):
    r = _rsqrt16(_dot(v, v))
    return (v[0] * r, v[1] * r, v[2] * r)


def _sc_stage(segi, segj, xx, xy, xz, zg):
    mesh = plsc.VectorSubcoreMesh(core_axis_name="c", subcore_axis_name="s")

    @functools.partial(
        pl.kernel, mesh=mesh,
        compiler_params=pltpu.CompilerParams(needs_layout_passes=False),
        out_type=jax.ShapeDtypeStruct((_F_SC, _GROWS, _GCOLS), jnp.float32),
        scratch_types=[
            pltpu.VMEM((_NCHUNK * 16,), jnp.int32),
            pltpu.VMEM((_NCHUNK * 16,), jnp.int32),
            pltpu.VMEM((128,), jnp.float32),
            pltpu.VMEM((128,), jnp.float32),
            pltpu.VMEM((128,), jnp.float32),
            pltpu.VMEM((_GROWS, _GCOLS), jnp.float32),
        ],
    )
    def sc_g(segi_hbm, segj_hbm, xx_hbm, xy_hbm, xz_hbm, zg_hbm, g_hbm,
             segi_v, segj_v, xxv, xyv, xzv, gv):
        wid = lax.axis_index("s") * 2 + lax.axis_index("c")
        pltpu.sync_copy(segi_hbm, segi_v)
        pltpu.sync_copy(segj_hbm, segj_v)
        nf = _F_SC // _NW

        def frame_body(fi, carry):
            f = wid * nf + fi
            pltpu.sync_copy(xx_hbm.at[f], xxv)
            pltpu.sync_copy(xy_hbm.at[f], xyv)
            pltpu.sync_copy(xz_hbm.at[f], xzv)
            pltpu.sync_copy(zg_hbm, gv)

            def chunk_body(c, carry2):
                base = c * 16
                ii = segi_v[pl.ds(base, 16)]
                jj = segj_v[pl.ds(base, 16)]
                i1 = ii + 1
                j1 = jj + 1
                pi = tuple(plsc.load_gather(r, [ii]) for r in (xxv, xyv, xzv))
                pi1 = tuple(plsc.load_gather(r, [i1]) for r in (xxv, xyv, xzv))
                pj = tuple(plsc.load_gather(r, [jj]) for r in (xxv, xyv, xzv))
                pj1 = tuple(plsc.load_gather(r, [j1]) for r in (xxv, xyv, xzv))

                dx0 = tuple(pj[a] - pi[a] for a in range(3))
                dx1 = tuple(pj1[a] - pi[a] for a in range(3))
                dx2 = tuple(pj[a] - pi1[a] for a in range(3))
                dx3 = tuple(pj1[a] - pi1[a] for a in range(3))
                r2a = _dot(dx0, dx0)
                r2b = _dot(dx3, dx3)
                w1 = jnp.exp(-r2a)
                w2 = jnp.exp(-r2b)

                ra = _rsqrt16(r2a)
                rb = _rsqrt16(r2b)
                u0 = tuple(dx0[a] * ra for a in range(3))
                u3 = tuple(dx3[a] * rb for a in range(3))
                u1 = _normed(dx1)
                u2 = _normed(dx2)

                c0 = _normed(_cross(u0, u1))
                c1 = _normed(_cross(u1, u3))
                c2 = _normed(_cross(u3, u2))
                c3 = _normed(_cross(u2, u0))
                omega = (_asin16(jnp.clip(_dot(c0, c1), -1.0, 1.0))
                         + _asin16(jnp.clip(_dot(c1, c2), -1.0, 1.0))
                         + _asin16(jnp.clip(_dot(c2, c3), -1.0, 1.0))
                         + _asin16(jnp.clip(_dot(c3, c0), -1.0, 1.0)))
                tj = tuple(pj1[a] - pj[a] for a in range(3))
                ti = tuple(pi1[a] - pi[a] for a in range(3))
                sgn = jnp.sign(_dot(_cross(tj, ti), u0))
                vb = omega * sgn * jnp.float32(_INV2PI * _ISTEP) + jnp.float32(31.5)
                k0 = lax.convert_element_type(vb + 0.5, jnp.int32)

                col64 = jnp.full((16,), 64, jnp.int32)
                plsc.addupdate_scatter(gv, [jj, col64], w1)
                plsc.addupdate_scatter(gv, [j1, col64], w2)
                klo = k0 - _WIN // 2
                d0 = vb - lax.convert_element_type(klo, jnp.float32)
                e = jnp.exp(-(d0 * d0))
                ratio = jnp.exp(2.0 * d0 - 1.0)
                decay = jnp.full((16,), math.exp(-2.0), jnp.float32)
                for kk in range(_WIN):
                    k = klo + kk
                    valid = (k >= 0) & (k <= 63)
                    plsc.addupdate_scatter(gv, [jj, k], w1 * e, mask=valid)
                    plsc.addupdate_scatter(gv, [j1, k], w2 * e, mask=valid)
                    if kk < _WIN - 1:
                        e = e * ratio
                        ratio = ratio * decay
                return carry2

            lax.fori_loop(0, _NCHUNK, chunk_body, 0)
            pltpu.sync_copy(gv, g_hbm.at[f])
            return carry

        lax.fori_loop(0, nf, frame_body, 0)

    return sc_g(segi, segj, xx, xy, xz, zg)



def _shl_lane(m):
    return jnp.concatenate([m[:, 1:], m[:, :1]], axis=1)


def _shl_sub(m):
    return jnp.concatenate([m[1:, :], m[:1, :]], axis=0)


def _shr_lane_row(v):
    return jnp.concatenate([jnp.zeros((1, 1), jnp.float32), v[:, :-1]], axis=1)


def _asin_tc(x):
    ax = jnp.abs(x)
    p = jnp.float32(-0.0012624911)
    for c in (0.0066700901, -0.0170881256, 0.0308918810,
              -0.0501743046, 0.0889789874, -0.2145988016, 1.5707963050):
        p = p * ax + jnp.float32(c)
    r = jnp.float32(1.5707963267948966) - jnp.sqrt(jnp.maximum(1.0 - ax, 0.0)) * p
    return jnp.sign(x) * r


def _cross_tc(a, b):
    return (a[1] * b[2] - a[2] * b[1],
            a[2] * b[0] - a[0] * b[2],
            a[0] * b[1] - a[1] * b[0])


def _norm3_tc(v):
    r = lax.rsqrt(v[0] * v[0] + v[1] * v[1] + v[2] * v[2])
    return (v[0] * r, v[1] * r, v[2] * r)


def _dot3_tc(a, b):
    return a[0] * b[0] + a[1] * b[1] + a[2] * b[2]


_NR = 104


def _dense_body(xt_ref, nodef_ref, basis_ref, out_ref, gt_ref):
    for fr in range(2):
        msg = _dense_frame(xt_ref[fr], basis_ref, gt_ref)
        sl = slice(fr * _N_ATOMS, (fr + 1) * _N_ATOMS)
        out_ref[sl, :] = nodef_ref[sl, :] + msg[:_N_ATOMS, :]


def _dense_frame(xr, basis_ref, gt_ref):
    cols = [jnp.transpose(jnp.broadcast_to(xr[c:c + 1, :], (128, 128)))[:_NR, :]
            for c in range(3)]
    rows = [jnp.broadcast_to(xr[c:c + 1, :], (_NR, 128)) for c in range(3)]
    d = [rows[c] - cols[c] for c in range(3)]
    r2 = d[0] * d[0] + d[1] * d[1] + d[2] * d[2]
    w = jnp.exp(-r2)
    inv = lax.rsqrt(r2)
    ua = tuple(d[c] * inv for c in range(3))
    ub = tuple(_shl_lane(u) for u in ua)
    uc = tuple(_shl_sub(u) for u in ua)
    ud = tuple(_shl_sub(u) for u in ub)

    c0 = _norm3_tc(_cross_tc(ua, ub))
    c1 = _norm3_tc(_cross_tc(ub, ud))
    c2 = _norm3_tc(_cross_tc(ud, uc))
    c3 = _norm3_tc(_cross_tc(uc, ua))
    omega = (_asin_tc(jnp.clip(_dot3_tc(c0, c1), -1.0, 1.0))
             + _asin_tc(jnp.clip(_dot3_tc(c1, c2), -1.0, 1.0))
             + _asin_tc(jnp.clip(_dot3_tc(c2, c3), -1.0, 1.0))
             + _asin_tc(jnp.clip(_dot3_tc(c3, c0), -1.0, 1.0)))

    tj = tuple(_shl_lane(rows[c]) - rows[c] for c in range(3))
    ti = tuple(_shl_sub(cols[c]) - cols[c] for c in range(3))
    sgn = jnp.sign(_dot3_tc(_cross_tc(tj, ti), ua))
    wr = omega * sgn * jnp.float32(_INV2PI)

    ii = lax.broadcasted_iota(jnp.int32, (_NR, 128), 0)
    jj = lax.broadcasted_iota(jnp.int32, (_NR, 128), 1)
    mask = (ii + 2 <= jj) & (jj <= 98)
    wrs = jnp.where(mask, wr * jnp.float32(_ISTEP), 0.0)
    w1 = jnp.where(mask, w, 0.0)
    w2 = jnp.where(mask, _shl_sub(_shl_lane(w)), 0.0)

    s1 = jnp.sum(w1, axis=0, keepdims=True)
    s2 = jnp.sum(w2, axis=0, keepdims=True)
    denom = s1 + _shr_lane_row(s2)
    dinv = jnp.where(denom > 0, jnp.float32(1.0 / 1.12) / denom, 0.0)

    onesr = jnp.ones((1, _NR), jnp.float32)
    cdims = (((1,), (0,)), ((), ()))
    for k in range(_BINS):
        dk = wrs - jnp.float32(_CKS[k])
        e = jnp.exp(-(dk * dk))
        r1 = lax.dot_general(onesr, w1 * e, cdims,
                             preferred_element_type=jnp.float32)
        r2v = lax.dot_general(onesr, w2 * e, cdims,
                              preferred_element_type=jnp.float32)
        gt_ref[k:k + 1, :] = r1 + _shr_lane_row(r2v)

    gt = gt_ref[...] * dinv
    return lax.dot_general(gt, basis_ref[...], (((0,), (0,)), ((), ())),
                           preferred_element_type=jnp.float32)



def _tc_finish_body(prev_ref, g_ref, nodef_ref, basis_ref, out_ref):
    del prev_ref
    for i in range(_FB):
        g = g_ref[i]
        den = g[:, 64:65]
        dinv = jnp.where(den > 0, jnp.float32(1.0 / 1.12) / den, 0.0)
        gs = g[:, :_BINS] * dinv
        msg = lax.dot_general(gs, basis_ref[...], (((1,), (0,)), ((), ())),
                              preferred_element_type=jnp.float32)
        sl = slice(i * _N_ATOMS, (i + 1) * _N_ATOMS)
        out_ref[sl, :] = nodef_ref[sl, :] + msg[:_N_ATOMS, :]


@jax.jit
def kernel(x, invariant_node_features, basis):
    xr3 = x.reshape(_BATCH, _N_ATOMS, 3)
    basis2 = basis[0, 0]

    xpad = jnp.pad(xr3[:_F_SC], ((0, 0), (0, 28), (0, 0)))
    xx, xy, xz = xpad[:, :, 0], xpad[:, :, 1], xpad[:, :, 2]
    zg = jnp.zeros((_GROWS, _GCOLS), jnp.float32)
    g = _sc_stage(jnp.asarray(_SEG_I), jnp.asarray(_SEG_J), xx, xy, xz, zg)

    xt = jnp.transpose(xr3[_F_SC:], (0, 2, 1))
    xt = jnp.pad(xt, ((0, 0), (0, 0), (0, 128 - _N_ATOMS)))
    msg_tc = pl.pallas_call(
        _dense_body,
        grid=(_F_TC // 2,),
        in_specs=[
            pl.BlockSpec((2, 3, 128), lambda b: (b, 0, 0)),
            pl.BlockSpec((2 * _N_ATOMS, _N_FEATURES),
                         lambda b: (b + _F_SC // 2, 0)),
            pl.BlockSpec((_BINS, _N_FEATURES), lambda b: (0, 0)),
        ],
        out_specs=pl.BlockSpec((2 * _N_ATOMS, _N_FEATURES),
                               lambda b: (b + _F_SC // 2, 0)),
        out_shape=jax.ShapeDtypeStruct((_BATCH * _N_ATOMS, _N_FEATURES),
                                       jnp.float32),
        scratch_shapes=[pltpu.VMEM((_BINS, 128), jnp.float32)],
    )(xt, invariant_node_features, basis2)

    out = pl.pallas_call(
        _tc_finish_body,
        grid=(_F_SC // _FB,),
        in_specs=[
            pl.BlockSpec(memory_space=pl.ANY),
            pl.BlockSpec((_FB, _GROWS, _GCOLS), lambda b: (b, 0, 0)),
            pl.BlockSpec((_FB * _N_ATOMS, _N_FEATURES), lambda b: (b, 0)),
            pl.BlockSpec((_BINS, _N_FEATURES), lambda b: (0, 0)),
        ],
        out_specs=pl.BlockSpec((_FB * _N_ATOMS, _N_FEATURES), lambda b: (b, 0)),
        out_shape=jax.ShapeDtypeStruct((_BATCH * _N_ATOMS, _N_FEATURES),
                                       jnp.float32),
        input_output_aliases={0: 0},
    )(msg_tc, g, invariant_node_features, basis2)

    return out

# --- scband reference (transcript-rebuilt; emitter-appended) ---
"""Pipeline reference for scband-writhe-message-37632503448184 (READ-ONLY COPY).

The authoritative reference and input builder live on the scoring server;
editing this copy changes nothing except your own understanding.
"""

import jax, jax.numpy as jnp
import numpy as np
from itertools import combinations

N_ATOMS = 100
N_FEATURES = 64
BATCH_SIZE = 128
BINS = 64
SEG_LENGTH = 1
BIN_LOW = -1.0
BIN_HIGH = 1.0

def _get_segments(n, length):
    pairs = np.array(list(combinations(range(n - length), 2)), dtype=np.int64)
    pairs = pairs[pairs[:, 1] - pairs[:, 0] != length]
    return np.stack([pairs[:, 0], pairs[:, 0] + length, pairs[:, 1], pairs[:, 1] + length], axis=1)

SEGMENTS = _get_segments(N_ATOMS, SEG_LENGTH)
_edges_local = np.concatenate([SEGMENTS[:, [0, 2]], SEGMENTS[:, [1, 3]]], axis=0).T
EDGES = np.concatenate([b * N_ATOMS + _edges_local for b in range(BATCH_SIZE)], axis=1)
BIN_CENTERS = np.linspace(BIN_LOW, BIN_HIGH, BINS).astype(np.float32)
STEP = float(BIN_CENTERS[1] - BIN_CENTERS[0])

def setup_inputs(seed: int = 0):
    key = jax.random.key(seed)
    k1, k2, k3 = jax.random.split(key, 3)
    x = jax.random.normal(k1, (BATCH_SIZE * N_ATOMS, 3), dtype=jnp.float32)
    nodef = jax.random.normal(k2, (BATCH_SIZE * N_ATOMS, N_FEATURES), dtype=jnp.float32)
    std = 1.0 / np.sqrt(N_FEATURES)
    basis = jax.random.uniform(k3, (1, 1, BINS, N_FEATURES), dtype=jnp.float32, minval=-std, maxval=std)
    return {"x": x, "invariant_node_features": nodef, "basis": basis}

def _divnorm(v):
    return v / jnp.linalg.norm(v, axis=-1, keepdims=True)

def _writhe_segments_cross(xyz, segments):
    F = xyz.shape[0]
    S = segments.shape[0]
    dx = _divnorm((-xyz[:, segments[:, :2], None] + xyz[:, segments[:, None, 2:]]).reshape(F, S, 4, 3))
    crosses = _divnorm(jnp.cross(dx[:, :, jnp.array([0, 1, 3, 2])], dx[:, :, jnp.array([1, 3, 2, 0])]))
    dots = (crosses[:, :, jnp.array([0, 1, 2, 3])] * crosses[:, :, jnp.array([1, 2, 3, 0])]).sum(-1)
    omega = jnp.arcsin(jnp.clip(dots, -1.0, 1.0)).sum(2)
    signs = jnp.sign((jnp.cross(xyz[:, segments[:, 3]] - xyz[:, segments[:, 2]], xyz[:, segments[:, 1]] - xyz[:, segments[:, 0]]) * dx[:, :, 0]).sum(-1))
    return omega * signs / (2.0 * np.pi)

def _forward(x, invariant_node_features, basis):
    src = jnp.asarray(EDGES[0])
    dst = jnp.asarray(EDGES[1])
    segs = jnp.asarray(SEGMENTS)
    xyz = x.reshape(-1, N_ATOMS, 3)
    wr = _writhe_segments_cross(xyz, segs)
    diff = (wr[..., None] - jnp.asarray(BIN_CENTERS)) / STEP
    soh = jnp.exp(-jnp.square(diff)) / 1.12
    emb = jnp.einsum('bsk,kf->bsf', soh, basis[0, 0])
    writhe_feat = jnp.tile(emb, (1, 2, 1)).reshape(-1, N_FEATURES)
    d = x[src] - x[dst]
    w = jnp.exp(-jnp.square(d).sum(-1))
    denom = jnp.zeros(BATCH_SIZE * N_ATOMS, dtype=w.dtype).at[dst].add(w)
    attention = (w / denom[dst])[:, None]
    message = jnp.zeros((BATCH_SIZE * N_ATOMS, N_FEATURES), dtype=x.dtype).at[dst].add(writhe_feat * attention)
    return invariant_node_features + message

def reference(x, invariant_node_features, basis):
    return _forward(x, invariant_node_features, basis)

if __name__ == "__main__":
    import jax
    _d = setup_inputs()
    print(jax.jit(kernel)(*tuple(_d.values())))

</pallas_src>

<mosaic_0001>
#map = affine_map<(d0, d1) -> (0)>
#map1 = affine_map<(d0, d1) -> (0, 0)>
#map2 = affine_map<(d0, d1) -> (0, 0, 0)>
module attributes {stable_mosaic.version = 14 : i64} {
  func.func @sc_g(%arg0: i32, %arg1: i32, %arg2: memref<4768xi32, #tpu.memory_space<hbm>>, %arg3: memref<4768xi32, #tpu.memory_space<hbm>>, %arg4: memref<64x128xf32, #tpu.memory_space<hbm>>, %arg5: memref<64x128xf32, #tpu.memory_space<hbm>>, %arg6: memref<64x128xf32, #tpu.memory_space<hbm>>, %arg7: memref<120x66xf32, #tpu.memory_space<hbm>>, %arg8: memref<64x120x66xf32, #tpu.memory_space<hbm>>, %arg9: memref<4768xi32, #tpu.memory_space<vmem>>, %arg10: memref<4768xi32, #tpu.memory_space<vmem>>, %arg11: memref<128xf32, #tpu.memory_space<vmem>>, %arg12: memref<128xf32, #tpu.memory_space<vmem>>, %arg13: memref<128xf32, #tpu.memory_space<vmem>>, %arg14: memref<120x66xf32, #tpu.memory_space<vmem>>) attributes {dimension_semantics = [#tpu.dimension_semantics<core_parallel>, #tpu.dimension_semantics<subcore_parallel>], iteration_bounds = array<i64: 2, 16>, scalar_prefetch = 0 : i64, scratch_operands = 6 : i64, tpu.core_type = #tpu.core_type<sc_vector_subcore>, window_params = [{transform_indices = #map}, {transform_indices = #map}, {transform_indices = #map1}, {transform_indices = #map1}, {transform_indices = #map1}, {transform_indices = #map1}, {transform_indices = #map2}]} {
    %mul3A = arith.constant 2 : i32
    %mul3A_0 = arith.muli %arg1, %mul3A : i32
    %add3A = arith.addi %mul3A_0, %arg0 : i32
    "tpu.region"() ({
      %run_scoped3A = tpu.sem_alloc : memref<!tpu.dma_semaphore, #tpu.memory_space<semaphore_mem>>
      tpu.enqueue_dma source(%arg2 : memref<4768xi32, #tpu.memory_space<hbm>>) target(%arg9 : memref<4768xi32, #tpu.memory_space<vmem>>) target_semaphore(%run_scoped3A : memref<!tpu.dma_semaphore, #tpu.memory_space<semaphore_mem>>)
      tpu.wait_dma2 semaphore(%run_scoped3A : memref<!tpu.dma_semaphore, #tpu.memory_space<semaphore_mem>>) src(%arg2 : memref<4768xi32, #tpu.memory_space<hbm>>) dst(%arg9 : memref<4768xi32, #tpu.memory_space<vmem>>)
      tpu.yield
    }) : () -> ()
    "tpu.region"() ({
      %run_scoped3A = tpu.sem_alloc : memref<!tpu.dma_semaphore, #tpu.memory_space<semaphore_mem>>
      tpu.enqueue_dma source(%arg3 : memref<4768xi32, #tpu.memory_space<hbm>>) target(%arg10 : memref<4768xi32, #tpu.memory_space<vmem>>) target_semaphore(%run_scoped3A : memref<!tpu.dma_semaphore, #tpu.memory_space<semaphore_mem>>)
      tpu.wait_dma2 semaphore(%run_scoped3A : memref<!tpu.dma_semaphore, #tpu.memory_space<semaphore_mem>>) src(%arg3 : memref<4768xi32, #tpu.memory_space<hbm>>) dst(%arg10 : memref<4768xi32, #tpu.memory_space<vmem>>)
      tpu.yield
    }) : () -> ()
    %scan3A = arith.constant 0 : i32
    %scan3A_1 = arith.constant 0 : i32
    %scan3A_2 = arith.constant 2 : i32
    %scan3A_3 = arith.addi %scan3A_1, %scan3A_2 : i32
    %scan3A_4 = arith.constant 1 : i32
    scf.for %scan3A_6 = %scan3A_1 to %scan3A_3 step %scan3A_4  : i32 {
      %mul3A_7 = arith.constant 2 : i32
      %mul3A_8 = arith.muli %add3A, %mul3A_7 : i32
      %add3A_9 = arith.addi %mul3A_8, %scan3A_6 : i32
      "tpu.region"() ({
        %run_scoped3A = tpu.sem_alloc : memref<!tpu.dma_semaphore, #tpu.memory_space<semaphore_mem>>
        %dma_start3A = arith.constant 0 : i32
        %dma_start3A_16 = tpu.memref_slice %arg4[%add3A_9, %dma_start3A] : memref<64x128xf32, #tpu.memory_space<hbm>> -> memref<1x128xf32, #tpu.memory_space<hbm>>
        %dma_start3A_17 = tpu.memref_squeeze %dma_start3A_16 : memref<1x128xf32, #tpu.memory_space<hbm>> -> memref<128xf32, #tpu.memory_space<hbm>>
        %dma_start3A_18 = arith.constant 0 : i32
        %dma_start3A_19 = tpu.memref_slice %arg4[%add3A_9, %dma_start3A_18] : memref<64x128xf32, #tpu.memory_space<hbm>> -> memref<1x128xf32, #tpu.memory_space<hbm>>
        %dma_start3A_20 = tpu.memref_squeeze %dma_start3A_19 : memref<1x128xf32, #tpu.memory_space<hbm>> -> memref<128xf32, #tpu.memory_space<hbm>>
        tpu.enqueue_dma source(%dma_start3A_20 : memref<128xf32, #tpu.memory_space<hbm>>) target(%arg11 : memref<128xf32, #tpu.memory_space<vmem>>) target_semaphore(%run_scoped3A : memref<!tpu.dma_semaphore, #tpu.memory_space<semaphore_mem>>)
        %dma_wait3A = arith.constant 0 : i32
        %dma_wait3A_21 = tpu.memref_slice %arg4[%add3A_9, %dma_wait3A] : memref<64x128xf32, #tpu.memory_space<hbm>> -> memref<1x128xf32, #tpu.memory_space<hbm>>
        %dma_wait3A_22 = tpu.memref_squeeze %dma_wait3A_21 : memref<1x128xf32, #tpu.memory_space<hbm>> -> memref<128xf32, #tpu.memory_space<hbm>>
        %dma_wait3A_23 = arith.constant 0 : i32
        %dma_wait3A_24 = tpu.memref_slice %arg4[%add3A_9, %dma_wait3A_23] : memref<64x128xf32, #tpu.memory_space<hbm>> -> memref<1x128xf32, #tpu.memory_space<hbm>>
        %dma_wait3A_25 = tpu.memref_squeeze %dma_wait3A_24 : memref<1x128xf32, #tpu.memory_space<hbm>> -> memref<128xf32, #tpu.memory_space<hbm>>
        tpu.wait_dma2 semaphore(%run_scoped3A : memref<!tpu.dma_semaphore, #tpu.memory_space<semaphore_mem>>) src(%dma_wait3A_25 : memref<128xf32, #tpu.memory_space<hbm>>) dst(%arg11 : memref<128xf32, #tpu.memory_space<vmem>>)
        tpu.yield
      }) : () -> ()
      "tpu.region"() ({
        %run_scoped3A = tpu.sem_alloc : memref<!tpu.dma_semaphore, #tpu.memory_space<semaphore_mem>>
        %dma_start3A = arith.constant 0 : i32
        %dma_start3A_16 = tpu.memref_slice %arg5[%add3A_9, %dma_start3A] : memref<64x128xf32, #tpu.memory_space<hbm>> -> memref<1x128xf32, #tpu.memory_space<hbm>>
        %dma_start3A_17 = tpu.memref_squeeze %dma_start3A_16 : memref<1x128xf32, #tpu.memory_space<hbm>> -> memref<128xf32, #tpu.memory_space<hbm>>
        %dma_start3A_18 = arith.constant 0 : i32
        %dma_start3A_19 = tpu.memref_slice %arg5[%add3A_9, %dma_start3A_18] : memref<64x128xf32, #tpu.memory_space<hbm>> -> memref<1x128xf32, #tpu.memory_space<hbm>>
        %dma_start3A_20 = tpu.memref_squeeze %dma_start3A_19 : memref<1x128xf32, #tpu.memory_space<hbm>> -> memref<128xf32, #tpu.memory_space<hbm>>
        tpu.enqueue_dma source(%dma_start3A_20 : memref<128xf32, #tpu.memory_space<hbm>>) target(%arg12 : memref<128xf32, #tpu.memory_space<vmem>>) target_semaphore(%run_scoped3A : memref<!tpu.dma_semaphore, #tpu.memory_space<semaphore_mem>>)
        %dma_wait3A = arith.constant 0 : i32
        %dma_wait3A_21 = tpu.memref_slice %arg5[%add3A_9, %dma_wait3A] : memref<64x128xf32, #tpu.memory_space<hbm>> -> memref<1x128xf32, #tpu.memory_space<hbm>>
        %dma_wait3A_22 = tpu.memref_squeeze %dma_wait3A_21 : memref<1x128xf32, #tpu.memory_space<hbm>> -> memref<128xf32, #tpu.memory_space<hbm>>
        %dma_wait3A_23 = arith.constant 0 : i32
        %dma_wait3A_24 = tpu.memref_slice %arg5[%add3A_9, %dma_wait3A_23] : memref<64x128xf32, #tpu.memory_space<hbm>> -> memref<1x128xf32, #tpu.memory_space<hbm>>
        %dma_wait3A_25 = tpu.memref_squeeze %dma_wait3A_24 : memref<1x128xf32, #tpu.memory_space<hbm>> -> memref<128xf32, #tpu.memory_space<hbm>>
        tpu.wait_dma2 semaphore(%run_scoped3A : memref<!tpu.dma_semaphore, #tpu.memory_space<semaphore_mem>>) src(%dma_wait3A_25 : memref<128xf32, #tpu.memory_space<hbm>>) dst(%arg12 : memref<128xf32, #tpu.memory_space<vmem>>)
        tpu.yield
      }) : () -> ()
      "tpu.region"() ({
        %run_scoped3A = tpu.sem_alloc : memref<!tpu.dma_semaphore, #tpu.memory_space<semaphore_mem>>
        %dma_start3A = arith.constant 0 : i32
        %dma_start3A_16 = tpu.memref_slice %arg6[%add3A_9, %dma_start3A] : memref<64x128xf32, #tpu.memory_space<hbm>> -> memref<1x128xf32, #tpu.memory_space<hbm>>
        %dma_start3A_17 = tpu.memref_squeeze %dma_start3A_16 : memref<1x128xf32, #tpu.memory_space<hbm>> -> memref<128xf32, #tpu.memory_space<hbm>>
        %dma_start3A_18 = arith.constant 0 : i32
        %dma_start3A_19 = tpu.memref_slice %arg6[%add3A_9, %dma_start3A_18] : memref<64x128xf32, #tpu.memory_space<hbm>> -> memref<1x128xf32, #tpu.memory_space<hbm>>
        %dma_start3A_20 = tpu.memref_squeeze %dma_start3A_19 : memref<1x128xf32, #tpu.memory_space<hbm>> -> memref<128xf32, #tpu.memory_space<hbm>>
        tpu.enqueue_dma source(%dma_start3A_20 : memref<128xf32, #tpu.memory_space<hbm>>) target(%arg13 : memref<128xf32, #tpu.memory_space<vmem>>) target_semaphore(%run_scoped3A : memref<!tpu.dma_semaphore, #tpu.memory_space<semaphore_mem>>)
        %dma_wait3A = arith.constant 0 : i32
        %dma_wait3A_21 = tpu.memref_slice %arg6[%add3A_9, %dma_wait3A] : memref<64x128xf32, #tpu.memory_space<hbm>> -> memref<1x128xf32, #tpu.memory_space<hbm>>
        %dma_wait3A_22 = tpu.memref_squeeze %dma_wait3A_21 : memref<1x128xf32, #tpu.memory_space<hbm>> -> memref<128xf32, #tpu.memory_space<hbm>>
        %dma_wait3A_23 = arith.constant 0 : i32
        %dma_wait3A_24 = tpu.memref_slice %arg6[%add3A_9, %dma_wait3A_23] : memref<64x128xf32, #tpu.memory_space<hbm>> -> memref<1x128xf32, #tpu.memory_space<hbm>>
        %dma_wait3A_25 = tpu.memref_squeeze %dma_wait3A_24 : memref<1x128xf32, #tpu.memory_space<hbm>> -> memref<128xf32, #tpu.memory_space<hbm>>
        tpu.wait_dma2 semaphore(%run_scoped3A : memref<!tpu.dma_semaphore, #tpu.memory_space<semaphore_mem>>) src(%dma_wait3A_25 : memref<128xf32, #tpu.memory_space<hbm>>) dst(%arg13 : memref<128xf32, #tpu.memory_space<vmem>>)
        tpu.yield
      }) : () -> ()
      "tpu.region"() ({
        %run_scoped3A = tpu.sem_alloc : memref<!tpu.dma_semaphore, #tpu.memory_space<semaphore_mem>>
        tpu.enqueue_dma source(%arg7 : memref<120x66xf32, #tpu.memory_space<hbm>>) target(%arg14 : memref<120x66xf32, #tpu.memory_space<vmem>>) target_semaphore(%run_scoped3A : memref<!tpu.dma_semaphore, #tpu.memory_space<semaphore_mem>>)
        tpu.wait_dma2 semaphore(%run_scoped3A : memref<!tpu.dma_semaphore, #tpu.memory_space<semaphore_mem>>) src(%arg7 : memref<120x66xf32, #tpu.memory_space<hbm>>) dst(%arg14 : memref<120x66xf32, #tpu.memory_space<vmem>>)
        tpu.yield
      }) : () -> ()
      %scan3A_10 = arith.constant 0 : i32
      %scan3A_11 = arith.constant 0 : i32
      %scan3A_12 = arith.constant 298 : i32
      %scan3A_13 = arith.addi %scan3A_11, %scan3A_12 : i32
      %scan3A_14 = arith.constant 1 : i32
      scf.for %scan3A_16 = %scan3A_11 to %scan3A_13 step %scan3A_14  : i32 {
        %mul3A_17 = arith.constant 16 : i32
        %mul3A_18 = arith.muli %scan3A_16, %mul3A_17 : i32
        %get3A = arith.index_cast %mul3A_18 : i32 to index
        %get3A_19 = tpu.vector_load %arg9[%get3A] {strides = array<i32>} : memref<4768xi32, #tpu.memory_space<vmem>>, vector<16xi32>,
        %get3A_20 = arith.index_cast %mul3A_18 : i32 to index
        %get3A_21 = tpu.vector_load %arg10[%get3A_20] {strides = array<i32>} : memref<4768xi32, #tpu.memory_space<vmem>>, vector<16xi32>,
        %add3A_22 = arith.constant 1 : i32
        %add3A_23 = vector.broadcast %add3A_22 : i32 to vector<16xi32>
        %add3A_24 = arith.addi %get3A_19, %add3A_23 : vector<16xi32>
        %add3A_25 = arith.constant 1 : i32
        %add3A_26 = vector.broadcast %add3A_25 : i32 to vector<16xi32>
        %add3A_27 = arith.addi %get3A_21, %add3A_26 : vector<16xi32>
        %gather3A = tpu.vector_load_idx %arg11[%get3A_19] : memref<128xf32, #tpu.memory_space<vmem>>[vector<16xi32>], vector<16xf32>,
        %gather3A_28 = tpu.vector_load_idx %arg12[%get3A_19] : memref<128xf32, #tpu.memory_space<vmem>>[vector<16xi32>], vector<16xf32>,
        %gather3A_29 = tpu.vector_load_idx %arg13[%get3A_19] : memref<128xf32, #tpu.memory_space<vmem>>[vector<16xi32>], vector<16xf32>,
        %gather3A_30 = tpu.vector_load_idx %arg11[%add3A_24] : memref<128xf32, #tpu.memory_space<vmem>>[vector<16xi32>], vector<16xf32>,
        %gather3A_31 = tpu.vector_load_idx %arg12[%add3A_24] : memref<128xf32, #tpu.memory_space<vmem>>[vector<16xi32>], vector<16xf32>,
        %gather3A_32 = tpu.vector_load_idx %arg13[%add3A_24] : memref<128xf32, #tpu.memory_space<vmem>>[vector<16xi32>], vector<16xf32>,
        %gather3A_33 = tpu.vector_load_idx %arg11[%get3A_21] : memref<128xf32, #tpu.memory_space<vmem>>[vector<16xi32>], vector<16xf32>,
        %gather3A_34 = tpu.vector_load_idx %arg12[%get3A_21] : memref<128xf32, #tpu.memory_space<vmem>>[vector<16xi32>], vector<16xf32>,
        %gather3A_35 = tpu.vector_load_idx %arg13[%get3A_21] : memref<128xf32, #tpu.memory_space<vmem>>[vector<16xi32>], vector<16xf32>,
        %gather3A_36 = tpu.vector_load_idx %arg11[%add3A_27] : memref<128xf32, #tpu.memory_space<vmem>>[vector<16xi32>], vector<16xf32>,
        %gather3A_37 = tpu.vector_load_idx %arg12[%add3A_27] : memref<128xf32, #tpu.memory_space<vmem>>[vector<16xi32>], vector<16xf32>,
        %gather3A_38 = tpu.vector_load_idx %arg13[%add3A_27] : memref<128xf32, #tpu.memory_space<vmem>>[vector<16xi32>], vector<16xf32>,
        %sub3A = arith.subf %gather3A_33, %gather3A : vector<16xf32>
        %sub3A_39 = arith.subf %gather3A_34, %gather3A_28 : vector<16xf32>
        %sub3A_40 = arith.subf %gather3A_35, %gather3A_29 : vector<16xf32>
        %sub3A_41 = arith.subf %gather3A_36, %gather3A : vector<16xf32>
        %sub3A_42 = arith.subf %gather3A_37, %gather3A_28 : vector<16xf32>
        %sub3A_43 = arith.subf %gather3A_38, %gather3A_29 : vector<16xf32>
        %sub3A_44 = arith.subf %gather3A_33, %gather3A_30 : vector<16xf32>
        %sub3A_45 = arith.subf %gather3A_34, %gather3A_31 : vector<16xf32>
        %sub3A_46 = arith.subf %gather3A_35, %gather3A_32 : vector<16xf32>
        %sub3A_47 = arith.subf %gather3A_36, %gather3A_30 : vector<16xf32>
        %sub3A_48 = arith.subf %gather3A_37, %gather3A_31 : vector<16xf32>
        %sub3A_49 = arith.subf %gather3A_38, %gather3A_32 : vector<16xf32>
        %mul3A_50 = arith.mulf %sub3A, %sub3A : vector<16xf32>
        %mul3A_51 = arith.mulf %sub3A_39, %sub3A_39 : vector<16xf32>
        %add3A_52 = arith.addf %mul3A_50, %mul3A_51 : vector<16xf32>
        %mul3A_53 = arith.mulf %sub3A_40, %sub3A_40 : vector<16xf32>
        %add3A_54 = arith.addf %add3A_52, %mul3A_53 : vector<16xf32>
        %mul3A_55 = arith.mulf %sub3A_47, %sub3A_47 : vector<16xf32>
        %mul3A_56 = arith.mulf %sub3A_48, %sub3A_48 : vector<16xf32>
        %add3A_57 = arith.addf %mul3A_55, %mul3A_56 : vector<16xf32>
        %mul3A_58 = arith.mulf %sub3A_49, %sub3A_49 : vector<16xf32>
        %add3A_59 = arith.addf %add3A_57, %mul3A_58 : vector<16xf32>
        %neg3A = arith.constant 0.000000e+00 : f32
        %neg3A_60 = vector.broadcast %neg3A : f32 to vector<16xf32>
        %neg3A_61 = arith.subf %neg3A_60, %add3A_54 : vector<16xf32>
        %exp3A = math.exp %neg3A_61 : vector<16xf32>
        %neg3A_62 = arith.constant 0.000000e+00 : f32
        %neg3A_63 = vector.broadcast %neg3A_62 : f32 to vector<16xf32>
        %neg3A_64 = arith.subf %neg3A_63, %add3A_59 : vector<16xf32>
        %exp3A_65 = math.exp %neg3A_64 : vector<16xf32>
        %bitcast3A = vector.bitcast %add3A_54 : vector<16xf32> to vector<16xi32>
        %shift_right_arithmetic3A = arith.constant 1 : i32
        %shift_right_arithmetic3A_66 = vector.broadcast %shift_right_arithmetic3A : i32 to vector<16xi32>
        %shift_right_arithmetic3A_67 = arith.shrsi %bitcast3A, %shift_right_arithmetic3A_66 : vector<16xi32>
        %sub3A_68 = arith.constant 1597463007 : i32
        %sub3A_69 = vector.broadcast %sub3A_68 : i32 to vector<16xi32>
        %sub3A_70 = arith.subi %sub3A_69, %shift_right_arithmetic3A_67 : vector<16xi32>
        %bitcast3A_71 = vector.bitcast %sub3A_70 : vector<16xi32> to vector<16xf32>
        %mul3A_72 = arith.constant 5.000000e-01 : f32
        %mul3A_73 = vector.broadcast %mul3A_72 : f32 to vector<16xf32>
        %mul3A_74 = arith.mulf %mul3A_73, %add3A_54 : vector<16xf32>
        %mul3A_75 = arith.mulf %mul3A_74, %bitcast3A_71 : vector<16xf32>
        %mul3A_76 = arith.mulf %mul3A_75, %bitcast3A_71 : vector<16xf32>
        %sub3A_77 = arith.constant 1.500000e+00 : f32
        %sub3A_78 = vector.broadcast %sub3A_77 : f32 to vector<16xf32>
        %sub3A_79 = arith.subf %sub3A_78, %mul3A_76 : vector<16xf32>
        %mul3A_80 = arith.mulf %bitcast3A_71, %sub3A_79 : vector<16xf32>
        %mul3A_81 = arith.constant 5.000000e-01 : f32
        %mul3A_82 = vector.broadcast %mul3A_81 : f32 to vector<16xf32>
        %mul3A_83 = arith.mulf %mul3A_82, %add3A_54 : vector<16xf32>
        %mul3A_84 = arith.mulf %mul3A_83, %mul3A_80 : vector<16xf32>
        %mul3A_85 = arith.mulf %mul3A_84, %mul3A_80 : vector<16xf32>
        %sub3A_86 = arith.constant 1.500000e+00 : f32
        %sub3A_87 = vector.broadcast %sub3A_86 : f32 to vector<16xf32>
        %sub3A_88 = arith.subf %sub3A_87, %mul3A_85 : vector<16xf32>
        %mul3A_89 = arith.mulf %mul3A_80, %sub3A_88 : vector<16xf32>
        %bitcast3A_90 = vector.bitcast %add3A_59 : vector<16xf32> to vector<16xi32>
        %shift_right_arithmetic3A_91 = arith.constant 1 : i32
        %shift_right_arithmetic3A_92 = vector.broadcast %shift_right_arithmetic3A_91 : i32 to vector<16xi32>
        %shift_right_arithmetic3A_93 = arith.shrsi %bitcast3A_90, %shift_right_arithmetic3A_92 : vector<16xi32>
        %sub3A_94 = arith.constant 1597463007 : i32
        %sub3A_95 = vector.broadcast %sub3A_94 : i32 to vector<16xi32>
        %sub3A_96 = arith.subi %sub3A_95, %shift_right_arithmetic3A_93 : vector<16xi32>
        %bitcast3A_97 = vector.bitcast %sub3A_96 : vector<16xi32> to vector<16xf32>
        %mul3A_98 = arith.constant 5.000000e-01 : f32
        %mul3A_99 = vector.broadcast %mul3A_98 : f32 to vector<16xf32>
        %mul3A_100 = arith.mulf %mul3A_99, %add3A_59 : vector<16xf32>
        %mul3A_101 = arith.mulf %mul3A_100, %bitcast3A_97 : vector<16xf32>
        %mul3A_102 = arith.mulf %mul3A_101, %bitcast3A_97 : vector<16xf32>
        %sub3A_103 = arith.constant 1.500000e+00 : f32
        %sub3A_104 = vector.broadcast %sub3A_103 : f32 to vector<16xf32>
        %sub3A_105 = arith.subf %sub3A_104, %mul3A_102 : vector<16xf32>
        %mul3A_106 = arith.mulf %bitcast3A_97, %sub3A_105 : vector<16xf32>
        %mul3A_107 = arith.constant 5.000000e-01 : f32
        %mul3A_108 = vector.broadcast %mul3A_107 : f32 to vector<16xf32>
        %mul3A_109 = arith.mulf %mul3A_108, %add3A_59 : vector<16xf32>
        %mul3A_110 = arith.mulf %mul3A_109, %mul3A_106 : vector<16xf32>
        %mul3A_111 = arith.mulf %mul3A_110, %mul3A_106 : vector<16xf32>
        %sub3A_112 = arith.constant 1.500000e+00 : f32
        %sub3A_113 = vector.broadcast %sub3A_112 : f32 to vector<16xf32>
        %sub3A_114 = arith.subf %sub3A_113, %mul3A_111 : vector<16xf32>
        %mul3A_115 = arith.mulf %mul3A_106, %sub3A_114 : vector<16xf32>
        %mul3A_116 = arith.mulf %sub3A, %mul3A_89 : vector<16xf32>
        %mul3A_117 = arith.mulf %sub3A_39, %mul3A_89 : vector<16xf32>
        %mul3A_118 = arith.mulf %sub3A_40, %mul3A_89 : vector<16xf32>
        %mul3A_119 = arith.mulf %sub3A_47, %mul3A_115 : vector<16xf32>
        %mul3A_120 = arith.mulf %sub3A_48, %mul3A_115 : vector<16xf32>
        %mul3A_121 = arith.mulf %sub3A_49, %mul3A_115 : vector<16xf32>
        %mul3A_122 = arith.mulf %sub3A_41, %sub3A_41 : vector<16xf32>
        %mul3A_123 = arith.mulf %sub3A_42, %sub3A_42 : vector<16xf32>
        %add3A_124 = arith.addf %mul3A_122, %mul3A_123 : vector<16xf32>
        %mul3A_125 = arith.mulf %sub3A_43, %sub3A_43 : vector<16xf32>
        %add3A_126 = arith.addf %add3A_124, %mul3A_125 : vector<16xf32>
        %bitcast3A_127 = vector.bitcast %add3A_126 : vector<16xf32> to vector<16xi32>
        %shift_right_arithmetic3A_128 = arith.constant 1 : i32
        %shift_right_arithmetic3A_129 = vector.broadcast %shift_right_arithmetic3A_128 : i32 to vector<16xi32>
        %shift_right_arithmetic3A_130 = arith.shrsi %bitcast3A_127, %shift_right_arithmetic3A_129 : vector<16xi32>
        %sub3A_131 = arith.constant 1597463007 : i32
        %sub3A_132 = vector.broadcast %sub3A_131 : i32 to vector<16xi32>
        %sub3A_133 = arith.subi %sub3A_132, %shift_right_arithmetic3A_130 : vector<16xi32>
        %bitcast3A_134 = vector.bitcast %sub3A_133 : vector<16xi32> to vector<16xf32>
        %mul3A_135 = arith.constant 5.000000e-01 : f32
        %mul3A_136 = vector.broadcast %mul3A_135 : f32 to vector<16xf32>
        %mul3A_137 = arith.mulf %mul3A_136, %add3A_126 : vector<16xf32>
        %mul3A_138 = arith.mulf %mul3A_137, %bitcast3A_134 : vector<16xf32>
        %mul3A_139 = arith.mulf %mul3A_138, %bitcast3A_134 : vector<16xf32>
        %sub3A_140 = arith.constant 1.500000e+00 : f32
        %sub3A_141 = vector.broadcast %sub3A_140 : f32 to vector<16xf32>
        %sub3A_142 = arith.subf %sub3A_141, %mul3A_139 : vector<16xf32>
        %mul3A_143 = arith.mulf %bitcast3A_134, %sub3A_142 : vector<16xf32>
        %mul3A_144 = arith.constant 5.000000e-01 : f32
        %mul3A_145 = vector.broadcast %mul3A_144 : f32 to vector<16xf32>
        %mul3A_146 = arith.mulf %mul3A_145, %add3A_126 : vector<16xf32>
        %mul3A_147 = arith.mulf %mul3A_146, %mul3A_143 : vector<16xf32>
        %mul3A_148 = arith.mulf %mul3A_147, %mul3A_143 : vector<16xf32>
        %sub3A_149 = arith.constant 1.500000e+00 : f32
        %sub3A_150 = vector.broadcast %sub3A_149 : f32 to vector<16xf32>
        %sub3A_151 = arith.subf %sub3A_150, %mul3A_148 : vector<16xf32>
        %mul3A_152 = arith.mulf %mul3A_143, %sub3A_151 : vector<16xf32>
        %mul3A_153 = arith.mulf %sub3A_41, %mul3A_152 : vector<16xf32>
        %mul3A_154 = arith.mulf %sub3A_42, %mul3A_152 : vector<16xf32>
        %mul3A_155 = arith.mulf %sub3A_43, %mul3A_152 : vector<16xf32>
        %mul3A_156 = arith.mulf %sub3A_44, %sub3A_44 : vector<16xf32>
        %mul3A_157 = arith.mulf %sub3A_45, %sub3A_45 : vector<16xf32>
        %add3A_158 = arith.addf %mul3A_156, %mul3A_157 : vector<16xf32>
        %mul3A_159 = arith.mulf %sub3A_46, %sub3A_46 : vector<16xf32>
        %add3A_160 = arith.addf %add3A_158, %mul3A_159 : vector<16xf32>
        %bitcast3A_161 = vector.bitcast %add3A_160 : vector<16xf32> to vector<16xi32>
        %shift_right_arithmetic3A_162 = arith.constant 1 : i32
        %shift_right_arithmetic3A_163 = vector.broadcast %shift_right_arithmetic3A_162 : i32 to vector<16xi32>
        %shift_right_arithmetic3A_164 = arith.shrsi %bitcast3A_161, %shift_right_arithmetic3A_163 : vector<16xi32>
        %sub3A_165 = arith.constant 1597463007 : i32
        %sub3A_166 = vector.broadcast %sub3A_165 : i32 to vector<16xi32>
        %sub3A_167 = arith.subi %sub3A_166, %shift_right_arithmetic3A_164 : vector<16xi32>
        %bitcast3A_168 = vector.bitcast %sub3A_167 : vector<16xi32> to vector<16xf32>
        %mul3A_169 = arith.constant 5.000000e-01 : f32
        %mul3A_170 = vector.broadcast %mul3A_169 : f32 to vector<16xf32>
        %mul3A_171 = arith.mulf %mul3A_170, %add3A_160 : vector<16xf32>
        %mul3A_172 = arith.mulf %mul3A_171, %bitcast3A_168 : vector<16xf32>
        %mul3A_173 = arith.mulf %mul3A_172, %bitcast3A_168 : vector<16xf32>
        %sub3A_174 = arith.constant 1.500000e+00 : f32
        %sub3A_175 = vector.broadcast %sub3A_174 : f32 to vector<16xf32>
        %sub3A_176 = arith.subf %sub3A_175, %mul3A_173 : vector<16xf32>
        %mul3A_177 = arith.mulf %bitcast3A_168, %sub3A_176 : vector<16xf32>
        %mul3A_178 = arith.constant 5.000000e-01 : f32
        %mul3A_179 = vector.broadcast %mul3A_178 : f32 to vector<16xf32>
        %mul3A_180 = arith.mulf %mul3A_179, %add3A_160 : vector<16xf32>
        %mul3A_181 = arith.mulf %mul3A_180, %mul3A_177 : vector<16xf32>
        %mul3A_182 = arith.mulf %mul3A_181, %mul3A_177 : vector<16xf32>
        %sub3A_183 = arith.constant 1.500000e+00 : f32
        %sub3A_184 = vector.broadcast %sub3A_183 : f32 to vector<16xf32>
        %sub3A_185 = arith.subf %sub3A_184, %mul3A_182 : vector<16xf32>
        %mul3A_186 = arith.mulf %mul3A_177, %sub3A_185 : vector<16xf32>
        %mul3A_187 = arith.mulf %sub3A_44, %mul3A_186 : vector<16xf32>
        %mul3A_188 = arith.mulf %sub3A_45, %mul3A_186 : vector<16xf32>
        %mul3A_189 = arith.mulf %sub3A_46, %mul3A_186 : vector<16xf32>
        %mul3A_190 = arith.mulf %mul3A_117, %mul3A_155 : vector<16xf32>
        %mul3A_191 = arith.mulf %mul3A_118, %mul3A_154 : vector<16xf32>
        %sub3A_192 = arith.subf %mul3A_190, %mul3A_191 : vector<16xf32>
        %mul3A_193 = arith.mulf %mul3A_118, %mul3A_153 : vector<16xf32>
        %mul3A_194 = arith.mulf %mul3A_116, %mul3A_155 : vector<16xf32>
        %sub3A_195 = arith.subf %mul3A_193, %mul3A_194 : vector<16xf32>
        %mul3A_196 = arith.mulf %mul3A_116, %mul3A_154 : vector<16xf32>
        %mul3A_197 = arith.mulf %mul3A_117, %mul3A_153 : vector<16xf32>
        %sub3A_198 = arith.subf %mul3A_196, %mul3A_197 : vector<16xf32>
        %mul3A_199 = arith.mulf %sub3A_192, %sub3A_192 : vector<16xf32>
        %mul3A_200 = arith.mulf %sub3A_195, %sub3A_195 : vector<16xf32>
        %add3A_201 = arith.addf %mul3A_199, %mul3A_200 : vector<16xf32>
        %mul3A_202 = arith.mulf %sub3A_198, %sub3A_198 : vector<16xf32>
        %add3A_203 = arith.addf %add3A_201, %mul3A_202 : vector<16xf32>
        %bitcast3A_204 = vector.bitcast %add3A_203 : vector<16xf32> to vector<16xi32>
        %shift_right_arithmetic3A_205 = arith.constant 1 : i32
        %shift_right_arithmetic3A_206 = vector.broadcast %shift_right_arithmetic3A_205 : i32 to vector<16xi32>
        %shift_right_arithmetic3A_207 = arith.shrsi %bitcast3A_204, %shift_right_arithmetic3A_206 : vector<16xi32>
        %sub3A_208 = arith.constant 1597463007 : i32
        %sub3A_209 = vector.broadcast %sub3A_208 : i32 to vector<16xi32>
        %sub3A_210 = arith.subi %sub3A_209, %shift_right_arithmetic3A_207 : vector<16xi32>
        %bitcast3A_211 = vector.bitcast %sub3A_210 : vector<16xi32> to vector<16xf32>
        %mul3A_212 = arith.constant 5.000000e-01 : f32
        %mul3A_213 = vector.broadcast %mul3A_212 : f32 to vector<16xf32>
        %mul3A_214 = arith.mulf %mul3A_213, %add3A_203 : vector<16xf32>
        %mul3A_215 = arith.mulf %mul3A_214, %bitcast3A_211 : vector<16xf32>
        %mul3A_216 = arith.mulf %mul3A_215, %bitcast3A_211 : vector<16xf32>
        %sub3A_217 = arith.constant 1.500000e+00 : f32
        %sub3A_218 = vector.broadcast %sub3A_217 : f32 to vector<16xf32>
        %sub3A_219 = arith.subf %sub3A_218, %mul3A_216 : vector<16xf32>
        %mul3A_220 = arith.mulf %bitcast3A_211, %sub3A_219 : vector<16xf32>
        %mul3A_221 = arith.constant 5.000000e-01 : f32
        %mul3A_222 = vector.broadcast %mul3A_221 : f32 to vector<16xf32>
        %mul3A_223 = arith.mulf %mul3A_222, %add3A_203 : vector<16xf32>
        %mul3A_224 = arith.mulf %mul3A_223, %mul3A_220 : vector<16xf32>
        %mul3A_225 = arith.mulf %mul3A_224, %mul3A_220 : vector<16xf32>
        %sub3A_226 = arith.constant 1.500000e+00 : f32
        %sub3A_227 = vector.broadcast %sub3A_226 : f32 to vector<16xf32>
        %sub3A_228 = arith.subf %sub3A_227, %mul3A_225 : vector<16xf32>
        %mul3A_229 = arith.mulf %mul3A_220, %sub3A_228 : vector<16xf32>
        %mul3A_230 = arith.mulf %sub3A_192, %mul3A_229 : vector<16xf32>
        %mul3A_231 = arith.mulf %sub3A_195, %mul3A_229 : vector<16xf32>
        %mul3A_232 = arith.mulf %sub3A_198, %mul3A_229 : vector<16xf32>
        %mul3A_233 = arith.mulf %mul3A_154, %mul3A_121 : vector<16xf32>
        %mul3A_234 = arith.mulf %mul3A_155, %mul3A_120 : vector<16xf32>
        %sub3A_235 = arith.subf %mul3A_233, %mul3A_234 : vector<16xf32>
        %mul3A_236 = arith.mulf %mul3A_155, %mul3A_119 : vector<16xf32>
        %mul3A_237 = arith.mulf %mul3A_153, %mul3A_121 : vector<16xf32>
        %sub3A_238 = arith.subf %mul3A_236, %mul3A_237 : vector<16xf32>
        %mul3A_239 = arith.mulf %mul3A_153, %mul3A_120 : vector<16xf32>
        %mul3A_240 = arith.mulf %mul3A_154, %mul3A_119 : vector<16xf32>
        %sub3A_241 = arith.subf %mul3A_239, %mul3A_240 : vector<16xf32>
        %mul3A_242 = arith.mulf %sub3A_235, %sub3A_235 : vector<16xf32>
        %mul3A_243 = arith.mulf %sub3A_238, %sub3A_238 : vector<16xf32>
        %add3A_244 = arith.addf %mul3A_242, %mul3A_243 : vector<16xf32>
        %mul3A_245 = arith.mulf %sub3A_241, %sub3A_241 : vector<16xf32>
        %add3A_246 = arith.addf %add3A_244, %mul3A_245 : vector<16xf32>
        %bitcast3A_247 = vector.bitcast %add3A_246 : vector<16xf32> to vector<16xi32>
        %shift_right_arithmetic3A_248 = arith.constant 1 : i32
        %shift_right_arithmetic3A_249 = vector.broadcast %shift_right_arithmetic3A_248 : i32 to vector<16xi32>
        %shift_right_arithmetic3A_250 = arith.shrsi %bitcast3A_247, %shift_right_arithmetic3A_249 : vector<16xi32>
        %sub3A_251 = arith.constant 1597463007 : i32
        %sub3A_252 = vector.broadcast %sub3A_251 : i32 to vector<16xi32>
        %sub3A_253 = arith.subi %sub3A_252, %shift_right_arithmetic3A_250 : vector<16xi32>
        %bitcast3A_254 = vector.bitcast %sub3A_253 : vector<16xi32> to vector<16xf32>
        %mul3A_255 = arith.constant 5.000000e-01 : f32
        %mul3A_256 = vector.broadcast %mul3A_255 : f32 to vector<16xf32>
        %mul3A_257 = arith.mulf %mul3A_256, %add3A_246 : vector<16xf32>
        %mul3A_258 = arith.mulf %mul3A_257, %bitcast3A_254 : vector<16xf32>
        %mul3A_259 = arith.mulf %mul3A_258, %bitcast3A_254 : vector<16xf32>
        %sub3A_260 = arith.constant 1.500000e+00 : f32
        %sub3A_261 = vector.broadcast %sub3A_260 : f32 to vector<16xf32>
        %sub3A_262 = arith.subf %sub3A_261, %mul3A_259 : vector<16xf32>
        %mul3A_263 = arith.mulf %bitcast3A_254, %sub3A_262 : vector<16xf32>
        %mul3A_264 = arith.constant 5.000000e-01 : f32
        %mul3A_265 = vector.broadcast %mul3A_264 : f32 to vector<16xf32>
        %mul3A_266 = arith.mulf %mul3A_265, %add3A_246 : vector<16xf32>
        %mul3A_267 = arith.mulf %mul3A_266, %mul3A_263 : vector<16xf32>
        %mul3A_268 = arith.mulf %mul3A_267, %mul3A_263 : vector<16xf32>
        %sub3A_269 = arith.constant 1.500000e+00 : f32
        %sub3A_270 = vector.broadcast %sub3A_269 : f32 to vector<16xf32>
        %sub3A_271 = arith.subf %sub3A_270, %mul3A_268 : vector<16xf32>
        %mul3A_272 = arith.mulf %mul3A_263, %sub3A_271 : vector<16xf32>
        %mul3A_273 = arith.mulf %sub3A_235, %mul3A_272 : vector<16xf32>
        %mul3A_274 = arith.mulf %sub3A_238, %mul3A_272 : vector<16xf32>
        %mul3A_275 = arith.mulf %sub3A_241, %mul3A_272 : vector<16xf32>
        %mul3A_276 = arith.mulf %mul3A_120, %mul3A_189 : vector<16xf32>
        %mul3A_277 = arith.mulf %mul3A_121, %mul3A_188 : vector<16xf32>
        %sub3A_278 = arith.subf %mul3A_276, %mul3A_277 : vector<16xf32>
        %mul3A_279 = arith.mulf %mul3A_121, %mul3A_187 : vector<16xf32>
        %mul3A_280 = arith.mulf %mul3A_119, %mul3A_189 : vector<16xf32>
        %sub3A_281 = arith.subf %mul3A_279, %mul3A_280 : vector<16xf32>
        %mul3A_282 = arith.mulf %mul3A_119, %mul3A_188 : vector<16xf32>
        %mul3A_283 = arith.mulf %mul3A_120, %mul3A_187 : vector<16xf32>
        %sub3A_284 = arith.subf %mul3A_282, %mul3A_283 : vector<16xf32>
        %mul3A_285 = arith.mulf %sub3A_278, %sub3A_278 : vector<16xf32>
        %mul3A_286 = arith.mulf %sub3A_281, %sub3A_281 : vector<16xf32>
        %add3A_287 = arith.addf %mul3A_285, %mul3A_286 : vector<16xf32>
        %mul3A_288 = arith.mulf %sub3A_284, %sub3A_284 : vector<16xf32>
        %add3A_289 = arith.addf %add3A_287, %mul3A_288 : vector<16xf32>
        %bitcast3A_290 = vector.bitcast %add3A_289 : vector<16xf32> to vector<16xi32>
        %shift_right_arithmetic3A_291 = arith.constant 1 : i32
        %shift_right_arithmetic3A_292 = vector.broadcast %shift_right_arithmetic3A_291 : i32 to vector<16xi32>
        %shift_right_arithmetic3A_293 = arith.shrsi %bitcast3A_290, %shift_right_arithmetic3A_292 : vector<16xi32>
        %sub3A_294 = arith.constant 1597463007 : i32
        %sub3A_295 = vector.broadcast %sub3A_294 : i32 to vector<16xi32>
        %sub3A_296 = arith.subi %sub3A_295, %shift_right_arithmetic3A_293 : vector<16xi32>
        %bitcast3A_297 = vector.bitcast %sub3A_296 : vector<16xi32> to vector<16xf32>
        %mul3A_298 = arith.constant 5.000000e-01 : f32
        %mul3A_299 = vector.broadcast %mul3A_298 : f32 to vector<16xf32>
        %mul3A_300 = arith.mulf %mul3A_299, %add3A_289 : vector<16xf32>
        %mul3A_301 = arith.mulf %mul3A_300, %bitcast3A_297 : vector<16xf32>
        %mul3A_302 = arith.mulf %mul3A_301, %bitcast3A_297 : vector<16xf32>
        %sub3A_303 = arith.constant 1.500000e+00 : f32
        %sub3A_304 = vector.broadcast %sub3A_303 : f32 to vector<16xf32>
        %sub3A_305 = arith.subf %sub3A_304, %mul3A_302 : vector<16xf32>
        %mul3A_306 = arith.mulf %bitcast3A_297, %sub3A_305 : vector<16xf32>
        %mul3A_307 = arith.constant 5.000000e-01 : f32
        %mul3A_308 = vector.broadcast %mul3A_307 : f32 to vector<16xf32>
        %mul3A_309 = arith.mulf %mul3A_308, %add3A_289 : vector<16xf32>
        %mul3A_310 = arith.mulf %mul3A_309, %mul3A_306 : vector<16xf32>
        %mul3A_311 = arith.mulf %mul3A_310, %mul3A_306 : vector<16xf32>
        %sub3A_312 = arith.constant 1.500000e+00 : f32
        %sub3A_313 = vector.broadcast %sub3A_312 : f32 to vector<16xf32>
        %sub3A_314 = arith.subf %sub3A_313, %mul3A_311 : vector<16xf32>
        %mul3A_315 = arith.mulf %mul3A_306, %sub3A_314 : vector<16xf32>
        %mul3A_316 = arith.mulf %sub3A_278, %mul3A_315 : vector<16xf32>
        %mul3A_317 = arith.mulf %sub3A_281, %mul3A_315 : vector<16xf32>
        %mul3A_318 = arith.mulf %sub3A_284, %mul3A_315 : vector<16xf32>
        %mul3A_319 = arith.mulf %mul3A_188, %mul3A_118 : vector<16xf32>
        %mul3A_320 = arith.mulf %mul3A_189, %mul3A_117 : vector<16xf32>
        %sub3A_321 = arith.subf %mul3A_319, %mul3A_320 : vector<16xf32>
        %mul3A_322 = arith.mulf %mul3A_189, %mul3A_116 : vector<16xf32>
        %mul3A_323 = arith.mulf %mul3A_187, %mul3A_118 : vector<16xf32>
        %sub3A_324 = arith.subf %mul3A_322, %mul3A_323 : vector<16xf32>
        %mul3A_325 = arith.mulf %mul3A_187, %mul3A_117 : vector<16xf32>
        %mul3A_326 = arith.mulf %mul3A_188, %mul3A_116 : vector<16xf32>
        %sub3A_327 = arith.subf %mul3A_325, %mul3A_326 : vector<16xf32>
        %mul3A_328 = arith.mulf %sub3A_321, %sub3A_321 : vector<16xf32>
        %mul3A_329 = arith.mulf %sub3A_324, %sub3A_324 : vector<16xf32>
        %add3A_330 = arith.addf %mul3A_328, %mul3A_329 : vector<16xf32>
        %mul3A_331 = arith.mulf %sub3A_327, %sub3A_327 : vector<16xf32>
        %add3A_332 = arith.addf %add3A_330, %mul3A_331 : vector<16xf32>
        %bitcast3A_333 = vector.bitcast %add3A_332 : vector<16xf32> to vector<16xi32>
        %shift_right_arithmetic3A_334 = arith.constant 1 : i32
        %shift_right_arithmetic3A_335 = vector.broadcast %shift_right_arithmetic3A_334 : i32 to vector<16xi32>
        %shift_right_arithmetic3A_336 = arith.shrsi %bitcast3A_333, %shift_right_arithmetic3A_335 : vector<16xi32>
        %sub3A_337 = arith.constant 1597463007 : i32
        %sub3A_338 = vector.broadcast %sub3A_337 : i32 to vector<16xi32>
        %sub3A_339 = arith.subi %sub3A_338, %shift_right_arithmetic3A_336 : vector<16xi32>
        %bitcast3A_340 = vector.bitcast %sub3A_339 : vector<16xi32> to vector<16xf32>
        %mul3A_341 = arith.constant 5.000000e-01 : f32
        %mul3A_342 = vector.broadcast %mul3A_341 : f32 to vector<16xf32>
        %mul3A_343 = arith.mulf %mul3A_342, %add3A_332 : vector<16xf32>
        %mul3A_344 = arith.mulf %mul3A_343, %bitcast3A_340 : vector<16xf32>
        %mul3A_345 = arith.mulf %mul3A_344, %bitcast3A_340 : vector<16xf32>
        %sub3A_346 = arith.constant 1.500000e+00 : f32
        %sub3A_347 = vector.broadcast %sub3A_346 : f32 to vector<16xf32>
        %sub3A_348 = arith.subf %sub3A_347, %mul3A_345 : vector<16xf32>
        %mul3A_349 = arith.mulf %bitcast3A_340, %sub3A_348 : vector<16xf32>
        %mul3A_350 = arith.constant 5.000000e-01 : f32
        %mul3A_351 = vector.broadcast %mul3A_350 : f32 to vector<16xf32>
        %mul3A_352 = arith.mulf %mul3A_351, %add3A_332 : vector<16xf32>
        %mul3A_353 = arith.mulf %mul3A_352, %mul3A_349 : vector<16xf32>
        %mul3A_354 = arith.mulf %mul3A_353, %mul3A_349 : vector<16xf32>
        %sub3A_355 = arith.constant 1.500000e+00 : f32
        %sub3A_356 = vector.broadcast %sub3A_355 : f32 to vector<16xf32>
        %sub3A_357 = arith.subf %sub3A_356, %mul3A_354 : vector<16xf32>
        %mul3A_358 = arith.mulf %mul3A_349, %sub3A_357 : vector<16xf32>
        %mul3A_359 = arith.mulf %sub3A_321, %mul3A_358 : vector<16xf32>
        %mul3A_360 = arith.mulf %sub3A_324, %mul3A_358 : vector<16xf32>
        %mul3A_361 = arith.mulf %sub3A_327, %mul3A_358 : vector<16xf32>
        %mul3A_362 = arith.mulf %mul3A_230, %mul3A_273 : vector<16xf32>
        %mul3A_363 = arith.mulf %mul3A_231, %mul3A_274 : vector<16xf32>
        %add3A_364 = arith.addf %mul3A_362, %mul3A_363 : vector<16xf32>
        %mul3A_365 = arith.mulf %mul3A_232, %mul3A_275 : vector<16xf32>
        %add3A_366 = arith.addf %add3A_364, %mul3A_365 : vector<16xf32>
        %jit3A = arith.constant -1.000000e+00 : f32
        %jit3A_367 = arith.constant 1.000000e+00 : f32
        %max3A = vector.broadcast %jit3A : f32 to vector<16xf32>
        %max3A_368 = arith.maximumf %max3A, %add3A_366 : vector<16xf32>
        %min3A = vector.broadcast %jit3A_367 : f32 to vector<16xf32>
        %min3A_369 = arith.minimumf %min3A, %max3A_368 : vector<16xf32>
        %abs3A = math.absf %min3A_369 : vector<16xf32>
        %broadcast_in_dim3A = arith.constant -0.0012624911 : f32
        %broadcast_in_dim3A_370 = vector.broadcast %broadcast_in_dim3A : f32 to vector<16xf32>
        %mul3A_371 = arith.mulf %broadcast_in_dim3A_370, %abs3A : vector<16xf32>
        %add3A_372 = arith.constant 6.670090e-03 : f32
        %add3A_373 = vector.broadcast %add3A_372 : f32 to vector<16xf32>
        %add3A_374 = arith.addf %mul3A_371, %add3A_373 : vector<16xf32>
        %mul3A_375 = arith.mulf %add3A_374, %abs3A : vector<16xf32>
        %add3A_376 = arith.constant -0.0170881264 : f32
        %add3A_377 = vector.broadcast %add3A_376 : f32 to vector<16xf32>
        %add3A_378 = arith.addf %mul3A_375, %add3A_377 : vector<16xf32>
        %mul3A_379 = arith.mulf %add3A_378, %abs3A : vector<16xf32>
        %add3A_380 = arith.constant 0.0308918804 : f32
        %add3A_381 = vector.broadcast %add3A_380 : f32 to vector<16xf32>
        %add3A_382 = arith.addf %mul3A_379, %add3A_381 : vector<16xf32>
        %mul3A_383 = arith.mulf %add3A_382, %abs3A : vector<16xf32>
        %add3A_384 = arith.constant -0.0501743034 : f32
        %add3A_385 = vector.broadcast %add3A_384 : f32 to vector<16xf32>
        %add3A_386 = arith.addf %mul3A_383, %add3A_385 : vector<16xf32>
        %mul3A_387 = arith.mulf %add3A_386, %abs3A : vector<16xf32>
        %add3A_388 = arith.constant 0.0889789909 : f32
        %add3A_389 = vector.broadcast %add3A_388 : f32 to vector<16xf32>
        %add3A_390 = arith.addf %mul3A_387, %add3A_389 : vector<16xf32>
        %mul3A_391 = arith.mulf %add3A_390, %abs3A : vector<16xf32>
        %add3A_392 = arith.constant -0.214598805 : f32
        %add3A_393 = vector.broadcast %add3A_392 : f32 to vector<16xf32>
        %add3A_394 = arith.addf %mul3A_391, %add3A_393 : vector<16xf32>
        %mul3A_395 = arith.mulf %add3A_394, %abs3A : vector<16xf32>
        %add3A_396 = arith.constant 1.57079625 : f32
        %add3A_397 = vector.broadcast %add3A_396 : f32 to vector<16xf32>
        %add3A_398 = arith.addf %mul3A_395, %add3A_397 : vector<16xf32>
        %sub3A_399 = arith.constant 1.000000e+00 : f32
        %sub3A_400 = vector.broadcast %sub3A_399 : f32 to vector<16xf32>
        %sub3A_401 = arith.subf %sub3A_400, %abs3A : vector<16xf32>
        %max3A_402 = arith.constant 0.000000e+00 : f32
        %max3A_403 = vector.broadcast %max3A_402 : f32 to vector<16xf32>
        %max3A_404 = arith.maximumf %sub3A_401, %max3A_403 : vector<16xf32>
        %bitcast3A_405 = vector.bitcast %max3A_404 : vector<16xf32> to vector<16xi32>
        %shift_right_arithmetic3A_406 = arith.constant 1 : i32
        %shift_right_arithmetic3A_407 = vector.broadcast %shift_right_arithmetic3A_406 : i32 to vector<16xi32>
        %shift_right_arithmetic3A_408 = arith.shrsi %bitcast3A_405, %shift_right_arithmetic3A_407 : vector<16xi32>
        %sub3A_409 = arith.constant 1597463007 : i32
        %sub3A_410 = vector.broadcast %sub3A_409 : i32 to vector<16xi32>
        %sub3A_411 = arith.subi %sub3A_410, %shift_right_arithmetic3A_408 : vector<16xi32>
        %bitcast3A_412 = vector.bitcast %sub3A_411 : vector<16xi32> to vector<16xf32>
        %mul3A_413 = arith.constant 5.000000e-01 : f32
        %mul3A_414 = vector.broadcast %mul3A_413 : f32 to vector<16xf32>
        %mul3A_415 = arith.mulf %mul3A_414, %max3A_404 : vector<16xf32>
        %mul3A_416 = arith.mulf %mul3A_415, %bitcast3A_412 : vector<16xf32>
        %mul3A_417 = arith.mulf %mul3A_416, %bitcast3A_412 : vector<16xf32>
        %sub3A_418 = arith.constant 1.500000e+00 : f32
        %sub3A_419 = vector.broadcast %sub3A_418 : f32 to vector<16xf32>
        %sub3A_420 = arith.subf %sub3A_419, %mul3A_417 : vector<16xf32>
        %mul3A_421 = arith.mulf %bitcast3A_412, %sub3A_420 : vector<16xf32>
        %mul3A_422 = arith.constant 5.000000e-01 : f32
        %mul3A_423 = vector.broadcast %mul3A_422 : f32 to vector<16xf32>
        %mul3A_424 = arith.mulf %mul3A_423, %max3A_404 : vector<16xf32>
        %mul3A_425 = arith.mulf %mul3A_424, %mul3A_421 : vector<16xf32>
        %mul3A_426 = arith.mulf %mul3A_425, %mul3A_421 : vector<16xf32>
        %sub3A_427 = arith.constant 1.500000e+00 : f32
        %sub3A_428 = vector.broadcast %sub3A_427 : f32 to vector<16xf32>
        %sub3A_429 = arith.subf %sub3A_428, %mul3A_426 : vector<16xf32>
        %mul3A_430 = arith.mulf %mul3A_421, %sub3A_429 : vector<16xf32>
        %mul3A_431 = arith.mulf %max3A_404, %mul3A_430 : vector<16xf32>
        %sign3A = tpu.bitcast %min3A_369 : vector<16xf32> -> vector<16xi32>
        %sign3A_432 = arith.constant -2147483648 : i32
        %sign3A_433 = vector.broadcast %sign3A_432 : i32 to vector<16xi32>
        %sign3A_434 = arith.andi %sign3A, %sign3A_433 : vector<16xi32>
        %sign3A_435 = arith.constant 1065353216 : i32
        %sign3A_436 = vector.broadcast %sign3A_435 : i32 to vector<16xi32>
        %sign3A_437 = arith.ori %sign3A_436, %sign3A_434 : vector<16xi32>
        %sign3A_438 = tpu.bitcast %sign3A_437 : vector<16xi32> -> vector<16xf32>
        %sign3A_439 = math.absf %min3A_369 : vector<16xf32>
        %sign3A_440 = arith.constant 0.000000e+00 : f32
        %sign3A_441 = vector.broadcast %sign3A_440 : f32 to vector<16xf32>
        %sign3A_442 = arith.cmpf ogt, %sign3A_439, %sign3A_441 : vector<16xf32>
        %sign3A_443 = arith.select %sign3A_442, %sign3A_438, %min3A_369 : vector<16xi1>, vector<16xf32>
        %mul3A_444 = arith.mulf %mul3A_431, %add3A_398 : vector<16xf32>
        %sub3A_445 = arith.constant 1.57079637 : f32
        %sub3A_446 = vector.broadcast %sub3A_445 : f32 to vector<16xf32>
        %sub3A_447 = arith.subf %sub3A_446, %mul3A_444 : vector<16xf32>
        %mul3A_448 = arith.mulf %sign3A_443, %sub3A_447 : vector<16xf32>
        %mul3A_449 = arith.mulf %mul3A_273, %mul3A_316 : vector<16xf32>
        %mul3A_450 = arith.mulf %mul3A_274, %mul3A_317 : vector<16xf32>
        %add3A_451 = arith.addf %mul3A_449, %mul3A_450 : vector<16xf32>
        %mul3A_452 = arith.mulf %mul3A_275, %mul3A_318 : vector<16xf32>
        %add3A_453 = arith.addf %add3A_451, %mul3A_452 : vector<16xf32>
        %jit3A_454 = arith.constant -1.000000e+00 : f32
        %jit3A_455 = arith.constant 1.000000e+00 : f32
        %max3A_456 = vector.broadcast %jit3A_454 : f32 to vector<16xf32>
        %max3A_457 = arith.maximumf %max3A_456, %add3A_453 : vector<16xf32>
        %min3A_458 = vector.broadcast %jit3A_455 : f32 to vector<16xf32>
        %min3A_459 = arith.minimumf %min3A_458, %max3A_457 : vector<16xf32>
        %abs3A_460 = math.absf %min3A_459 : vector<16xf32>
        %broadcast_in_dim3A_461 = arith.constant -0.0012624911 : f32
        %broadcast_in_dim3A_462 = vector.broadcast %broadcast_in_dim3A_461 : f32 to vector<16xf32>
        %mul3A_463 = arith.mulf %broadcast_in_dim3A_462, %abs3A_460 : vector<16xf32>
        %add3A_464 = arith.constant 6.670090e-03 : f32
        %add3A_465 = vector.broadcast %add3A_464 : f32 to vector<16xf32>
        %add3A_466 = arith.addf %mul3A_463, %add3A_465 : vector<16xf32>
        %mul3A_467 = arith.mulf %add3A_466, %abs3A_460 : vector<16xf32>
        %add3A_468 = arith.constant -0.0170881264 : f32
        %add3A_469 = vector.broadcast %add3A_468 : f32 to vector<16xf32>
        %add3A_470 = arith.addf %mul3A_467, %add3A_469 : vector<16xf32>
        %mul3A_471 = arith.mulf %add3A_470, %abs3A_460 : vector<16xf32>
        %add3A_472 = arith.constant 0.0308918804 : f32
        %add3A_473 = vector.broadcast %add3A_472 : f32 to vector<16xf32>
        %add3A_474 = arith.addf %mul3A_471, %add3A_473 : vector<16xf32>
        %mul3A_475 = arith.mulf %add3A_474, %abs3A_460 : vector<16xf32>
        %add3A_476 = arith.constant -0.0501743034 : f32
        %add3A_477 = vector.broadcast %add3A_476 : f32 to vector<16xf32>
        %add3A_478 = arith.addf %mul3A_475, %add3A_477 : vector<16xf32>
        %mul3A_479 = arith.mulf %add3A_478, %abs3A_460 : vector<16xf32>
        %add3A_480 = arith.constant 0.0889789909 : f32
        %add3A_481 = vector.broadcast %add3A_480 : f32 to vector<16xf32>
        %add3A_482 = arith.addf %mul3A_479, %add3A_481 : vector<16xf32>
        %mul3A_483 = arith.mulf %add3A_482, %abs3A_460 : vector<16xf32>
        %add3A_484 = arith.constant -0.214598805 : f32
        %add3A_485 = vector.broadcast %add3A_484 : f32 to vector<16xf32>
        %add3A_486 = arith.addf %mul3A_483, %add3A_485 : vector<16xf32>
        %mul3A_487 = arith.mulf %add3A_486, %abs3A_460 : vector<16xf32>
        %add3A_488 = arith.constant 1.57079625 : f32
        %add3A_489 = vector.broadcast %add3A_488 : f32 to vector<16xf32>
        %add3A_490 = arith.addf %mul3A_487, %add3A_489 : vector<16xf32>
        %sub3A_491 = arith.constant 1.000000e+00 : f32
        %sub3A_492 = vector.broadcast %sub3A_491 : f32 to vector<16xf32>
        %sub3A_493 = arith.subf %sub3A_492, %abs3A_460 : vector<16xf32>
        %max3A_494 = arith.constant 0.000000e+00 : f32
        %max3A_495 = vector.broadcast %max3A_494 : f32 to vector<16xf32>
        %max3A_496 = arith.maximumf %sub3A_493, %max3A_495 : vector<16xf32>
        %bitcast3A_497 = vector.bitcast %max3A_496 : vector<16xf32> to vector<16xi32>
        %shift_right_arithmetic3A_498 = arith.constant 1 : i32
        %shift_right_arithmetic3A_499 = vector.broadcast %shift_right_arithmetic3A_498 : i32 to vector<16xi32>
        %shift_right_arithmetic3A_500 = arith.shrsi %bitcast3A_497, %shift_right_arithmetic3A_499 : vector<16xi32>
        %sub3A_501 = arith.constant 1597463007 : i32
        %sub3A_502 = vector.broadcast %sub3A_501 : i32 to vector<16xi32>
        %sub3A_503 = arith.subi %sub3A_502, %shift_right_arithmetic3A_500 : vector<16xi32>
        %bitcast3A_504 = vector.bitcast %sub3A_503 : vector<16xi32> to vector<16xf32>
        %mul3A_505 = arith.constant 5.000000e-01 : f32
        %mul3A_506 = vector.broadcast %mul3A_505 : f32 to vector<16xf32>
        %mul3A_507 = arith.mulf %mul3A_506, %max3A_496 : vector<16xf32>
        %mul3A_508 = arith.mulf %mul3A_507, %bitcast3A_504 : vector<16xf32>
        %mul3A_509 = arith.mulf %mul3A_508, %bitcast3A_504 : vector<16xf32>
        %sub3A_510 = arith.constant 1.500000e+00 : f32
        %sub3A_511 = vector.broadcast %sub3A_510 : f32 to vector<16xf32>
        %sub3A_512 = arith.subf %sub3A_511, %mul3A_509 : vector<16xf32>
        %mul3A_513 = arith.mulf %bitcast3A_504, %sub3A_512 : vector<16xf32>
        %mul3A_514 = arith.constant 5.000000e-01 : f32
        %mul3A_515 = vector.broadcast %mul3A_514 : f32 to vector<16xf32>
        %mul3A_516 = arith.mulf %mul3A_515, %max3A_496 : vector<16xf32>
        %mul3A_517 = arith.mulf %mul3A_516, %mul3A_513 : vector<16xf32>
        %mul3A_518 = arith.mulf %mul3A_517, %mul3A_513 : vector<16xf32>
        %sub3A_519 = arith.constant 1.500000e+00 : f32
        %sub3A_520 = vector.broadcast %sub3A_519 : f32 to vector<16xf32>
        %sub3A_521 = arith.subf %sub3A_520, %mul3A_518 : vector<16xf32>
        %mul3A_522 = arith.mulf %mul3A_513, %sub3A_521 : vector<16xf32>
        %mul3A_523 = arith.mulf %max3A_496, %mul3A_522 : vector<16xf32>
        %sign3A_524 = tpu.bitcast %min3A_459 : vector<16xf32> -> vector<16xi32>
        %sign3A_525 = arith.constant -2147483648 : i32
        %sign3A_526 = vector.broadcast %sign3A_525 : i32 to vector<16xi32>
        %sign3A_527 = arith.andi %sign3A_524, %sign3A_526 : vector<16xi32>
        %sign3A_528 = arith.constant 1065353216 : i32
        %sign3A_529 = vector.broadcast %sign3A_528 : i32 to vector<16xi32>
        %sign3A_530 = arith.ori %sign3A_529, %sign3A_527 : vector<16xi32>
        %sign3A_531 = tpu.bitcast %sign3A_530 : vector<16xi32> -> vector<16xf32>
        %sign3A_532 = math.absf %min3A_459 : vector<16xf32>
        %sign3A_533 = arith.constant 0.000000e+00 : f32
        %sign3A_534 = vector.broadcast %sign3A_533 : f32 to vector<16xf32>
        %sign3A_535 = arith.cmpf ogt, %sign3A_532, %sign3A_534 : vector<16xf32>
        %sign3A_536 = arith.select %sign3A_535, %sign3A_531, %min3A_459 : vector<16xi1>, vector<16xf32>
        %mul3A_537 = arith.mulf %mul3A_523, %add3A_490 : vector<16xf32>
        %sub3A_538 = arith.constant 1.57079637 : f32
        %sub3A_539 = vector.broadcast %sub3A_538 : f32 to vector<16xf32>
        %sub3A_540 = arith.subf %sub3A_539, %mul3A_537 : vector<16xf32>
        %mul3A_541 = arith.mulf %sign3A_536, %sub3A_540 : vector<16xf32>
        %add3A_542 = arith.addf %mul3A_448, %mul3A_541 : vector<16xf32>
        %mul3A_543 = arith.mulf %mul3A_316, %mul3A_359 : vector<16xf32>
        %mul3A_544 = arith.mulf %mul3A_317, %mul3A_360 : vector<16xf32>
        %add3A_545 = arith.addf %mul3A_543, %mul3A_544 : vector<16xf32>
        %mul3A_546 = arith.mulf %mul3A_318, %mul3A_361 : vector<16xf32>
        %add3A_547 = arith.addf %add3A_545, %mul3A_546 : vector<16xf32>
        %jit3A_548 = arith.constant -1.000000e+00 : f32
        %jit3A_549 = arith.constant 1.000000e+00 : f32
        %max3A_550 = vector.broadcast %jit3A_548 : f32 to vector<16xf32>
        %max3A_551 = arith.maximumf %max3A_550, %add3A_547 : vector<16xf32>
        %min3A_552 = vector.broadcast %jit3A_549 : f32 to vector<16xf32>
        %min3A_553 = arith.minimumf %min3A_552, %max3A_551 : vector<16xf32>
        %abs3A_554 = math.absf %min3A_553 : vector<16xf32>
        %broadcast_in_dim3A_555 = arith.constant -0.0012624911 : f32
        %broadcast_in_dim3A_556 = vector.broadcast %broadcast_in_dim3A_555 : f32 to vector<16xf32>
        %mul3A_557 = arith.mulf %broadcast_in_dim3A_556, %abs3A_554 : vector<16xf32>
        %add3A_558 = arith.constant 6.670090e-03 : f32
        %add3A_559 = vector.broadcast %add3A_558 : f32 to vector<16xf32>
        %add3A_560 = arith.addf %mul3A_557, %add3A_559 : vector<16xf32>
        %mul3A_561 = arith.mulf %add3A_560, %abs3A_554 : vector<16xf32>
        %add3A_562 = arith.constant -0.0170881264 : f32
        %add3A_563 = vector.broadcast %add3A_562 : f32 to vector<16xf32>
        %add3A_564 = arith.addf %mul3A_561, %add3A_563 : vector<16xf32>
        %mul3A_565 = arith.mulf %add3A_564, %abs3A_554 : vector<16xf32>
        %add3A_566 = arith.constant 0.0308918804 : f32
        %add3A_567 = vector.broadcast %add3A_566 : f32 to vector<16xf32>
        %add3A_568 = arith.addf %mul3A_565, %add3A_567 : vector<16xf32>
        %mul3A_569 = arith.mulf %add3A_568, %abs3A_554 : vector<16xf32>
        %add3A_570 = arith.constant -0.0501743034 : f32
        %add3A_571 = vector.broadcast %add3A_570 : f32 to vector<16xf32>
        %add3A_572 = arith.addf %mul3A_569, %add3A_571 : vector<16xf32>
        %mul3A_573 = arith.mulf %add3A_572, %abs3A_554 : vector<16xf32>
        %add3A_574 = arith.constant 0.0889789909 : f32
        %add3A_575 = vector.broadcast %add3A_574 : f32 to vector<16xf32>
        %add3A_576 = arith.addf %mul3A_573, %add3A_575 : vector<16xf32>
        %mul3A_577 = arith.mulf %add3A_576, %abs3A_554 : vector<16xf32>
        %add3A_578 = arith.constant -0.214598805 : f32
        %add3A_579 = vector.broadcast %add3A_578 : f32 to vector<16xf32>
        %add3A_580 = arith.addf %mul3A_577, %add3A_579 : vector<16xf32>
        %mul3A_581 = arith.mulf %add3A_580, %abs3A_554 : vector<16xf32>
        %add3A_582 = arith.constant 1.57079625 : f32
        %add3A_583 = vector.broadcast %add3A_582 : f32 to vector<16xf32>
        %add3A_584 = arith.addf %mul3A_581, %add3A_583 : vector<16xf32>
        %sub3A_585 = arith.constant 1.000000e+00 : f32
        %sub3A_586 = vector.broadcast %sub3A_585 : f32 to vector<16xf32>
        %sub3A_587 = arith.subf %sub3A_586, %abs3A_554 : vector<16xf32>
        %max3A_588 = arith.constant 0.000000e+00 : f32
        %max3A_589 = vector.broadcast %max3A_588 : f32 to vector<16xf32>
        %max3A_590 = arith.maximumf %sub3A_587, %max3A_589 : vector<16xf32>
        %bitcast3A_591 = vector.bitcast %max3A_590 : vector<16xf32> to vector<16xi32>
        %shift_right_arithmetic3A_592 = arith.constant 1 : i32
        %shift_right_arithmetic3A_593 = vector.broadcast %shift_right_arithmetic3A_592 : i32 to vector<16xi32>
        %shift_right_arithmetic3A_594 = arith.shrsi %bitcast3A_591, %shift_right_arithmetic3A_593 : vector<16xi32>
        %sub3A_595 = arith.constant 1597463007 : i32
        %sub3A_596 = vector.broadcast %sub3A_595 : i32 to vector<16xi32>
        %sub3A_597 = arith.subi %sub3A_596, %shift_right_arithmetic3A_594 : vector<16xi32>
        %bitcast3A_598 = vector.bitcast %sub3A_597 : vector<16xi32> to vector<16xf32>
        %mul3A_599 = arith.constant 5.000000e-01 : f32
        %mul3A_600 = vector.broadcast %mul3A_599 : f32 to vector<16xf32>
        %mul3A_601 = arith.mulf %mul3A_600, %max3A_590 : vector<16xf32>
        %mul3A_602 = arith.mulf %mul3A_601, %bitcast3A_598 : vector<16xf32>
        %mul3A_603 = arith.mulf %mul3A_602, %bitcast3A_598 : vector<16xf32>
        %sub3A_604 = arith.constant 1.500000e+00 : f32
        %sub3A_605 = vector.broadcast %sub3A_604 : f32 to vector<16xf32>
        %sub3A_606 = arith.subf %sub3A_605, %mul3A_603 : vector<16xf32>
        %mul3A_607 = arith.mulf %bitcast3A_598, %sub3A_606 : vector<16xf32>
        %mul3A_608 = arith.constant 5.000000e-01 : f32
        %mul3A_609 = vector.broadcast %mul3A_608 : f32 to vector<16xf32>
        %mul3A_610 = arith.mulf %mul3A_609, %max3A_590 : vector<16xf32>
        %mul3A_611 = arith.mulf %mul3A_610, %mul3A_607 : vector<16xf32>
        %mul3A_612 = arith.mulf %mul3A_611, %mul3A_607 : vector<16xf32>
        %sub3A_613 = arith.constant 1.500000e+00 : f32
        %sub3A_614 = vector.broadcast %sub3A_613 : f32 to vector<16xf32>
        %sub3A_615 = arith.subf %sub3A_614, %mul3A_612 : vector<16xf32>
        %mul3A_616 = arith.mulf %mul3A_607, %sub3A_615 : vector<16xf32>
        %mul3A_617 = arith.mulf %max3A_590, %mul3A_616 : vector<16xf32>
        %sign3A_618 = tpu.bitcast %min3A_553 : vector<16xf32> -> vector<16xi32>
        %sign3A_619 = arith.constant -2147483648 : i32
        %sign3A_620 = vector.broadcast %sign3A_619 : i32 to vector<16xi32>
        %sign3A_621 = arith.andi %sign3A_618, %sign3A_620 : vector<16xi32>
        %sign3A_622 = arith.constant 1065353216 : i32
        %sign3A_623 = vector.broadcast %sign3A_622 : i32 to vector<16xi32>
        %sign3A_624 = arith.ori %sign3A_623, %sign3A_621 : vector<16xi32>
        %sign3A_625 = tpu.bitcast %sign3A_624 : vector<16xi32> -> vector<16xf32>
        %sign3A_626 = math.absf %min3A_553 : vector<16xf32>
        %sign3A_627 = arith.constant 0.000000e+00 : f32
        %sign3A_628 = vector.broadcast %sign3A_627 : f32 to vector<16xf32>
        %sign3A_629 = arith.cmpf ogt, %sign3A_626, %sign3A_628 : vector<16xf32>
        %sign3A_630 = arith.select %sign3A_629, %sign3A_625, %min3A_553 : vector<16xi1>, vector<16xf32>
        %mul3A_631 = arith.mulf %mul3A_617, %add3A_584 : vector<16xf32>
        %sub3A_632 = arith.constant 1.57079637 : f32
        %sub3A_633 = vector.broadcast %sub3A_632 : f32 to vector<16xf32>
        %sub3A_634 = arith.subf %sub3A_633, %mul3A_631 : vector<16xf32>
        %mul3A_635 = arith.mulf %sign3A_630, %sub3A_634 : vector<16xf32>
        %add3A_636 = arith.addf %add3A_542, %mul3A_635 : vector<16xf32>
        %mul3A_637 = arith.mulf %mul3A_359, %mul3A_230 : vector<16xf32>
        %mul3A_638 = arith.mulf %mul3A_360, %mul3A_231 : vector<16xf32>
        %add3A_639 = arith.addf %mul3A_637, %mul3A_638 : vector<16xf32>
        %mul3A_640 = arith.mulf %mul3A_361, %mul3A_232 : vector<16xf32>
        %add3A_641 = arith.addf %add3A_639, %mul3A_640 : vector<16xf32>
        %jit3A_642 = arith.constant -1.000000e+00 : f32
        %jit3A_643 = arith.constant 1.000000e+00 : f32
        %max3A_644 = vector.broadcast %jit3A_642 : f32 to vector<16xf32>
        %max3A_645 = arith.maximumf %max3A_644, %add3A_641 : vector<16xf32>
        %min3A_646 = vector.broadcast %jit3A_643 : f32 to vector<16xf32>
        %min3A_647 = arith.minimumf %min3A_646, %max3A_645 : vector<16xf32>
        %abs3A_648 = math.absf %min3A_647 : vector<16xf32>
        %broadcast_in_dim3A_649 = arith.constant -0.0012624911 : f32
        %broadcast_in_dim3A_650 = vector.broadcast %broadcast_in_dim3A_649 : f32 to vector<16xf32>
        %mul3A_651 = arith.mulf %broadcast_in_dim3A_650, %abs3A_648 : vector<16xf32>
        %add3A_652 = arith.constant 6.670090e-03 : f32
        %add3A_653 = vector.broadcast %add3A_652 : f32 to vector<16xf32>
        %add3A_654 = arith.addf %mul3A_651, %add3A_653 : vector<16xf32>
        %mul3A_655 = arith.mulf %add3A_654, %abs3A_648 : vector<16xf32>
        %add3A_656 = arith.constant -0.0170881264 : f32
        %add3A_657 = vector.broadcast %add3A_656 : f32 to vector<16xf32>
        %add3A_658 = arith.addf %mul3A_655, %add3A_657 : vector<16xf32>
        %mul3A_659 = arith.mulf %add3A_658, %abs3A_648 : vector<16xf32>
        %add3A_660 = arith.constant 0.0308918804 : f32
        %add3A_661 = vector.broadcast %add3A_660 : f32 to vector<16xf32>
        %add3A_662 = arith.addf %mul3A_659, %add3A_661 : vector<16xf32>
        %mul3A_663 = arith.mulf %add3A_662, %abs3A_648 : vector<16xf32>
        %add3A_664 = arith.constant -0.0501743034 : f32
        %add3A_665 = vector.broadcast %add3A_664 : f32 to vector<16xf32>
        %add3A_666 = arith.addf %mul3A_663, %add3A_665 : vector<16xf32>
        %mul3A_667 = arith.mulf %add3A_666, %abs3A_648 : vector<16xf32>
        %add3A_668 = arith.constant 0.0889789909 : f32
        %add3A_669 = vector.broadcast %add3A_668 : f32 to vector<16xf32>
        %add3A_670 = arith.addf %mul3A_667, %add3A_669 : vector<16xf32>
        %mul3A_671 = arith.mulf %add3A_670, %abs3A_648 : vector<16xf32>
        %add3A_672 = arith.constant -0.214598805 : f32
        %add3A_673 = vector.broadcast %add3A_672 : f32 to vector<16xf32>
        %add3A_674 = arith.addf %mul3A_671, %add3A_673 : vector<16xf32>
        %mul3A_675 = arith.mulf %add3A_674, %abs3A_648 : vector<16xf32>
        %add3A_676 = arith.constant 1.57079625 : f32
        %add3A_677 = vector.broadcast %add3A_676 : f32 to vector<16xf32>
        %add3A_678 = arith.addf %mul3A_675, %add3A_677 : vector<16xf32>
        %sub3A_679 = arith.constant 1.000000e+00 : f32
        %sub3A_680 = vector.broadcast %sub3A_679 : f32 to vector<16xf32>
        %sub3A_681 = arith.subf %sub3A_680, %abs3A_648 : vector<16xf32>
        %max3A_682 = arith.constant 0.000000e+00 : f32
        %max3A_683 = vector.broadcast %max3A_682 : f32 to vector<16xf32>
        %max3A_684 = arith.maximumf %sub3A_681, %max3A_683 : vector<16xf32>
        %bitcast3A_685 = vector.bitcast %max3A_684 : vector<16xf32> to vector<16xi32>
        %shift_right_arithmetic3A_686 = arith.constant 1 : i32
        %shift_right_arithmetic3A_687 = vector.broadcast %shift_right_arithmetic3A_686 : i32 to vector<16xi32>
        %shift_right_arithmetic3A_688 = arith.shrsi %bitcast3A_685, %shift_right_arithmetic3A_687 : vector<16xi32>
        %sub3A_689 = arith.constant 1597463007 : i32
        %sub3A_690 = vector.broadcast %sub3A_689 : i32 to vector<16xi32>
        %sub3A_691 = arith.subi %sub3A_690, %shift_right_arithmetic3A_688 : vector<16xi32>
        %bitcast3A_692 = vector.bitcast %sub3A_691 : vector<16xi32> to vector<16xf32>
        %mul3A_693 = arith.constant 5.000000e-01 : f32
        %mul3A_694 = vector.broadcast %mul3A_693 : f32 to vector<16xf32>
        %mul3A_695 = arith.mulf %mul3A_694, %max3A_684 : vector<16xf32>
        %mul3A_696 = arith.mulf %mul3A_695, %bitcast3A_692 : vector<16xf32>
        %mul3A_697 = arith.mulf %mul3A_696, %bitcast3A_692 : vector<16xf32>
        %sub3A_698 = arith.constant 1.500000e+00 : f32
        %sub3A_699 = vector.broadcast %sub3A_698 : f32 to vector<16xf32>
        %sub3A_700 = arith.subf %sub3A_699, %mul3A_697 : vector<16xf32>
        %mul3A_701 = arith.mulf %bitcast3A_692, %sub3A_700 : vector<16xf32>
        %mul3A_702 = arith.constant 5.000000e-01 : f32
        %mul3A_703 = vector.broadcast %mul3A_702 : f32 to vector<16xf32>
        %mul3A_704 = arith.mulf %mul3A_703, %max3A_684 : vector<16xf32>
        %mul3A_705 = arith.mulf %mul3A_704, %mul3A_701 : vector<16xf32>
        %mul3A_706 = arith.mulf %mul3A_705, %mul3A_701 : vector<16xf32>
        %sub3A_707 = arith.constant 1.500000e+00 : f32
        %sub3A_708 = vector.broadcast %sub3A_707 : f32 to vector<16xf32>
        %sub3A_709 = arith.subf %sub3A_708, %mul3A_706 : vector<16xf32>
        %mul3A_710 = arith.mulf %mul3A_701, %sub3A_709 : vector<16xf32>
        %mul3A_711 = arith.mulf %max3A_684, %mul3A_710 : vector<16xf32>
        %sign3A_712 = tpu.bitcast %min3A_647 : vector<16xf32> -> vector<16xi32>
        %sign3A_713 = arith.constant -2147483648 : i32
        %sign3A_714 = vector.broadcast %sign3A_713 : i32 to vector<16xi32>
        %sign3A_715 = arith.andi %sign3A_712, %sign3A_714 : vector<16xi32>
        %sign3A_716 = arith.constant 1065353216 : i32
        %sign3A_717 = vector.broadcast %sign3A_716 : i32 to vector<16xi32>
        %sign3A_718 = arith.ori %sign3A_717, %sign3A_715 : vector<16xi32>
        %sign3A_719 = tpu.bitcast %sign3A_718 : vector<16xi32> -> vector<16xf32>
        %sign3A_720 = math.absf %min3A_647 : vector<16xf32>
        %sign3A_721 = arith.constant 0.000000e+00 : f32
        %sign3A_722 = vector.broadcast %sign3A_721 : f32 to vector<16xf32>
        %sign3A_723 = arith.cmpf ogt, %sign3A_720, %sign3A_722 : vector<16xf32>
        %sign3A_724 = arith.select %sign3A_723, %sign3A_719, %min3A_647 : vector<16xi1>, vector<16xf32>
        %mul3A_725 = arith.mulf %mul3A_711, %add3A_678 : vector<16xf32>
        %sub3A_726 = arith.constant 1.57079637 : f32
        %sub3A_727 = vector.broadcast %sub3A_726 : f32 to vector<16xf32>
        %sub3A_728 = arith.subf %sub3A_727, %mul3A_725 : vector<16xf32>
        %mul3A_729 = arith.mulf %sign3A_724, %sub3A_728 : vector<16xf32>
        %add3A_730 = arith.addf %add3A_636, %mul3A_729 : vector<16xf32>
        %sub3A_731 = arith.subf %gather3A_36, %gather3A_33 : vector<16xf32>
        %sub3A_732 = arith.subf %gather3A_37, %gather3A_34 : vector<16xf32>
        %sub3A_733 = arith.subf %gather3A_38, %gather3A_35 : vector<16xf32>
        %sub3A_734 = arith.subf %gather3A_30, %gather3A : vector<16xf32>
        %sub3A_735 = arith.subf %gather3A_31, %gather3A_28 : vector<16xf32>
        %sub3A_736 = arith.subf %gather3A_32, %gather3A_29 : vector<16xf32>
        %mul3A_737 = arith.mulf %sub3A_732, %sub3A_736 : vector<16xf32>
        %mul3A_738 = arith.mulf %sub3A_733, %sub3A_735 : vector<16xf32>
        %sub3A_739 = arith.subf %mul3A_737, %mul3A_738 : vector<16xf32>
        %mul3A_740 = arith.mulf %sub3A_733, %sub3A_734 : vector<16xf32>
        %mul3A_741 = arith.mulf %sub3A_731, %sub3A_736 : vector<16xf32>
        %sub3A_742 = arith.subf %mul3A_740, %mul3A_741 : vector<16xf32>
        %mul3A_743 = arith.mulf %sub3A_731, %sub3A_735 : vector<16xf32>
        %mul3A_744 = arith.mulf %sub3A_732, %sub3A_734 : vector<16xf32>
        %sub3A_745 = arith.subf %mul3A_743, %mul3A_744 : vector<16xf32>
        %mul3A_746 = arith.mulf %sub3A_739, %mul3A_116 : vector<16xf32>
        %mul3A_747 = arith.mulf %sub3A_742, %mul3A_117 : vector<16xf32>
        %add3A_748 = arith.addf %mul3A_746, %mul3A_747 : vector<16xf32>
        %mul3A_749 = arith.mulf %sub3A_745, %mul3A_118 : vector<16xf32>
        %add3A_750 = arith.addf %add3A_748, %mul3A_749 : vector<16xf32>
        %sign3A_751 = tpu.bitcast %add3A_750 : vector<16xf32> -> vector<16xi32>
        %sign3A_752 = arith.constant -2147483648 : i32
        %sign3A_753 = vector.broadcast %sign3A_752 : i32 to vector<16xi32>
        %sign3A_754 = arith.andi %sign3A_751, %sign3A_753 : vector<16xi32>
        %sign3A_755 = arith.constant 1065353216 : i32
        %sign3A_756 = vector.broadcast %sign3A_755 : i32 to vector<16xi32>
        %sign3A_757 = arith.ori %sign3A_756, %sign3A_754 : vector<16xi32>
        %sign3A_758 = tpu.bitcast %sign3A_757 : vector<16xi32> -> vector<16xf32>
        %sign3A_759 = math.absf %add3A_750 : vector<16xf32>
        %sign3A_760 = arith.constant 0.000000e+00 : f32
        %sign3A_761 = vector.broadcast %sign3A_760 : f32 to vector<16xf32>
        %sign3A_762 = arith.cmpf ogt, %sign3A_759, %sign3A_761 : vector<16xf32>
        %sign3A_763 = arith.select %sign3A_762, %sign3A_758, %add3A_750 : vector<16xi1>, vector<16xf32>
        %mul3A_764 = arith.mulf %add3A_730, %sign3A_763 : vector<16xf32>
        %mul3A_765 = arith.constant 5.01338053 : f32
        %mul3A_766 = vector.broadcast %mul3A_765 : f32 to vector<16xf32>
        %mul3A_767 = arith.mulf %mul3A_764, %mul3A_766 : vector<16xf32>
        %add3A_768 = arith.constant 3.150000e+01 : f32
        %add3A_769 = vector.broadcast %add3A_768 : f32 to vector<16xf32>
        %add3A_770 = arith.addf %mul3A_767, %add3A_769 : vector<16xf32>
        %add3A_771 = arith.constant 5.000000e-01 : f32
        %add3A_772 = vector.broadcast %add3A_771 : f32 to vector<16xf32>
        %add3A_773 = arith.addf %add3A_770, %add3A_772 : vector<16xf32>
        %convert_element_type3A = arith.fptosi %add3A_773 : vector<16xf32> to vector<16xi32>
        %broadcast_in_dim3A_774 = arith.constant 64 : i32
        %broadcast_in_dim3A_775 = vector.broadcast %broadcast_in_dim3A_774 : i32 to vector<16xi32>
        tpu.vector_store_idx %arg14[%get3A_21, %broadcast_in_dim3A_775], %exp3A {add = true} : memref<120x66xf32, #tpu.memory_space<vmem>>[vector<16xi32>, vector<16xi32>], vector<16xf32>,
        tpu.vector_store_idx %arg14[%add3A_27, %broadcast_in_dim3A_775], %exp3A_65 {add = true} : memref<120x66xf32, #tpu.memory_space<vmem>>[vector<16xi32>, vector<16xi32>], vector<16xf32>,
        %sub3A_776 = arith.constant 3 : i32
        %sub3A_777 = vector.broadcast %sub3A_776 : i32 to vector<16xi32>
        %sub3A_778 = arith.subi %convert_element_type3A, %sub3A_777 : vector<16xi32>
        %convert_element_type3A_779 = arith.sitofp %sub3A_778 : vector<16xi32> to vector<16xf32>
        %sub3A_780 = arith.subf %add3A_770, %convert_element_type3A_779 : vector<16xf32>
        %mul3A_781 = arith.mulf %sub3A_780, %sub3A_780 : vector<16xf32>
        %neg3A_782 = arith.constant 0.000000e+00 : f32
        %neg3A_783 = vector.broadcast %neg3A_782 : f32 to vector<16xf32>
        %neg3A_784 = arith.subf %neg3A_783, %mul3A_781 : vector<16xf32>
        %exp3A_785 = math.exp %neg3A_784 : vector<16xf32>
        %mul3A_786 = arith.constant 2.000000e+00 : f32
        %mul3A_787 = vector.broadcast %mul3A_786 : f32 to vector<16xf32>
        %mul3A_788 = arith.mulf %mul3A_787, %sub3A_780 : vector<16xf32>
        %sub3A_789 = arith.constant 1.000000e+00 : f32
        %sub3A_790 = vector.broadcast %sub3A_789 : f32 to vector<16xf32>
        %sub3A_791 = arith.subf %mul3A_788, %sub3A_790 : vector<16xf32>
        %exp3A_792 = math.exp %sub3A_791 : vector<16xf32>
        %broadcast_in_dim3A_793 = arith.constant 0.135335281 : f32
        %broadcast_in_dim3A_794 = vector.broadcast %broadcast_in_dim3A_793 : f32 to vector<16xf32>
        %add3A_795 = arith.constant 0 : i32
        %add3A_796 = vector.broadcast %add3A_795 : i32 to vector<16xi32>
        %add3A_797 = arith.addi %sub3A_778, %add3A_796 : vector<16xi32>
        %ge3A = arith.constant 0 : i32
        %ge3A_798 = vector.broadcast %ge3A : i32 to vector<16xi32>
        %ge3A_799 = arith.cmpi sge, %add3A_797, %ge3A_798 : vector<16xi32>
        %le3A = arith.constant 63 : i32
        %le3A_800 = vector.broadcast %le3A : i32 to vector<16xi32>
        %le3A_801 = arith.cmpi sle, %add3A_797, %le3A_800 : vector<16xi32>
        %and3A = arith.andi %ge3A_799, %le3A_801 : vector<16xi1>
        %mul3A_802 = arith.mulf %exp3A, %exp3A_785 : vector<16xf32>
        tpu.vector_store_idx %arg14[%get3A_21, %add3A_797], %mul3A_802 masked %and3A {add = true} : memref<120x66xf32, #tpu.memory_space<vmem>>[vector<16xi32>, vector<16xi32>], vector<16xf32>, vector<16xi1>
        %mul3A_803 = arith.mulf %exp3A_65, %exp3A_785 : vector<16xf32>
        tpu.vector_store_idx %arg14[%add3A_27, %add3A_797], %mul3A_803 masked %and3A {add = true} : memref<120x66xf32, #tpu.memory_space<vmem>>[vector<16xi32>, vector<16xi32>], vector<16xf32>, vector<16xi1>
        %mul3A_804 = arith.mulf %exp3A_785, %exp3A_792 : vector<16xf32>
        %mul3A_805 = arith.mulf %exp3A_792, %broadcast_in_dim3A_794 : vector<16xf32>
        %add3A_806 = arith.constant 1 : i32
        %add3A_807 = vector.broadcast %add3A_806 : i32 to vector<16xi32>
        %add3A_808 = arith.addi %sub3A_778, %add3A_807 : vector<16xi32>
        %ge3A_809 = arith.constant 0 : i32
        %ge3A_810 = vector.broadcast %ge3A_809 : i32 to vector<16xi32>
        %ge3A_811 = arith.cmpi sge, %add3A_808, %ge3A_810 : vector<16xi32>
        %le3A_812 = arith.constant 63 : i32
        %le3A_813 = vector.broadcast %le3A_812 : i32 to vector<16xi32>
        %le3A_814 = arith.cmpi sle, %add3A_808, %le3A_813 : vector<16xi32>
        %and3A_815 = arith.andi %ge3A_811, %le3A_814 : vector<16xi1>
        %mul3A_816 = arith.mulf %exp3A, %mul3A_804 : vector<16xf32>
        tpu.vector_store_idx %arg14[%get3A_21, %add3A_808], %mul3A_816 masked %and3A_815 {add = true} : memref<120x66xf32, #tpu.memory_space<vmem>>[vector<16xi32>, vector<16xi32>], vector<16xf32>, vector<16xi1>
        %mul3A_817 = arith.mulf %exp3A_65, %mul3A_804 : vector<16xf32>
        tpu.vector_store_idx %arg14[%add3A_27, %add3A_808], %mul3A_817 masked %and3A_815 {add = true} : memref<120x66xf32, #tpu.memory_space<vmem>>[vector<16xi32>, vector<16xi32>], vector<16xf32>, vector<16xi1>
        %mul3A_818 = arith.mulf %mul3A_804, %mul3A_805 : vector<16xf32>
        %mul3A_819 = arith.mulf %mul3A_805, %broadcast_in_dim3A_794 : vector<16xf32>
        %add3A_820 = arith.constant 2 : i32
        %add3A_821 = vector.broadcast %add3A_820 : i32 to vector<16xi32>
        %add3A_822 = arith.addi %sub3A_778, %add3A_821 : vector<16xi32>
        %ge3A_823 = arith.constant 0 : i32
        %ge3A_824 = vector.broadcast %ge3A_823 : i32 to vector<16xi32>
        %ge3A_825 = arith.cmpi sge, %add3A_822, %ge3A_824 : vector<16xi32>
        %le3A_826 = arith.constant 63 : i32
        %le3A_827 = vector.broadcast %le3A_826 : i32 to vector<16xi32>
        %le3A_828 = arith.cmpi sle, %add3A_822, %le3A_827 : vector<16xi32>
        %and3A_829 = arith.andi %ge3A_825, %le3A_828 : vector<16xi1>
        %mul3A_830 = arith.mulf %exp3A, %mul3A_818 : vector<16xf32>
        tpu.vector_store_idx %arg14[%get3A_21, %add3A_822], %mul3A_830 masked %and3A_829 {add = true} : memref<120x66xf32, #tpu.memory_space<vmem>>[vector<16xi32>, vector<16xi32>], vector<16xf32>, vector<16xi1>
        %mul3A_831 = arith.mulf %exp3A_65, %mul3A_818 : vector<16xf32>
        tpu.vector_store_idx %arg14[%add3A_27, %add3A_822], %mul3A_831 masked %and3A_829 {add = true} : memref<120x66xf32, #tpu.memory_space<vmem>>[vector<16xi32>, vector<16xi32>], vector<16xf32>, vector<16xi1>
        %mul3A_832 = arith.mulf %mul3A_818, %mul3A_819 : vector<16xf32>
        %mul3A_833 = arith.mulf %mul3A_819, %broadcast_in_dim3A_794 : vector<16xf32>
        %add3A_834 = arith.constant 3 : i32
        %add3A_835 = vector.broadcast %add3A_834 : i32 to vector<16xi32>
        %add3A_836 = arith.addi %sub3A_778, %add3A_835 : vector<16xi32>
        %ge3A_837 = arith.constant 0 : i32
        %ge3A_838 = vector.broadcast %ge3A_837 : i32 to vector<16xi32>
        %ge3A_839 = arith.cmpi sge, %add3A_836, %ge3A_838 : vector<16xi32>
        %le3A_840 = arith.constant 63 : i32
        %le3A_841 = vector.broadcast %le3A_840 : i32 to vector<16xi32>
        %le3A_842 = arith.cmpi sle, %add3A_836, %le3A_841 : vector<16xi32>
        %and3A_843 = arith.andi %ge3A_839, %le3A_842 : vector<16xi1>
        %mul3A_844 = arith.mulf %exp3A, %mul3A_832 : vector<16xf32>
        tpu.vector_store_idx %arg14[%get3A_21, %add3A_836], %mul3A_844 masked %and3A_843 {add = true} : memref<120x66xf32, #tpu.memory_space<vmem>>[vector<16xi32>, vector<16xi32>], vector<16xf32>, vector<16xi1>
        %mul3A_845 = arith.mulf %exp3A_65, %mul3A_832 : vector<16xf32>
        tpu.vector_store_idx %arg14[%add3A_27, %add3A_836], %mul3A_845 masked %and3A_843 {add = true} : memref<120x66xf32, #tpu.memory_space<vmem>>[vector<16xi32>, vector<16xi32>], vector<16xf32>, vector<16xi1>
        %mul3A_846 = arith.mulf %mul3A_832, %mul3A_833 : vector<16xf32>
        %mul3A_847 = arith.mulf %mul3A_833, %broadcast_in_dim3A_794 : vector<16xf32>
        %add3A_848 = arith.constant 4 : i32
        %add3A_849 = vector.broadcast %add3A_848 : i32 to vector<16xi32>
        %add3A_850 = arith.addi %sub3A_778, %add3A_849 : vector<16xi32>
        %ge3A_851 = arith.constant 0 : i32
        %ge3A_852 = vector.broadcast %ge3A_851 : i32 to vector<16xi32>
        %ge3A_853 = arith.cmpi sge, %add3A_850, %ge3A_852 : vector<16xi32>
        %le3A_854 = arith.constant 63 : i32
        %le3A_855 = vector.broadcast %le3A_854 : i32 to vector<16xi32>
        %le3A_856 = arith.cmpi sle, %add3A_850, %le3A_855 : vector<16xi32>
        %and3A_857 = arith.andi %ge3A_853, %le3A_856 : vector<16xi1>
        %mul3A_858 = arith.mulf %exp3A, %mul3A_846 : vector<16xf32>
        tpu.vector_store_idx %arg14[%get3A_21, %add3A_850], %mul3A_858 masked %and3A_857 {add = true} : memref<120x66xf32, #tpu.memory_space<vmem>>[vector<16xi32>, vector<16xi32>], vector<16xf32>, vector<16xi1>
        %mul3A_859 = arith.mulf %exp3A_65, %mul3A_846 : vector<16xf32>
        tpu.vector_store_idx %arg14[%add3A_27, %add3A_850], %mul3A_859 masked %and3A_857 {add = true} : memref<120x66xf32, #tpu.memory_space<vmem>>[vector<16xi32>, vector<16xi32>], vector<16xf32>, vector<16xi1>
        %mul3A_860 = arith.mulf %mul3A_846, %mul3A_847 : vector<16xf32>
        %mul3A_861 = arith.mulf %mul3A_847, %broadcast_in_dim3A_794 : vector<16xf32>
        %add3A_862 = arith.constant 5 : i32
        %add3A_863 = vector.broadcast %add3A_862 : i32 to vector<16xi32>
        %add3A_864 = arith.addi %sub3A_778, %add3A_863 : vector<16xi32>
        %ge3A_865 = arith.constant 0 : i32
        %ge3A_866 = vector.broadcast %ge3A_865 : i32 to vector<16xi32>
        %ge3A_867 = arith.cmpi sge, %add3A_864, %ge3A_866 : vector<16xi32>
        %le3A_868 = arith.constant 63 : i32
        %le3A_869 = vector.broadcast %le3A_868 : i32 to vector<16xi32>
        %le3A_870 = arith.cmpi sle, %add3A_864, %le3A_869 : vector<16xi32>
        %and3A_871 = arith.andi %ge3A_867, %le3A_870 : vector<16xi1>
        %mul3A_872 = arith.mulf %exp3A, %mul3A_860 : vector<16xf32>
        tpu.vector_store_idx %arg14[%get3A_21, %add3A_864], %mul3A_872 masked %and3A_871 {add = true} : memref<120x66xf32, #tpu.memory_space<vmem>>[vector<16xi32>, vector<16xi32>], vector<16xf32>, vector<16xi1>
        %mul3A_873 = arith.mulf %exp3A_65, %mul3A_860 : vector<16xf32>
        tpu.vector_store_idx %arg14[%add3A_27, %add3A_864], %mul3A_873 masked %and3A_871 {add = true} : memref<120x66xf32, #tpu.memory_space<vmem>>[vector<16xi32>, vector<16xi32>], vector<16xf32>, vector<16xi1>
        %mul3A_874 = arith.mulf %mul3A_860, %mul3A_861 : vector<16xf32>
        %mul3A_875 = arith.mulf %mul3A_861, %broadcast_in_dim3A_794 : vector<16xf32>
        %add3A_876 = arith.constant 6 : i32
        %add3A_877 = vector.broadcast %add3A_876 : i32 to vector<16xi32>
        %add3A_878 = arith.addi %sub3A_778, %add3A_877 : vector<16xi32>
        %ge3A_879 = arith.constant 0 : i32
        %ge3A_880 = vector.broadcast %ge3A_879 : i32 to vector<16xi32>
        %ge3A_881 = arith.cmpi sge, %add3A_878, %ge3A_880 : vector<16xi32>
        %le3A_882 = arith.constant 63 : i32
        %le3A_883 = vector.broadcast %le3A_882 : i32 to vector<16xi32>
        %le3A_884 = arith.cmpi sle, %add3A_878, %le3A_883 : vector<16xi32>
        %and3A_885 = arith.andi %ge3A_881, %le3A_884 : vector<16xi1>
        %mul3A_886 = arith.mulf %exp3A, %mul3A_874 : vector<16xf32>
        tpu.vector_store_idx %arg14[%get3A_21, %add3A_878], %mul3A_886 masked %and3A_885 {add = true} : memref<120x66xf32, #tpu.memory_space<vmem>>[vector<16xi32>, vector<16xi32>], vector<16xf32>, vector<16xi1>
        %mul3A_887 = arith.mulf %exp3A_65, %mul3A_874 : vector<16xf32>
        tpu.vector_store_idx %arg14[%add3A_27, %add3A_878], %mul3A_887 masked %and3A_885 {add = true} : memref<120x66xf32, #tpu.memory_space<vmem>>[vector<16xi32>, vector<16xi32>], vector<16xf32>, vector<16xi1>
      }
      %scan3A_15 = arith.constant 298 : i32
      "tpu.region"() ({
        %run_scoped3A = tpu.sem_alloc : memref<!tpu.dma_semaphore, #tpu.memory_space<semaphore_mem>>
        %dma_start3A = arith.constant 0 : i32
        %dma_start3A_16 = arith.constant 0 : i32
        %dma_start3A_17 = tpu.memref_slice %arg8[%add3A_9, %dma_start3A, %dma_start3A_16] : memref<64x120x66xf32, #tpu.memory_space<hbm>> -> memref<1x120x66xf32, #tpu.memory_space<hbm>>
        %dma_start3A_18 = tpu.memref_squeeze %dma_start3A_17 : memref<1x120x66xf32, #tpu.memory_space<hbm>> -> memref<120x66xf32, #tpu.memory_space<hbm>>
        %dma_start3A_19 = arith.constant 0 : i32
        %dma_start3A_20 = arith.constant 0 : i32
        %dma_start3A_21 = tpu.memref_slice %arg8[%add3A_9, %dma_start3A_19, %dma_start3A_20] : memref<64x120x66xf32, #tpu.memory_space<hbm>> -> memref<1x120x66xf32, #tpu.memory_space<hbm>>
        %dma_start3A_22 = tpu.memref_squeeze %dma_start3A_21 : memref<1x120x66xf32, #tpu.memory_space<hbm>> -> memref<120x66xf32, #tpu.memory_space<hbm>>
        tpu.enqueue_dma source(%arg14 : memref<120x66xf32, #tpu.memory_space<vmem>>) target(%dma_start3A_22 : memref<120x66xf32, #tpu.memory_space<hbm>>) target_semaphore(%run_scoped3A : memref<!tpu.dma_semaphore, #tpu.memory_space<semaphore_mem>>)
        %dma_wait3A = arith.constant 0 : i32
        %dma_wait3A_23 = arith.constant 0 : i32
        %dma_wait3A_24 = tpu.memref_slice %arg8[%add3A_9, %dma_wait3A, %dma_wait3A_23] : memref<64x120x66xf32, #tpu.memory_space<hbm>> -> memref<1x120x66xf32, #tpu.memory_space<hbm>>
        %dma_wait3A_25 = tpu.memref_squeeze %dma_wait3A_24 : memref<1x120x66xf32, #tpu.memory_space<hbm>> -> memref<120x66xf32, #tpu.memory_space<hbm>>
        %dma_wait3A_26 = arith.constant 0 : i32
        %dma_wait3A_27 = arith.constant 0 : i32
        %dma_wait3A_28 = tpu.memref_slice %arg8[%add3A_9, %dma_wait3A_26, %dma_wait3A_27] : memref<64x120x66xf32, #tpu.memory_space<hbm>> -> memref<1x120x66xf32, #tpu.memory_space<hbm>>
        %dma_wait3A_29 = tpu.memref_squeeze %dma_wait3A_28 : memref<1x120x66xf32, #tpu.memory_space<hbm>> -> memref<120x66xf32, #tpu.memory_space<hbm>>
        tpu.wait_dma2 semaphore(%run_scoped3A : memref<!tpu.dma_semaphore, #tpu.memory_space<semaphore_mem>>) src(%arg14 : memref<120x66xf32, #tpu.memory_space<vmem>>) dst(%dma_wait3A_29 : memref<120x66xf32, #tpu.memory_space<hbm>>)
        tpu.yield
      }) : () -> ()
    }
    %scan3A_5 = arith.constant 2 : i32
    return
  }
}

module attributes {stable_mosaic.version = 14 : i64} {
  func.func @_tc_finish_body(%arg0: i32, %arg1: memref<12800x64xf32, #tpu.memory_space<any>>, %arg2: memref<8x120x66xf32, #tpu.memory_space<vmem>>, %arg3: memref<800x64xf32, #tpu.memory_space<vmem>>, %arg4: memref<64x64xf32, #tpu.memory_space<vmem>>, %arg5: memref<800x64xf32, #tpu.memory_space<vmem>>) attributes {dimension_semantics = [#tpu.dimension_semantics<arbitrary>], iteration_bounds = array<i64: 8>, scalar_prefetch = 0 : i64, scratch_operands = 0 : i64, tpu.core_type = #tpu.core_type<tc>, window_params = [{}, {transform_indices = @transform_1, window_bounds = array<i64: 8, 120, 66>}, {transform_indices = @transform_2, window_bounds = array<i64: 800, 64>}, {pipeline_mode = #tpu.pipeline_mode<synchronous>, transform_indices = @transform_3, window_bounds = array<i64: 64, 64>}, {transform_indices = @transform_4, window_bounds = array<i64: 800, 64>}]} {
    %get3A = arith.constant 0 : index
    %get3A_0 = arith.constant 0 : index
    %get3A_1 = arith.constant 0 : index
    %get3A_2 = vector.load %arg2[%get3A, %get3A_0, %get3A_1] : memref<8x120x66xf32, #tpu.memory_space<vmem>>, vector<1x120x66xf32>
    %get3A_3 = vector.shape_cast %get3A_2 : vector<1x120x66xf32> to vector<120x66xf32>
    %slice3A = vector.extract_strided_slice %get3A_3 {offsets = [0, 64], sizes = [120, 1], strides = [1, 1]} : vector<120x66xf32> to vector<120x1xf32>
    %gt3A = arith.constant 0.000000e+00 : f32
    %gt3A_4 = vector.broadcast %gt3A : f32 to vector<120x1xf32>
    %gt3A_5 = arith.cmpf ogt, %slice3A, %gt3A_4 : vector<120x1xf32>
    %div3A = arith.constant 0.892857134 : f32
    %div3A_6 = vector.broadcast %div3A : f32 to vector<120x1xf32>
    %div3A_7 = arith.divf %div3A_6, %slice3A : vector<120x1xf32>
    %jit3A = arith.constant 0.000000e+00 : f32
    %broadcast_in_dim3A = vector.broadcast %jit3A : f32 to vector<120x1xf32>
    %select_n3A = arith.select %gt3A_5, %div3A_7, %broadcast_in_dim3A : vector<120x1xi1>, vector<120x1xf32>
    %slice3A_8 = vector.extract_strided_slice %get3A_3 {offsets = [0, 0], sizes = [120, 64], strides = [1, 1]} : vector<120x66xf32> to vector<120x64xf32>
    %mul3A = vector.broadcast %select_n3A : vector<120x1xf32> to vector<120x64xf32>
    %mul3A_9 = arith.mulf %slice3A_8, %mul3A : vector<120x64xf32>
    %get3A_10 = arith.constant 0 : index
    %get3A_11 = arith.constant 0 : index
    %get3A_12 = vector.load %arg4[%get3A_10, %get3A_11] : memref<64x64xf32, #tpu.memory_space<vmem>>, vector<64x64xf32>
    %dot_general3A = arith.constant dense<0.000000e+00> : vector<120x64xf32>
    %dot_general3A_13 = tpu.matmul %mul3A_9, %get3A_12, %dot_general3A {dimension_numbers = #tpu.dot_dimension_numbers<[1], [0], [0], [1], [0, 0, 1, 1], [], []>, transpose_lhs_hint = false} : vector<120x64xf32>, vector<64x64xf32>, vector<120x64xf32> -> vector<120x64xf32>
    %get3A_14 = arith.constant 0 : index
    %get3A_15 = arith.constant 0 : index
    %get3A_16 = vector.load %arg3[%get3A_14, %get3A_15] : memref<800x64xf32, #tpu.memory_space<vmem>>, vector<100x64xf32>
    %slice3A_17 = vector.extract_strided_slice %dot_general3A_13 {offsets = [0, 0], sizes = [100, 64], strides = [1, 1]} : vector<120x64xf32> to vector<100x64xf32>
    %add3A = arith.addf %get3A_16, %slice3A_17 : vector<100x64xf32>
    %swap3A = arith.constant 0 : index
    %swap3A_18 = arith.constant 0 : index
    %swap3A_19 = vector.load %arg5[%swap3A, %swap3A_18] : memref<800x64xf32, #tpu.memory_space<vmem>>, vector<100x64xf32>
    tpu.vector_store %arg5[%swap3A, %swap3A_18], %add3A {strides = array<i32>} : memref<800x64xf32, #tpu.memory_space<vmem>>, vector<100x64xf32>,
    %get3A_20 = arith.constant 1 : index
    %get3A_21 = arith.constant 0 : index
    %get3A_22 = arith.constant 0 : index
    %get3A_23 = vector.load %arg2[%get3A_20, %get3A_21, %get3A_22] : memref<8x120x66xf32, #tpu.memory_space<vmem>>, vector<1x120x66xf32>
    %get3A_24 = vector.shape_cast %get3A_23 : vector<1x120x66xf32> to vector<120x66xf32>
    %slice3A_25 = vector.extract_strided_slice %get3A_24 {offsets = [0, 64], sizes = [120, 1], strides = [1, 1]} : vector<120x66xf32> to vector<120x1xf32>
    %gt3A_26 = arith.constant 0.000000e+00 : f32
    %gt3A_27 = vector.broadcast %gt3A_26 : f32 to vector<120x1xf32>
    %gt3A_28 = arith.cmpf ogt, %slice3A_25, %gt3A_27 : vector<120x1xf32>
    %div3A_29 = arith.constant 0.892857134 : f32
    %div3A_30 = vector.broadcast %div3A_29 : f32 to vector<120x1xf32>
    %div3A_31 = arith.divf %div3A_30, %slice3A_25 : vector<120x1xf32>
    %jit3A_32 = arith.constant 0.000000e+00 : f32
    %broadcast_in_dim3A_33 = vector.broadcast %jit3A_32 : f32 to vector<120x1xf32>
    %select_n3A_34 = arith.select %gt3A_28, %div3A_31, %broadcast_in_dim3A_33 : vector<120x1xi1>, vector<120x1xf32>
    %slice3A_35 = vector.extract_strided_slice %get3A_24 {offsets = [0, 0], sizes = [120, 64], strides = [1, 1]} : vector<120x66xf32> to vector<120x64xf32>
    %mul3A_36 = vector.broadcast %select_n3A_34 : vector<120x1xf32> to vector<120x64xf32>
    %mul3A_37 = arith.mulf %slice3A_35, %mul3A_36 : vector<120x64xf32>
    %get3A_38 = arith.constant 0 : index
    %get3A_39 = arith.constant 0 : index
    %get3A_40 = vector.load %arg4[%get3A_38, %get3A_39] : memref<64x64xf32, #tpu.memory_space<vmem>>, vector<64x64xf32>
    %dot_general3A_41 = arith.constant dense<0.000000e+00> : vector<120x64xf32>
    %dot_general3A_42 = tpu.matmul %mul3A_37, %get3A_40, %dot_general3A_41 {dimension_numbers = #tpu.dot_dimension_numbers<[1], [0], [0], [1], [0, 0, 1, 1], [], []>, transpose_lhs_hint = false} : vector<120x64xf32>, vector<64x64xf32>, vector<120x64xf32> -> vector<120x64xf32>
    %get3A_43 = arith.constant 100 : index
    %get3A_44 = arith.constant 0 : index
    %get3A_45 = vector.load %arg3[%get3A_43, %get3A_44] : memref<800x64xf32, #tpu.memory_space<vmem>>, vector<100x64xf32>
    %slice3A_46 = vector.extract_strided_slice %dot_general3A_42 {offsets = [0, 0], sizes = [100, 64], strides = [1, 1]} : vector<120x64xf32> to vector<100x64xf32>
    %add3A_47 = arith.addf %get3A_45, %slice3A_46 : vector<100x64xf32>
    %swap3A_48 = arith.constant 100 : index
    %swap3A_49 = arith.constant 0 : index
    %swap3A_50 = vector.load %arg5[%swap3A_48, %swap3A_49] : memref<800x64xf32, #tpu.memory_space<vmem>>, vector<100x64xf32>
    tpu.vector_store %arg5[%swap3A_48, %swap3A_49], %add3A_47 {strides = array<i32>} : memref<800x64xf32, #tpu.memory_space<vmem>>, vector<100x64xf32>,
    %get3A_51 = arith.constant 2 : index
    %get3A_52 = arith.constant 0 : index
    %get3A_53 = arith.constant 0 : index
    %get3A_54 = vector.load %arg2[%get3A_51, %get3A_52, %get3A_53] : memref<8x120x66xf32, #tpu.memory_space<vmem>>, vector<1x120x66xf32>
    %get3A_55 = vector.shape_cast %get3A_54 : vector<1x120x66xf32> to vector<120x66xf32>
    %slice3A_56 = vector.extract_strided_slice %get3A_55 {offsets = [0, 64], sizes = [120, 1], strides = [1, 1]} : vector<120x66xf32> to vector<120x1xf32>
    %gt3A_57 = arith.constant 0.000000e+00 : f32
    %gt3A_58 = vector.broadcast %gt3A_57 : f32 to vector<120x1xf32>
    %gt3A_59 = arith.cmpf ogt, %slice3A_56, %gt3A_58 : vector<120x1xf32>
    %div3A_60 = arith.constant 0.892857134 : f32
    %div3A_61 = vector.broadcast %div3A_60 : f32 to vector<120x1xf32>
    %div3A_62 = arith.divf %div3A_61, %slice3A_56 : vector<120x1xf32>
    %jit3A_63 = arith.constant 0.000000e+00 : f32
    %broadcast_in_dim3A_64 = vector.broadcast %jit3A_63 : f32 to vector<120x1xf32>
    %select_n3A_65 = arith.select %gt3A_59, %div3A_62, %broadcast_in_dim3A_64 : vector<120x1xi1>, vector<120x1xf32>
    %slice3A_66 = vector.extract_strided_slice %get3A_55 {offsets = [0, 0], sizes = [120, 64], strides = [1, 1]} : vector<120x66xf32> to vector<120x64xf32>
    %mul3A_67 = vector.broadcast %select_n3A_65 : vector<120x1xf32> to vector<120x64xf32>
    %mul3A_68 = arith.mulf %slice3A_66, %mul3A_67 : vector<120x64xf32>
    %get3A_69 = arith.constant 0 : index
    %get3A_70 = arith.constant 0 : index
    %get3A_71 = vector.load %arg4[%get3A_69, %get3A_70] : memref<64x64xf32, #tpu.memory_space<vmem>>, vector<64x64xf32>
    %dot_general3A_72 = arith.constant dense<0.000000e+00> : vector<120x64xf32>
    %dot_general3A_73 = tpu.matmul %mul3A_68, %get3A_71, %dot_general3A_72 {dimension_numbers = #tpu.dot_dimension_numbers<[1], [0], [0], [1], [0, 0, 1, 1], [], []>, transpose_lhs_hint = false} : vector<120x64xf32>, vector<64x64xf32>, vector<120x64xf32> -> vector<120x64xf32>
    %get3A_74 = arith.constant 200 : index
    %get3A_75 = arith.constant 0 : index
    %get3A_76 = vector.load %arg3[%get3A_74, %get3A_75] : memref<800x64xf32, #tpu.memory_space<vmem>>, vector<100x64xf32>
    %slice3A_77 = vector.extract_strided_slice %dot_general3A_73 {offsets = [0, 0], sizes = [100, 64], strides = [1, 1]} : vector<120x64xf32> to vector<100x64xf32>
    %add3A_78 = arith.addf %get3A_76, %slice3A_77 : vector<100x64xf32>
    %swap3A_79 = arith.constant 200 : index
    %swap3A_80 = arith.constant 0 : index
    %swap3A_81 = vector.load %arg5[%swap3A_79, %swap3A_80] : memref<800x64xf32, #tpu.memory_space<vmem>>, vector<100x64xf32>
    tpu.vector_store %arg5[%swap3A_79, %swap3A_80], %add3A_78 {strides = array<i32>} : memref<800x64xf32, #tpu.memory_space<vmem>>, vector<100x64xf32>,
    %get3A_82 = arith.constant 3 : index
    %get3A_83 = arith.constant 0 : index
    %get3A_84 = arith.constant 0 : index
    %get3A_85 = vector.load %arg2[%get3A_82, %get3A_83, %get3A_84] : memref<8x120x66xf32, #tpu.memory_space<vmem>>, vector<1x120x66xf32>
    %get3A_86 = vector.shape_cast %get3A_85 : vector<1x120x66xf32> to vector<120x66xf32>
    %slice3A_87 = vector.extract_strided_slice %get3A_86 {offsets = [0, 64], sizes = [120, 1], strides = [1, 1]} : vector<120x66xf32> to vector<120x1xf32>
    %gt3A_88 = arith.constant 0.000000e+00 : f32
    %gt3A_89 = vector.broadcast %gt3A_88 : f32 to vector<120x1xf32>
    %gt3A_90 = arith.cmpf ogt, %slice3A_87, %gt3A_89 : vector<120x1xf32>
    %div3A_91 = arith.constant 0.892857134 : f32
    %div3A_92 = vector.broadcast %div3A_91 : f32 to vector<120x1xf32>
    %div3A_93 = arith.divf %div3A_92, %slice3A_87 : vector<120x1xf32>
    %jit3A_94 = arith.constant 0.000000e+00 : f32
    %broadcast_in_dim3A_95 = vector.broadcast %jit3A_94 : f32 to vector<120x1xf32>
    %select_n3A_96 = arith.select %gt3A_90, %div3A_93, %broadcast_in_dim3A_95 : vector<120x1xi1>, vector<120x1xf32>
    %slice3A_97 = vector.extract_strided_slice %get3A_86 {offsets = [0, 0], sizes = [120, 64], strides = [1, 1]} : vector<120x66xf32> to vector<120x64xf32>
    %mul3A_98 = vector.broadcast %select_n3A_96 : vector<120x1xf32> to vector<120x64xf32>
    %mul3A_99 = arith.mulf %slice3A_97, %mul3A_98 : vector<120x64xf32>
    %get3A_100 = arith.constant 0 : index
    %get3A_101 = arith.constant 0 : index
    %get3A_102 = vector.load %arg4[%get3A_100, %get3A_101] : memref<64x64xf32, #tpu.memory_space<vmem>>, vector<64x64xf32>
    %dot_general3A_103 = arith.constant dense<0.000000e+00> : vector<120x64xf32>
    %dot_general3A_104 = tpu.matmul %mul3A_99, %get3A_102, %dot_general3A_103 {dimension_numbers = #tpu.dot_dimension_numbers<[1], [0], [0], [1], [0, 0, 1, 1], [], []>, transpose_lhs_hint = false} : vector<120x64xf32>, vector<64x64xf32>, vector<120x64xf32> -> vector<120x64xf32>
    %get3A_105 = arith.constant 300 : index
    %get3A_106 = arith.constant 0 : index
    %get3A_107 = vector.load %arg3[%get3A_105, %get3A_106] : memref<800x64xf32, #tpu.memory_space<vmem>>, vector<100x64xf32>
    %slice3A_108 = vector.extract_strided_slice %dot_general3A_104 {offsets = [0, 0], sizes = [100, 64], strides = [1, 1]} : vector<120x64xf32> to vector<100x64xf32>
    %add3A_109 = arith.addf %get3A_107, %slice3A_108 : vector<100x64xf32>
    %swap3A_110 = arith.constant 300 : index
    %swap3A_111 = arith.constant 0 : index
    %swap3A_112 = vector.load %arg5[%swap3A_110, %swap3A_111] : memref<800x64xf32, #tpu.memory_space<vmem>>, vector<100x64xf32>
    tpu.vector_store %arg5[%swap3A_110, %swap3A_111], %add3A_109 {strides = array<i32>} : memref<800x64xf32, #tpu.memory_space<vmem>>, vector<100x64xf32>,
    %get3A_113 = arith.constant 4 : index
    %get3A_114 = arith.constant 0 : index
    %get3A_115 = arith.constant 0 : index
    %get3A_116 = vector.load %arg2[%get3A_113, %get3A_114, %get3A_115] : memref<8x120x66xf32, #tpu.memory_space<vmem>>, vector<1x120x66xf32>
    %get3A_117 = vector.shape_cast %get3A_116 : vector<1x120x66xf32> to vector<120x66xf32>
    %slice3A_118 = vector.extract_strided_slice %get3A_117 {offsets = [0, 64], sizes = [120, 1], strides = [1, 1]} : vector<120x66xf32> to vector<120x1xf32>
    %gt3A_119 = arith.constant 0.000000e+00 : f32
    %gt3A_120 = vector.broadcast %gt3A_119 : f32 to vector<120x1xf32>
    %gt3A_121 = arith.cmpf ogt, %slice3A_118, %gt3A_120 : vector<120x1xf32>
    %div3A_122 = arith.constant 0.892857134 : f32
    %div3A_123 = vector.broadcast %div3A_122 : f32 to vector<120x1xf32>
    %div3A_124 = arith.divf %div3A_123, %slice3A_118 : vector<120x1xf32>
    %jit3A_125 = arith.constant 0.000000e+00 : f32
    %broadcast_in_dim3A_126 = vector.broadcast %jit3A_125 : f32 to vector<120x1xf32>
    %select_n3A_127 = arith.select %gt3A_121, %div3A_124, %broadcast_in_dim3A_126 : vector<120x1xi1>, vector<120x1xf32>
    %slice3A_128 = vector.extract_strided_slice %get3A_117 {offsets = [0, 0], sizes = [120, 64], strides = [1, 1]} : vector<120x66xf32> to vector<120x64xf32>
    %mul3A_129 = vector.broadcast %select_n3A_127 : vector<120x1xf32> to vector<120x64xf32>
    %mul3A_130 = arith.mulf %slice3A_128, %mul3A_129 : vector<120x64xf32>
    %get3A_131 = arith.constant 0 : index
    %get3A_132 = arith.constant 0 : index
    %get3A_133 = vector.load %arg4[%get3A_131, %get3A_132] : memref<64x64xf32, #tpu.memory_space<vmem>>, vector<64x64xf32>
    %dot_general3A_134 = arith.constant dense<0.000000e+00> : vector<120x64xf32>
    %dot_general3A_135 = tpu.matmul %mul3A_130, %get3A_133, %dot_general3A_134 {dimension_numbers = #tpu.dot_dimension_numbers<[1], [0], [0], [1], [0, 0, 1, 1], [], []>, transpose_lhs_hint = false} : vector<120x64xf32>, vector<64x64xf32>, vector<120x64xf32> -> vector<120x64xf32>
    %get3A_136 = arith.constant 400 : index
    %get3A_137 = arith.constant 0 : index
    %get3A_138 = vector.load %arg3[%get3A_136, %get3A_137] : memref<800x64xf32, #tpu.memory_space<vmem>>, vector<100x64xf32>
    %slice3A_139 = vector.extract_strided_slice %dot_general3A_135 {offsets = [0, 0], sizes = [100, 64], strides = [1, 1]} : vector<120x64xf32> to vector<100x64xf32>
    %add3A_140 = arith.addf %get3A_138, %slice3A_139 : vector<100x64xf32>
    %swap3A_141 = arith.constant 400 : index
    %swap3A_142 = arith.constant 0 : index
    %swap3A_143 = vector.load %arg5[%swap3A_141, %swap3A_142] : memref<800x64xf32, #tpu.memory_space<vmem>>, vector<100x64xf32>
    tpu.vector_store %arg5[%swap3A_141, %swap3A_142], %add3A_140 {strides = array<i32>} : memref<800x64xf32, #tpu.memory_space<vmem>>, vector<100x64xf32>,
    %get3A_144 = arith.constant 5 : index
    %get3A_145 = arith.constant 0 : index
    %get3A_146 = arith.constant 0 : index
    %get3A_147 = vector.load %arg2[%get3A_144, %get3A_145, %get3A_146] : memref<8x120x66xf32, #tpu.memory_space<vmem>>, vector<1x120x66xf32>
    %get3A_148 = vector.shape_cast %get3A_147 : vector<1x120x66xf32> to vector<120x66xf32>
    %slice3A_149 = vector.extract_strided_slice %get3A_148 {offsets = [0, 64], sizes = [120, 1], strides = [1, 1]} : vector<120x66xf32> to vector<120x1xf32>
    %gt3A_150 = arith.constant 0.000000e+00 : f32
    %gt3A_151 = vector.broadcast %gt3A_150 : f32 to vector<120x1xf32>
    %gt3A_152 = arith.cmpf ogt, %slice3A_149, %gt3A_151 : vector<120x1xf32>
    %div3A_153 = arith.constant 0.892857134 : f32
    %div3A_154 = vector.broadcast %div3A_153 : f32 to vector<120x1xf32>
    %div3A_155 = arith.divf %div3A_154, %slice3A_149 : vector<120x1xf32>
    %jit3A_156 = arith.constant 0.000000e+00 : f32
    %broadcast_in_dim3A_157 = vector.broadcast %jit3A_156 : f32 to vector<120x1xf32>
    %select_n3A_158 = arith.select %gt3A_152, %div3A_155, %broadcast_in_dim3A_157 : vector<120x1xi1>, vector<120x1xf32>
    %slice3A_159 = vector.extract_strided_slice %get3A_148 {offsets = [0, 0], sizes = [120, 64], strides = [1, 1]} : vector<120x66xf32> to vector<120x64xf32>
    %mul3A_160 = vector.broadcast %select_n3A_158 : vector<120x1xf32> to vector<120x64xf32>
    %mul3A_161 = arith.mulf %slice3A_159, %mul3A_160 : vector<120x64xf32>
    %get3A_162 = arith.constant 0 : index
    %get3A_163 = arith.constant 0 : index
    %get3A_164 = vector.load %arg4[%get3A_162, %get3A_163] : memref<64x64xf32, #tpu.memory_space<vmem>>, vector<64x64xf32>
    %dot_general3A_165 = arith.constant dense<0.000000e+00> : vector<120x64xf32>
    %dot_general3A_166 = tpu.matmul %mul3A_161, %get3A_164, %dot_general3A_165 {dimension_numbers = #tpu.dot_dimension_numbers<[1], [0], [0], [1], [0, 0, 1, 1], [], []>, transpose_lhs_hint = false} : vector<120x64xf32>, vector<64x64xf32>, vector<120x64xf32> -> vector<120x64xf32>
    %get3A_167 = arith.constant 500 : index
    %get3A_168 = arith.constant 0 : index
    %get3A_169 = vector.load %arg3[%get3A_167, %get3A_168] : memref<800x64xf32, #tpu.memory_space<vmem>>, vector<100x64xf32>
    %slice3A_170 = vector.extract_strided_slice %dot_general3A_166 {offsets = [0, 0], sizes = [100, 64], strides = [1, 1]} : vector<120x64xf32> to vector<100x64xf32>
    %add3A_171 = arith.addf %get3A_169, %slice3A_170 : vector<100x64xf32>
    %swap3A_172 = arith.constant 500 : index
    %swap3A_173 = arith.constant 0 : index
    %swap3A_174 = vector.load %arg5[%swap3A_172, %swap3A_173] : memref<800x64xf32, #tpu.memory_space<vmem>>, vector<100x64xf32>
    tpu.vector_store %arg5[%swap3A_172, %swap3A_173], %add3A_171 {strides = array<i32>} : memref<800x64xf32, #tpu.memory_space<vmem>>, vector<100x64xf32>,
    %get3A_175 = arith.constant 6 : index
    %get3A_176 = arith.constant 0 : index
    %get3A_177 = arith.constant 0 : index
    %get3A_178 = vector.load %arg2[%get3A_175, %get3A_176, %get3A_177] : memref<8x120x66xf32, #tpu.memory_space<vmem>>, vector<1x120x66xf32>
    %get3A_179 = vector.shape_cast %get3A_178 : vector<1x120x66xf32> to vector<120x66xf32>
    %slice3A_180 = vector.extract_strided_slice %get3A_179 {offsets = [0, 64], sizes = [120, 1], strides = [1, 1]} : vector<120x66xf32> to vector<120x1xf32>
    %gt3A_181 = arith.constant 0.000000e+00 : f32
    %gt3A_182 = vector.broadcast %gt3A_181 : f32 to vector<120x1xf32>
    %gt3A_183 = arith.cmpf ogt, %slice3A_180, %gt3A_182 : vector<120x1xf32>
    %div3A_184 = arith.constant 0.892857134 : f32
    %div3A_185 = vector.broadcast %div3A_184 : f32 to vector<120x1xf32>
    %div3A_186 = arith.divf %div3A_185, %slice3A_180 : vector<120x1xf32>
    %jit3A_187 = arith.constant 0.000000e+00 : f32
    %broadcast_in_dim3A_188 = vector.broadcast %jit3A_187 : f32 to vector<120x1xf32>
    %select_n3A_189 = arith.select %gt3A_183, %div3A_186, %broadcast_in_dim3A_188 : vector<120x1xi1>, vector<120x1xf32>
    %slice3A_190 = vector.extract_strided_slice %get3A_179 {offsets = [0, 0], sizes = [120, 64], strides = [1, 1]} : vector<120x66xf32> to vector<120x64xf32>
    %mul3A_191 = vector.broadcast %select_n3A_189 : vector<120x1xf32> to vector<120x64xf32>
    %mul3A_192 = arith.mulf %slice3A_190, %mul3A_191 : vector<120x64xf32>
    %get3A_193 = arith.constant 0 : index
    %get3A_194 = arith.constant 0 : index
    %get3A_195 = vector.load %arg4[%get3A_193, %get3A_194] : memref<64x64xf32, #tpu.memory_space<vmem>>, vector<64x64xf32>
    %dot_general3A_196 = arith.constant dense<0.000000e+00> : vector<120x64xf32>
    %dot_general3A_197 = tpu.matmul %mul3A_192, %get3A_195, %dot_general3A_196 {dimension_numbers = #tpu.dot_dimension_numbers<[1], [0], [0], [1], [0, 0, 1, 1], [], []>, transpose_lhs_hint = false} : vector<120x64xf32>, vector<64x64xf32>, vector<120x64xf32> -> vector<120x64xf32>
    %get3A_198 = arith.constant 600 : index
    %get3A_199 = arith.constant 0 : index
    %get3A_200 = vector.load %arg3[%get3A_198, %get3A_199] : memref<800x64xf32, #tpu.memory_space<vmem>>, vector<100x64xf32>
    %slice3A_201 = vector.extract_strided_slice %dot_general3A_197 {offsets = [0, 0], sizes = [100, 64], strides = [1, 1]} : vector<120x64xf32> to vector<100x64xf32>
    %add3A_202 = arith.addf %get3A_200, %slice3A_201 : vector<100x64xf32>
    %swap3A_203 = arith.constant 600 : index
    %swap3A_204 = arith.constant 0 : index
    %swap3A_205 = vector.load %arg5[%swap3A_203, %swap3A_204] : memref<800x64xf32, #tpu.memory_space<vmem>>, vector<100x64xf32>
    tpu.vector_store %arg5[%swap3A_203, %swap3A_204], %add3A_202 {strides = array<i32>} : memref<800x64xf32, #tpu.memory_space<vmem>>, vector<100x64xf32>,
    %get3A_206 = arith.constant 7 : index
    %get3A_207 = arith.constant 0 : index
    %get3A_208 = arith.constant 0 : index
    %get3A_209 = vector.load %arg2[%get3A_206, %get3A_207, %get3A_208] : memref<8x120x66xf32, #tpu.memory_space<vmem>>, vector<1x120x66xf32>
    %get3A_210 = vector.shape_cast %get3A_209 : vector<1x120x66xf32> to vector<120x66xf32>
    %slice3A_211 = vector.extract_strided_slice %get3A_210 {offsets = [0, 64], sizes = [120, 1], strides = [1, 1]} : vector<120x66xf32> to vector<120x1xf32>
    %gt3A_212 = arith.constant 0.000000e+00 : f32
    %gt3A_213 = vector.broadcast %gt3A_212 : f32 to vector<120x1xf32>
    %gt3A_214 = arith.cmpf ogt, %slice3A_211, %gt3A_213 : vector<120x1xf32>
    %div3A_215 = arith.constant 0.892857134 : f32
    %div3A_216 = vector.broadcast %div3A_215 : f32 to vector<120x1xf32>
    %div3A_217 = arith.divf %div3A_216, %slice3A_211 : vector<120x1xf32>
    %jit3A_218 = arith.constant 0.000000e+00 : f32
    %broadcast_in_dim3A_219 = vector.broadcast %jit3A_218 : f32 to vector<120x1xf32>
    %select_n3A_220 = arith.select %gt3A_214, %div3A_217, %broadcast_in_dim3A_219 : vector<120x1xi1>, vector<120x1xf32>
    %slice3A_221 = vector.extract_strided_slice %get3A_210 {offsets = [0, 0], sizes = [120, 64], strides = [1, 1]} : vector<120x66xf32> to vector<120x64xf32>
    %mul3A_222 = vector.broadcast %select_n3A_220 : vector<120x1xf32> to vector<120x64xf32>
    %mul3A_223 = arith.mulf %slice3A_221, %mul3A_222 : vector<120x64xf32>
    %get3A_224 = arith.constant 0 : index
    %get3A_225 = arith.constant 0 : index
    %get3A_226 = vector.load %arg4[%get3A_224, %get3A_225] : memref<64x64xf32, #tpu.memory_space<vmem>>, vector<64x64xf32>
    %dot_general3A_227 = arith.constant dense<0.000000e+00> : vector<120x64xf32>
    %dot_general3A_228 = tpu.matmul %mul3A_223, %get3A_226, %dot_general3A_227 {dimension_numbers = #tpu.dot_dimension_numbers<[1], [0], [0], [1], [0, 0, 1, 1], [], []>, transpose_lhs_hint = false} : vector<120x64xf32>, vector<64x64xf32>, vector<120x64xf32> -> vector<120x64xf32>
    %get3A_229 = arith.constant 700 : index
    %get3A_230 = arith.constant 0 : index
    %get3A_231 = vector.load %arg3[%get3A_229, %get3A_230] : memref<800x64xf32, #tpu.memory_space<vmem>>, vector<100x64xf32>
    %slice3A_232 = vector.extract_strided_slice %dot_general3A_228 {offsets = [0, 0], sizes = [100, 64], strides = [1, 1]} : vector<120x64xf32> to vector<100x64xf32>
    %add3A_233 = arith.addf %get3A_231, %slice3A_232 : vector<100x64xf32>
    %swap3A_234 = arith.constant 700 : index
    %swap3A_235 = arith.constant 0 : index
    %swap3A_236 = vector.load %arg5[%swap3A_234, %swap3A_235] : memref<800x64xf32, #tpu.memory_space<vmem>>, vector<100x64xf32>
    tpu.vector_store %arg5[%swap3A_234, %swap3A_235], %add3A_233 {strides = array<i32>} : memref<800x64xf32, #tpu.memory_space<vmem>>, vector<100x64xf32>,
    return
  }
  func.func @transform_1(%arg0: i32) -> (i32, i32, i32) {
    %c0_i32 = arith.constant 0 : i32
    %c0_i32_0 = arith.constant 0 : i32
    %c0_i32_1 = arith.constant 0 : i32
    return %arg0, %c0_i32, %c0_i32_0 : i32, i32, i32
  }
  func.func @transform_2(%arg0: i32) -> (i32, i32) {
    %c0_i32 = arith.constant 0 : i32
    %c0_i32_0 = arith.constant 0 : i32
    return %arg0, %c0_i32 : i32, i32
  }
  func.func @transform_3(%arg0: i32) -> (i32, i32) {
    %c0_i32 = arith.constant 0 : i32
    %c0_i32_0 = arith.constant 0 : i32
    %c0_i32_1 = arith.constant 0 : i32
    return %c0_i32, %c0_i32_0 : i32, i32
  }
  func.func @transform_4(%arg0: i32) -> (i32, i32) {
    %c0_i32 = arith.constant 0 : i32
    %c0_i32_0 = arith.constant 0 : i32
    return %arg0, %c0_i32 : i32, i32
  }
}

module attributes {stable_mosaic.version = 14 : i64} {
  func.func @_dense_body(%arg0: i32, %arg1: memref<2x3x128xf32, #tpu.memory_space<vmem>>, %arg2: memref<200x64xf32, #tpu.memory_space<vmem>>, %arg3: memref<64x64xf32, #tpu.memory_space<vmem>>, %arg4: memref<200x64xf32, #tpu.memory_space<vmem>>, %arg5: memref<64x128xf32, #tpu.memory_space<vmem>>) attributes {dimension_semantics = [#tpu.dimension_semantics<arbitrary>], iteration_bounds = array<i64: 32>, scalar_prefetch = 0 : i64, scratch_operands = 1 : i64, tpu.core_type = #tpu.core_type<tc>, window_params = [{transform_indices = @transform_0, window_bounds = array<i64: 2, 3, 128>}, {transform_indices = @transform_1, window_bounds = array<i64: 200, 64>}, {pipeline_mode = #tpu.pipeline_mode<synchronous>, transform_indices = @transform_2, window_bounds = array<i64: 64, 64>}, {transform_indices = @transform_3, window_bounds = array<i64: 200, 64>}]} {
    %get3A = arith.constant 0 : index
    %get3A_0 = arith.constant 0 : index
    %get3A_1 = arith.constant 0 : index
    %get3A_2 = vector.load %arg1[%get3A, %get3A_0, %get3A_1] : memref<2x3x128xf32, #tpu.memory_space<vmem>>, vector<1x3x128xf32>
    %get3A_3 = vector.shape_cast %get3A_2 : vector<1x3x128xf32> to vector<3x128xf32>
    %slice3A = vector.extract_strided_slice %get3A_3 {offsets = [0, 0], sizes = [1, 128], strides = [1, 1]} : vector<3x128xf32> to vector<1x128xf32>
    %broadcast_in_dim3A = vector.shape_cast %slice3A : vector<1x128xf32> to vector<1x128xf32>
    %broadcast_in_dim3A_4 = vector.broadcast %broadcast_in_dim3A : vector<1x128xf32> to vector<128x128xf32>
    %transpose3A = tpu.transpose %broadcast_in_dim3A_4, [1, 0] : vector<128x128xf32> -> vector<128x128xf32>
    %slice3A_5 = vector.extract_strided_slice %transpose3A {offsets = [0, 0], sizes = [104, 128], strides = [1, 1]} : vector<128x128xf32> to vector<104x128xf32>
    %slice3A_6 = vector.extract_strided_slice %get3A_3 {offsets = [1, 0], sizes = [1, 128], strides = [1, 1]} : vector<3x128xf32> to vector<1x128xf32>
    %broadcast_in_dim3A_7 = vector.shape_cast %slice3A_6 : vector<1x128xf32> to vector<1x128xf32>
    %broadcast_in_dim3A_8 = vector.broadcast %broadcast_in_dim3A_7 : vector<1x128xf32> to vector<128x128xf32>
    %transpose3A_9 = tpu.transpose %broadcast_in_dim3A_8, [1, 0] : vector<128x128xf32> -> vector<128x128xf32>
    %slice3A_10 = vector.extract_strided_slice %transpose3A_9 {offsets = [0, 0], sizes = [104, 128], strides = [1, 1]} : vector<128x128xf32> to vector<104x128xf32>
    %slice3A_11 = vector.extract_strided_slice %get3A_3 {offsets = [2, 0], sizes = [1, 128], strides = [1, 1]} : vector<3x128xf32> to vector<1x128xf32>
    %broadcast_in_dim3A_12 = vector.shape_cast %slice3A_11 : vector<1x128xf32> to vector<1x128xf32>
    %broadcast_in_dim3A_13 = vector.broadcast %broadcast_in_dim3A_12 : vector<1x128xf32> to vector<128x128xf32>
    %transpose3A_14 = tpu.transpose %broadcast_in_dim3A_13, [1, 0] : vector<128x128xf32> -> vector<128x128xf32>
    %slice3A_15 = vector.extract_strided_slice %transpose3A_14 {offsets = [0, 0], sizes = [104, 128], strides = [1, 1]} : vector<128x128xf32> to vector<104x128xf32>
    %slice3A_16 = vector.extract_strided_slice %get3A_3 {offsets = [0, 0], sizes = [1, 128], strides = [1, 1]} : vector<3x128xf32> to vector<1x128xf32>
    %broadcast_in_dim3A_17 = vector.shape_cast %slice3A_16 : vector<1x128xf32> to vector<1x128xf32>
    %broadcast_in_dim3A_18 = vector.broadcast %broadcast_in_dim3A_17 : vector<1x128xf32> to vector<104x128xf32>
    %slice3A_19 = vector.extract_strided_slice %get3A_3 {offsets = [1, 0], sizes = [1, 128], strides = [1, 1]} : vector<3x128xf32> to vector<1x128xf32>
    %broadcast_in_dim3A_20 = vector.shape_cast %slice3A_19 : vector<1x128xf32> to vector<1x128xf32>
    %broadcast_in_dim3A_21 = vector.broadcast %broadcast_in_dim3A_20 : vector<1x128xf32> to vector<104x128xf32>
    %slice3A_22 = vector.extract_strided_slice %get3A_3 {offsets = [2, 0], sizes = [1, 128], strides = [1, 1]} : vector<3x128xf32> to vector<1x128xf32>
    %broadcast_in_dim3A_23 = vector.shape_cast %slice3A_22 : vector<1x128xf32> to vector<1x128xf32>
    %broadcast_in_dim3A_24 = vector.broadcast %broadcast_in_dim3A_23 : vector<1x128xf32> to vector<104x128xf32>
    %sub3A = arith.subf %broadcast_in_dim3A_18, %slice3A_5 : vector<104x128xf32>
    %sub3A_25 = arith.subf %broadcast_in_dim3A_21, %slice3A_10 : vector<104x128xf32>
    %sub3A_26 = arith.subf %broadcast_in_dim3A_24, %slice3A_15 : vector<104x128xf32>
    %mul3A = arith.mulf %sub3A, %sub3A : vector<104x128xf32>
    %mul3A_27 = arith.mulf %sub3A_25, %sub3A_25 : vector<104x128xf32>
    %add3A = arith.addf %mul3A, %mul3A_27 : vector<104x128xf32>
    %mul3A_28 = arith.mulf %sub3A_26, %sub3A_26 : vector<104x128xf32>
    %add3A_29 = arith.addf %add3A, %mul3A_28 : vector<104x128xf32>
    %neg3A = arith.constant 0.000000e+00 : f32
    %neg3A_30 = vector.broadcast %neg3A : f32 to vector<104x128xf32>
    %neg3A_31 = arith.subf %neg3A_30, %add3A_29 : vector<104x128xf32>
    %exp3A = math.exp %neg3A_31 : vector<104x128xf32>
    %rsqrt3A = math.rsqrt %add3A_29 : vector<104x128xf32>
    %mul3A_32 = arith.mulf %sub3A, %rsqrt3A : vector<104x128xf32>
    %mul3A_33 = arith.mulf %sub3A_25, %rsqrt3A : vector<104x128xf32>
    %mul3A_34 = arith.mulf %sub3A_26, %rsqrt3A : vector<104x128xf32>
    %slice3A_35 = vector.extract_strided_slice %mul3A_32 {offsets = [0, 1], sizes = [104, 127], strides = [1, 1]} : vector<104x128xf32> to vector<104x127xf32>
    %slice3A_36 = vector.extract_strided_slice %mul3A_32 {offsets = [0, 0], sizes = [104, 1], strides = [1, 1]} : vector<104x128xf32> to vector<104x1xf32>
    %concatenate3A = tpu.concatenate %slice3A_35, %slice3A_36 in 1 : vector<104x127xf32>, vector<104x1xf32> -> vector<104x128xf32>
    %slice3A_37 = vector.extract_strided_slice %mul3A_33 {offsets = [0, 1], sizes = [104, 127], strides = [1, 1]} : vector<104x128xf32> to vector<104x127xf32>
    %slice3A_38 = vector.extract_strided_slice %mul3A_33 {offsets = [0, 0], sizes = [104, 1], strides = [1, 1]} : vector<104x128xf32> to vector<104x1xf32>
    %concatenate3A_39 = tpu.concatenate %slice3A_37, %slice3A_38 in 1 : vector<104x127xf32>, vector<104x1xf32> -> vector<104x128xf32>
    %slice3A_40 = vector.extract_strided_slice %mul3A_34 {offsets = [0, 1], sizes = [104, 127], strides = [1, 1]} : vector<104x128xf32> to vector<104x127xf32>
    %slice3A_41 = vector.extract_strided_slice %mul3A_34 {offsets = [0, 0], sizes = [104, 1], strides = [1, 1]} : vector<104x128xf32> to vector<104x1xf32>
    %concatenate3A_42 = tpu.concatenate %slice3A_40, %slice3A_41 in 1 : vector<104x127xf32>, vector<104x1xf32> -> vector<104x128xf32>
    %slice3A_43 = vector.extract_strided_slice %mul3A_32 {offsets = [1, 0], sizes = [103, 128], strides = [1, 1]} : vector<104x128xf32> to vector<103x128xf32>
    %slice3A_44 = vector.extract_strided_slice %mul3A_32 {offsets = [0, 0], sizes = [1, 128], strides = [1, 1]} : vector<104x128xf32> to vector<1x128xf32>
    %concatenate3A_45 = tpu.concatenate %slice3A_43, %slice3A_44 in 0 : vector<103x128xf32>, vector<1x128xf32> -> vector<104x128xf32>
    %slice3A_46 = vector.extract_strided_slice %mul3A_33 {offsets = [1, 0], sizes = [103, 128], strides = [1, 1]} : vector<104x128xf32> to vector<103x128xf32>
    %slice3A_47 = vector.extract_strided_slice %mul3A_33 {offsets = [0, 0], sizes = [1, 128], strides = [1, 1]} : vector<104x128xf32> to vector<1x128xf32>
    %concatenate3A_48 = tpu.concatenate %slice3A_46, %slice3A_47 in 0 : vector<103x128xf32>, vector<1x128xf32> -> vector<104x128xf32>
    %slice3A_49 = vector.extract_strided_slice %mul3A_34 {offsets = [1, 0], sizes = [103, 128], strides = [1, 1]} : vector<104x128xf32> to vector<103x128xf32>
    %slice3A_50 = vector.extract_strided_slice %mul3A_34 {offsets = [0, 0], sizes = [1, 128], strides = [1, 1]} : vector<104x128xf32> to vector<1x128xf32>
    %concatenate3A_51 = tpu.concatenate %slice3A_49, %slice3A_50 in 0 : vector<103x128xf32>, vector<1x128xf32> -> vector<104x128xf32>
    %slice3A_52 = vector.extract_strided_slice %concatenate3A {offsets = [1, 0], sizes = [103, 128], strides = [1, 1]} : vector<104x128xf32> to vector<103x128xf32>
    %slice3A_53 = vector.extract_strided_slice %concatenate3A {offsets = [0, 0], sizes = [1, 128], strides = [1, 1]} : vector<104x128xf32> to vector<1x128xf32>
    %concatenate3A_54 = tpu.concatenate %slice3A_52, %slice3A_53 in 0 : vector<103x128xf32>, vector<1x128xf32> -> vector<104x128xf32>
    %slice3A_55 = vector.extract_strided_slice %concatenate3A_39 {offsets = [1, 0], sizes = [103, 128], strides = [1, 1]} : vector<104x128xf32> to vector<103x128xf32>
    %slice3A_56 = vector.extract_strided_slice %concatenate3A_39 {offsets = [0, 0], sizes = [1, 128], strides = [1, 1]} : vector<104x128xf32> to vector<1x128xf32>
    %concatenate3A_57 = tpu.concatenate %slice3A_55, %slice3A_56 in 0 : vector<103x128xf32>, vector<1x128xf32> -> vector<104x128xf32>
    %slice3A_58 = vector.extract_strided_slice %concatenate3A_42 {offsets = [1, 0], sizes = [103, 128], strides = [1, 1]} : vector<104x128xf32> to vector<103x128xf32>
    %slice3A_59 = vector.extract_strided_slice %concatenate3A_42 {offsets = [0, 0], sizes = [1, 128], strides = [1, 1]} : vector<104x128xf32> to vector<1x128xf32>
    %concatenate3A_60 = tpu.concatenate %slice3A_58, %slice3A_59 in 0 : vector<103x128xf32>, vector<1x128xf32> -> vector<104x128xf32>
    %mul3A_61 = arith.mulf %mul3A_33, %concatenate3A_42 : vector<104x128xf32>
    %mul3A_62 = arith.mulf %mul3A_34, %concatenate3A_39 : vector<104x128xf32>
    %sub3A_63 = arith.subf %mul3A_61, %mul3A_62 : vector<104x128xf32>
    %mul3A_64 = arith.mulf %mul3A_34, %concatenate3A : vector<104x128xf32>
    %mul3A_65 = arith.mulf %mul3A_32, %concatenate3A_42 : vector<104x128xf32>
    %sub3A_66 = arith.subf %mul3A_64, %mul3A_65 : vector<104x128xf32>
    %mul3A_67 = arith.mulf %mul3A_32, %concatenate3A_39 : vector<104x128xf32>
    %mul3A_68 = arith.mulf %mul3A_33, %concatenate3A : vector<104x128xf32>
    %sub3A_69 = arith.subf %mul3A_67, %mul3A_68 : vector<104x128xf32>
    %mul3A_70 = arith.mulf %sub3A_63, %sub3A_63 : vector<104x128xf32>
    %mul3A_71 = arith.mulf %sub3A_66, %sub3A_66 : vector<104x128xf32>
    %add3A_72 = arith.addf %mul3A_70, %mul3A_71 : vector<104x128xf32>
    %mul3A_73 = arith.mulf %sub3A_69, %sub3A_69 : vector<104x128xf32>
    %add3A_74 = arith.addf %add3A_72, %mul3A_73 : vector<104x128xf32>
    %rsqrt3A_75 = math.rsqrt %add3A_74 : vector<104x128xf32>
    %mul3A_76 = arith.mulf %sub3A_63, %rsqrt3A_75 : vector<104x128xf32>
    %mul3A_77 = arith.mulf %sub3A_66, %rsqrt3A_75 : vector<104x128xf32>
    %mul3A_78 = arith.mulf %sub3A_69, %rsqrt3A_75 : vector<104x128xf32>
    %mul3A_79 = arith.mulf %concatenate3A_39, %concatenate3A_60 : vector<104x128xf32>
    %mul3A_80 = arith.mulf %concatenate3A_42, %concatenate3A_57 : vector<104x128xf32>
    %sub3A_81 = arith.subf %mul3A_79, %mul3A_80 : vector<104x128xf32>
    %mul3A_82 = arith.mulf %concatenate3A_42, %concatenate3A_54 : vector<104x128xf32>
    %mul3A_83 = arith.mulf %concatenate3A, %concatenate3A_60 : vector<104x128xf32>
    %sub3A_84 = arith.subf %mul3A_82, %mul3A_83 : vector<104x128xf32>
    %mul3A_85 = arith.mulf %concatenate3A, %concatenate3A_57 : vector<104x128xf32>
    %mul3A_86 = arith.mulf %concatenate3A_39, %concatenate3A_54 : vector<104x128xf32>
    %sub3A_87 = arith.subf %mul3A_85, %mul3A_86 : vector<104x128xf32>
    %mul3A_88 = arith.mulf %sub3A_81, %sub3A_81 : vector<104x128xf32>
    %mul3A_89 = arith.mulf %sub3A_84, %sub3A_84 : vector<104x128xf32>
    %add3A_90 = arith.addf %mul3A_88, %mul3A_89 : vector<104x128xf32>
    %mul3A_91 = arith.mulf %sub3A_87, %sub3A_87 : vector<104x128xf32>
    %add3A_92 = arith.addf %add3A_90, %mul3A_91 : vector<104x128xf32>
    %rsqrt3A_93 = math.rsqrt %add3A_92 : vector<104x128xf32>
    %mul3A_94 = arith.mulf %sub3A_81, %rsqrt3A_93 : vector<104x128xf32>
    %mul3A_95 = arith.mulf %sub3A_84, %rsqrt3A_93 : vector<104x128xf32>
    %mul3A_96 = arith.mulf %sub3A_87, %rsqrt3A_93 : vector<104x128xf32>
    %mul3A_97 = arith.mulf %concatenate3A_57, %concatenate3A_51 : vector<104x128xf32>
    %mul3A_98 = arith.mulf %concatenate3A_60, %concatenate3A_48 : vector<104x128xf32>
    %sub3A_99 = arith.subf %mul3A_97, %mul3A_98 : vector<104x128xf32>
    %mul3A_100 = arith.mulf %concatenate3A_60, %concatenate3A_45 : vector<104x128xf32>
    %mul3A_101 = arith.mulf %concatenate3A_54, %concatenate3A_51 : vector<104x128xf32>
    %sub3A_102 = arith.subf %mul3A_100, %mul3A_101 : vector<104x128xf32>
    %mul3A_103 = arith.mulf %concatenate3A_54, %concatenate3A_48 : vector<104x128xf32>
    %mul3A_104 = arith.mulf %concatenate3A_57, %concatenate3A_45 : vector<104x128xf32>
    %sub3A_105 = arith.subf %mul3A_103, %mul3A_104 : vector<104x128xf32>
    %mul3A_106 = arith.mulf %sub3A_99, %sub3A_99 : vector<104x128xf32>
    %mul3A_107 = arith.mulf %sub3A_102, %sub3A_102 : vector<104x128xf32>
    %add3A_108 = arith.addf %mul3A_106, %mul3A_107 : vector<104x128xf32>
    %mul3A_109 = arith.mulf %sub3A_105, %sub3A_105 : vector<104x128xf32>
    %add3A_110 = arith.addf %add3A_108, %mul3A_109 : vector<104x128xf32>
    %rsqrt3A_111 = math.rsqrt %add3A_110 : vector<104x128xf32>
    %mul3A_112 = arith.mulf %sub3A_99, %rsqrt3A_111 : vector<104x128xf32>
    %mul3A_113 = arith.mulf %sub3A_102, %rsqrt3A_111 : vector<104x128xf32>
    %mul3A_114 = arith.mulf %sub3A_105, %rsqrt3A_111 : vector<104x128xf32>
    %mul3A_115 = arith.mulf %concatenate3A_48, %mul3A_34 : vector<104x128xf32>
    %mul3A_116 = arith.mulf %concatenate3A_51, %mul3A_33 : vector<104x128xf32>
    %sub3A_117 = arith.subf %mul3A_115, %mul3A_116 : vector<104x128xf32>
    %mul3A_118 = arith.mulf %concatenate3A_51, %mul3A_32 : vector<104x128xf32>
    %mul3A_119 = arith.mulf %concatenate3A_45, %mul3A_34 : vector<104x128xf32>
    %sub3A_120 = arith.subf %mul3A_118, %mul3A_119 : vector<104x128xf32>
    %mul3A_121 = arith.mulf %concatenate3A_45, %mul3A_33 : vector<104x128xf32>
    %mul3A_122 = arith.mulf %concatenate3A_48, %mul3A_32 : vector<104x128xf32>
    %sub3A_123 = arith.subf %mul3A_121, %mul3A_122 : vector<104x128xf32>
    %mul3A_124 = arith.mulf %sub3A_117, %sub3A_117 : vector<104x128xf32>
    %mul3A_125 = arith.mulf %sub3A_120, %sub3A_120 : vector<104x128xf32>
    %add3A_126 = arith.addf %mul3A_124, %mul3A_125 : vector<104x128xf32>
    %mul3A_127 = arith.mulf %sub3A_123, %sub3A_123 : vector<104x128xf32>
    %add3A_128 = arith.addf %add3A_126, %mul3A_127 : vector<104x128xf32>
    %rsqrt3A_129 = math.rsqrt %add3A_128 : vector<104x128xf32>
    %mul3A_130 = arith.mulf %sub3A_117, %rsqrt3A_129 : vector<104x128xf32>
    %mul3A_131 = arith.mulf %sub3A_120, %rsqrt3A_129 : vector<104x128xf32>
    %mul3A_132 = arith.mulf %sub3A_123, %rsqrt3A_129 : vector<104x128xf32>
    %mul3A_133 = arith.mulf %mul3A_76, %mul3A_94 : vector<104x128xf32>
    %mul3A_134 = arith.mulf %mul3A_77, %mul3A_95 : vector<104x128xf32>
    %add3A_135 = arith.addf %mul3A_133, %mul3A_134 : vector<104x128xf32>
    %mul3A_136 = arith.mulf %mul3A_78, %mul3A_96 : vector<104x128xf32>
    %add3A_137 = arith.addf %add3A_135, %mul3A_136 : vector<104x128xf32>
    %jit3A = arith.constant -1.000000e+00 : f32
    %jit3A_138 = arith.constant 1.000000e+00 : f32
    %max3A = vector.broadcast %jit3A : f32 to vector<104x128xf32>
    %max3A_139 = arith.maximumf %max3A, %add3A_137 : vector<104x128xf32>
    %min3A = vector.broadcast %jit3A_138 : f32 to vector<104x128xf32>
    %min3A_140 = arith.minimumf %min3A, %max3A_139 : vector<104x128xf32>
    %abs3A = math.absf %min3A_140 : vector<104x128xf32>
    %mul3A_141 = arith.constant -0.0012624911 : f32
    %mul3A_142 = vector.broadcast %mul3A_141 : f32 to vector<104x128xf32>
    %mul3A_143 = arith.mulf %mul3A_142, %abs3A : vector<104x128xf32>
    %add3A_144 = arith.constant 6.670090e-03 : f32
    %add3A_145 = vector.broadcast %add3A_144 : f32 to vector<104x128xf32>
    %add3A_146 = arith.addf %mul3A_143, %add3A_145 : vector<104x128xf32>
    %mul3A_147 = arith.mulf %add3A_146, %abs3A : vector<104x128xf32>
    %add3A_148 = arith.constant -0.0170881264 : f32
    %add3A_149 = vector.broadcast %add3A_148 : f32 to vector<104x128xf32>
    %add3A_150 = arith.addf %mul3A_147, %add3A_149 : vector<104x128xf32>
    %mul3A_151 = arith.mulf %add3A_150, %abs3A : vector<104x128xf32>
    %add3A_152 = arith.constant 0.0308918804 : f32
    %add3A_153 = vector.broadcast %add3A_152 : f32 to vector<104x128xf32>
    %add3A_154 = arith.addf %mul3A_151, %add3A_153 : vector<104x128xf32>
    %mul3A_155 = arith.mulf %add3A_154, %abs3A : vector<104x128xf32>
    %add3A_156 = arith.constant -0.0501743034 : f32
    %add3A_157 = vector.broadcast %add3A_156 : f32 to vector<104x128xf32>
    %add3A_158 = arith.addf %mul3A_155, %add3A_157 : vector<104x128xf32>
    %mul3A_159 = arith.mulf %add3A_158, %abs3A : vector<104x128xf32>
    %add3A_160 = arith.constant 0.0889789909 : f32
    %add3A_161 = vector.broadcast %add3A_160 : f32 to vector<104x128xf32>
    %add3A_162 = arith.addf %mul3A_159, %add3A_161 : vector<104x128xf32>
    %mul3A_163 = arith.mulf %add3A_162, %abs3A : vector<104x128xf32>
    %add3A_164 = arith.constant -0.214598805 : f32
    %add3A_165 = vector.broadcast %add3A_164 : f32 to vector<104x128xf32>
    %add3A_166 = arith.addf %mul3A_163, %add3A_165 : vector<104x128xf32>
    %mul3A_167 = arith.mulf %add3A_166, %abs3A : vector<104x128xf32>
    %add3A_168 = arith.constant 1.57079625 : f32
    %add3A_169 = vector.broadcast %add3A_168 : f32 to vector<104x128xf32>
    %add3A_170 = arith.addf %mul3A_167, %add3A_169 : vector<104x128xf32>
    %sub3A_171 = arith.constant 1.000000e+00 : f32
    %sub3A_172 = vector.broadcast %sub3A_171 : f32 to vector<104x128xf32>
    %sub3A_173 = arith.subf %sub3A_172, %abs3A : vector<104x128xf32>
    %max3A_174 = arith.constant 0.000000e+00 : f32
    %max3A_175 = vector.broadcast %max3A_174 : f32 to vector<104x128xf32>
    %max3A_176 = arith.maximumf %sub3A_173, %max3A_175 : vector<104x128xf32>
    %sqrt3A = math.sqrt %max3A_176 : vector<104x128xf32>
    %mul3A_177 = arith.mulf %sqrt3A, %add3A_170 : vector<104x128xf32>
    %sub3A_178 = arith.constant 1.57079637 : f32
    %sub3A_179 = vector.broadcast %sub3A_178 : f32 to vector<104x128xf32>
    %sub3A_180 = arith.subf %sub3A_179, %mul3A_177 : vector<104x128xf32>
    %sign3A = tpu.bitcast %min3A_140 : vector<104x128xf32> -> vector<104x128xi32>
    %sign3A_181 = arith.constant -2147483648 : i32
    %sign3A_182 = vector.broadcast %sign3A_181 : i32 to vector<104x128xi32>
    %sign3A_183 = arith.andi %sign3A, %sign3A_182 : vector<104x128xi32>
    %sign3A_184 = arith.constant 1065353216 : i32
    %sign3A_185 = vector.broadcast %sign3A_184 : i32 to vector<104x128xi32>
    %sign3A_186 = arith.ori %sign3A_185, %sign3A_183 : vector<104x128xi32>
    %sign3A_187 = tpu.bitcast %sign3A_186 : vector<104x128xi32> -> vector<104x128xf32>
    %sign3A_188 = math.absf %min3A_140 : vector<104x128xf32>
    %sign3A_189 = arith.constant 0.000000e+00 : f32
    %sign3A_190 = vector.broadcast %sign3A_189 : f32 to vector<104x128xf32>
    %sign3A_191 = arith.cmpf ogt, %sign3A_188, %sign3A_190 : vector<104x128xf32>
    %sign3A_192 = arith.select %sign3A_191, %sign3A_187, %min3A_140 : vector<104x128xi1>, vector<104x128xf32>
    %mul3A_193 = arith.mulf %sign3A_192, %sub3A_180 : vector<104x128xf32>
    %mul3A_194 = arith.mulf %mul3A_94, %mul3A_112 : vector<104x128xf32>
    %mul3A_195 = arith.mulf %mul3A_95, %mul3A_113 : vector<104x128xf32>
    %add3A_196 = arith.addf %mul3A_194, %mul3A_195 : vector<104x128xf32>
    %mul3A_197 = arith.mulf %mul3A_96, %mul3A_114 : vector<104x128xf32>
    %add3A_198 = arith.addf %add3A_196, %mul3A_197 : vector<104x128xf32>
    %jit3A_199 = arith.constant -1.000000e+00 : f32
    %jit3A_200 = arith.constant 1.000000e+00 : f32
    %max3A_201 = vector.broadcast %jit3A_199 : f32 to vector<104x128xf32>
    %max3A_202 = arith.maximumf %max3A_201, %add3A_198 : vector<104x128xf32>
    %min3A_203 = vector.broadcast %jit3A_200 : f32 to vector<104x128xf32>
    %min3A_204 = arith.minimumf %min3A_203, %max3A_202 : vector<104x128xf32>
    %abs3A_205 = math.absf %min3A_204 : vector<104x128xf32>
    %mul3A_206 = arith.constant -0.0012624911 : f32
    %mul3A_207 = vector.broadcast %mul3A_206 : f32 to vector<104x128xf32>
    %mul3A_208 = arith.mulf %mul3A_207, %abs3A_205 : vector<104x128xf32>
    %add3A_209 = arith.constant 6.670090e-03 : f32
    %add3A_210 = vector.broadcast %add3A_209 : f32 to vector<104x128xf32>
    %add3A_211 = arith.addf %mul3A_208, %add3A_210 : vector<104x128xf32>
    %mul3A_212 = arith.mulf %add3A_211, %abs3A_205 : vector<104x128xf32>
    %add3A_213 = arith.constant -0.0170881264 : f32
    %add3A_214 = vector.broadcast %add3A_213 : f32 to vector<104x128xf32>
    %add3A_215 = arith.addf %mul3A_212, %add3A_214 : vector<104x128xf32>
    %mul3A_216 = arith.mulf %add3A_215, %abs3A_205 : vector<104x128xf32>
    %add3A_217 = arith.constant 0.0308918804 : f32
    %add3A_218 = vector.broadcast %add3A_217 : f32 to vector<104x128xf32>
    %add3A_219 = arith.addf %mul3A_216, %add3A_218 : vector<104x128xf32>
    %mul3A_220 = arith.mulf %add3A_219, %abs3A_205 : vector<104x128xf32>
    %add3A_221 = arith.constant -0.0501743034 : f32
    %add3A_222 = vector.broadcast %add3A_221 : f32 to vector<104x128xf32>
    %add3A_223 = arith.addf %mul3A_220, %add3A_222 : vector<104x128xf32>
    %mul3A_224 = arith.mulf %add3A_223, %abs3A_205 : vector<104x128xf32>
    %add3A_225 = arith.constant 0.0889789909 : f32
    %add3A_226 = vector.broadcast %add3A_225 : f32 to vector<104x128xf32>
    %add3A_227 = arith.addf %mul3A_224, %add3A_226 : vector<104x128xf32>
    %mul3A_228 = arith.mulf %add3A_227, %abs3A_205 : vector<104x128xf32>
    %add3A_229 = arith.constant -0.214598805 : f32
    %add3A_230 = vector.broadcast %add3A_229 : f32 to vector<104x128xf32>
    %add3A_231 = arith.addf %mul3A_228, %add3A_230 : vector<104x128xf32>
    %mul3A_232 = arith.mulf %add3A_231, %abs3A_205 : vector<104x128xf32>
    %add3A_233 = arith.constant 1.57079625 : f32
    %add3A_234 = vector.broadcast %add3A_233 : f32 to vector<104x128xf32>
    %add3A_235 = arith.addf %mul3A_232, %add3A_234 : vector<104x128xf32>
    %sub3A_236 = arith.constant 1.000000e+00 : f32
    %sub3A_237 = vector.broadcast %sub3A_236 : f32 to vector<104x128xf32>
    %sub3A_238 = arith.subf %sub3A_237, %abs3A_205 : vector<104x128xf32>
    %max3A_239 = arith.constant 0.000000e+00 : f32
    %max3A_240 = vector.broadcast %max3A_239 : f32 to vector<104x128xf32>
    %max3A_241 = arith.maximumf %sub3A_238, %max3A_240 : vector<104x128xf32>
    %sqrt3A_242 = math.sqrt %max3A_241 : vector<104x128xf32>
    %mul3A_243 = arith.mulf %sqrt3A_242, %add3A_235 : vector<104x128xf32>
    %sub3A_244 = arith.constant 1.57079637 : f32
    %sub3A_245 = vector.broadcast %sub3A_244 : f32 to vector<104x128xf32>
    %sub3A_246 = arith.subf %sub3A_245, %mul3A_243 : vector<104x128xf32>
    %sign3A_247 = tpu.bitcast %min3A_204 : vector<104x128xf32> -> vector<104x128xi32>
    %sign3A_248 = arith.constant -2147483648 : i32
    %sign3A_249 = vector.broadcast %sign3A_248 : i32 to vector<104x128xi32>
    %sign3A_250 = arith.andi %sign3A_247, %sign3A_249 : vector<104x128xi32>
    %sign3A_251 = arith.constant 1065353216 : i32
    %sign3A_252 = vector.broadcast %sign3A_251 : i32 to vector<104x128xi32>
    %sign3A_253 = arith.ori %sign3A_252, %sign3A_250 : vector<104x128xi32>
    %sign3A_254 = tpu.bitcast %sign3A_253 : vector<104x128xi32> -> vector<104x128xf32>
    %sign3A_255 = math.absf %min3A_204 : vector<104x128xf32>
    %sign3A_256 = arith.constant 0.000000e+00 : f32
    %sign3A_257 = vector.broadcast %sign3A_256 : f32 to vector<104x128xf32>
    %sign3A_258 = arith.cmpf ogt, %sign3A_255, %sign3A_257 : vector<104x128xf32>
    %sign3A_259 = arith.select %sign3A_258, %sign3A_254, %min3A_204 : vector<104x128xi1>, vector<104x128xf32>
    %mul3A_260 = arith.mulf %sign3A_259, %sub3A_246 : vector<104x128xf32>
    %add3A_261 = arith.addf %mul3A_193, %mul3A_260 : vector<104x128xf32>
    %mul3A_262 = arith.mulf %mul3A_112, %mul3A_130 : vector<104x128xf32>
    %mul3A_263 = arith.mulf %mul3A_113, %mul3A_131 : vector<104x128xf32>
    %add3A_264 = arith.addf %mul3A_262, %mul3A_263 : vector<104x128xf32>
    %mul3A_265 = arith.mulf %mul3A_114, %mul3A_132 : vector<104x128xf32>
    %add3A_266 = arith.addf %add3A_264, %mul3A_265 : vector<104x128xf32>
    %jit3A_267 = arith.constant -1.000000e+00 : f32
    %jit3A_268 = arith.constant 1.000000e+00 : f32
    %max3A_269 = vector.broadcast %jit3A_267 : f32 to vector<104x128xf32>
    %max3A_270 = arith.maximumf %max3A_269, %add3A_266 : vector<104x128xf32>
    %min3A_271 = vector.broadcast %jit3A_268 : f32 to vector<104x128xf32>
    %min3A_272 = arith.minimumf %min3A_271, %max3A_270 : vector<104x128xf32>
    %abs3A_273 = math.absf %min3A_272 : vector<104x128xf32>
    %mul3A_274 = arith.constant -0.0012624911 : f32
    %mul3A_275 = vector.broadcast %mul3A_274 : f32 to vector<104x128xf32>
    %mul3A_276 = arith.mulf %mul3A_275, %abs3A_273 : vector<104x128xf32>
    %add3A_277 = arith.constant 6.670090e-03 : f32
    %add3A_278 = vector.broadcast %add3A_277 : f32 to vector<104x128xf32>
    %add3A_279 = arith.addf %mul3A_276, %add3A_278 : vector<104x128xf32>
    %mul3A_280 = arith.mulf %add3A_279, %abs3A_273 : vector<104x128xf32>
    %add3A_281 = arith.constant -0.0170881264 : f32
    %add3A_282 = vector.broadcast %add3A_281 : f32 to vector<104x128xf32>
    %add3A_283 = arith.addf %mul3A_280, %add3A_282 : vector<104x128xf32>
    %mul3A_284 = arith.mulf %add3A_283, %abs3A_273 : vector<104x128xf32>
    %add3A_285 = arith.constant 0.0308918804 : f32
    %add3A_286 = vector.broadcast %add3A_285 : f32 to vector<104x128xf32>
    %add3A_287 = arith.addf %mul3A_284, %add3A_286 : vector<104x128xf32>
    %mul3A_288 = arith.mulf %add3A_287, %abs3A_273 : vector<104x128xf32>
    %add3A_289 = arith.constant -0.0501743034 : f32
    %add3A_290 = vector.broadcast %add3A_289 : f32 to vector<104x128xf32>
    %add3A_291 = arith.addf %mul3A_288, %add3A_290 : vector<104x128xf32>
    %mul3A_292 = arith.mulf %add3A_291, %abs3A_273 : vector<104x128xf32>
    %add3A_293 = arith.constant 0.0889789909 : f32
    %add3A_294 = vector.broadcast %add3A_293 : f32 to vector<104x128xf32>
    %add3A_295 = arith.addf %mul3A_292, %add3A_294 : vector<104x128xf32>
    %mul3A_296 = arith.mulf %add3A_295, %abs3A_273 : vector<104x128xf32>
    %add3A_297 = arith.constant -0.214598805 : f32
    %add3A_298 = vector.broadcast %add3A_297 : f32 to vector<104x128xf32>
    %add3A_299 = arith.addf %mul3A_296, %add3A_298 : vector<104x128xf32>
    %mul3A_300 = arith.mulf %add3A_299, %abs3A_273 : vector<104x128xf32>
    %add3A_301 = arith.constant 1.57079625 : f32
    %add3A_302 = vector.broadcast %add3A_301 : f32 to vector<104x128xf32>
    %add3A_303 = arith.addf %mul3A_300, %add3A_302 : vector<104x128xf32>
    %sub3A_304 = arith.constant 1.000000e+00 : f32
    %sub3A_305 = vector.broadcast %sub3A_304 : f32 to vector<104x128xf32>
    %sub3A_306 = arith.subf %sub3A_305, %abs3A_273 : vector<104x128xf32>
    %max3A_307 = arith.constant 0.000000e+00 : f32
    %max3A_308 = vector.broadcast %max3A_307 : f32 to vector<104x128xf32>
    %max3A_309 = arith.maximumf %sub3A_306, %max3A_308 : vector<104x128xf32>
    %sqrt3A_310 = math.sqrt %max3A_309 : vector<104x128xf32>
    %mul3A_311 = arith.mulf %sqrt3A_310, %add3A_303 : vector<104x128xf32>
    %sub3A_312 = arith.constant 1.57079637 : f32
    %sub3A_313 = vector.broadcast %sub3A_312 : f32 to vector<104x128xf32>
    %sub3A_314 = arith.subf %sub3A_313, %mul3A_311 : vector<104x128xf32>
    %sign3A_315 = tpu.bitcast %min3A_272 : vector<104x128xf32> -> vector<104x128xi32>
    %sign3A_316 = arith.constant -2147483648 : i32
    %sign3A_317 = vector.broadcast %sign3A_316 : i32 to vector<104x128xi32>
    %sign3A_318 = arith.andi %sign3A_315, %sign3A_317 : vector<104x128xi32>
    %sign3A_319 = arith.constant 1065353216 : i32
    %sign3A_320 = vector.broadcast %sign3A_319 : i32 to vector<104x128xi32>
    %sign3A_321 = arith.ori %sign3A_320, %sign3A_318 : vector<104x128xi32>
    %sign3A_322 = tpu.bitcast %sign3A_321 : vector<104x128xi32> -> vector<104x128xf32>
    %sign3A_323 = math.absf %min3A_272 : vector<104x128xf32>
    %sign3A_324 = arith.constant 0.000000e+00 : f32
    %sign3A_325 = vector.broadcast %sign3A_324 : f32 to vector<104x128xf32>
    %sign3A_326 = arith.cmpf ogt, %sign3A_323, %sign3A_325 : vector<104x128xf32>
    %sign3A_327 = arith.select %sign3A_326, %sign3A_322, %min3A_272 : vector<104x128xi1>, vector<104x128xf32>
    %mul3A_328 = arith.mulf %sign3A_327, %sub3A_314 : vector<104x128xf32>
    %add3A_329 = arith.addf %add3A_261, %mul3A_328 : vector<104x128xf32>
    %mul3A_330 = arith.mulf %mul3A_130, %mul3A_76 : vector<104x128xf32>
    %mul3A_331 = arith.mulf %mul3A_131, %mul3A_77 : vector<104x128xf32>
    %add3A_332 = arith.addf %mul3A_330, %mul3A_331 : vector<104x128xf32>
    %mul3A_333 = arith.mulf %mul3A_132, %mul3A_78 : vector<104x128xf32>
    %add3A_334 = arith.addf %add3A_332, %mul3A_333 : vector<104x128xf32>
    %jit3A_335 = arith.constant -1.000000e+00 : f32
    %jit3A_336 = arith.constant 1.000000e+00 : f32
    %max3A_337 = vector.broadcast %jit3A_335 : f32 to vector<104x128xf32>
    %max3A_338 = arith.maximumf %max3A_337, %add3A_334 : vector<104x128xf32>
    %min3A_339 = vector.broadcast %jit3A_336 : f32 to vector<104x128xf32>
    %min3A_340 = arith.minimumf %min3A_339, %max3A_338 : vector<104x128xf32>
    %abs3A_341 = math.absf %min3A_340 : vector<104x128xf32>
    %mul3A_342 = arith.constant -0.0012624911 : f32
    %mul3A_343 = vector.broadcast %mul3A_342 : f32 to vector<104x128xf32>
    %mul3A_344 = arith.mulf %mul3A_343, %abs3A_341 : vector<104x128xf32>
    %add3A_345 = arith.constant 6.670090e-03 : f32
    %add3A_346 = vector.broadcast %add3A_345 : f32 to vector<104x128xf32>
    %add3A_347 = arith.addf %mul3A_344, %add3A_346 : vector<104x128xf32>
    %mul3A_348 = arith.mulf %add3A_347, %abs3A_341 : vector<104x128xf32>
    %add3A_349 = arith.constant -0.0170881264 : f32
    %add3A_350 = vector.broadcast %add3A_349 : f32 to vector<104x128xf32>
    %add3A_351 = arith.addf %mul3A_348, %add3A_350 : vector<104x128xf32>
    %mul3A_352 = arith.mulf %add3A_351, %abs3A_341 : vector<104x128xf32>
    %add3A_353 = arith.constant 0.0308918804 : f32
    %add3A_354 = vector.broadcast %add3A_353 : f32 to vector<104x128xf32>
    %add3A_355 = arith.addf %mul3A_352, %add3A_354 : vector<104x128xf32>
    %mul3A_356 = arith.mulf %add3A_355, %abs3A_341 : vector<104x128xf32>
    %add3A_357 = arith.constant -0.0501743034 : f32
    %add3A_358 = vector.broadcast %add3A_357 : f32 to vector<104x128xf32>
    %add3A_359 = arith.addf %mul3A_356, %add3A_358 : vector<104x128xf32>
    %mul3A_360 = arith.mulf %add3A_359, %abs3A_341 : vector<104x128xf32>
    %add3A_361 = arith.constant 0.0889789909 : f32
    %add3A_362 = vector.broadcast %add3A_361 : f32 to vector<104x128xf32>
    %add3A_363 = arith.addf %mul3A_360, %add3A_362 : vector<104x128xf32>
    %mul3A_364 = arith.mulf %add3A_363, %abs3A_341 : vector<104x128xf32>
    %add3A_365 = arith.constant -0.214598805 : f32
    %add3A_366 = vector.broadcast %add3A_365 : f32 to vector<104x128xf32>
    %add3A_367 = arith.addf %mul3A_364, %add3A_366 : vector<104x128xf32>
    %mul3A_368 = arith.mulf %add3A_367, %abs3A_341 : vector<104x128xf32>
    %add3A_369 = arith.constant 1.57079625 : f32
    %add3A_370 = vector.broadcast %add3A_369 : f32 to vector<104x128xf32>
    %add3A_371 = arith.addf %mul3A_368, %add3A_370 : vector<104x128xf32>
    %sub3A_372 = arith.constant 1.000000e+00 : f32
    %sub3A_373 = vector.broadcast %sub3A_372 : f32 to vector<104x128xf32>
    %sub3A_374 = arith.subf %sub3A_373, %abs3A_341 : vector<104x128xf32>
    %max3A_375 = arith.constant 0.000000e+00 : f32
    %max3A_376 = vector.broadcast %max3A_375 : f32 to vector<104x128xf32>
    %max3A_377 = arith.maximumf %sub3A_374, %max3A_376 : vector<104x128xf32>
    %sqrt3A_378 = math.sqrt %max3A_377 : vector<104x128xf32>
    %mul3A_379 = arith.mulf %sqrt3A_378, %add3A_371 : vector<104x128xf32>
    %sub3A_380 = arith.constant 1.57079637 : f32
    %sub3A_381 = vector.broadcast %sub3A_380 : f32 to vector<104x128xf32>
    %sub3A_382 = arith.subf %sub3A_381, %mul3A_379 : vector<104x128xf32>
    %sign3A_383 = tpu.bitcast %min3A_340 : vector<104x128xf32> -> vector<104x128xi32>
    %sign3A_384 = arith.constant -2147483648 : i32
    %sign3A_385 = vector.broadcast %sign3A_384 : i32 to vector<104x128xi32>
    %sign3A_386 = arith.andi %sign3A_383, %sign3A_385 : vector<104x128xi32>
    %sign3A_387 = arith.constant 1065353216 : i32
    %sign3A_388 = vector.broadcast %sign3A_387 : i32 to vector<104x128xi32>
    %sign3A_389 = arith.ori %sign3A_388, %sign3A_386 : vector<104x128xi32>
    %sign3A_390 = tpu.bitcast %sign3A_389 : vector<104x128xi32> -> vector<104x128xf32>
    %sign3A_391 = math.absf %min3A_340 : vector<104x128xf32>
    %sign3A_392 = arith.constant 0.000000e+00 : f32
    %sign3A_393 = vector.broadcast %sign3A_392 : f32 to vector<104x128xf32>
    %sign3A_394 = arith.cmpf ogt, %sign3A_391, %sign3A_393 : vector<104x128xf32>
    %sign3A_395 = arith.select %sign3A_394, %sign3A_390, %min3A_340 : vector<104x128xi1>, vector<104x128xf32>
    %mul3A_396 = arith.mulf %sign3A_395, %sub3A_382 : vector<104x128xf32>
    %add3A_397 = arith.addf %add3A_329, %mul3A_396 : vector<104x128xf32>
    %slice3A_398 = vector.extract_strided_slice %broadcast_in_dim3A_18 {offsets = [0, 1], sizes = [104, 127], strides = [1, 1]} : vector<104x128xf32> to vector<104x127xf32>
    %slice3A_399 = vector.extract_strided_slice %broadcast_in_dim3A_18 {offsets = [0, 0], sizes = [104, 1], strides = [1, 1]} : vector<104x128xf32> to vector<104x1xf32>
    %concatenate3A_400 = tpu.concatenate %slice3A_398, %slice3A_399 in 1 : vector<104x127xf32>, vector<104x1xf32> -> vector<104x128xf32>
    %sub3A_401 = arith.subf %concatenate3A_400, %broadcast_in_dim3A_18 : vector<104x128xf32>
    %slice3A_402 = vector.extract_strided_slice %broadcast_in_dim3A_21 {offsets = [0, 1], sizes = [104, 127], strides = [1, 1]} : vector<104x128xf32> to vector<104x127xf32>
    %slice3A_403 = vector.extract_strided_slice %broadcast_in_dim3A_21 {offsets = [0, 0], sizes = [104, 1], strides = [1, 1]} : vector<104x128xf32> to vector<104x1xf32>
    %concatenate3A_404 = tpu.concatenate %slice3A_402, %slice3A_403 in 1 : vector<104x127xf32>, vector<104x1xf32> -> vector<104x128xf32>
    %sub3A_405 = arith.subf %concatenate3A_404, %broadcast_in_dim3A_21 : vector<104x128xf32>
    %slice3A_406 = vector.extract_strided_slice %broadcast_in_dim3A_24 {offsets = [0, 1], sizes = [104, 127], strides = [1, 1]} : vector<104x128xf32> to vector<104x127xf32>
    %slice3A_407 = vector.extract_strided_slice %broadcast_in_dim3A_24 {offsets = [0, 0], sizes = [104, 1], strides = [1, 1]} : vector<104x128xf32> to vector<104x1xf32>
    %concatenate3A_408 = tpu.concatenate %slice3A_406, %slice3A_407 in 1 : vector<104x127xf32>, vector<104x1xf32> -> vector<104x128xf32>
    %sub3A_409 = arith.subf %concatenate3A_408, %broadcast_in_dim3A_24 : vector<104x128xf32>
    %slice3A_410 = vector.extract_strided_slice %slice3A_5 {offsets = [1, 0], sizes = [103, 128], strides = [1, 1]} : vector<104x128xf32> to vector<103x128xf32>
    %slice3A_411 = vector.extract_strided_slice %slice3A_5 {offsets = [0, 0], sizes = [1, 128], strides = [1, 1]} : vector<104x128xf32> to vector<1x128xf32>
    %concatenate3A_412 = tpu.concatenate %slice3A_410, %slice3A_411 in 0 : vector<103x128xf32>, vector<1x128xf32> -> vector<104x128xf32>
    %sub3A_413 = arith.subf %concatenate3A_412, %slice3A_5 : vector<104x128xf32>
    %slice3A_414 = vector.extract_strided_slice %slice3A_10 {offsets = [1, 0], sizes = [103, 128], strides = [1, 1]} : vector<104x128xf32> to vector<103x128xf32>
    %slice3A_415 = vector.extract_strided_slice %slice3A_10 {offsets = [0, 0], sizes = [1, 128], strides = [1, 1]} : vector<104x128xf32> to vector<1x128xf32>
    %concatenate3A_416 = tpu.concatenate %slice3A_414, %slice3A_415 in 0 : vector<103x128xf32>, vector<1x128xf32> -> vector<104x128xf32>
    %sub3A_417 = arith.subf %concatenate3A_416, %slice3A_10 : vector<104x128xf32>
    %slice3A_418 = vector.extract_strided_slice %slice3A_15 {offsets = [1, 0], sizes = [103, 128], strides = [1, 1]} : vector<104x128xf32> to vector<103x128xf32>
    %slice3A_419 = vector.extract_strided_slice %slice3A_15 {offsets = [0, 0], sizes = [1, 128], strides = [1, 1]} : vector<104x128xf32> to vector<1x128xf32>
    %concatenate3A_420 = tpu.concatenate %slice3A_418, %slice3A_419 in 0 : vector<103x128xf32>, vector<1x128xf32> -> vector<104x128xf32>
    %sub3A_421 = arith.subf %concatenate3A_420, %slice3A_15 : vector<104x128xf32>
    %mul3A_422 = arith.mulf %sub3A_405, %sub3A_421 : vector<104x128xf32>
    %mul3A_423 = arith.mulf %sub3A_409, %sub3A_417 : vector<104x128xf32>
    %sub3A_424 = arith.subf %mul3A_422, %mul3A_423 : vector<104x128xf32>
    %mul3A_425 = arith.mulf %sub3A_409, %sub3A_413 : vector<104x128xf32>
    %mul3A_426 = arith.mulf %sub3A_401, %sub3A_421 : vector<104x128xf32>
    %sub3A_427 = arith.subf %mul3A_425, %mul3A_426 : vector<104x128xf32>
    %mul3A_428 = arith.mulf %sub3A_401, %sub3A_417 : vector<104x128xf32>
    %mul3A_429 = arith.mulf %sub3A_405, %sub3A_413 : vector<104x128xf32>
    %sub3A_430 = arith.subf %mul3A_428, %mul3A_429 : vector<104x128xf32>
    %mul3A_431 = arith.mulf %sub3A_424, %mul3A_32 : vector<104x128xf32>
    %mul3A_432 = arith.mulf %sub3A_427, %mul3A_33 : vector<104x128xf32>
    %add3A_433 = arith.addf %mul3A_431, %mul3A_432 : vector<104x128xf32>
    %mul3A_434 = arith.mulf %sub3A_430, %mul3A_34 : vector<104x128xf32>
    %add3A_435 = arith.addf %add3A_433, %mul3A_434 : vector<104x128xf32>
    %sign3A_436 = tpu.bitcast %add3A_435 : vector<104x128xf32> -> vector<104x128xi32>
    %sign3A_437 = arith.constant -2147483648 : i32
    %sign3A_438 = vector.broadcast %sign3A_437 : i32 to vector<104x128xi32>
    %sign3A_439 = arith.andi %sign3A_436, %sign3A_438 : vector<104x128xi32>
    %sign3A_440 = arith.constant 1065353216 : i32
    %sign3A_441 = vector.broadcast %sign3A_440 : i32 to vector<104x128xi32>
    %sign3A_442 = arith.ori %sign3A_441, %sign3A_439 : vector<104x128xi32>
    %sign3A_443 = tpu.bitcast %sign3A_442 : vector<104x128xi32> -> vector<104x128xf32>
    %sign3A_444 = math.absf %add3A_435 : vector<104x128xf32>
    %sign3A_445 = arith.constant 0.000000e+00 : f32
    %sign3A_446 = vector.broadcast %sign3A_445 : f32 to vector<104x128xf32>
    %sign3A_447 = arith.cmpf ogt, %sign3A_444, %sign3A_446 : vector<104x128xf32>
    %sign3A_448 = arith.select %sign3A_447, %sign3A_443, %add3A_435 : vector<104x128xi1>, vector<104x128xf32>
    %mul3A_449 = arith.mulf %add3A_397, %sign3A_448 : vector<104x128xf32>
    %mul3A_450 = arith.constant 0.159154937 : f32
    %mul3A_451 = vector.broadcast %mul3A_450 : f32 to vector<104x128xf32>
    %mul3A_452 = arith.mulf %mul3A_449, %mul3A_451 : vector<104x128xf32>
    %iota3A = tpu.iota {dimensions = array<i32: 0>} : vector<104x128xi32>
    %iota3A_453 = tpu.iota {dimensions = array<i32: 1>} : vector<104x128xi32>
    %add3A_454 = arith.constant 2 : i32
    %add3A_455 = vector.broadcast %add3A_454 : i32 to vector<104x128xi32>
    %add3A_456 = arith.addi %iota3A, %add3A_455 : vector<104x128xi32>
    %le3A = arith.cmpi sle, %add3A_456, %iota3A_453 : vector<104x128xi32>
    %le3A_457 = arith.constant 98 : i32
    %le3A_458 = vector.broadcast %le3A_457 : i32 to vector<104x128xi32>
    %le3A_459 = arith.cmpi sle, %iota3A_453, %le3A_458 : vector<104x128xi32>
    %and3A = arith.andi %le3A, %le3A_459 : vector<104x128xi1>
    %mul3A_460 = arith.constant 3.150000e+01 : f32
    %mul3A_461 = vector.broadcast %mul3A_460 : f32 to vector<104x128xf32>
    %mul3A_462 = arith.mulf %mul3A_452, %mul3A_461 : vector<104x128xf32>
    %jit3A_463 = arith.constant 0.000000e+00 : f32
    %broadcast_in_dim3A_464 = vector.broadcast %jit3A_463 : f32 to vector<104x128xf32>
    %select_n3A = arith.select %and3A, %mul3A_462, %broadcast_in_dim3A_464 : vector<104x128xi1>, vector<104x128xf32>
    %jit3A_465 = arith.constant 0.000000e+00 : f32
    %broadcast_in_dim3A_466 = vector.broadcast %jit3A_465 : f32 to vector<104x128xf32>
    %select_n3A_467 = arith.select %and3A, %exp3A, %broadcast_in_dim3A_466 : vector<104x128xi1>, vector<104x128xf32>
    %slice3A_468 = vector.extract_strided_slice %exp3A {offsets = [0, 1], sizes = [104, 127], strides = [1, 1]} : vector<104x128xf32> to vector<104x127xf32>
    %slice3A_469 = vector.extract_strided_slice %exp3A {offsets = [0, 0], sizes = [104, 1], strides = [1, 1]} : vector<104x128xf32> to vector<104x1xf32>
    %concatenate3A_470 = tpu.concatenate %slice3A_468, %slice3A_469 in 1 : vector<104x127xf32>, vector<104x1xf32> -> vector<104x128xf32>
    %slice3A_471 = vector.extract_strided_slice %concatenate3A_470 {offsets = [1, 0], sizes = [103, 128], strides = [1, 1]} : vector<104x128xf32> to vector<103x128xf32>
    %slice3A_472 = vector.extract_strided_slice %concatenate3A_470 {offsets = [0, 0], sizes = [1, 128], strides = [1, 1]} : vector<104x128xf32> to vector<1x128xf32>
    %concatenate3A_473 = tpu.concatenate %slice3A_471, %slice3A_472 in 0 : vector<103x128xf32>, vector<1x128xf32> -> vector<104x128xf32>
    %jit3A_474 = arith.constant 0.000000e+00 : f32
    %broadcast_in_dim3A_475 = vector.broadcast %jit3A_474 : f32 to vector<104x128xf32>
    %select_n3A_476 = arith.select %and3A, %concatenate3A_473, %broadcast_in_dim3A_475 : vector<104x128xi1>, vector<104x128xf32>
    %reduce_sum3A = arith.constant dense<0.000000e+00> : vector<128xf32>
    %reduce_sum3A_477 = vector.multi_reduction <add>, %select_n3A_467, %reduce_sum3A [0] : vector<104x128xf32> to vector<128xf32>
    %broadcast_in_dim3A_478 = vector.shape_cast %reduce_sum3A_477 : vector<128xf32> to vector<1x128xf32>
    %reduce_sum3A_479 = arith.constant dense<0.000000e+00> : vector<128xf32>
    %reduce_sum3A_480 = vector.multi_reduction <add>, %select_n3A_476, %reduce_sum3A_479 [0] : vector<104x128xf32> to vector<128xf32>
    %broadcast_in_dim3A_481 = vector.shape_cast %reduce_sum3A_480 : vector<128xf32> to vector<1x128xf32>
    %broadcast_in_dim3A_482 = arith.constant 0.000000e+00 : f32
    %broadcast_in_dim3A_483 = vector.broadcast %broadcast_in_dim3A_482 : f32 to vector<1x1xf32>
    %slice3A_484 = vector.extract_strided_slice %broadcast_in_dim3A_481 {offsets = [0, 0], sizes = [1, 127], strides = [1, 1]} : vector<1x128xf32> to vector<1x127xf32>
    %concatenate3A_485 = tpu.concatenate %broadcast_in_dim3A_483, %slice3A_484 in 1 : vector<1x1xf32>, vector<1x127xf32> -> vector<1x128xf32>
    %add3A_486 = arith.addf %broadcast_in_dim3A_478, %concatenate3A_485 : vector<1x128xf32>
    %gt3A = arith.constant 0.000000e+00 : f32
    %gt3A_487 = vector.broadcast %gt3A : f32 to vector<1x128xf32>
    %gt3A_488 = arith.cmpf ogt, %add3A_486, %gt3A_487 : vector<1x128xf32>
    %div3A = arith.constant 0.892857134 : f32
    %div3A_489 = vector.broadcast %div3A : f32 to vector<1x128xf32>
    %div3A_490 = arith.divf %div3A_489, %add3A_486 : vector<1x128xf32>
    %jit3A_491 = arith.constant 0.000000e+00 : f32
    %broadcast_in_dim3A_492 = vector.broadcast %jit3A_491 : f32 to vector<1x128xf32>
    %select_n3A_493 = arith.select %gt3A_488, %div3A_490, %broadcast_in_dim3A_492 : vector<1x128xi1>, vector<1x128xf32>
    %broadcast_in_dim3A_494 = arith.constant 1.000000e+00 : f32
    %broadcast_in_dim3A_495 = vector.broadcast %broadcast_in_dim3A_494 : f32 to vector<1x104xf32>
    %sub3A_496 = arith.constant -3.150000e+01 : f32
    %sub3A_497 = vector.broadcast %sub3A_496 : f32 to vector<104x128xf32>
    %sub3A_498 = arith.subf %select_n3A, %sub3A_497 : vector<104x128xf32>
    %mul3A_499 = arith.mulf %sub3A_498, %sub3A_498 : vector<104x128xf32>
    %neg3A_500 = arith.constant 0.000000e+00 : f32
    %neg3A_501 = vector.broadcast %neg3A_500 : f32 to vector<104x128xf32>
    %neg3A_502 = arith.subf %neg3A_501, %mul3A_499 : vector<104x128xf32>
    %exp3A_503 = math.exp %neg3A_502 : vector<104x128xf32>
    %mul3A_504 = arith.mulf %select_n3A_467, %exp3A_503 : vector<104x128xf32>
    %dot_general3A = arith.constant dense<0.000000e+00> : vector<1x128xf32>
    %dot_general3A_505 = tpu.matmul %broadcast_in_dim3A_495, %mul3A_504, %dot_general3A {dimension_numbers = #tpu.dot_dimension_numbers<[1], [0], [0], [1], [0, 0, 1, 1], [], []>, transpose_lhs_hint = false} : vector<1x104xf32>, vector<104x128xf32>, vector<1x128xf32> -> vector<1x128xf32>
    %mul3A_506 = arith.mulf %select_n3A_476, %exp3A_503 : vector<104x128xf32>
    %dot_general3A_507 = arith.constant dense<0.000000e+00> : vector<1x128xf32>
    %dot_general3A_508 = tpu.matmul %broadcast_in_dim3A_495, %mul3A_506, %dot_general3A_507 {dimension_numbers = #tpu.dot_dimension_numbers<[1], [0], [0], [1], [0, 0, 1, 1], [], []>, transpose_lhs_hint = false} : vector<1x104xf32>, vector<104x128xf32>, vector<1x128xf32> -> vector<1x128xf32>
    %broadcast_in_dim3A_509 = arith.constant 0.000000e+00 : f32
    %broadcast_in_dim3A_510 = vector.broadcast %broadcast_in_dim3A_509 : f32 to vector<1x1xf32>
    %slice3A_511 = vector.extract_strided_slice %dot_general3A_508 {offsets = [0, 0], sizes = [1, 127], strides = [1, 1]} : vector<1x128xf32> to vector<1x127xf32>
    %concatenate3A_512 = tpu.concatenate %broadcast_in_dim3A_510, %slice3A_511 in 1 : vector<1x1xf32>, vector<1x127xf32> -> vector<1x128xf32>
    %add3A_513 = arith.addf %dot_general3A_505, %concatenate3A_512 : vector<1x128xf32>
    %swap3A = arith.constant 0 : index
    %swap3A_514 = arith.constant 0 : index
    %swap3A_515 = vector.load %arg5[%swap3A, %swap3A_514] : memref<64x128xf32, #tpu.memory_space<vmem>>, vector<1x128xf32>
    tpu.vector_store %arg5[%swap3A, %swap3A_514], %add3A_513 {strides = array<i32>} : memref<64x128xf32, #tpu.memory_space<vmem>>, vector<1x128xf32>,
    %sub3A_516 = arith.constant -3.050000e+01 : f32
    %sub3A_517 = vector.broadcast %sub3A_516 : f32 to vector<104x128xf32>
    %sub3A_518 = arith.subf %select_n3A, %sub3A_517 : vector<104x128xf32>
    %mul3A_519 = arith.mulf %sub3A_518, %sub3A_518 : vector<104x128xf32>
    %neg3A_520 = arith.constant 0.000000e+00 : f32
    %neg3A_521 = vector.broadcast %neg3A_520 : f32 to vector<104x128xf32>
    %neg3A_522 = arith.subf %neg3A_521, %mul3A_519 : vector<104x128xf32>
    %exp3A_523 = math.exp %neg3A_522 : vector<104x128xf32>
    %mul3A_524 = arith.mulf %select_n3A_467, %exp3A_523 : vector<104x128xf32>
    %dot_general3A_525 = arith.constant dense<0.000000e+00> : vector<1x128xf32>
    %dot_general3A_526 = tpu.matmul %broadcast_in_dim3A_495, %mul3A_524, %dot_general3A_525 {dimension_numbers = #tpu.dot_dimension_numbers<[1], [0], [0], [1], [0, 0, 1, 1], [], []>, transpose_lhs_hint = false} : vector<1x104xf32>, vector<104x128xf32>, vector<1x128xf32> -> vector<1x128xf32>
    %mul3A_527 = arith.mulf %select_n3A_476, %exp3A_523 : vector<104x128xf32>
    %dot_general3A_528 = arith.constant dense<0.000000e+00> : vector<1x128xf32>
    %dot_general3A_529 = tpu.matmul %broadcast_in_dim3A_495, %mul3A_527, %dot_general3A_528 {dimension_numbers = #tpu.dot_dimension_numbers<[1], [0], [0], [1], [0, 0, 1, 1], [], []>, transpose_lhs_hint = false} : vector<1x104xf32>, vector<104x128xf32>, vector<1x128xf32> -> vector<1x128xf32>
    %broadcast_in_dim3A_530 = arith.constant 0.000000e+00 : f32
    %broadcast_in_dim3A_531 = vector.broadcast %broadcast_in_dim3A_530 : f32 to vector<1x1xf32>
    %slice3A_532 = vector.extract_strided_slice %dot_general3A_529 {offsets = [0, 0], sizes = [1, 127], strides = [1, 1]} : vector<1x128xf32> to vector<1x127xf32>
    %concatenate3A_533 = tpu.concatenate %broadcast_in_dim3A_531, %slice3A_532 in 1 : vector<1x1xf32>, vector<1x127xf32> -> vector<1x128xf32>
    %add3A_534 = arith.addf %dot_general3A_526, %concatenate3A_533 : vector<1x128xf32>
    %swap3A_535 = arith.constant 1 : index
    %swap3A_536 = arith.constant 0 : index
    %swap3A_537 = vector.load %arg5[%swap3A_535, %swap3A_536] : memref<64x128xf32, #tpu.memory_space<vmem>>, vector<1x128xf32>
    tpu.vector_store %arg5[%swap3A_535, %swap3A_536], %add3A_534 {strides = array<i32>} : memref<64x128xf32, #tpu.memory_space<vmem>>, vector<1x128xf32>,
    %sub3A_538 = arith.constant -2.950000e+01 : f32
    %sub3A_539 = vector.broadcast %sub3A_538 : f32 to vector<104x128xf32>
    %sub3A_540 = arith.subf %select_n3A, %sub3A_539 : vector<104x128xf32>
    %mul3A_541 = arith.mulf %sub3A_540, %sub3A_540 : vector<104x128xf32>
    %neg3A_542 = arith.constant 0.000000e+00 : f32
    %neg3A_543 = vector.broadcast %neg3A_542 : f32 to vector<104x128xf32>
    %neg3A_544 = arith.subf %neg3A_543, %mul3A_541 : vector<104x128xf32>
    %exp3A_545 = math.exp %neg3A_544 : vector<104x128xf32>
    %mul3A_546 = arith.mulf %select_n3A_467, %exp3A_545 : vector<104x128xf32>
    %dot_general3A_547 = arith.constant dense<0.000000e+00> : vector<1x128xf32>
    %dot_general3A_548 = tpu.matmul %broadcast_in_dim3A_495, %mul3A_546, %dot_general3A_547 {dimension_numbers = #tpu.dot_dimension_numbers<[1], [0], [0], [1], [0, 0, 1, 1], [], []>, transpose_lhs_hint = false} : vector<1x104xf32>, vector<104x128xf32>, vector<1x128xf32> -> vector<1x128xf32>
    %mul3A_549 = arith.mulf %select_n3A_476, %exp3A_545 : vector<104x128xf32>
    %dot_general3A_550 = arith.constant dense<0.000000e+00> : vector<1x128xf32>
    %dot_general3A_551 = tpu.matmul %broadcast_in_dim3A_495, %mul3A_549, %dot_general3A_550 {dimension_numbers = #tpu.dot_dimension_numbers<[1], [0], [0], [1], [0, 0, 1, 1], [], []>, transpose_lhs_hint = false} : vector<1x104xf32>, vector<104x128xf32>, vector<1x128xf32> -> vector<1x128xf32>
    %broadcast_in_dim3A_552 = arith.constant 0.000000e+00 : f32
    %broadcast_in_dim3A_553 = vector.broadcast %broadcast_in_dim3A_552 : f32 to vector<1x1xf32>
    %slice3A_554 = vector.extract_strided_slice %dot_general3A_551 {offsets = [0, 0], sizes = [1, 127], strides = [1, 1]} : vector<1x128xf32> to vector<1x127xf32>
    %concatenate3A_555 = tpu.concatenate %broadcast_in_dim3A_553, %slice3A_554 in 1 : vector<1x1xf32>, vector<1x127xf32> -> vector<1x128xf32>
    %add3A_556 = arith.addf %dot_general3A_548, %concatenate3A_555 : vector<1x128xf32>
    %swap3A_557 = arith.constant 2 : index
    %swap3A_558 = arith.constant 0 : index
    %swap3A_559 = vector.load %arg5[%swap3A_557, %swap3A_558] : memref<64x128xf32, #tpu.memory_space<vmem>>, vector<1x128xf32>
    tpu.vector_store %arg5[%swap3A_557, %swap3A_558], %add3A_556 {strides = array<i32>} : memref<64x128xf32, #tpu.memory_space<vmem>>, vector<1x128xf32>,
    %sub3A_560 = arith.constant -2.850000e+01 : f32
    %sub3A_561 = vector.broadcast %sub3A_560 : f32 to vector<104x128xf32>
    %sub3A_562 = arith.subf %select_n3A, %sub3A_561 : vector<104x128xf32>
    %mul3A_563 = arith.mulf %sub3A_562, %sub3A_562 : vector<104x128xf32>
    %neg3A_564 = arith.constant 0.000000e+00 : f32
    %neg3A_565 = vector.broadcast %neg3A_564 : f32 to vector<104x128xf32>
    %neg3A_566 = arith.subf %neg3A_565, %mul3A_563 : vector<104x128xf32>
    %exp3A_567 = math.exp %neg3A_566 : vector<104x128xf32>
    %mul3A_568 = arith.mulf %select_n3A_467, %exp3A_567 : vector<104x128xf32>
    %dot_general3A_569 = arith.constant dense<0.000000e+00> : vector<1x128xf32>
    %dot_general3A_570 = tpu.matmul %broadcast_in_dim3A_495, %mul3A_568, %dot_general3A_569 {dimension_numbers = #tpu.dot_dimension_numbers<[1], [0], [0], [1], [0, 0, 1, 1], [], []>, transpose_lhs_hint = false} : vector<1x104xf32>, vector<104x128xf32>, vector<1x128xf32> -> vector<1x128xf32>
    %mul3A_571 = arith.mulf %select_n3A_476, %exp3A_567 : vector<104x128xf32>
    %dot_general3A_572 = arith.constant dense<0.000000e+00> : vector<1x128xf32>
    %dot_general3A_573 = tpu.matmul %broadcast_in_dim3A_495, %mul3A_571, %dot_general3A_572 {dimension_numbers = #tpu.dot_dimension_numbers<[1], [0], [0], [1], [0, 0, 1, 1], [], []>, transpose_lhs_hint = false} : vector<1x104xf32>, vector<104x128xf32>, vector<1x128xf32> -> vector<1x128xf32>
    %broadcast_in_dim3A_574 = arith.constant 0.000000e+00 : f32
    %broadcast_in_dim3A_575 = vector.broadcast %broadcast_in_dim3A_574 : f32 to vector<1x1xf32>
    %slice3A_576 = vector.extract_strided_slice %dot_general3A_573 {offsets = [0, 0], sizes = [1, 127], strides = [1, 1]} : vector<1x128xf32> to vector<1x127xf32>
    %concatenate3A_577 = tpu.concatenate %broadcast_in_dim3A_575, %slice3A_576 in 1 : vector<1x1xf32>, vector<1x127xf32> -> vector<1x128xf32>
    %add3A_578 = arith.addf %dot_general3A_570, %concatenate3A_577 : vector<1x128xf32>
    %swap3A_579 = arith.constant 3 : index
    %swap3A_580 = arith.constant 0 : index
    %swap3A_581 = vector.load %arg5[%swap3A_579, %swap3A_580] : memref<64x128xf32, #tpu.memory_space<vmem>>, vector<1x128xf32>
    tpu.vector_store %arg5[%swap3A_579, %swap3A_580], %add3A_578 {strides = array<i32>} : memref<64x128xf32, #tpu.memory_space<vmem>>, vector<1x128xf32>,
    %sub3A_582 = arith.constant -2.750000e+01 : f32
    %sub3A_583 = vector.broadcast %sub3A_582 : f32 to vector<104x128xf32>
    %sub3A_584 = arith.subf %select_n3A, %sub3A_583 : vector<104x128xf32>
    %mul3A_585 = arith.mulf %sub3A_584, %sub3A_584 : vector<104x128xf32>
    %neg3A_586 = arith.constant 0.000000e+00 : f32
    %neg3A_587 = vector.broadcast %neg3A_586 : f32 to vector<104x128xf32>
    %neg3A_588 = arith.subf %neg3A_587, %mul3A_585 : vector<104x128xf32>
    %exp3A_589 = math.exp %neg3A_588 : vector<104x128xf32>
    %mul3A_590 = arith.mulf %select_n3A_467, %exp3A_589 : vector<104x128xf32>
    %dot_general3A_591 = arith.constant dense<0.000000e+00> : vector<1x128xf32>
    %dot_general3A_592 = tpu.matmul %broadcast_in_dim3A_495, %mul3A_590, %dot_general3A_591 {dimension_numbers = #tpu.dot_dimension_numbers<[1], [0], [0], [1], [0, 0, 1, 1], [], []>, transpose_lhs_hint = false} : vector<1x104xf32>, vector<104x128xf32>, vector<1x128xf32> -> vector<1x128xf32>
    %mul3A_593 = arith.mulf %select_n3A_476, %exp3A_589 : vector<104x128xf32>
    %dot_general3A_594 = arith.constant dense<0.000000e+00> : vector<1x128xf32>
    %dot_general3A_595 = tpu.matmul %broadcast_in_dim3A_495, %mul3A_593, %dot_general3A_594 {dimension_numbers = #tpu.dot_dimension_numbers<[1], [0], [0], [1], [0, 0, 1, 1], [], []>, transpose_lhs_hint = false} : vector<1x104xf32>, vector<104x128xf32>, vector<1x128xf32> -> vector<1x128xf32>
    %broadcast_in_dim3A_596 = arith.constant 0.000000e+00 : f32
    %broadcast_in_dim3A_597 = vector.broadcast %broadcast_in_dim3A_596 : f32 to vector<1x1xf32>
    %slice3A_598 = vector.extract_strided_slice %dot_general3A_595 {offsets = [0, 0], sizes = [1, 127], strides = [1, 1]} : vector<1x128xf32> to vector<1x127xf32>
    %concatenate3A_599 = tpu.concatenate %broadcast_in_dim3A_597, %slice3A_598 in 1 : vector<1x1xf32>, vector<1x127xf32> -> vector<1x128xf32>
    %add3A_600 = arith.addf %dot_general3A_592, %concatenate3A_599 : vector<1x128xf32>
    %swap3A_601 = arith.constant 4 : index
    %swap3A_602 = arith.constant 0 : index
    %swap3A_603 = vector.load %arg5[%swap3A_601, %swap3A_602] : memref<64x128xf32, #tpu.memory_space<vmem>>, vector<1x128xf32>
    tpu.vector_store %arg5[%swap3A_601, %swap3A_602], %add3A_600 {strides = array<i32>} : memref<64x128xf32, #tpu.memory_space<vmem>>, vector<1x128xf32>,
    %sub3A_604 = arith.constant -2.650000e+01 : f32
    %sub3A_605 = vector.broadcast %sub3A_604 : f32 to vector<104x128xf32>
    %sub3A_606 = arith.subf %select_n3A, %sub3A_605 : vector<104x128xf32>
    %mul3A_607 = arith.mulf %sub3A_606, %sub3A_606 : vector<104x128xf32>
    %neg3A_608 = arith.constant 0.000000e+00 : f32
    %neg3A_609 = vector.broadcast %neg3A_608 : f32 to vector<104x128xf32>
    %neg3A_610 = arith.subf %neg3A_609, %mul3A_607 : vector<104x128xf32>
    %exp3A_611 = math.exp %neg3A_610 : vector<104x128xf32>
    %mul3A_612 = arith.mulf %select_n3A_467, %exp3A_611 : vector<104x128xf32>
    %dot_general3A_613 = arith.constant dense<0.000000e+00> : vector<1x128xf32>
    %dot_general3A_614 = tpu.matmul %broadcast_in_dim3A_495, %mul3A_612, %dot_general3A_613 {dimension_numbers = #tpu.dot_dimension_numbers<[1], [0], [0], [1], [0, 0, 1, 1], [], []>, transpose_lhs_hint = false} : vector<1x104xf32>, vector<104x128xf32>, vector<1x128xf32> -> vector<1x128xf32>
    %mul3A_615 = arith.mulf %select_n3A_476, %exp3A_611 : vector<104x128xf32>
    %dot_general3A_616 = arith.constant dense<0.000000e+00> : vector<1x128xf32>
    %dot_general3A_617 = tpu.matmul %broadcast_in_dim3A_495, %mul3A_615, %dot_general3A_616 {dimension_numbers = #tpu.dot_dimension_numbers<[1], [0], [0], [1], [0, 0, 1, 1], [], []>, transpose_lhs_hint = false} : vector<1x104xf32>, vector<104x128xf32>, vector<1x128xf32> -> vector<1x128xf32>
    %broadcast_in_dim3A_618 = arith.constant 0.000000e+00 : f32
    %broadcast_in_dim3A_619 = vector.broadcast %broadcast_in_dim3A_618 : f32 to vector<1x1xf32>
    %slice3A_620 = vector.extract_strided_slice %dot_general3A_617 {offsets = [0, 0], sizes = [1, 127], strides = [1, 1]} : vector<1x128xf32> to vector<1x127xf32>
    %concatenate3A_621 = tpu.concatenate %broadcast_in_dim3A_619, %slice3A_620 in 1 : vector<1x1xf32>, vector<1x127xf32> -> vector<1x128xf32>
    %add3A_622 = arith.addf %dot_general3A_614, %concatenate3A_621 : vector<1x128xf32>
    %swap3A_623 = arith.constant 5 : index
    %swap3A_624 = arith.constant 0 : index
    %swap3A_625 = vector.load %arg5[%swap3A_623, %swap3A_624] : memref<64x128xf32, #tpu.memory_space<vmem>>, vector<1x128xf32>
    tpu.vector_store %arg5[%swap3A_623, %swap3A_624], %add3A_622 {strides = array<i32>} : memref<64x128xf32, #tpu.memory_space<vmem>>, vector<1x128xf32>,
    %sub3A_626 = arith.constant -2.550000e+01 : f32
    %sub3A_627 = vector.broadcast %sub3A_626 : f32 to vector<104x128xf32>
    %sub3A_628 = arith.subf %select_n3A, %sub3A_627 : vector<104x128xf32>
    %mul3A_629 = arith.mulf %sub3A_628, %sub3A_628 : vector<104x128xf32>
    %neg3A_630 = arith.constant 0.000000e+00 : f32
    %neg3A_631 = vector.broadcast %neg3A_630 : f32 to vector<104x128xf32>
    %neg3A_632 = arith.subf %neg3A_631, %mul3A_629 : vector<104x128xf32>
    %exp3A_633 = math.exp %neg3A_632 : vector<104x128xf32>
    %mul3A_634 = arith.mulf %select_n3A_467, %exp3A_633 : vector<104x128xf32>
    %dot_general3A_635 = arith.constant dense<0.000000e+00> : vector<1x128xf32>
    %dot_general3A_636 = tpu.matmul %broadcast_in_dim3A_495, %mul3A_634, %dot_general3A_635 {dimension_numbers = #tpu.dot_dimension_numbers<[1], [0], [0], [1], [0, 0, 1, 1], [], []>, transpose_lhs_hint = false} : vector<1x104xf32>, vector<104x128xf32>, vector<1x128xf32> -> vector<1x128xf32>
    %mul3A_637 = arith.mulf %select_n3A_476, %exp3A_633 : vector<104x128xf32>
    %dot_general3A_638 = arith.constant dense<0.000000e+00> : vector<1x128xf32>
    %dot_general3A_639 = tpu.matmul %broadcast_in_dim3A_495, %mul3A_637, %dot_general3A_638 {dimension_numbers = #tpu.dot_dimension_numbers<[1], [0], [0], [1], [0, 0, 1, 1], [], []>, transpose_lhs_hint = false} : vector<1x104xf32>, vector<104x128xf32>, vector<1x128xf32> -> vector<1x128xf32>
    %broadcast_in_dim3A_640 = arith.constant 0.000000e+00 : f32
    %broadcast_in_dim3A_641 = vector.broadcast %broadcast_in_dim3A_640 : f32 to vector<1x1xf32>
    %slice3A_642 = vector.extract_strided_slice %dot_general3A_639 {offsets = [0, 0], sizes = [1, 127], strides = [1, 1]} : vector<1x128xf32> to vector<1x127xf32>
    %concatenate3A_643 = tpu.concatenate %broadcast_in_dim3A_641, %slice3A_642 in 1 : vector<1x1xf32>, vector<1x127xf32> -> vector<1x128xf32>
    %add3A_644 = arith.addf %dot_general3A_636, %concatenate3A_643 : vector<1x128xf32>
    %swap3A_645 = arith.constant 6 : index
    %swap3A_646 = arith.constant 0 : index
    %swap3A_647 = vector.load %arg5[%swap3A_645, %swap3A_646] : memref<64x128xf32, #tpu.memory_space<vmem>>, vector<1x128xf32>
    tpu.vector_store %arg5[%swap3A_645, %swap3A_646], %add3A_644 {strides = array<i32>} : memref<64x128xf32, #tpu.memory_space<vmem>>, vector<1x128xf32>,
    %sub3A_648 = arith.constant -2.450000e+01 : f32
    %sub3A_649 = vector.broadcast %sub3A_648 : f32 to vector<104x128xf32>
    %sub3A_650 = arith.subf %select_n3A, %sub3A_649 : vector<104x128xf32>
    %mul3A_651 = arith.mulf %sub3A_650, %sub3A_650 : vector<104x128xf32>
    %neg3A_652 = arith.constant 0.000000e+00 : f32
    %neg3A_653 = vector.broadcast %neg3A_652 : f32 to vector<104x128xf32>
    %neg3A_654 = arith.subf %neg3A_653, %mul3A_651 : vector<104x128xf32>
    %exp3A_655 = math.exp %neg3A_654 : vector<104x128xf32>
    %mul3A_656 = arith.mulf %select_n3A_467, %exp3A_655 : vector<104x128xf32>
    %dot_general3A_657 = arith.constant dense<0.000000e+00> : vector<1x128xf32>
    %dot_general3A_658 = tpu.matmul %broadcast_in_dim3A_495, %mul3A_656, %dot_general3A_657 {dimension_numbers = #tpu.dot_dimension_numbers<[1], [0], [0], [1], [0, 0, 1, 1], [], []>, transpose_lhs_hint = false} : vector<1x104xf32>, vector<104x128xf32>, vector<1x128xf32> -> vector<1x128xf32>
    %mul3A_659 = arith.mulf %select_n3A_476, %exp3A_655 : vector<104x128xf32>
    %dot_general3A_660 = arith.constant dense<0.000000e+00> : vector<1x128xf32>
    %dot_general3A_661 = tpu.matmul %broadcast_in_dim3A_495, %mul3A_659, %dot_general3A_660 {dimension_numbers = #tpu.dot_dimension_numbers<[1], [0], [0], [1], [0, 0, 1, 1], [], []>, transpose_lhs_hint = false} : vector<1x104xf32>, vector<104x128xf32>, vector<1x128xf32> -> vector<1x128xf32>
    %broadcast_in_dim3A_662 = arith.constant 0.000000e+00 : f32
    %broadcast_in_dim3A_663 = vector.broadcast %broadcast_in_dim3A_662 : f32 to vector<1x1xf32>
    %slice3A_664 = vector.extract_strided_slice %dot_general3A_661 {offsets = [0, 0], sizes = [1, 127], strides = [1, 1]} : vector<1x128xf32> to vector<1x127xf32>
    %concatenate3A_665 = tpu.concatenate %broadcast_in_dim3A_663, %slice3A_664 in 1 : vector<1x1xf32>, vector<1x127xf32> -> vector<1x128xf32>
    %add3A_666 = arith.addf %dot_general3A_658, %concatenate3A_665 : vector<1x128xf32>
    %swap3A_667 = arith.constant 7 : index
    %swap3A_668 = arith.constant 0 : index
    %swap3A_669 = vector.load %arg5[%swap3A_667, %swap3A_668] : memref<64x128xf32, #tpu.memory_space<vmem>>, vector<1x128xf32>
    tpu.vector_store %arg5[%swap3A_667, %swap3A_668], %add3A_666 {strides = array<i32>} : memref<64x128xf32, #tpu.memory_space<vmem>>, vector<1x128xf32>,
    %sub3A_670 = arith.constant -2.350000e+01 : f32
    %sub3A_671 = vector.broadcast %sub3A_670 : f32 to vector<104x128xf32>
    %sub3A_672 = arith.subf %select_n3A, %sub3A_671 : vector<104x128xf32>
    %mul3A_673 = arith.mulf %sub3A_672, %sub3A_672 : vector<104x128xf32>
    %neg3A_674 = arith.constant 0.000000e+00 : f32
    %neg3A_675 = vector.broadcast %neg3A_674 : f32 to vector<104x128xf32>
    %neg3A_676 = arith.subf %neg3A_675, %mul3A_673 : vector<104x128xf32>
    %exp3A_677 = math.exp %neg3A_676 : vector<104x128xf32>
    %mul3A_678 = arith.mulf %select_n3A_467, %exp3A_677 : vector<104x128xf32>
    %dot_general3A_679 = arith.constant dense<0.000000e+00> : vector<1x128xf32>
    %dot_general3A_680 = tpu.matmul %broadcast_in_dim3A_495, %mul3A_678, %dot_general3A_679 {dimension_numbers = #tpu.dot_dimension_numbers<[1], [0], [0], [1], [0, 0, 1, 1], [], []>, transpose_lhs_hint = false} : vector<1x104xf32>, vector<104x128xf32>, vector<1x128xf32> -> vector<1x128xf32>
    %mul3A_681 = arith.mulf %select_n3A_476, %exp3A_677 : vector<104x128xf32>
    %dot_general3A_682 = arith.constant dense<0.000000e+00> : vector<1x128xf32>
    %dot_general3A_683 = tpu.matmul %broadcast_in_dim3A_495, %mul3A_681, %dot_general3A_682 {dimension_numbers = #tpu.dot_dimension_numbers<[1], [0], [0], [1], [0, 0, 1, 1], [], []>, transpose_lhs_hint = false} : vector<1x104xf32>, vector<104x128xf32>, vector<1x128xf32> -> vector<1x128xf32>
    %broadcast_in_dim3A_684 = arith.constant 0.000000e+00 : f32
    %broadcast_in_dim3A_685 = vector.broadcast %broadcast_in_dim3A_684 : f32 to vector<1x1xf32>
    %slice3A_686 = vector.extract_strided_slice %dot_general3A_683 {offsets = [0, 0], sizes = [1, 127], strides = [1, 1]} : vector<1x128xf32> to vector<1x127xf32>
    %concatenate3A_687 = tpu.concatenate %broadcast_in_dim3A_685, %slice3A_686 in 1 : vector<1x1xf32>, vector<1x127xf32> -> vector<1x128xf32>
    %add3A_688 = arith.addf %dot_general3A_680, %concatenate3A_687 : vector<1x128xf32>
    %swap3A_689 = arith.constant 8 : index
    %swap3A_690 = arith.constant 0 : index
    %swap3A_691 = vector.load %arg5[%swap3A_689, %swap3A_690] : memref<64x128xf32, #tpu.memory_space<vmem>>, vector<1x128xf32>
    tpu.vector_store %arg5[%swap3A_689, %swap3A_690], %add3A_688 {strides = array<i32>} : memref<64x128xf32, #tpu.memory_space<vmem>>, vector<1x128xf32>,
    %sub3A_692 = arith.constant -2.250000e+01 : f32
    %sub3A_693 = vector.broadcast %sub3A_692 : f32 to vector<104x128xf32>
    %sub3A_694 = arith.subf %select_n3A, %sub3A_693 : vector<104x128xf32>
    %mul3A_695 = arith.mulf %sub3A_694, %sub3A_694 : vector<104x128xf32>
    %neg3A_696 = arith.constant 0.000000e+00 : f32
    %neg3A_697 = vector.broadcast %neg3A_696 : f32 to vector<104x128xf32>
    %neg3A_698 = arith.subf %neg3A_697, %mul3A_695 : vector<104x128xf32>
    %exp3A_699 = math.exp %neg3A_698 : vector<104x128xf32>
    %mul3A_700 = arith.mulf %select_n3A_467, %exp3A_699 : vector<104x128xf32>
    %dot_general3A_701 = arith.constant dense<0.000000e+00> : vector<1x128xf32>
    %dot_general3A_702 = tpu.matmul %broadcast_in_dim3A_495, %mul3A_700, %dot_general3A_701 {dimension_numbers = #tpu.dot_dimension_numbers<[1], [0], [0], [1], [0, 0, 1, 1], [], []>, transpose_lhs_hint = false} : vector<1x104xf32>, vector<104x128xf32>, vector<1x128xf32> -> vector<1x128xf32>
    %mul3A_703 = arith.mulf %select_n3A_476, %exp3A_699 : vector<104x128xf32>
    %dot_general3A_704 = arith.constant dense<0.000000e+00> : vector<1x128xf32>
    %dot_general3A_705 = tpu.matmul %broadcast_in_dim3A_495, %mul3A_703, %dot_general3A_704 {dimension_numbers = #tpu.dot_dimension_numbers<[1], [0], [0], [1], [0, 0, 1, 1], [], []>, transpose_lhs_hint = false} : vector<1x104xf32>, vector<104x128xf32>, vector<1x128xf32> -> vector<1x128xf32>
    %broadcast_in_dim3A_706 = arith.constant 0.000000e+00 : f32
    %broadcast_in_dim3A_707 = vector.broadcast %broadcast_in_dim3A_706 : f32 to vector<1x1xf32>
    %slice3A_708 = vector.extract_strided_slice %dot_general3A_705 {offsets = [0, 0], sizes = [1, 127], strides = [1, 1]} : vector<1x128xf32> to vector<1x127xf32>
    %concatenate3A_709 = tpu.concatenate %broadcast_in_dim3A_707, %slice3A_708 in 1 : vector<1x1xf32>, vector<1x127xf32> -> vector<1x128xf32>
    %add3A_710 = arith.addf %dot_general3A_702, %concatenate3A_709 : vector<1x128xf32>
    %swap3A_711 = arith.constant 9 : index
    %swap3A_712 = arith.constant 0 : index
    %swap3A_713 = vector.load %arg5[%swap3A_711, %swap3A_712] : memref<64x128xf32, #tpu.memory_space<vmem>>, vector<1x128xf32>
    tpu.vector_store %arg5[%swap3A_711, %swap3A_712], %add3A_710 {strides = array<i32>} : memref<64x128xf32, #tpu.memory_space<vmem>>, vector<1x128xf32>,
    %sub3A_714 = arith.constant -2.150000e+01 : f32
    %sub3A_715 = vector.broadcast %sub3A_714 : f32 to vector<104x128xf32>
    %sub3A_716 = arith.subf %select_n3A, %sub3A_715 : vector<104x128xf32>
    %mul3A_717 = arith.mulf %sub3A_716, %sub3A_716 : vector<104x128xf32>
    %neg3A_718 = arith.constant 0.000000e+00 : f32
    %neg3A_719 = vector.broadcast %neg3A_718 : f32 to vector<104x128xf32>
    %neg3A_720 = arith.subf %neg3A_719, %mul3A_717 : vector<104x128xf32>
    %exp3A_721 = math.exp %neg3A_720 : vector<104x128xf32>
    %mul3A_722 = arith.mulf %select_n3A_467, %exp3A_721 : vector<104x128xf32>
    %dot_general3A_723 = arith.constant dense<0.000000e+00> : vector<1x128xf32>
    %dot_general3A_724 = tpu.matmul %broadcast_in_dim3A_495, %mul3A_722, %dot_general3A_723 {dimension_numbers = #tpu.dot_dimension_numbers<[1], [0], [0], [1], [0, 0, 1, 1], [], []>, transpose_lhs_hint = false} : vector<1x104xf32>, vector<104x128xf32>, vector<1x128xf32> -> vector<1x128xf32>
    %mul3A_725 = arith.mulf %select_n3A_476, %exp3A_721 : vector<104x128xf32>
    %dot_general3A_726 = arith.constant dense<0.000000e+00> : vector<1x128xf32>
    %dot_general3A_727 = tpu.matmul %broadcast_in_dim3A_495, %mul3A_725, %dot_general3A_726 {dimension_numbers = #tpu.dot_dimension_numbers<[1], [0], [0], [1], [0, 0, 1, 1], [], []>, transpose_lhs_hint = false} : vector<1x104xf32>, vector<104x128xf32>, vector<1x128xf32> -> vector<1x128xf32>
    %broadcast_in_dim3A_728 = arith.constant 0.000000e+00 : f32
    %broadcast_in_dim3A_729 = vector.broadcast %broadcast_in_dim3A_728 : f32 to vector<1x1xf32>
    %slice3A_730 = vector.extract_strided_slice %dot_general3A_727 {offsets = [0, 0], sizes = [1, 127], strides = [1, 1]} : vector<1x128xf32> to vector<1x127xf32>
    %concatenate3A_731 = tpu.concatenate %broadcast_in_dim3A_729, %slice3A_730 in 1 : vector<1x1xf32>, vector<1x127xf32> -> vector<1x128xf32>
    %add3A_732 = arith.addf %dot_general3A_724, %concatenate3A_731 : vector<1x128xf32>
    %swap3A_733 = arith.constant 10 : index
    %swap3A_734 = arith.constant 0 : index
    %swap3A_735 = vector.load %arg5[%swap3A_733, %swap3A_734] : memref<64x128xf32, #tpu.memory_space<vmem>>, vector<1x128xf32>
    tpu.vector_store %arg5[%swap3A_733, %swap3A_734], %add3A_732 {strides = array<i32>} : memref<64x128xf32, #tpu.memory_space<vmem>>, vector<1x128xf32>,
    %sub3A_736 = arith.constant -2.050000e+01 : f32
    %sub3A_737 = vector.broadcast %sub3A_736 : f32 to vector<104x128xf32>
    %sub3A_738 = arith.subf %select_n3A, %sub3A_737 : vector<104x128xf32>
    %mul3A_739 = arith.mulf %sub3A_738, %sub3A_738 : vector<104x128xf32>
    %neg3A_740 = arith.constant 0.000000e+00 : f32
    %neg3A_741 = vector.broadcast %neg3A_740 : f32 to vector<104x128xf32>
    %neg3A_742 = arith.subf %neg3A_741, %mul3A_739 : vector<104x128xf32>
    %exp3A_743 = math.exp %neg3A_742 : vector<104x128xf32>
    %mul3A_744 = arith.mulf %select_n3A_467, %exp3A_743 : vector<104x128xf32>
    %dot_general3A_745 = arith.constant dense<0.000000e+00> : vector<1x128xf32>
    %dot_general3A_746 = tpu.matmul %broadcast_in_dim3A_495, %mul3A_744, %dot_general3A_745 {dimension_numbers = #tpu.dot_dimension_numbers<[1], [0], [0], [1], [0, 0, 1, 1], [], []>, transpose_lhs_hint = false} : vector<1x104xf32>, vector<104x128xf32>, vector<1x128xf32> -> vector<1x128xf32>
    %mul3A_747 = arith.mulf %select_n3A_476, %exp3A_743 : vector<104x128xf32>
    %dot_general3A_748 = arith.constant dense<0.000000e+00> : vector<1x128xf32>
    %dot_general3A_749 = tpu.matmul %broadcast_in_dim3A_495, %mul3A_747, %dot_general3A_748 {dimension_numbers = #tpu.dot_dimension_numbers<[1], [0], [0], [1], [0, 0, 1, 1], [], []>, transpose_lhs_hint = false} : vector<1x104xf32>, vector<104x128xf32>, vector<1x128xf32> -> vector<1x128xf32>
    %broadcast_in_dim3A_750 = arith.constant 0.000000e+00 : f32
    %broadcast_in_dim3A_751 = vector.broadcast %broadcast_in_dim3A_750 : f32 to vector<1x1xf32>
    %slice3A_752 = vector.extract_strided_slice %dot_general3A_749 {offsets = [0, 0], sizes = [1, 127], strides = [1, 1]} : vector<1x128xf32> to vector<1x127xf32>
    %concatenate3A_753 = tpu.concatenate %broadcast_in_dim3A_751, %slice3A_752 in 1 : vector<1x1xf32>, vector<1x127xf32> -> vector<1x128xf32>
    %add3A_754 = arith.addf %dot_general3A_746, %concatenate3A_753 : vector<1x128xf32>
    %swap3A_755 = arith.constant 11 : index
    %swap3A_756 = arith.constant 0 : index
    %swap3A_757 = vector.load %arg5[%swap3A_755, %swap3A_756] : memref<64x128xf32, #tpu.memory_space<vmem>>, vector<1x128xf32>
    tpu.vector_store %arg5[%swap3A_755, %swap3A_756], %add3A_754 {strides = array<i32>} : memref<64x128xf32, #tpu.memory_space<vmem>>, vector<1x128xf32>,
    %sub3A_758 = arith.constant -1.950000e+01 : f32
    %sub3A_759 = vector.broadcast %sub3A_758 : f32 to vector<104x128xf32>
    %sub3A_760 = arith.subf %select_n3A, %sub3A_759 : vector<104x128xf32>
    %mul3A_761 = arith.mulf %sub3A_760, %sub3A_760 : vector<104x128xf32>
    %neg3A_762 = arith.constant 0.000000e+00 : f32
    %neg3A_763 = vector.broadcast %neg3A_762 : f32 to vector<104x128xf32>
    %neg3A_764 = arith.subf %neg3A_763, %mul3A_761 : vector<104x128xf32>
    %exp3A_765 = math.exp %neg3A_764 : vector<104x128xf32>
    %mul3A_766 = arith.mulf %select_n3A_467, %exp3A_765 : vector<104x128xf32>
    %dot_general3A_767 = arith.constant dense<0.000000e+00> : vector<1x128xf32>
    %dot_general3A_768 = tpu.matmul %broadcast_in_dim3A_495, %mul3A_766, %dot_general3A_767 {dimension_numbers = #tpu.dot_dimension_numbers<[1], [0], [0], [1], [0, 0, 1, 1], [], []>, transpose_lhs_hint = false} : vector<1x104xf32>, vector<104x128xf32>, vector<1x128xf32> -> vector<1x128xf32>
    %mul3A_769 = arith.mulf %select_n3A_476, %exp3A_765 : vector<104x128xf32>
    %dot_general3A_770 = arith.constant dense<0.000000e+00> : vector<1x128xf32>
    %dot_general3A_771 = tpu.matmul %broadcast_in_dim3A_495, %mul3A_769, %dot_general3A_770 {dimension_numbers = #tpu.dot_dimension_numbers<[1], [0], [0], [1], [0, 0, 1, 1], [], []>, transpose_lhs_hint = false} : vector<1x104xf32>, vector<104x128xf32>, vector<1x128xf32> -> vector<1x128xf32>
    %broadcast_in_dim3A_772 = arith.constant 0.000000e+00 : f32
    %broadcast_in_dim3A_773 = vector.broadcast %broadcast_in_dim3A_772 : f32 to vector<1x1xf32>
    %slice3A_774 = vector.extract_strided_slice %dot_general3A_771 {offsets = [0, 0], sizes = [1, 127], strides = [1, 1]} : vector<1x128xf32> to vector<1x127xf32>
    %concatenate3A_775 = tpu.concatenate %broadcast_in_dim3A_773, %slice3A_774 in 1 : vector<1x1xf32>, vector<1x127xf32> -> vector<1x128xf32>
    %add3A_776 = arith.addf %dot_general3A_768, %concatenate3A_775 : vector<1x128xf32>
    %swap3A_777 = arith.constant 12 : index
    %swap3A_778 = arith.constant 0 : index
    %swap3A_779 = vector.load %arg5[%swap3A_777, %swap3A_778] : memref<64x128xf32, #tpu.memory_space<vmem>>, vector<1x128xf32>
    tpu.vector_store %arg5[%swap3A_777, %swap3A_778], %add3A_776 {strides = array<i32>} : memref<64x128xf32, #tpu.memory_space<vmem>>, vector<1x128xf32>,
    %sub3A_780 = arith.constant -1.850000e+01 : f32
    %sub3A_781 = vector.broadcast %sub3A_780 : f32 to vector<104x128xf32>
    %sub3A_782 = arith.subf %select_n3A, %sub3A_781 : vector<104x128xf32>
    %mul3A_783 = arith.mulf %sub3A_782, %sub3A_782 : vector<104x128xf32>
    %neg3A_784 = arith.constant 0.000000e+00 : f32
    %neg3A_785 = vector.broadcast %neg3A_784 : f32 to vector<104x128xf32>
    %neg3A_786 = arith.subf %neg3A_785, %mul3A_783 : vector<104x128xf32>
    %exp3A_787 = math.exp %neg3A_786 : vector<104x128xf32>
    %mul3A_788 = arith.mulf %select_n3A_467, %exp3A_787 : vector<104x128xf32>
    %dot_general3A_789 = arith.constant dense<0.000000e+00> : vector<1x128xf32>
    %dot_general3A_790 = tpu.matmul %broadcast_in_dim3A_495, %mul3A_788, %dot_general3A_789 {dimension_numbers = #tpu.dot_dimension_numbers<[1], [0], [0], [1], [0, 0, 1, 1], [], []>, transpose_lhs_hint = false} : vector<1x104xf32>, vector<104x128xf32>, vector<1x128xf32> -> vector<1x128xf32>
    %mul3A_791 = arith.mulf %select_n3A_476, %exp3A_787 : vector<104x128xf32>
    %dot_general3A_792 = arith.constant dense<0.000000e+00> : vector<1x128xf32>
    %dot_general3A_793 = tpu.matmul %broadcast_in_dim3A_495, %mul3A_791, %dot_general3A_792 {dimension_numbers = #tpu.dot_dimension_numbers<[1], [0], [0], [1], [0, 0, 1, 1], [], []>, transpose_lhs_hint = false} : vector<1x104xf32>, vector<104x128xf32>, vector<1x128xf32> -> vector<1x128xf32>
    %broadcast_in_dim3A_794 = arith.constant 0.000000e+00 : f32
    %broadcast_in_dim3A_795 = vector.broadcast %broadcast_in_dim3A_794 : f32 to vector<1x1xf32>
    %slice3A_796 = vector.extract_strided_slice %dot_general3A_793 {offsets = [0, 0], sizes = [1, 127], strides = [1, 1]} : vector<1x128xf32> to vector<1x127xf32>
    %concatenate3A_797 = tpu.concatenate %broadcast_in_dim3A_795, %slice3A_796 in 1 : vector<1x1xf32>, vector<1x127xf32> -> vector<1x128xf32>
    %add3A_798 = arith.addf %dot_general3A_790, %concatenate3A_797 : vector<1x128xf32>
    %swap3A_799 = arith.constant 13 : index
    %swap3A_800 = arith.constant 0 : index
    %swap3A_801 = vector.load %arg5[%swap3A_799, %swap3A_800] : memref<64x128xf32, #tpu.memory_space<vmem>>, vector<1x128xf32>
    tpu.vector_store %arg5[%swap3A_799, %swap3A_800], %add3A_798 {strides = array<i32>} : memref<64x128xf32, #tpu.memory_space<vmem>>, vector<1x128xf32>,
    %sub3A_802 = arith.constant -1.750000e+01 : f32
    %sub3A_803 = vector.broadcast %sub3A_802 : f32 to vector<104x128xf32>
    %sub3A_804 = arith.subf %select_n3A, %sub3A_803 : vector<104x128xf32>
    %mul3A_805 = arith.mulf %sub3A_804, %sub3A_804 : vector<104x128xf32>
    %neg3A_806 = arith.constant 0.000000e+00 : f32
    %neg3A_807 = vector.broadcast %neg3A_806 : f32 to vector<104x128xf32>
    %neg3A_808 = arith.subf %neg3A_807, %mul3A_805 : vector<104x128xf32>
    %exp3A_809 = math.exp %neg3A_808 : vector<104x128xf32>
    %mul3A_810 = arith.mulf %select_n3A_467, %exp3A_809 : vector<104x128xf32>
    %dot_general3A_811 = arith.constant dense<0.000000e+00> : vector<1x128xf32>
    %dot_general3A_812 = tpu.matmul %broadcast_in_dim3A_495, %mul3A_810, %dot_general3A_811 {dimension_numbers = #tpu.dot_dimension_numbers<[1], [0], [0], [1], [0, 0, 1, 1], [], []>, transpose_lhs_hint = false} : vector<1x104xf32>, vector<104x128xf32>, vector<1x128xf32> -> vector<1x128xf32>
    %mul3A_813 = arith.mulf %select_n3A_476, %exp3A_809 : vector<104x128xf32>
    %dot_general3A_814 = arith.constant dense<0.000000e+00> : vector<1x128xf32>
    %dot_general3A_815 = tpu.matmul %broadcast_in_dim3A_495, %mul3A_813, %dot_general3A_814 {dimension_numbers = #tpu.dot_dimension_numbers<[1], [0], [0], [1], [0, 0, 1, 1], [], []>, transpose_lhs_hint = false} : vector<1x104xf32>, vector<104x128xf32>, vector<1x128xf32> -> vector<1x128xf32>
    %broadcast_in_dim3A_816 = arith.constant 0.000000e+00 : f32
    %broadcast_in_dim3A_817 = vector.broadcast %broadcast_in_dim3A_816 : f32 to vector<1x1xf32>
    %slice3A_818 = vector.extract_strided_slice %dot_general3A_815 {offsets = [0, 0], sizes = [1, 127], strides = [1, 1]} : vector<1x128xf32> to vector<1x127xf32>
    %concatenate3A_819 = tpu.concatenate %broadcast_in_dim3A_817, %slice3A_818 in 1 : vector<1x1xf32>, vector<1x127xf32> -> vector<1x128xf32>
    %add3A_820 = arith.addf %dot_general3A_812, %concatenate3A_819 : vector<1x128xf32>
    %swap3A_821 = arith.constant 14 : index
    %swap3A_822 = arith.constant 0 : index
    %swap3A_823 = vector.load %arg5[%swap3A_821, %swap3A_822] : memref<64x128xf32, #tpu.memory_space<vmem>>, vector<1x128xf32>
    tpu.vector_store %arg5[%swap3A_821, %swap3A_822], %add3A_820 {strides = array<i32>} : memref<64x128xf32, #tpu.memory_space<vmem>>, vector<1x128xf32>,
    %sub3A_824 = arith.constant -1.650000e+01 : f32
    %sub3A_825 = vector.broadcast %sub3A_824 : f32 to vector<104x128xf32>
    %sub3A_826 = arith.subf %select_n3A, %sub3A_825 : vector<104x128xf32>
    %mul3A_827 = arith.mulf %sub3A_826, %sub3A_826 : vector<104x128xf32>
    %neg3A_828 = arith.constant 0.000000e+00 : f32
    %neg3A_829 = vector.broadcast %neg3A_828 : f32 to vector<104x128xf32>
    %neg3A_830 = arith.subf %neg3A_829, %mul3A_827 : vector<104x128xf32>
    %exp3A_831 = math.exp %neg3A_830 : vector<104x128xf32>
    %mul3A_832 = arith.mulf %select_n3A_467, %exp3A_831 : vector<104x128xf32>
    %dot_general3A_833 = arith.constant dense<0.000000e+00> : vector<1x128xf32>
    %dot_general3A_834 = tpu.matmul %broadcast_in_dim3A_495, %mul3A_832, %dot_general3A_833 {dimension_numbers = #tpu.dot_dimension_numbers<[1], [0], [0], [1], [0, 0, 1, 1], [], []>, transpose_lhs_hint = false} : vector<1x104xf32>, vector<104x128xf32>, vector<1x128xf32> -> vector<1x128xf32>
    %mul3A_835 = arith.mulf %select_n3A_476, %exp3A_831 : vector<104x128xf32>
    %dot_general3A_836 = arith.constant dense<0.000000e+00> : vector<1x128xf32>
    %dot_general3A_837 = tpu.matmul %broadcast_in_dim3A_495, %mul3A_835, %dot_general3A_836 {dimension_numbers = #tpu.dot_dimension_numbers<[1], [0], [0], [1], [0, 0, 1, 1], [], []>, transpose_lhs_hint = false} : vector<1x104xf32>, vector<104x128xf32>, vector<1x128xf32> -> vector<1x128xf32>
    %broadcast_in_dim3A_838 = arith.constant 0.000000e+00 : f32
    %broadcast_in_dim3A_839 = vector.broadcast %broadcast_in_dim3A_838 : f32 to vector<1x1xf32>
    %slice3A_840 = vector.extract_strided_slice %dot_general3A_837 {offsets = [0, 0], sizes = [1, 127], strides = [1, 1]} : vector<1x128xf32> to vector<1x127xf32>
    %concatenate3A_841 = tpu.concatenate %broadcast_in_dim3A_839, %slice3A_840 in 1 : vector<1x1xf32>, vector<1x127xf32> -> vector<1x128xf32>
    %add3A_842 = arith.addf %dot_general3A_834, %concatenate3A_841 : vector<1x128xf32>
    %swap3A_843 = arith.constant 15 : index
    %swap3A_844 = arith.constant 0 : index
    %swap3A_845 = vector.load %arg5[%swap3A_843, %swap3A_844] : memref<64x128xf32, #tpu.memory_space<vmem>>, vector<1x128xf32>
    tpu.vector_store %arg5[%swap3A_843, %swap3A_844], %add3A_842 {strides = array<i32>} : memref<64x128xf32, #tpu.memory_space<vmem>>, vector<1x128xf32>,
    %sub3A_846 = arith.constant -1.550000e+01 : f32
    %sub3A_847 = vector.broadcast %sub3A_846 : f32 to vector<104x128xf32>
    %sub3A_848 = arith.subf %select_n3A, %sub3A_847 : vector<104x128xf32>
    %mul3A_849 = arith.mulf %sub3A_848, %sub3A_848 : vector<104x128xf32>
    %neg3A_850 = arith.constant 0.000000e+00 : f32
    %neg3A_851 = vector.broadcast %neg3A_850 : f32 to vector<104x128xf32>
    %neg3A_852 = arith.subf %neg3A_851, %mul3A_849 : vector<104x128xf32>
    %exp3A_853 = math.exp %neg3A_852 : vector<104x128xf32>
    %mul3A_854 = arith.mulf %select_n3A_467, %exp3A_853 : vector<104x128xf32>
    %dot_general3A_855 = arith.constant dense<0.000000e+00> : vector<1x128xf32>
    %dot_general3A_856 = tpu.matmul %broadcast_in_dim3A_495, %mul3A_854, %dot_general3A_855 {dimension_numbers = #tpu.dot_dimension_numbers<[1], [0], [0], [1], [0, 0, 1, 1], [], []>, transpose_lhs_hint = false} : vector<1x104xf32>, vector<104x128xf32>, vector<1x128xf32> -> vector<1x128xf32>
    %mul3A_857 = arith.mulf %select_n3A_476, %exp3A_853 : vector<104x128xf32>
    %dot_general3A_858 = arith.constant dense<0.000000e+00> : vector<1x128xf32>
    %dot_general3A_859 = tpu.matmul %broadcast_in_dim3A_495, %mul3A_857, %dot_general3A_858 {dimension_numbers = #tpu.dot_dimension_numbers<[1], [0], [0], [1], [0, 0, 1, 1], [], []>, transpose_lhs_hint = false} : vector<1x104xf32>, vector<104x128xf32>, vector<1x128xf32> -> vector<1x128xf32>
    %broadcast_in_dim3A_860 = arith.constant 0.000000e+00 : f32
    %broadcast_in_dim3A_861 = vector.broadcast %broadcast_in_dim3A_860 : f32 to vector<1x1xf32>
    %slice3A_862 = vector.extract_strided_slice %dot_general3A_859 {offsets = [0, 0], sizes = [1, 127], strides = [1, 1]} : vector<1x128xf32> to vector<1x127xf32>
    %concatenate3A_863 = tpu.concatenate %broadcast_in_dim3A_861, %slice3A_862 in 1 : vector<1x1xf32>, vector<1x127xf32> -> vector<1x128xf32>
    %add3A_864 = arith.addf %dot_general3A_856, %concatenate3A_863 : vector<1x128xf32>
    %swap3A_865 = arith.constant 16 : index
    %swap3A_866 = arith.constant 0 : index
    %swap3A_867 = vector.load %arg5[%swap3A_865, %swap3A_866] : memref<64x128xf32, #tpu.memory_space<vmem>>, vector<1x128xf32>
    tpu.vector_store %arg5[%swap3A_865, %swap3A_866], %add3A_864 {strides = array<i32>} : memref<64x128xf32, #tpu.memory_space<vmem>>, vector<1x128xf32>,
    %sub3A_868 = arith.constant -1.450000e+01 : f32
    %sub3A_869 = vector.broadcast %sub3A_868 : f32 to vector<104x128xf32>
    %sub3A_870 = arith.subf %select_n3A, %sub3A_869 : vector<104x128xf32>
    %mul3A_871 = arith.mulf %sub3A_870, %sub3A_870 : vector<104x128xf32>
    %neg3A_872 = arith.constant 0.000000e+00 : f32
    %neg3A_873 = vector.broadcast %neg3A_872 : f32 to vector<104x128xf32>
    %neg3A_874 = arith.subf %neg3A_873, %mul3A_871 : vector<104x128xf32>
    %exp3A_875 = math.exp %neg3A_874 : vector<104x128xf32>
    %mul3A_876 = arith.mulf %select_n3A_467, %exp3A_875 : vector<104x128xf32>
    %dot_general3A_877 = arith.constant dense<0.000000e+00> : vector<1x128xf32>
    %dot_general3A_878 = tpu.matmul %broadcast_in_dim3A_495, %mul3A_876, %dot_general3A_877 {dimension_numbers = #tpu.dot_dimension_numbers<[1], [0], [0], [1], [0, 0, 1, 1], [], []>, transpose_lhs_hint = false} : vector<1x104xf32>, vector<104x128xf32>, vector<1x128xf32> -> vector<1x128xf32>
    %mul3A_879 = arith.mulf %select_n3A_476, %exp3A_875 : vector<104x128xf32>
    %dot_general3A_880 = arith.constant dense<0.000000e+00> : vector<1x128xf32>
    %dot_general3A_881 = tpu.matmul %broadcast_in_dim3A_495, %mul3A_879, %dot_general3A_880 {dimension_numbers = #tpu.dot_dimension_numbers<[1], [0], [0], [1], [0, 0, 1, 1], [], []>, transpose_lhs_hint = false} : vector<1x104xf32>, vector<104x128xf32>, vector<1x128xf32> -> vector<1x128xf32>
    %broadcast_in_dim3A_882 = arith.constant 0.000000e+00 : f32
    %broadcast_in_dim3A_883 = vector.broadcast %broadcast_in_dim3A_882 : f32 to vector<1x1xf32>
    %slice3A_884 = vector.extract_strided_slice %dot_general3A_881 {offsets = [0, 0], sizes = [1, 127], strides = [1, 1]} : vector<1x128xf32> to vector<1x127xf32>
    %concatenate3A_885 = tpu.concatenate %broadcast_in_dim3A_883, %slice3A_884 in 1 : vector<1x1xf32>, vector<1x127xf32> -> vector<1x128xf32>
    %add3A_886 = arith.addf %dot_general3A_878, %concatenate3A_885 : vector<1x128xf32>
    %swap3A_887 = arith.constant 17 : index
    %swap3A_888 = arith.constant 0 : index
    %swap3A_889 = vector.load %arg5[%swap3A_887, %swap3A_888] : memref<64x128xf32, #tpu.memory_space<vmem>>, vector<1x128xf32>
    tpu.vector_store %arg5[%swap3A_887, %swap3A_888], %add3A_886 {strides = array<i32>} : memref<64x128xf32, #tpu.memory_space<vmem>>, vector<1x128xf32>,
    %sub3A_890 = arith.constant -1.350000e+01 : f32
    %sub3A_891 = vector.broadcast %sub3A_890 : f32 to vector<104x128xf32>
    %sub3A_892 = arith.subf %select_n3A, %sub3A_891 : vector<104x128xf32>
    %mul3A_893 = arith.mulf %sub3A_892, %sub3A_892 : vector<104x128xf32>
    %neg3A_894 = arith.constant 0.000000e+00 : f32
    %neg3A_895 = vector.broadcast %neg3A_894 : f32 to vector<104x128xf32>
    %neg3A_896 = arith.subf %neg3A_895, %mul3A_893 : vector<104x128xf32>
    %exp3A_897 = math.exp %neg3A_896 : vector<104x128xf32>
    %mul3A_898 = arith.mulf %select_n3A_467, %exp3A_897 : vector<104x128xf32>
    %dot_general3A_899 = arith.constant dense<0.000000e+00> : vector<1x128xf32>
    %dot_general3A_900 = tpu.matmul %broadcast_in_dim3A_495, %mul3A_898, %dot_general3A_899 {dimension_numbers = #tpu.dot_dimension_numbers<[1], [0], [0], [1], [0, 0, 1, 1], [], []>, transpose_lhs_hint = false} : vector<1x104xf32>, vector<104x128xf32>, vector<1x128xf32> -> vector<1x128xf32>
    %mul3A_901 = arith.mulf %select_n3A_476, %exp3A_897 : vector<104x128xf32>
    %dot_general3A_902 = arith.constant dense<0.000000e+00> : vector<1x128xf32>
    %dot_general3A_903 = tpu.matmul %broadcast_in_dim3A_495, %mul3A_901, %dot_general3A_902 {dimension_numbers = #tpu.dot_dimension_numbers<[1], [0], [0], [1], [0, 0, 1, 1], [], []>, transpose_lhs_hint = false} : vector<1x104xf32>, vector<104x128xf32>, vector<1x128xf32> -> vector<1x128xf32>
    %broadcast_in_dim3A_904 = arith.constant 0.000000e+00 : f32
    %broadcast_in_dim3A_905 = vector.broadcast %broadcast_in_dim3A_904 : f32 to vector<1x1xf32>
    %slice3A_906 = vector.extract_strided_slice %dot_general3A_903 {offsets = [0, 0], sizes = [1, 127], strides = [1, 1]} : vector<1x128xf32> to vector<1x127xf32>
    %concatenate3A_907 = tpu.concatenate %broadcast_in_dim3A_905, %slice3A_906 in 1 : vector<1x1xf32>, vector<1x127xf32> -> vector<1x128xf32>
    %add3A_908 = arith.addf %dot_general3A_900, %concatenate3A_907 : vector<1x128xf32>
    %swap3A_909 = arith.constant 18 : index
    %swap3A_910 = arith.constant 0 : index
    %swap3A_911 = vector.load %arg5[%swap3A_909, %swap3A_910] : memref<64x128xf32, #tpu.memory_space<vmem>>, vector<1x128xf32>
    tpu.vector_store %arg5[%swap3A_909, %swap3A_910], %add3A_908 {strides = array<i32>} : memref<64x128xf32, #tpu.memory_space<vmem>>, vector<1x128xf32>,
    %sub3A_912 = arith.constant -1.250000e+01 : f32
    %sub3A_913 = vector.broadcast %sub3A_912 : f32 to vector<104x128xf32>
    %sub3A_914 = arith.subf %select_n3A, %sub3A_913 : vector<104x128xf32>
    %mul3A_915 = arith.mulf %sub3A_914, %sub3A_914 : vector<104x128xf32>
    %neg3A_916 = arith.constant 0.000000e+00 : f32
    %neg3A_917 = vector.broadcast %neg3A_916 : f32 to vector<104x128xf32>
    %neg3A_918 = arith.subf %neg3A_917, %mul3A_915 : vector<104x128xf32>
    %exp3A_919 = math.exp %neg3A_918 : vector<104x128xf32>
    %mul3A_920 = arith.mulf %select_n3A_467, %exp3A_919 : vector<104x128xf32>
    %dot_general3A_921 = arith.constant dense<0.000000e+00> : vector<1x128xf32>
    %dot_general3A_922 = tpu.matmul %broadcast_in_dim3A_495, %mul3A_920, %dot_general3A_921 {dimension_numbers = #tpu.dot_dimension_numbers<[1], [0], [0], [1], [0, 0, 1, 1], [], []>, transpose_lhs_hint = false} : vector<1x104xf32>, vector<104x128xf32>, vector<1x128xf32> -> vector<1x128xf32>
    %mul3A_923 = arith.mulf %select_n3A_476, %exp3A_919 : vector<104x128xf32>
    %dot_general3A_924 = arith.constant dense<0.000000e+00> : vector<1x128xf32>
    %dot_general3A_925 = tpu.matmul %broadcast_in_dim3A_495, %mul3A_923, %dot_general3A_924 {dimension_numbers = #tpu.dot_dimension_numbers<[1], [0], [0], [1], [0, 0, 1, 1], [], []>, transpose_lhs_hint = false} : vector<1x104xf32>, vector<104x128xf32>, vector<1x128xf32> -> vector<1x128xf32>
    %broadcast_in_dim3A_926 = arith.constant 0.000000e+00 : f32
    %broadcast_in_dim3A_927 = vector.broadcast %broadcast_in_dim3A_926 : f32 to vector<1x1xf32>
    %slice3A_928 = vector.extract_strided_slice %dot_general3A_925 {offsets = [0, 0], sizes = [1, 127], strides = [1, 1]} : vector<1x128xf32> to vector<1x127xf32>
    %concatenate3A_929 = tpu.concatenate %broadcast_in_dim3A_927, %slice3A_928 in 1 : vector<1x1xf32>, vector<1x127xf32> -> vector<1x128xf32>
    %add3A_930 = arith.addf %dot_general3A_922, %concatenate3A_929 : vector<1x128xf32>
    %swap3A_931 = arith.constant 19 : index
    %swap3A_932 = arith.constant 0 : index
    %swap3A_933 = vector.load %arg5[%swap3A_931, %swap3A_932] : memref<64x128xf32, #tpu.memory_space<vmem>>, vector<1x128xf32>
    tpu.vector_store %arg5[%swap3A_931, %swap3A_932], %add3A_930 {strides = array<i32>} : memref<64x128xf32, #tpu.memory_space<vmem>>, vector<1x128xf32>,
    %sub3A_934 = arith.constant -1.150000e+01 : f32
    %sub3A_935 = vector.broadcast %sub3A_934 : f32 to vector<104x128xf32>
    %sub3A_936 = arith.subf %select_n3A, %sub3A_935 : vector<104x128xf32>
    %mul3A_937 = arith.mulf %sub3A_936, %sub3A_936 : vector<104x128xf32>
    %neg3A_938 = arith.constant 0.000000e+00 : f32
    %neg3A_939 = vector.broadcast %neg3A_938 : f32 to vector<104x128xf32>
    %neg3A_940 = arith.subf %neg3A_939, %mul3A_937 : vector<104x128xf32>
    %exp3A_941 = math.exp %neg3A_940 : vector<104x128xf32>
    %mul3A_942 = arith.mulf %select_n3A_467, %exp3A_941 : vector<104x128xf32>
    %dot_general3A_943 = arith.constant dense<0.000000e+00> : vector<1x128xf32>
    %dot_general3A_944 = tpu.matmul %broadcast_in_dim3A_495, %mul3A_942, %dot_general3A_943 {dimension_numbers = #tpu.dot_dimension_numbers<[1], [0], [0], [1], [0, 0, 1, 1], [], []>, transpose_lhs_hint = false} : vector<1x104xf32>, vector<104x128xf32>, vector<1x128xf32> -> vector<1x128xf32>
    %mul3A_945 = arith.mulf %select_n3A_476, %exp3A_941 : vector<104x128xf32>
    %dot_general3A_946 = arith.constant dense<0.000000e+00> : vector<1x128xf32>
    %dot_general3A_947 = tpu.matmul %broadcast_in_dim3A_495, %mul3A_945, %dot_general3A_946 {dimension_numbers = #tpu.dot_dimension_numbers<[1], [0], [0], [1], [0, 0, 1, 1], [], []>, transpose_lhs_hint = false} : vector<1x104xf32>, vector<104x128xf32>, vector<1x128xf32> -> vector<1x128xf32>
    %broadcast_in_dim3A_948 = arith.constant 0.000000e+00 : f32
    %broadcast_in_dim3A_949 = vector.broadcast %broadcast_in_dim3A_948 : f32 to vector<1x1xf32>
    %slice3A_950 = vector.extract_strided_slice %dot_general3A_947 {offsets = [0, 0], sizes = [1, 127], strides = [1, 1]} : vector<1x128xf32> to vector<1x127xf32>
    %concatenate3A_951 = tpu.concatenate %broadcast_in_dim3A_949, %slice3A_950 in 1 : vector<1x1xf32>, vector<1x127xf32> -> vector<1x128xf32>
    %add3A_952 = arith.addf %dot_general3A_944, %concatenate3A_951 : vector<1x128xf32>
    %swap3A_953 = arith.constant 20 : index
    %swap3A_954 = arith.constant 0 : index
    %swap3A_955 = vector.load %arg5[%swap3A_953, %swap3A_954] : memref<64x128xf32, #tpu.memory_space<vmem>>, vector<1x128xf32>
    tpu.vector_store %arg5[%swap3A_953, %swap3A_954], %add3A_952 {strides = array<i32>} : memref<64x128xf32, #tpu.memory_space<vmem>>, vector<1x128xf32>,
    %sub3A_956 = arith.constant -1.050000e+01 : f32
    %sub3A_957 = vector.broadcast %sub3A_956 : f32 to vector<104x128xf32>
    %sub3A_958 = arith.subf %select_n3A, %sub3A_957 : vector<104x128xf32>
    %mul3A_959 = arith.mulf %sub3A_958, %sub3A_958 : vector<104x128xf32>
    %neg3A_960 = arith.constant 0.000000e+00 : f32
    %neg3A_961 = vector.broadcast %neg3A_960 : f32 to vector<104x128xf32>
    %neg3A_962 = arith.subf %neg3A_961, %mul3A_959 : vector<104x128xf32>
    %exp3A_963 = math.exp %neg3A_962 : vector<104x128xf32>
    %mul3A_964 = arith.mulf %select_n3A_467, %exp3A_963 : vector<104x128xf32>
    %dot_general3A_965 = arith.constant dense<0.000000e+00> : vector<1x128xf32>
    %dot_general3A_966 = tpu.matmul %broadcast_in_dim3A_495, %mul3A_964, %dot_general3A_965 {dimension_numbers = #tpu.dot_dimension_numbers<[1], [0], [0], [1], [0, 0, 1, 1], [], []>, transpose_lhs_hint = false} : vector<1x104xf32>, vector<104x128xf32>, vector<1x128xf32> -> vector<1x128xf32>
    %mul3A_967 = arith.mulf %select_n3A_476, %exp3A_963 : vector<104x128xf32>
    %dot_general3A_968 = arith.constant dense<0.000000e+00> : vector<1x128xf32>
    %dot_general3A_969 = tpu.matmul %broadcast_in_dim3A_495, %mul3A_967, %dot_general3A_968 {dimension_numbers = #tpu.dot_dimension_numbers<[1], [0], [0], [1], [0, 0, 1, 1], [], []>, transpose_lhs_hint = false} : vector<1x104xf32>, vector<104x128xf32>, vector<1x128xf32> -> vector<1x128xf32>
    %broadcast_in_dim3A_970 = arith.constant 0.000000e+00 : f32
    %broadcast_in_dim3A_971 = vector.broadcast %broadcast_in_dim3A_970 : f32 to vector<1x1xf32>
    %slice3A_972 = vector.extract_strided_slice %dot_general3A_969 {offsets = [0, 0], sizes = [1, 127], strides = [1, 1]} : vector<1x128xf32> to vector<1x127xf32>
    %concatenate3A_973 = tpu.concatenate %broadcast_in_dim3A_971, %slice3A_972 in 1 : vector<1x1xf32>, vector<1x127xf32> -> vector<1x128xf32>
    %add3A_974 = arith.addf %dot_general3A_966, %concatenate3A_973 : vector<1x128xf32>
    %swap3A_975 = arith.constant 21 : index
    %swap3A_976 = arith.constant 0 : index
    %swap3A_977 = vector.load %arg5[%swap3A_975, %swap3A_976] : memref<64x128xf32, #tpu.memory_space<vmem>>, vector<1x128xf32>
    tpu.vector_store %arg5[%swap3A_975, %swap3A_976], %add3A_974 {strides = array<i32>} : memref<64x128xf32, #tpu.memory_space<vmem>>, vector<1x128xf32>,
    %sub3A_978 = arith.constant -9.500000e+00 : f32
    %sub3A_979 = vector.broadcast %sub3A_978 : f32 to vector<104x128xf32>
    %sub3A_980 = arith.subf %select_n3A, %sub3A_979 : vector<104x128xf32>
    %mul3A_981 = arith.mulf %sub3A_980, %sub3A_980 : vector<104x128xf32>
    %neg3A_982 = arith.constant 0.000000e+00 : f32
    %neg3A_983 = vector.broadcast %neg3A_982 : f32 to vector<104x128xf32>
    %neg3A_984 = arith.subf %neg3A_983, %mul3A_981 : vector<104x128xf32>
    %exp3A_985 = math.exp %neg3A_984 : vector<104x128xf32>
    %mul3A_986 = arith.mulf %select_n3A_467, %exp3A_985 : vector<104x128xf32>
    %dot_general3A_987 = arith.constant dense<0.000000e+00> : vector<1x128xf32>
    %dot_general3A_988 = tpu.matmul %broadcast_in_dim3A_495, %mul3A_986, %dot_general3A_987 {dimension_numbers = #tpu.dot_dimension_numbers<[1], [0], [0], [1], [0, 0, 1, 1], [], []>, transpose_lhs_hint = false} : vector<1x104xf32>, vector<104x128xf32>, vector<1x128xf32> -> vector<1x128xf32>
    %mul3A_989 = arith.mulf %select_n3A_476, %exp3A_985 : vector<104x128xf32>
    %dot_general3A_990 = arith.constant dense<0.000000e+00> : vector<1x128xf32>
    %dot_general3A_991 = tpu.matmul %broadcast_in_dim3A_495, %mul3A_989, %dot_general3A_990 {dimension_numbers = #tpu.dot_dimension_numbers<[1], [0], [0], [1], [0, 0, 1, 1], [], []>, transpose_lhs_hint = false} : vector<1x104xf32>, vector<104x128xf32>, vector<1x128xf32> -> vector<1x128xf32>
    %broadcast_in_dim3A_992 = arith.constant 0.000000e+00 : f32
    %broadcast_in_dim3A_993 = vector.broadcast %broadcast_in_dim3A_992 : f32 to vector<1x1xf32>
    %slice3A_994 = vector.extract_strided_slice %dot_general3A_991 {offsets = [0, 0], sizes = [1, 127], strides = [1, 1]} : vector<1x128xf32> to vector<1x127xf32>
    %concatenate3A_995 = tpu.concatenate %broadcast_in_dim3A_993, %slice3A_994 in 1 : vector<1x1xf32>, vector<1x127xf32> -> vector<1x128xf32>
    %add3A_996 = arith.addf %dot_general3A_988, %concatenate3A_995 : vector<1x128xf32>
    %swap3A_997 = arith.constant 22 : index
    %swap3A_998 = arith.constant 0 : index
    %swap3A_999 = vector.load %arg5[%swap3A_997, %swap3A_998] : memref<64x128xf32, #tpu.memory_space<vmem>>, vector<1x128xf32>
    tpu.vector_store %arg5[%swap3A_997, %swap3A_998], %add3A_996 {strides = array<i32>} : memref<64x128xf32, #tpu.memory_space<vmem>>, vector<1x128xf32>,
    %sub3A_1000 = arith.constant -8.500000e+00 : f32
    %sub3A_1001 = vector.broadcast %sub3A_1000 : f32 to vector<104x128xf32>
    %sub3A_1002 = arith.subf %select_n3A, %sub3A_1001 : vector<104x128xf32>
    %mul3A_1003 = arith.mulf %sub3A_1002, %sub3A_1002 : vector<104x128xf32>
    %neg3A_1004 = arith.constant 0.000000e+00 : f32
    %neg3A_1005 = vector.broadcast %neg3A_1004 : f32 to vector<104x128xf32>
    %neg3A_1006 = arith.subf %neg3A_1005, %mul3A_1003 : vector<104x128xf32>
    %exp3A_1007 = math.exp %neg3A_1006 : vector<104x128xf32>
    %mul3A_1008 = arith.mulf %select_n3A_467, %exp3A_1007 : vector<104x128xf32>
    %dot_general3A_1009 = arith.constant dense<0.000000e+00> : vector<1x128xf32>
    %dot_general3A_1010 = tpu.matmul %broadcast_in_dim3A_495, %mul3A_1008, %dot_general3A_1009 {dimension_numbers = #tpu.dot_dimension_numbers<[1], [0], [0], [1], [0, 0, 1, 1], [], []>, transpose_lhs_hint = false} : vector<1x104xf32>, vector<104x128xf32>, vector<1x128xf32> -> vector<1x128xf32>
    %mul3A_1011 = arith.mulf %select_n3A_476, %exp3A_1007 : vector<104x128xf32>
    %dot_general3A_1012 = arith.constant dense<0.000000e+00> : vector<1x128xf32>
    %dot_general3A_1013 = tpu.matmul %broadcast_in_dim3A_495, %mul3A_1011, %dot_general3A_1012 {dimension_numbers = #tpu.dot_dimension_numbers<[1], [0], [0], [1], [0, 0, 1, 1], [], []>, transpose_lhs_hint = false} : vector<1x104xf32>, vector<104x128xf32>, vector<1x128xf32> -> vector<1x128xf32>
    %broadcast_in_dim3A_1014 = arith.constant 0.000000e+00 : f32
    %broadcast_in_dim3A_1015 = vector.broadcast %broadcast_in_dim3A_1014 : f32 to vector<1x1xf32>
    %slice3A_1016 = vector.extract_strided_slice %dot_general3A_1013 {offsets = [0, 0], sizes = [1, 127], strides = [1, 1]} : vector<1x128xf32> to vector<1x127xf32>
    %concatenate3A_1017 = tpu.concatenate %broadcast_in_dim3A_1015, %slice3A_1016 in 1 : vector<1x1xf32>, vector<1x127xf32> -> vector<1x128xf32>
    %add3A_1018 = arith.addf %dot_general3A_1010, %concatenate3A_1017 : vector<1x128xf32>
    %swap3A_1019 = arith.constant 23 : index
    %swap3A_1020 = arith.constant 0 : index
    %swap3A_1021 = vector.load %arg5[%swap3A_1019, %swap3A_1020] : memref<64x128xf32, #tpu.memory_space<vmem>>, vector<1x128xf32>
    tpu.vector_store %arg5[%swap3A_1019, %swap3A_1020], %add3A_1018 {strides = array<i32>} : memref<64x128xf32, #tpu.memory_space<vmem>>, vector<1x128xf32>,
    %sub3A_1022 = arith.constant -7.500000e+00 : f32
    %sub3A_1023 = vector.broadcast %sub3A_1022 : f32 to vector<104x128xf32>
    %sub3A_1024 = arith.subf %select_n3A, %sub3A_1023 : vector<104x128xf32>
    %mul3A_1025 = arith.mulf %sub3A_1024, %sub3A_1024 : vector<104x128xf32>
    %neg3A_1026 = arith.constant 0.000000e+00 : f32
    %neg3A_1027 = vector.broadcast %neg3A_1026 : f32 to vector<104x128xf32>
    %neg3A_1028 = arith.subf %neg3A_1027, %mul3A_1025 : vector<104x128xf32>
    %exp3A_1029 = math.exp %neg3A_1028 : vector<104x128xf32>
    %mul3A_1030 = arith.mulf %select_n3A_467, %exp3A_1029 : vector<104x128xf32>
    %dot_general3A_1031 = arith.constant dense<0.000000e+00> : vector<1x128xf32>
    %dot_general3A_1032 = tpu.matmul %broadcast_in_dim3A_495, %mul3A_1030, %dot_general3A_1031 {dimension_numbers = #tpu.dot_dimension_numbers<[1], [0], [0], [1], [0, 0, 1, 1], [], []>, transpose_lhs_hint = false} : vector<1x104xf32>, vector<104x128xf32>, vector<1x128xf32> -> vector<1x128xf32>
    %mul3A_1033 = arith.mulf %select_n3A_476, %exp3A_1029 : vector<104x128xf32>
    %dot_general3A_1034 = arith.constant dense<0.000000e+00> : vector<1x128xf32>
    %dot_general3A_1035 = tpu.matmul %broadcast_in_dim3A_495, %mul3A_1033, %dot_general3A_1034 {dimension_numbers = #tpu.dot_dimension_numbers<[1], [0], [0], [1], [0, 0, 1, 1], [], []>, transpose_lhs_hint = false} : vector<1x104xf32>, vector<104x128xf32>, vector<1x128xf32> -> vector<1x128xf32>
    %broadcast_in_dim3A_1036 = arith.constant 0.000000e+00 : f32
    %broadcast_in_dim3A_1037 = vector.broadcast %broadcast_in_dim3A_1036 : f32 to vector<1x1xf32>
    %slice3A_1038 = vector.extract_strided_slice %dot_general3A_1035 {offsets = [0, 0], sizes = [1, 127], strides = [1, 1]} : vector<1x128xf32> to vector<1x127xf32>
    %concatenate3A_1039 = tpu.concatenate %broadcast_in_dim3A_1037, %slice3A_1038 in 1 : vector<1x1xf32>, vector<1x127xf32> -> vector<1x128xf32>
    %add3A_1040 = arith.addf %dot_general3A_1032, %concatenate3A_1039 : vector<1x128xf32>
    %swap3A_1041 = arith.constant 24 : index
    %swap3A_1042 = arith.constant 0 : index
    %swap3A_1043 = vector.load %arg5[%swap3A_1041, %swap3A_1042] : memref<64x128xf32, #tpu.memory_space<vmem>>, vector<1x128xf32>
    tpu.vector_store %arg5[%swap3A_1041, %swap3A_1042], %add3A_1040 {strides = array<i32>} : memref<64x128xf32, #tpu.memory_space<vmem>>, vector<1x128xf32>,
    %sub3A_1044 = arith.constant -6.500000e+00 : f32
    %sub3A_1045 = vector.broadcast %sub3A_1044 : f32 to vector<104x128xf32>
    %sub3A_1046 = arith.subf %select_n3A, %sub3A_1045 : vector<104x128xf32>
    %mul3A_1047 = arith.mulf %sub3A_1046, %sub3A_1046 : vector<104x128xf32>
    %neg3A_1048 = arith.constant 0.000000e+00 : f32
    %neg3A_1049 = vector.broadcast %neg3A_1048 : f32 to vector<104x128xf32>
    %neg3A_1050 = arith.subf %neg3A_1049, %mul3A_1047 : vector<104x128xf32>
    %exp3A_1051 = math.exp %neg3A_1050 : vector<104x128xf32>
    %mul3A_1052 = arith.mulf %select_n3A_467, %exp3A_1051 : vector<104x128xf32>
    %dot_general3A_1053 = arith.constant dense<0.000000e+00> : vector<1x128xf32>
    %dot_general3A_1054 = tpu.matmul %broadcast_in_dim3A_495, %mul3A_1052, %dot_general3A_1053 {dimension_numbers = #tpu.dot_dimension_numbers<[1], [0], [0], [1], [0, 0, 1, 1], [], []>, transpose_lhs_hint = false} : vector<1x104xf32>, vector<104x128xf32>, vector<1x128xf32> -> vector<1x128xf32>
    %mul3A_1055 = arith.mulf %select_n3A_476, %exp3A_1051 : vector<104x128xf32>
    %dot_general3A_1056 = arith.constant dense<0.000000e+00> : vector<1x128xf32>
    %dot_general3A_1057 = tpu.matmul %broadcast_in_dim3A_495, %mul3A_1055, %dot_general3A_1056 {dimension_numbers = #tpu.dot_dimension_numbers<[1], [0], [0], [1], [0, 0, 1, 1], [], []>, transpose_lhs_hint = false} : vector<1x104xf32>, vector<104x128xf32>, vector<1x128xf32> -> vector<1x128xf32>
    %broadcast_in_dim3A_1058 = arith.constant 0.000000e+00 : f32
    %broadcast_in_dim3A_1059 = vector.broadcast %broadcast_in_dim3A_1058 : f32 to vector<1x1xf32>
    %slice3A_1060 = vector.extract_strided_slice %dot_general3A_1057 {offsets = [0, 0], sizes = [1, 127], strides = [1, 1]} : vector<1x128xf32> to vector<1x127xf32>
    %concatenate3A_1061 = tpu.concatenate %broadcast_in_dim3A_1059, %slice3A_1060 in 1 : vector<1x1xf32>, vector<1x127xf32> -> vector<1x128xf32>
    %add3A_1062 = arith.addf %dot_general3A_1054, %concatenate3A_1061 : vector<1x128xf32>
    %swap3A_1063 = arith.constant 25 : index
    %swap3A_1064 = arith.constant 0 : index
    %swap3A_1065 = vector.load %arg5[%swap3A_1063, %swap3A_1064] : memref<64x128xf32, #tpu.memory_space<vmem>>, vector<1x128xf32>
    tpu.vector_store %arg5[%swap3A_1063, %swap3A_1064], %add3A_1062 {strides = array<i32>} : memref<64x128xf32, #tpu.memory_space<vmem>>, vector<1x128xf32>,
    %sub3A_1066 = arith.constant -5.500000e+00 : f32
    %sub3A_1067 = vector.broadcast %sub3A_1066 : f32 to vector<104x128xf32>
    %sub3A_1068 = arith.subf %select_n3A, %sub3A_1067 : vector<104x128xf32>
    %mul3A_1069 = arith.mulf %sub3A_1068, %sub3A_1068 : vector<104x128xf32>
    %neg3A_1070 = arith.constant 0.000000e+00 : f32
    %neg3A_1071 = vector.broadcast %neg3A_1070 : f32 to vector<104x128xf32>
    %neg3A_1072 = arith.subf %neg3A_1071, %mul3A_1069 : vector<104x128xf32>
    %exp3A_1073 = math.exp %neg3A_1072 : vector<104x128xf32>
    %mul3A_1074 = arith.mulf %select_n3A_467, %exp3A_1073 : vector<104x128xf32>
    %dot_general3A_1075 = arith.constant dense<0.000000e+00> : vector<1x128xf32>
    %dot_general3A_1076 = tpu.matmul %broadcast_in_dim3A_495, %mul3A_1074, %dot_general3A_1075 {dimension_numbers = #tpu.dot_dimension_numbers<[1], [0], [0], [1], [0, 0, 1, 1], [], []>, transpose_lhs_hint = false} : vector<1x104xf32>, vector<104x128xf32>, vector<1x128xf32> -> vector<1x128xf32>
    %mul3A_1077 = arith.mulf %select_n3A_476, %exp3A_1073 : vector<104x128xf32>
    %dot_general3A_1078 = arith.constant dense<0.000000e+00> : vector<1x128xf32>
    %dot_general3A_1079 = tpu.matmul %broadcast_in_dim3A_495, %mul3A_1077, %dot_general3A_1078 {dimension_numbers = #tpu.dot_dimension_numbers<[1], [0], [0], [1], [0, 0, 1, 1], [], []>, transpose_lhs_hint = false} : vector<1x104xf32>, vector<104x128xf32>, vector<1x128xf32> -> vector<1x128xf32>
    %broadcast_in_dim3A_1080 = arith.constant 0.000000e+00 : f32
    %broadcast_in_dim3A_1081 = vector.broadcast %broadcast_in_dim3A_1080 : f32 to vector<1x1xf32>
    %slice3A_1082 = vector.extract_strided_slice %dot_general3A_1079 {offsets = [0, 0], sizes = [1, 127], strides = [1, 1]} : vector<1x128xf32> to vector<1x127xf32>
    %concatenate3A_1083 = tpu.concatenate %broadcast_in_dim3A_1081, %slice3A_1082 in 1 : vector<1x1xf32>, vector<1x127xf32> -> vector<1x128xf32>
    %add3A_1084 = arith.addf %dot_general3A_1076, %concatenate3A_1083 : vector<1x128xf32>
    %swap3A_1085 = arith.constant 26 : index
    %swap3A_1086 = arith.constant 0 : index
    %swap3A_1087 = vector.load %arg5[%swap3A_1085, %swap3A_1086] : memref<64x128xf32, #tpu.memory_space<vmem>>, vector<1x128xf32>
    tpu.vector_store %arg5[%swap3A_1085, %swap3A_1086], %add3A_1084 {strides = array<i32>} : memref<64x128xf32, #tpu.memory_space<vmem>>, vector<1x128xf32>,
    %sub3A_1088 = arith.constant -4.500000e+00 : f32
    %sub3A_1089 = vector.broadcast %sub3A_1088 : f32 to vector<104x128xf32>
    %sub3A_1090 = arith.subf %select_n3A, %sub3A_1089 : vector<104x128xf32>
    %mul3A_1091 = arith.mulf %sub3A_1090, %sub3A_1090 : vector<104x128xf32>
    %neg3A_1092 = arith.constant 0.000000e+00 : f32
    %neg3A_1093 = vector.broadcast %neg3A_1092 : f32 to vector<104x128xf32>
    %neg3A_1094 = arith.subf %neg3A_1093, %mul3A_1091 : vector<104x128xf32>
    %exp3A_1095 = math.exp %neg3A_1094 : vector<104x128xf32>
    %mul3A_1096 = arith.mulf %select_n3A_467, %exp3A_1095 : vector<104x128xf32>
    %dot_general3A_1097 = arith.constant dense<0.000000e+00> : vector<1x128xf32>
    %dot_general3A_1098 = tpu.matmul %broadcast_in_dim3A_495, %mul3A_1096, %dot_general3A_1097 {dimension_numbers = #tpu.dot_dimension_numbers<[1], [0], [0], [1], [0, 0, 1, 1], [], []>, transpose_lhs_hint = false} : vector<1x104xf32>, vector<104x128xf32>, vector<1x128xf32> -> vector<1x128xf32>
    %mul3A_1099 = arith.mulf %select_n3A_476, %exp3A_1095 : vector<104x128xf32>
    %dot_general3A_1100 = arith.constant dense<0.000000e+00> : vector<1x128xf32>
    %dot_general3A_1101 = tpu.matmul %broadcast_in_dim3A_495, %mul3A_1099, %dot_general3A_1100 {dimension_numbers = #tpu.dot_dimension_numbers<[1], [0], [0], [1], [0, 0, 1, 1], [], []>, transpose_lhs_hint = false} : vector<1x104xf32>, vector<104x128xf32>, vector<1x128xf32> -> vector<1x128xf32>
    %broadcast_in_dim3A_1102 = arith.constant 0.000000e+00 : f32
    %broadcast_in_dim3A_1103 = vector.broadcast %broadcast_in_dim3A_1102 : f32 to vector<1x1xf32>
    %slice3A_1104 = vector.extract_strided_slice %dot_general3A_1101 {offsets = [0, 0], sizes = [1, 127], strides = [1, 1]} : vector<1x128xf32> to vector<1x127xf32>
    %concatenate3A_1105 = tpu.concatenate %broadcast_in_dim3A_1103, %slice3A_1104 in 1 : vector<1x1xf32>, vector<1x127xf32> -> vector<1x128xf32>
    %add3A_1106 = arith.addf %dot_general3A_1098, %concatenate3A_1105 : vector<1x128xf32>
    %swap3A_1107 = arith.constant 27 : index
    %swap3A_1108 = arith.constant 0 : index
    %swap3A_1109 = vector.load %arg5[%swap3A_1107, %swap3A_1108] : memref<64x128xf32, #tpu.memory_space<vmem>>, vector<1x128xf32>
    tpu.vector_store %arg5[%swap3A_1107, %swap3A_1108], %add3A_1106 {strides = array<i32>} : memref<64x128xf32, #tpu.memory_space<vmem>>, vector<1x128xf32>,
    %sub3A_1110 = arith.constant -3.500000e+00 : f32
    %sub3A_1111 = vector.broadcast %sub3A_1110 : f32 to vector<104x128xf32>
    %sub3A_1112 = arith.subf %select_n3A, %sub3A_1111 : vector<104x128xf32>
    %mul3A_1113 = arith.mulf %sub3A_1112, %sub3A_1112 : vector<104x128xf32>
    %neg3A_1114 = arith.constant 0.000000e+00 : f32
    %neg3A_1115 = vector.broadcast %neg3A_1114 : f32 to vector<104x128xf32>
    %neg3A_1116 = arith.subf %neg3A_1115, %mul3A_1113 : vector<104x128xf32>
    %exp3A_1117 = math.exp %neg3A_1116 : vector<104x128xf32>
    %mul3A_1118 = arith.mulf %select_n3A_467, %exp3A_1117 : vector<104x128xf32>
    %dot_general3A_1119 = arith.constant dense<0.000000e+00> : vector<1x128xf32>
    %dot_general3A_1120 = tpu.matmul %broadcast_in_dim3A_495, %mul3A_1118, %dot_general3A_1119 {dimension_numbers = #tpu.dot_dimension_numbers<[1], [0], [0], [1], [0, 0, 1, 1], [], []>, transpose_lhs_hint = false} : vector<1x104xf32>, vector<104x128xf32>, vector<1x128xf32> -> vector<1x128xf32>
    %mul3A_1121 = arith.mulf %select_n3A_476, %exp3A_1117 : vector<104x128xf32>
    %dot_general3A_1122 = arith.constant dense<0.000000e+00> : vector<1x128xf32>
    %dot_general3A_1123 = tpu.matmul %broadcast_in_dim3A_495, %mul3A_1121, %dot_general3A_1122 {dimension_numbers = #tpu.dot_dimension_numbers<[1], [0], [0], [1], [0, 0, 1, 1], [], []>, transpose_lhs_hint = false} : vector<1x104xf32>, vector<104x128xf32>, vector<1x128xf32> -> vector<1x128xf32>
    %broadcast_in_dim3A_1124 = arith.constant 0.000000e+00 : f32
    %broadcast_in_dim3A_1125 = vector.broadcast %broadcast_in_dim3A_1124 : f32 to vector<1x1xf32>
    %slice3A_1126 = vector.extract_strided_slice %dot_general3A_1123 {offsets = [0, 0], sizes = [1, 127], strides = [1, 1]} : vector<1x128xf32> to vector<1x127xf32>
    %concatenate3A_1127 = tpu.concatenate %broadcast_in_dim3A_1125, %slice3A_1126 in 1 : vector<1x1xf32>, vector<1x127xf32> -> vector<1x128xf32>
    %add3A_1128 = arith.addf %dot_general3A_1120, %concatenate3A_1127 : vector<1x128xf32>
    %swap3A_1129 = arith.constant 28 : index
    %swap3A_1130 = arith.constant 0 : index
    %swap3A_1131 = vector.load %arg5[%swap3A_1129, %swap3A_1130] : memref<64x128xf32, #tpu.memory_space<vmem>>, vector<1x128xf32>
    tpu.vector_store %arg5[%swap3A_1129, %swap3A_1130], %add3A_1128 {strides = array<i32>} : memref<64x128xf32, #tpu.memory_space<vmem>>, vector<1x128xf32>,
    %sub3A_1132 = arith.constant -2.500000e+00 : f32
    %sub3A_1133 = vector.broadcast %sub3A_1132 : f32 to vector<104x128xf32>
    %sub3A_1134 = arith.subf %select_n3A, %sub3A_1133 : vector<104x128xf32>
    %mul3A_1135 = arith.mulf %sub3A_1134, %sub3A_1134 : vector<104x128xf32>
    %neg3A_1136 = arith.constant 0.000000e+00 : f32
    %neg3A_1137 = vector.broadcast %neg3A_1136 : f32 to vector<104x128xf32>
    %neg3A_1138 = arith.subf %neg3A_1137, %mul3A_1135 : vector<104x128xf32>
    %exp3A_1139 = math.exp %neg3A_1138 : vector<104x128xf32>
    %mul3A_1140 = arith.mulf %select_n3A_467, %exp3A_1139 : vector<104x128xf32>
    %dot_general3A_1141 = arith.constant dense<0.000000e+00> : vector<1x128xf32>
    %dot_general3A_1142 = tpu.matmul %broadcast_in_dim3A_495, %mul3A_1140, %dot_general3A_1141 {dimension_numbers = #tpu.dot_dimension_numbers<[1], [0], [0], [1], [0, 0, 1, 1], [], []>, transpose_lhs_hint = false} : vector<1x104xf32>, vector<104x128xf32>, vector<1x128xf32> -> vector<1x128xf32>
    %mul3A_1143 = arith.mulf %select_n3A_476, %exp3A_1139 : vector<104x128xf32>
    %dot_general3A_1144 = arith.constant dense<0.000000e+00> : vector<1x128xf32>
    %dot_general3A_1145 = tpu.matmul %broadcast_in_dim3A_495, %mul3A_1143, %dot_general3A_1144 {dimension_numbers = #tpu.dot_dimension_numbers<[1], [0], [0], [1], [0, 0, 1, 1], [], []>, transpose_lhs_hint = false} : vector<1x104xf32>, vector<104x128xf32>, vector<1x128xf32> -> vector<1x128xf32>
    %broadcast_in_dim3A_1146 = arith.constant 0.000000e+00 : f32
    %broadcast_in_dim3A_1147 = vector.broadcast %broadcast_in_dim3A_1146 : f32 to vector<1x1xf32>
    %slice3A_1148 = vector.extract_strided_slice %dot_general3A_1145 {offsets = [0, 0], sizes = [1, 127], strides = [1, 1]} : vector<1x128xf32> to vector<1x127xf32>
    %concatenate3A_1149 = tpu.concatenate %broadcast_in_dim3A_1147, %slice3A_1148 in 1 : vector<1x1xf32>, vector<1x127xf32> -> vector<1x128xf32>
    %add3A_1150 = arith.addf %dot_general3A_1142, %concatenate3A_1149 : vector<1x128xf32>
    %swap3A_1151 = arith.constant 29 : index
    %swap3A_1152 = arith.constant 0 : index
    %swap3A_1153 = vector.load %arg5[%swap3A_1151, %swap3A_1152] : memref<64x128xf32, #tpu.memory_space<vmem>>, vector<1x128xf32>
    tpu.vector_store %arg5[%swap3A_1151, %swap3A_1152], %add3A_1150 {strides = array<i32>} : memref<64x128xf32, #tpu.memory_space<vmem>>, vector<1x128xf32>,
    %sub3A_1154 = arith.constant -1.500000e+00 : f32
    %sub3A_1155 = vector.broadcast %sub3A_1154 : f32 to vector<104x128xf32>
    %sub3A_1156 = arith.subf %select_n3A, %sub3A_1155 : vector<104x128xf32>
    %mul3A_1157 = arith.mulf %sub3A_1156, %sub3A_1156 : vector<104x128xf32>
    %neg3A_1158 = arith.constant 0.000000e+00 : f32
    %neg3A_1159 = vector.broadcast %neg3A_1158 : f32 to vector<104x128xf32>
    %neg3A_1160 = arith.subf %neg3A_1159, %mul3A_1157 : vector<104x128xf32>
    %exp3A_1161 = math.exp %neg3A_1160 : vector<104x128xf32>
    %mul3A_1162 = arith.mulf %select_n3A_467, %exp3A_1161 : vector<104x128xf32>
    %dot_general3A_1163 = arith.constant dense<0.000000e+00> : vector<1x128xf32>
    %dot_general3A_1164 = tpu.matmul %broadcast_in_dim3A_495, %mul3A_1162, %dot_general3A_1163 {dimension_numbers = #tpu.dot_dimension_numbers<[1], [0], [0], [1], [0, 0, 1, 1], [], []>, transpose_lhs_hint = false} : vector<1x104xf32>, vector<104x128xf32>, vector<1x128xf32> -> vector<1x128xf32>
    %mul3A_1165 = arith.mulf %select_n3A_476, %exp3A_1161 : vector<104x128xf32>
    %dot_general3A_1166 = arith.constant dense<0.000000e+00> : vector<1x128xf32>
    %dot_general3A_1167 = tpu.matmul %broadcast_in_dim3A_495, %mul3A_1165, %dot_general3A_1166 {dimension_numbers = #tpu.dot_dimension_numbers<[1], [0], [0], [1], [0, 0, 1, 1], [], []>, transpose_lhs_hint = false} : vector<1x104xf32>, vector<104x128xf32>, vector<1x128xf32> -> vector<1x128xf32>
    %broadcast_in_dim3A_1168 = arith.constant 0.000000e+00 : f32
    %broadcast_in_dim3A_1169 = vector.broadcast %broadcast_in_dim3A_1168 : f32 to vector<1x1xf32>
    %slice3A_1170 = vector.extract_strided_slice %dot_general3A_1167 {offsets = [0, 0], sizes = [1, 127], strides = [1, 1]} : vector<1x128xf32> to vector<1x127xf32>
    %concatenate3A_1171 = tpu.concatenate %broadcast_in_dim3A_1169, %slice3A_1170 in 1 : vector<1x1xf32>, vector<1x127xf32> -> vector<1x128xf32>
    %add3A_1172 = arith.addf %dot_general3A_1164, %concatenate3A_1171 : vector<1x128xf32>
    %swap3A_1173 = arith.constant 30 : index
    %swap3A_1174 = arith.constant 0 : index
    %swap3A_1175 = vector.load %arg5[%swap3A_1173, %swap3A_1174] : memref<64x128xf32, #tpu.memory_space<vmem>>, vector<1x128xf32>
    tpu.vector_store %arg5[%swap3A_1173, %swap3A_1174], %add3A_1172 {strides = array<i32>} : memref<64x128xf32, #tpu.memory_space<vmem>>, vector<1x128xf32>,
    %sub3A_1176 = arith.constant -5.000000e-01 : f32
    %sub3A_1177 = vector.broadcast %sub3A_1176 : f32 to vector<104x128xf32>
    %sub3A_1178 = arith.subf %select_n3A, %sub3A_1177 : vector<104x128xf32>
    %mul3A_1179 = arith.mulf %sub3A_1178, %sub3A_1178 : vector<104x128xf32>
    %neg3A_1180 = arith.constant 0.000000e+00 : f32
    %neg3A_1181 = vector.broadcast %neg3A_1180 : f32 to vector<104x128xf32>
    %neg3A_1182 = arith.subf %neg3A_1181, %mul3A_1179 : vector<104x128xf32>
    %exp3A_1183 = math.exp %neg3A_1182 : vector<104x128xf32>
    %mul3A_1184 = arith.mulf %select_n3A_467, %exp3A_1183 : vector<104x128xf32>
    %dot_general3A_1185 = arith.constant dense<0.000000e+00> : vector<1x128xf32>
    %dot_general3A_1186 = tpu.matmul %broadcast_in_dim3A_495, %mul3A_1184, %dot_general3A_1185 {dimension_numbers = #tpu.dot_dimension_numbers<[1], [0], [0], [1], [0, 0, 1, 1], [], []>, transpose_lhs_hint = false} : vector<1x104xf32>, vector<104x128xf32>, vector<1x128xf32> -> vector<1x128xf32>
    %mul3A_1187 = arith.mulf %select_n3A_476, %exp3A_1183 : vector<104x128xf32>
    %dot_general3A_1188 = arith.constant dense<0.000000e+00> : vector<1x128xf32>
    %dot_general3A_1189 = tpu.matmul %broadcast_in_dim3A_495, %mul3A_1187, %dot_general3A_1188 {dimension_numbers = #tpu.dot_dimension_numbers<[1], [0], [0], [1], [0, 0, 1, 1], [], []>, transpose_lhs_hint = false} : vector<1x104xf32>, vector<104x128xf32>, vector<1x128xf32> -> vector<1x128xf32>
    %broadcast_in_dim3A_1190 = arith.constant 0.000000e+00 : f32
    %broadcast_in_dim3A_1191 = vector.broadcast %broadcast_in_dim3A_1190 : f32 to vector<1x1xf32>
    %slice3A_1192 = vector.extract_strided_slice %dot_general3A_1189 {offsets = [0, 0], sizes = [1, 127], strides = [1, 1]} : vector<1x128xf32> to vector<1x127xf32>
    %concatenate3A_1193 = tpu.concatenate %broadcast_in_dim3A_1191, %slice3A_1192 in 1 : vector<1x1xf32>, vector<1x127xf32> -> vector<1x128xf32>
    %add3A_1194 = arith.addf %dot_general3A_1186, %concatenate3A_1193 : vector<1x128xf32>
    %swap3A_1195 = arith.constant 31 : index
    %swap3A_1196 = arith.constant 0 : index
    %swap3A_1197 = vector.load %arg5[%swap3A_1195, %swap3A_1196] : memref<64x128xf32, #tpu.memory_space<vmem>>, vector<1x128xf32>
    tpu.vector_store %arg5[%swap3A_1195, %swap3A_1196], %add3A_1194 {strides = array<i32>} : memref<64x128xf32, #tpu.memory_space<vmem>>, vector<1x128xf32>,
    %sub3A_1198 = arith.constant 5.000000e-01 : f32
    %sub3A_1199 = vector.broadcast %sub3A_1198 : f32 to vector<104x128xf32>
    %sub3A_1200 = arith.subf %select_n3A, %sub3A_1199 : vector<104x128xf32>
    %mul3A_1201 = arith.mulf %sub3A_1200, %sub3A_1200 : vector<104x128xf32>
    %neg3A_1202 = arith.constant 0.000000e+00 : f32
    %neg3A_1203 = vector.broadcast %neg3A_1202 : f32 to vector<104x128xf32>
    %neg3A_1204 = arith.subf %neg3A_1203, %mul3A_1201 : vector<104x128xf32>
    %exp3A_1205 = math.exp %neg3A_1204 : vector<104x128xf32>
    %mul3A_1206 = arith.mulf %select_n3A_467, %exp3A_1205 : vector<104x128xf32>
    %dot_general3A_1207 = arith.constant dense<0.000000e+00> : vector<1x128xf32>
    %dot_general3A_1208 = tpu.matmul %broadcast_in_dim3A_495, %mul3A_1206, %dot_general3A_1207 {dimension_numbers = #tpu.dot_dimension_numbers<[1], [0], [0], [1], [0, 0, 1, 1], [], []>, transpose_lhs_hint = false} : vector<1x104xf32>, vector<104x128xf32>, vector<1x128xf32> -> vector<1x128xf32>
    %mul3A_1209 = arith.mulf %select_n3A_476, %exp3A_1205 : vector<104x128xf32>
    %dot_general3A_1210 = arith.constant dense<0.000000e+00> : vector<1x128xf32>
    %dot_general3A_1211 = tpu.matmul %broadcast_in_dim3A_495, %mul3A_1209, %dot_general3A_1210 {dimension_numbers = #tpu.dot_dimension_numbers<[1], [0], [0], [1], [0, 0, 1, 1], [], []>, transpose_lhs_hint = false} : vector<1x104xf32>, vector<104x128xf32>, vector<1x128xf32> -> vector<1x128xf32>
    %broadcast_in_dim3A_1212 = arith.constant 0.000000e+00 : f32
    %broadcast_in_dim3A_1213 = vector.broadcast %broadcast_in_dim3A_1212 : f32 to vector<1x1xf32>
    %slice3A_1214 = vector.extract_strided_slice %dot_general3A_1211 {offsets = [0, 0], sizes = [1, 127], strides = [1, 1]} : vector<1x128xf32> to vector<1x127xf32>
    %concatenate3A_1215 = tpu.concatenate %broadcast_in_dim3A_1213, %slice3A_1214 in 1 : vector<1x1xf32>, vector<1x127xf32> -> vector<1x128xf32>
    %add3A_1216 = arith.addf %dot_general3A_1208, %concatenate3A_1215 : vector<1x128xf32>
    %swap3A_1217 = arith.constant 32 : index
    %swap3A_1218 = arith.constant 0 : index
    %swap3A_1219 = vector.load %arg5[%swap3A_1217, %swap3A_1218] : memref<64x128xf32, #tpu.memory_space<vmem>>, vector<1x128xf32>
    tpu.vector_store %arg5[%swap3A_1217, %swap3A_1218], %add3A_1216 {strides = array<i32>} : memref<64x128xf32, #tpu.memory_space<vmem>>, vector<1x128xf32>,
    %sub3A_1220 = arith.constant 1.500000e+00 : f32
    %sub3A_1221 = vector.broadcast %sub3A_1220 : f32 to vector<104x128xf32>
    %sub3A_1222 = arith.subf %select_n3A, %sub3A_1221 : vector<104x128xf32>
    %mul3A_1223 = arith.mulf %sub3A_1222, %sub3A_1222 : vector<104x128xf32>
    %neg3A_1224 = arith.constant 0.000000e+00 : f32
    %neg3A_1225 = vector.broadcast %neg3A_1224 : f32 to vector<104x128xf32>
    %neg3A_1226 = arith.subf %neg3A_1225, %mul3A_1223 : vector<104x128xf32>
    %exp3A_1227 = math.exp %neg3A_1226 : vector<104x128xf32>
    %mul3A_1228 = arith.mulf %select_n3A_467, %exp3A_1227 : vector<104x128xf32>
    %dot_general3A_1229 = arith.constant dense<0.000000e+00> : vector<1x128xf32>
    %dot_general3A_1230 = tpu.matmul %broadcast_in_dim3A_495, %mul3A_1228, %dot_general3A_1229 {dimension_numbers = #tpu.dot_dimension_numbers<[1], [0], [0], [1], [0, 0, 1, 1], [], []>, transpose_lhs_hint = false} : vector<1x104xf32>, vector<104x128xf32>, vector<1x128xf32> -> vector<1x128xf32>
    %mul3A_1231 = arith.mulf %select_n3A_476, %exp3A_1227 : vector<104x128xf32>
    %dot_general3A_1232 = arith.constant dense<0.000000e+00> : vector<1x128xf32>
    %dot_general3A_1233 = tpu.matmul %broadcast_in_dim3A_495, %mul3A_1231, %dot_general3A_1232 {dimension_numbers = #tpu.dot_dimension_numbers<[1], [0], [0], [1], [0, 0, 1, 1], [], []>, transpose_lhs_hint = false} : vector<1x104xf32>, vector<104x128xf32>, vector<1x128xf32> -> vector<1x128xf32>
    %broadcast_in_dim3A_1234 = arith.constant 0.000000e+00 : f32
    %broadcast_in_dim3A_1235 = vector.broadcast %broadcast_in_dim3A_1234 : f32 to vector<1x1xf32>
    %slice3A_1236 = vector.extract_strided_slice %dot_general3A_1233 {offsets = [0, 0], sizes = [1, 127], strides = [1, 1]} : vector<1x128xf32> to vector<1x127xf32>
    %concatenate3A_1237 = tpu.concatenate %broadcast_in_dim3A_1235, %slice3A_1236 in 1 : vector<1x1xf32>, vector<1x127xf32> -> vector<1x128xf32>
    %add3A_1238 = arith.addf %dot_general3A_1230, %concatenate3A_1237 : vector<1x128xf32>
    %swap3A_1239 = arith.constant 33 : index
    %swap3A_1240 = arith.constant 0 : index
    %swap3A_1241 = vector.load %arg5[%swap3A_1239, %swap3A_1240] : memref<64x128xf32, #tpu.memory_space<vmem>>, vector<1x128xf32>
    tpu.vector_store %arg5[%swap3A_1239, %swap3A_1240], %add3A_1238 {strides = array<i32>} : memref<64x128xf32, #tpu.memory_space<vmem>>, vector<1x128xf32>,
    %sub3A_1242 = arith.constant 2.500000e+00 : f32
    %sub3A_1243 = vector.broadcast %sub3A_1242 : f32 to vector<104x128xf32>
    %sub3A_1244 = arith.subf %select_n3A, %sub3A_1243 : vector<104x128xf32>
    %mul3A_1245 = arith.mulf %sub3A_1244, %sub3A_1244 : vector<104x128xf32>
    %neg3A_1246 = arith.constant 0.000000e+00 : f32
    %neg3A_1247 = vector.broadcast %neg3A_1246 : f32 to vector<104x128xf32>
    %neg3A_1248 = arith.subf %neg3A_1247, %mul3A_1245 : vector<104x128xf32>
    %exp3A_1249 = math.exp %neg3A_1248 : vector<104x128xf32>
    %mul3A_1250 = arith.mulf %select_n3A_467, %exp3A_1249 : vector<104x128xf32>
    %dot_general3A_1251 = arith.constant dense<0.000000e+00> : vector<1x128xf32>
    %dot_general3A_1252 = tpu.matmul %broadcast_in_dim3A_495, %mul3A_1250, %dot_general3A_1251 {dimension_numbers = #tpu.dot_dimension_numbers<[1], [0], [0], [1], [0, 0, 1, 1], [], []>, transpose_lhs_hint = false} : vector<1x104xf32>, vector<104x128xf32>, vector<1x128xf32> -> vector<1x128xf32>
    %mul3A_1253 = arith.mulf %select_n3A_476, %exp3A_1249 : vector<104x128xf32>
    %dot_general3A_1254 = arith.constant dense<0.000000e+00> : vector<1x128xf32>
    %dot_general3A_1255 = tpu.matmul %broadcast_in_dim3A_495, %mul3A_1253, %dot_general3A_1254 {dimension_numbers = #tpu.dot_dimension_numbers<[1], [0], [0], [1], [0, 0, 1, 1], [], []>, transpose_lhs_hint = false} : vector<1x104xf32>, vector<104x128xf32>, vector<1x128xf32> -> vector<1x128xf32>
    %broadcast_in_dim3A_1256 = arith.constant 0.000000e+00 : f32
    %broadcast_in_dim3A_1257 = vector.broadcast %broadcast_in_dim3A_1256 : f32 to vector<1x1xf32>
    %slice3A_1258 = vector.extract_strided_slice %dot_general3A_1255 {offsets = [0, 0], sizes = [1, 127], strides = [1, 1]} : vector<1x128xf32> to vector<1x127xf32>
    %concatenate3A_1259 = tpu.concatenate %broadcast_in_dim3A_1257, %slice3A_1258 in 1 : vector<1x1xf32>, vector<1x127xf32> -> vector<1x128xf32>
    %add3A_1260 = arith.addf %dot_general3A_1252, %concatenate3A_1259 : vector<1x128xf32>
    %swap3A_1261 = arith.constant 34 : index
    %swap3A_1262 = arith.constant 0 : index
    %swap3A_1263 = vector.load %arg5[%swap3A_1261, %swap3A_1262] : memref<64x128xf32, #tpu.memory_space<vmem>>, vector<1x128xf32>
    tpu.vector_store %arg5[%swap3A_1261, %swap3A_1262], %add3A_1260 {strides = array<i32>} : memref<64x128xf32, #tpu.memory_space<vmem>>, vector<1x128xf32>,
    %sub3A_1264 = arith.constant 3.500000e+00 : f32
    %sub3A_1265 = vector.broadcast %sub3A_1264 : f32 to vector<104x128xf32>
    %sub3A_1266 = arith.subf %select_n3A, %sub3A_1265 : vector<104x128xf32>
    %mul3A_1267 = arith.mulf %sub3A_1266, %sub3A_1266 : vector<104x128xf32>
    %neg3A_1268 = arith.constant 0.000000e+00 : f32
    %neg3A_1269 = vector.broadcast %neg3A_1268 : f32 to vector<104x128xf32>
    %neg3A_1270 = arith.subf %neg3A_1269, %mul3A_1267 : vector<104x128xf32>
    %exp3A_1271 = math.exp %neg3A_1270 : vector<104x128xf32>
    %mul3A_1272 = arith.mulf %select_n3A_467, %exp3A_1271 : vector<104x128xf32>
    %dot_general3A_1273 = arith.constant dense<0.000000e+00> : vector<1x128xf32>
    %dot_general3A_1274 = tpu.matmul %broadcast_in_dim3A_495, %mul3A_1272, %dot_general3A_1273 {dimension_numbers = #tpu.dot_dimension_numbers<[1], [0], [0], [1], [0, 0, 1, 1], [], []>, transpose_lhs_hint = false} : vector<1x104xf32>, vector<104x128xf32>, vector<1x128xf32> -> vector<1x128xf32>
    %mul3A_1275 = arith.mulf %select_n3A_476, %exp3A_1271 : vector<104x128xf32>
    %dot_general3A_1276 = arith.constant dense<0.000000e+00> : vector<1x128xf32>
    %dot_general3A_1277 = tpu.matmul %broadcast_in_dim3A_495, %mul3A_1275, %dot_general3A_1276 {dimension_numbers = #tpu.dot_dimension_numbers<[1], [0], [0], [1], [0, 0, 1, 1], [], []>, transpose_lhs_hint = false} : vector<1x104xf32>, vector<104x128xf32>, vector<1x128xf32> -> vector<1x128xf32>
    %broadcast_in_dim3A_1278 = arith.constant 0.000000e+00 : f32
    %broadcast_in_dim3A_1279 = vector.broadcast %broadcast_in_dim3A_1278 : f32 to vector<1x1xf32>
    %slice3A_1280 = vector.extract_strided_slice %dot_general3A_1277 {offsets = [0, 0], sizes = [1, 127], strides = [1, 1]} : vector<1x128xf32> to vector<1x127xf32>
    %concatenate3A_1281 = tpu.concatenate %broadcast_in_dim3A_1279, %slice3A_1280 in 1 : vector<1x1xf32>, vector<1x127xf32> -> vector<1x128xf32>
    %add3A_1282 = arith.addf %dot_general3A_1274, %concatenate3A_1281 : vector<1x128xf32>
    %swap3A_1283 = arith.constant 35 : index
    %swap3A_1284 = arith.constant 0 : index
    %swap3A_1285 = vector.load %arg5[%swap3A_1283, %swap3A_1284] : memref<64x128xf32, #tpu.memory_space<vmem>>, vector<1x128xf32>
    tpu.vector_store %arg5[%swap3A_1283, %swap3A_1284], %add3A_1282 {strides = array<i32>} : memref<64x128xf32, #tpu.memory_space<vmem>>, vector<1x128xf32>,
    %sub3A_1286 = arith.constant 4.500000e+00 : f32
    %sub3A_1287 = vector.broadcast %sub3A_1286 : f32 to vector<104x128xf32>
    %sub3A_1288 = arith.subf %select_n3A, %sub3A_1287 : vector<104x128xf32>
    %mul3A_1289 = arith.mulf %sub3A_1288, %sub3A_1288 : vector<104x128xf32>
    %neg3A_1290 = arith.constant 0.000000e+00 : f32
    %neg3A_1291 = vector.broadcast %neg3A_1290 : f32 to vector<104x128xf32>
    %neg3A_1292 = arith.subf %neg3A_1291, %mul3A_1289 : vector<104x128xf32>
    %exp3A_1293 = math.exp %neg3A_1292 : vector<104x128xf32>
    %mul3A_1294 = arith.mulf %select_n3A_467, %exp3A_1293 : vector<104x128xf32>
    %dot_general3A_1295 = arith.constant dense<0.000000e+00> : vector<1x128xf32>
    %dot_general3A_1296 = tpu.matmul %broadcast_in_dim3A_495, %mul3A_1294, %dot_general3A_1295 {dimension_numbers = #tpu.dot_dimension_numbers<[1], [0], [0], [1], [0, 0, 1, 1], [], []>, transpose_lhs_hint = false} : vector<1x104xf32>, vector<104x128xf32>, vector<1x128xf32> -> vector<1x128xf32>
    %mul3A_1297 = arith.mulf %select_n3A_476, %exp3A_1293 : vector<104x128xf32>
    %dot_general3A_1298 = arith.constant dense<0.000000e+00> : vector<1x128xf32>
    %dot_general3A_1299 = tpu.matmul %broadcast_in_dim3A_495, %mul3A_1297, %dot_general3A_1298 {dimension_numbers = #tpu.dot_dimension_numbers<[1], [0], [0], [1], [0, 0, 1, 1], [], []>, transpose_lhs_hint = false} : vector<1x104xf32>, vector<104x128xf32>, vector<1x128xf32> -> vector<1x128xf32>
    %broadcast_in_dim3A_1300 = arith.constant 0.000000e+00 : f32
    %broadcast_in_dim3A_1301 = vector.broadcast %broadcast_in_dim3A_1300 : f32 to vector<1x1xf32>
    %slice3A_1302 = vector.extract_strided_slice %dot_general3A_1299 {offsets = [0, 0], sizes = [1, 127], strides = [1, 1]} : vector<1x128xf32> to vector<1x127xf32>
    %concatenate3A_1303 = tpu.concatenate %broadcast_in_dim3A_1301, %slice3A_1302 in 1 : vector<1x1xf32>, vector<1x127xf32> -> vector<1x128xf32>
    %add3A_1304 = arith.addf %dot_general3A_1296, %concatenate3A_1303 : vector<1x128xf32>
    %swap3A_1305 = arith.constant 36 : index
    %swap3A_1306 = arith.constant 0 : index
    %swap3A_1307 = vector.load %arg5[%swap3A_1305, %swap3A_1306] : memref<64x128xf32, #tpu.memory_space<vmem>>, vector<1x128xf32>
    tpu.vector_store %arg5[%swap3A_1305, %swap3A_1306], %add3A_1304 {strides = array<i32>} : memref<64x128xf32, #tpu.memory_space<vmem>>, vector<1x128xf32>,
    %sub3A_1308 = arith.constant 5.500000e+00 : f32
    %sub3A_1309 = vector.broadcast %sub3A_1308 : f32 to vector<104x128xf32>
    %sub3A_1310 = arith.subf %select_n3A, %sub3A_1309 : vector<104x128xf32>
    %mul3A_1311 = arith.mulf %sub3A_1310, %sub3A_1310 : vector<104x128xf32>
    %neg3A_1312 = arith.constant 0.000000e+00 : f32
    %neg3A_1313 = vector.broadcast %neg3A_1312 : f32 to vector<104x128xf32>
    %neg3A_1314 = arith.subf %neg3A_1313, %mul3A_1311 : vector<104x128xf32>
    %exp3A_1315 = math.exp %neg3A_1314 : vector<104x128xf32>
    %mul3A_1316 = arith.mulf %select_n3A_467, %exp3A_1315 : vector<104x128xf32>
    %dot_general3A_1317 = arith.constant dense<0.000000e+00> : vector<1x128xf32>
    %dot_general3A_1318 = tpu.matmul %broadcast_in_dim3A_495, %mul3A_1316, %dot_general3A_1317 {dimension_numbers = #tpu.dot_dimension_numbers<[1], [0], [0], [1], [0, 0, 1, 1], [], []>, transpose_lhs_hint = false} : vector<1x104xf32>, vector<104x128xf32>, vector<1x128xf32> -> vector<1x128xf32>
    %mul3A_1319 = arith.mulf %select_n3A_476, %exp3A_1315 : vector<104x128xf32>
    %dot_general3A_1320 = arith.constant dense<0.000000e+00> : vector<1x128xf32>
    %dot_general3A_1321 = tpu.matmul %broadcast_in_dim3A_495, %mul3A_1319, %dot_general3A_1320 {dimension_numbers = #tpu.dot_dimension_numbers<[1], [0], [0], [1], [0, 0, 1, 1], [], []>, transpose_lhs_hint = false} : vector<1x104xf32>, vector<104x128xf32>, vector<1x128xf32> -> vector<1x128xf32>
    %broadcast_in_dim3A_1322 = arith.constant 0.000000e+00 : f32
    %broadcast_in_dim3A_1323 = vector.broadcast %broadcast_in_dim3A_1322 : f32 to vector<1x1xf32>
    %slice3A_1324 = vector.extract_strided_slice %dot_general3A_1321 {offsets = [0, 0], sizes = [1, 127], strides = [1, 1]} : vector<1x128xf32> to vector<1x127xf32>
    %concatenate3A_1325 = tpu.concatenate %broadcast_in_dim3A_1323, %slice3A_1324 in 1 : vector<1x1xf32>, vector<1x127xf32> -> vector<1x128xf32>
    %add3A_1326 = arith.addf %dot_general3A_1318, %concatenate3A_1325 : vector<1x128xf32>
    %swap3A_1327 = arith.constant 37 : index
    %swap3A_1328 = arith.constant 0 : index
    %swap3A_1329 = vector.load %arg5[%swap3A_1327, %swap3A_1328] : memref<64x128xf32, #tpu.memory_space<vmem>>, vector<1x128xf32>
    tpu.vector_store %arg5[%swap3A_1327, %swap3A_1328], %add3A_1326 {strides = array<i32>} : memref<64x128xf32, #tpu.memory_space<vmem>>, vector<1x128xf32>,
    %sub3A_1330 = arith.constant 6.500000e+00 : f32
    %sub3A_1331 = vector.broadcast %sub3A_1330 : f32 to vector<104x128xf32>
    %sub3A_1332 = arith.subf %select_n3A, %sub3A_1331 : vector<104x128xf32>
    %mul3A_1333 = arith.mulf %sub3A_1332, %sub3A_1332 : vector<104x128xf32>
    %neg3A_1334 = arith.constant 0.000000e+00 : f32
    %neg3A_1335 = vector.broadcast %neg3A_1334 : f32 to vector<104x128xf32>
    %neg3A_1336 = arith.subf %neg3A_1335, %mul3A_1333 : vector<104x128xf32>
    %exp3A_1337 = math.exp %neg3A_1336 : vector<104x128xf32>
    %mul3A_1338 = arith.mulf %select_n3A_467, %exp3A_1337 : vector<104x128xf32>
    %dot_general3A_1339 = arith.constant dense<0.000000e+00> : vector<1x128xf32>
    %dot_general3A_1340 = tpu.matmul %broadcast_in_dim3A_495, %mul3A_1338, %dot_general3A_1339 {dimension_numbers = #tpu.dot_dimension_numbers<[1], [0], [0], [1], [0, 0, 1, 1], [], []>, transpose_lhs_hint = false} : vector<1x104xf32>, vector<104x128xf32>, vector<1x128xf32> -> vector<1x128xf32>
    %mul3A_1341 = arith.mulf %select_n3A_476, %exp3A_1337 : vector<104x128xf32>
    %dot_general3A_1342 = arith.constant dense<0.000000e+00> : vector<1x128xf32>
    %dot_general3A_1343 = tpu.matmul %broadcast_in_dim3A_495, %mul3A_1341, %dot_general3A_1342 {dimension_numbers = #tpu.dot_dimension_numbers<[1], [0], [0], [1], [0, 0, 1, 1], [], []>, transpose_lhs_hint = false} : vector<1x104xf32>, vector<104x128xf32>, vector<1x128xf32> -> vector<1x128xf32>
    %broadcast_in_dim3A_1344 = arith.constant 0.000000e+00 : f32
    %broadcast_in_dim3A_1345 = vector.broadcast %broadcast_in_dim3A_1344 : f32 to vector<1x1xf32>
    %slice3A_1346 = vector.extract_strided_slice %dot_general3A_1343 {offsets = [0, 0], sizes = [1, 127], strides = [1, 1]} : vector<1x128xf32> to vector<1x127xf32>
    %concatenate3A_1347 = tpu.concatenate %broadcast_in_dim3A_1345, %slice3A_1346 in 1 : vector<1x1xf32>, vector<1x127xf32> -> vector<1x128xf32>
    %add3A_1348 = arith.addf %dot_general3A_1340, %concatenate3A_1347 : vector<1x128xf32>
    %swap3A_1349 = arith.constant 38 : index
    %swap3A_1350 = arith.constant 0 : index
    %swap3A_1351 = vector.load %arg5[%swap3A_1349, %swap3A_1350] : memref<64x128xf32, #tpu.memory_space<vmem>>, vector<1x128xf32>
    tpu.vector_store %arg5[%swap3A_1349, %swap3A_1350], %add3A_1348 {strides = array<i32>} : memref<64x128xf32, #tpu.memory_space<vmem>>, vector<1x128xf32>,
    %sub3A_1352 = arith.constant 7.500000e+00 : f32
    %sub3A_1353 = vector.broadcast %sub3A_1352 : f32 to vector<104x128xf32>
    %sub3A_1354 = arith.subf %select_n3A, %sub3A_1353 : vector<104x128xf32>
    %mul3A_1355 = arith.mulf %sub3A_1354, %sub3A_1354 : vector<104x128xf32>
    %neg3A_1356 = arith.constant 0.000000e+00 : f32
    %neg3A_1357 = vector.broadcast %neg3A_1356 : f32 to vector<104x128xf32>
    %neg3A_1358 = arith.subf %neg3A_1357, %mul3A_1355 : vector<104x128xf32>
    %exp3A_1359 = math.exp %neg3A_1358 : vector<104x128xf32>
    %mul3A_1360 = arith.mulf %select_n3A_467, %exp3A_1359 : vector<104x128xf32>
    %dot_general3A_1361 = arith.constant dense<0.000000e+00> : vector<1x128xf32>
    %dot_general3A_1362 = tpu.matmul %broadcast_in_dim3A_495, %mul3A_1360, %dot_general3A_1361 {dimension_numbers = #tpu.dot_dimension_numbers<[1], [0], [0], [1], [0, 0, 1, 1], [], []>, transpose_lhs_hint = false} : vector<1x104xf32>, vector<104x128xf32>, vector<1x128xf32> -> vector<1x128xf32>
    %mul3A_1363 = arith.mulf %select_n3A_476, %exp3A_1359 : vector<104x128xf32>
    %dot_general3A_1364 = arith.constant dense<0.000000e+00> : vector<1x128xf32>
    %dot_general3A_1365 = tpu.matmul %broadcast_in_dim3A_495, %mul3A_1363, %dot_general3A_1364 {dimension_numbers = #tpu.dot_dimension_numbers<[1], [0], [0], [1], [0, 0, 1, 1], [], []>, transpose_lhs_hint = false} : vector<1x104xf32>, vector<104x128xf32>, vector<1x128xf32> -> vector<1x128xf32>
    %broadcast_in_dim3A_1366 = arith.constant 0.000000e+00 : f32
    %broadcast_in_dim3A_1367 = vector.broadcast %broadcast_in_dim3A_1366 : f32 to vector<1x1xf32>
    %slice3A_1368 = vector.extract_strided_slice %dot_general3A_1365 {offsets = [0, 0], sizes = [1, 127], strides = [1, 1]} : vector<1x128xf32> to vector<1x127xf32>
    %concatenate3A_1369 = tpu.concatenate %broadcast_in_dim3A_1367, %slice3A_1368 in 1 : vector<1x1xf32>, vector<1x127xf32> -> vector<1x128xf32>
    %add3A_1370 = arith.addf %dot_general3A_1362, %concatenate3A_1369 : vector<1x128xf32>
    %swap3A_1371 = arith.constant 39 : index
    %swap3A_1372 = arith.constant 0 : index
    %swap3A_1373 = vector.load %arg5[%swap3A_1371, %swap3A_1372] : memref<64x128xf32, #tpu.memory_space<vmem>>, vector<1x128xf32>
    tpu.vector_store %arg5[%swap3A_1371, %swap3A_1372], %add3A_1370 {strides = array<i32>} : memref<64x128xf32, #tpu.memory_space<vmem>>, vector<1x128xf32>,
    %sub3A_1374 = arith.constant 8.500000e+00 : f32
    %sub3A_1375 = vector.broadcast %sub3A_1374 : f32 to vector<104x128xf32>
    %sub3A_1376 = arith.subf %select_n3A, %sub3A_1375 : vector<104x128xf32>
    %mul3A_1377 = arith.mulf %sub3A_1376, %sub3A_1376 : vector<104x128xf32>
    %neg3A_1378 = arith.constant 0.000000e+00 : f32
    %neg3A_1379 = vector.broadcast %neg3A_1378 : f32 to vector<104x128xf32>
    %neg3A_1380 = arith.subf %neg3A_1379, %mul3A_1377 : vector<104x128xf32>
    %exp3A_1381 = math.exp %neg3A_1380 : vector<104x128xf32>
    %mul3A_1382 = arith.mulf %select_n3A_467, %exp3A_1381 : vector<104x128xf32>
    %dot_general3A_1383 = arith.constant dense<0.000000e+00> : vector<1x128xf32>
    %dot_general3A_1384 = tpu.matmul %broadcast_in_dim3A_495, %mul3A_1382, %dot_general3A_1383 {dimension_numbers = #tpu.dot_dimension_numbers<[1], [0], [0], [1], [0, 0, 1, 1], [], []>, transpose_lhs_hint = false} : vector<1x104xf32>, vector<104x128xf32>, vector<1x128xf32> -> vector<1x128xf32>
    %mul3A_1385 = arith.mulf %select_n3A_476, %exp3A_1381 : vector<104x128xf32>
    %dot_general3A_1386 = arith.constant dense<0.000000e+00> : vector<1x128xf32>
    %dot_general3A_1387 = tpu.matmul %broadcast_in_dim3A_495, %mul3A_1385, %dot_general3A_1386 {dimension_numbers = #tpu.dot_dimension_numbers<[1], [0], [0], [1], [0, 0, 1, 1], [], []>, transpose_lhs_hint = false} : vector<1x104xf32>, vector<104x128xf32>, vector<1x128xf32> -> vector<1x128xf32>
    %broadcast_in_dim3A_1388 = arith.constant 0.000000e+00 : f32
    %broadcast_in_dim3A_1389 = vector.broadcast %broadcast_in_dim3A_1388 : f32 to vector<1x1xf32>
    %slice3A_1390 = vector.extract_strided_slice %dot_general3A_1387 {offsets = [0, 0], sizes = [1, 127], strides = [1, 1]} : vector<1x128xf32> to vector<1x127xf32>
    %concatenate3A_1391 = tpu.concatenate %broadcast_in_dim3A_1389, %slice3A_1390 in 1 : vector<1x1xf32>, vector<1x127xf32> -> vector<1x128xf32>
    %add3A_1392 = arith.addf %dot_general3A_1384, %concatenate3A_1391 : vector<1x128xf32>
    %swap3A_1393 = arith.constant 40 : index
    %swap3A_1394 = arith.constant 0 : index
    %swap3A_1395 = vector.load %arg5[%swap3A_1393, %swap3A_1394] : memref<64x128xf32, #tpu.memory_space<vmem>>, vector<1x128xf32>
    tpu.vector_store %arg5[%swap3A_1393, %swap3A_1394], %add3A_1392 {strides = array<i32>} : memref<64x128xf32, #tpu.memory_space<vmem>>, vector<1x128xf32>,
    %sub3A_1396 = arith.constant 9.500000e+00 : f32
    %sub3A_1397 = vector.broadcast %sub3A_1396 : f32 to vector<104x128xf32>
    %sub3A_1398 = arith.subf %select_n3A, %sub3A_1397 : vector<104x128xf32>
    %mul3A_1399 = arith.mulf %sub3A_1398, %sub3A_1398 : vector<104x128xf32>
    %neg3A_1400 = arith.constant 0.000000e+00 : f32
    %neg3A_1401 = vector.broadcast %neg3A_1400 : f32 to vector<104x128xf32>
    %neg3A_1402 = arith.subf %neg3A_1401, %mul3A_1399 : vector<104x128xf32>
    %exp3A_1403 = math.exp %neg3A_1402 : vector<104x128xf32>
    %mul3A_1404 = arith.mulf %select_n3A_467, %exp3A_1403 : vector<104x128xf32>
    %dot_general3A_1405 = arith.constant dense<0.000000e+00> : vector<1x128xf32>
    %dot_general3A_1406 = tpu.matmul %broadcast_in_dim3A_495, %mul3A_1404, %dot_general3A_1405 {dimension_numbers = #tpu.dot_dimension_numbers<[1], [0], [0], [1], [0, 0, 1, 1], [], []>, transpose_lhs_hint = false} : vector<1x104xf32>, vector<104x128xf32>, vector<1x128xf32> -> vector<1x128xf32>
    %mul3A_1407 = arith.mulf %select_n3A_476, %exp3A_1403 : vector<104x128xf32>
    %dot_general3A_1408 = arith.constant dense<0.000000e+00> : vector<1x128xf32>
    %dot_general3A_1409 = tpu.matmul %broadcast_in_dim3A_495, %mul3A_1407, %dot_general3A_1408 {dimension_numbers = #tpu.dot_dimension_numbers<[1], [0], [0], [1], [0, 0, 1, 1], [], []>, transpose_lhs_hint = false} : vector<1x104xf32>, vector<104x128xf32>, vector<1x128xf32> -> vector<1x128xf32>
    %broadcast_in_dim3A_1410 = arith.constant 0.000000e+00 : f32
    %broadcast_in_dim3A_1411 = vector.broadcast %broadcast_in_dim3A_1410 : f32 to vector<1x1xf32>
    %slice3A_1412 = vector.extract_strided_slice %dot_general3A_1409 {offsets = [0, 0], sizes = [1, 127], strides = [1, 1]} : vector<1x128xf32> to vector<1x127xf32>
    %concatenate3A_1413 = tpu.concatenate %broadcast_in_dim3A_1411, %slice3A_1412 in 1 : vector<1x1xf32>, vector<1x127xf32> -> vector<1x128xf32>
    %add3A_1414 = arith.addf %dot_general3A_1406, %concatenate3A_1413 : vector<1x128xf32>
    %swap3A_1415 = arith.constant 41 : index
    %swap3A_1416 = arith.constant 0 : index
    %swap3A_1417 = vector.load %arg5[%swap3A_1415, %swap3A_1416] : memref<64x128xf32, #tpu.memory_space<vmem>>, vector<1x128xf32>
    tpu.vector_store %arg5[%swap3A_1415, %swap3A_1416], %add3A_1414 {strides = array<i32>} : memref<64x128xf32, #tpu.memory_space<vmem>>, vector<1x128xf32>,
    %sub3A_1418 = arith.constant 1.050000e+01 : f32
    %sub3A_1419 = vector.broadcast %sub3A_1418 : f32 to vector<104x128xf32>
    %sub3A_1420 = arith.subf %select_n3A, %sub3A_1419 : vector<104x128xf32>
    %mul3A_1421 = arith.mulf %sub3A_1420, %sub3A_1420 : vector<104x128xf32>
    %neg3A_1422 = arith.constant 0.000000e+00 : f32
    %neg3A_1423 = vector.broadcast %neg3A_1422 : f32 to vector<104x128xf32>
    %neg3A_1424 = arith.subf %neg3A_1423, %mul3A_1421 : vector<104x128xf32>
    %exp3A_1425 = math.exp %neg3A_1424 : vector<104x128xf32>
    %mul3A_1426 = arith.mulf %select_n3A_467, %exp3A_1425 : vector<104x128xf32>
    %dot_general3A_1427 = arith.constant dense<0.000000e+00> : vector<1x128xf32>
    %dot_general3A_1428 = tpu.matmul %broadcast_in_dim3A_495, %mul3A_1426, %dot_general3A_1427 {dimension_numbers = #tpu.dot_dimension_numbers<[1], [0], [0], [1], [0, 0, 1, 1], [], []>, transpose_lhs_hint = false} : vector<1x104xf32>, vector<104x128xf32>, vector<1x128xf32> -> vector<1x128xf32>
    %mul3A_1429 = arith.mulf %select_n3A_476, %exp3A_1425 : vector<104x128xf32>
    %dot_general3A_1430 = arith.constant dense<0.000000e+00> : vector<1x128xf32>
    %dot_general3A_1431 = tpu.matmul %broadcast_in_dim3A_495, %mul3A_1429, %dot_general3A_1430 {dimension_numbers = #tpu.dot_dimension_numbers<[1], [0], [0], [1], [0, 0, 1, 1], [], []>, transpose_lhs_hint = false} : vector<1x104xf32>, vector<104x128xf32>, vector<1x128xf32> -> vector<1x128xf32>
    %broadcast_in_dim3A_1432 = arith.constant 0.000000e+00 : f32
    %broadcast_in_dim3A_1433 = vector.broadcast %broadcast_in_dim3A_1432 : f32 to vector<1x1xf32>
    %slice3A_1434 = vector.extract_strided_slice %dot_general3A_1431 {offsets = [0, 0], sizes = [1, 127], strides = [1, 1]} : vector<1x128xf32> to vector<1x127xf32>
    %concatenate3A_1435 = tpu.concatenate %broadcast_in_dim3A_1433, %slice3A_1434 in 1 : vector<1x1xf32>, vector<1x127xf32> -> vector<1x128xf32>
    %add3A_1436 = arith.addf %dot_general3A_1428, %concatenate3A_1435 : vector<1x128xf32>
    %swap3A_1437 = arith.constant 42 : index
    %swap3A_1438 = arith.constant 0 : index
    %swap3A_1439 = vector.load %arg5[%swap3A_1437, %swap3A_1438] : memref<64x128xf32, #tpu.memory_space<vmem>>, vector<1x128xf32>
    tpu.vector_store %arg5[%swap3A_1437, %swap3A_1438], %add3A_1436 {strides = array<i32>} : memref<64x128xf32, #tpu.memory_space<vmem>>, vector<1x128xf32>,
    %sub3A_1440 = arith.constant 1.150000e+01 : f32
    %sub3A_1441 = vector.broadcast %sub3A_1440 : f32 to vector<104x128xf32>
    %sub3A_1442 = arith.subf %select_n3A, %sub3A_1441 : vector<104x128xf32>
    %mul3A_1443 = arith.mulf %sub3A_1442, %sub3A_1442 : vector<104x128xf32>
    %neg3A_1444 = arith.constant 0.000000e+00 : f32
    %neg3A_1445 = vector.broadcast %neg3A_1444 : f32 to vector<104x128xf32>
    %neg3A_1446 = arith.subf %neg3A_1445, %mul3A_1443 : vector<104x128xf32>
    %exp3A_1447 = math.exp %neg3A_1446 : vector<104x128xf32>
    %mul3A_1448 = arith.mulf %select_n3A_467, %exp3A_1447 : vector<104x128xf32>
    %dot_general3A_1449 = arith.constant dense<0.000000e+00> : vector<1x128xf32>
    %dot_general3A_1450 = tpu.matmul %broadcast_in_dim3A_495, %mul3A_1448, %dot_general3A_1449 {dimension_numbers = #tpu.dot_dimension_numbers<[1], [0], [0], [1], [0, 0, 1, 1], [], []>, transpose_lhs_hint = false} : vector<1x104xf32>, vector<104x128xf32>, vector<1x128xf32> -> vector<1x128xf32>
    %mul3A_1451 = arith.mulf %select_n3A_476, %exp3A_1447 : vector<104x128xf32>
    %dot_general3A_1452 = arith.constant dense<0.000000e+00> : vector<1x128xf32>
    %dot_general3A_1453 = tpu.matmul %broadcast_in_dim3A_495, %mul3A_1451, %dot_general3A_1452 {dimension_numbers = #tpu.dot_dimension_numbers<[1], [0], [0], [1], [0, 0, 1, 1], [], []>, transpose_lhs_hint = false} : vector<1x104xf32>, vector<104x128xf32>, vector<1x128xf32> -> vector<1x128xf32>
    %broadcast_in_dim3A_1454 = arith.constant 0.000000e+00 : f32
    %broadcast_in_dim3A_1455 = vector.broadcast %broadcast_in_dim3A_1454 : f32 to vector<1x1xf32>
    %slice3A_1456 = vector.extract_strided_slice %dot_general3A_1453 {offsets = [0, 0], sizes = [1, 127], strides = [1, 1]} : vector<1x128xf32> to vector<1x127xf32>
    %concatenate3A_1457 = tpu.concatenate %broadcast_in_dim3A_1455, %slice3A_1456 in 1 : vector<1x1xf32>, vector<1x127xf32> -> vector<1x128xf32>
    %add3A_1458 = arith.addf %dot_general3A_1450, %concatenate3A_1457 : vector<1x128xf32>
    %swap3A_1459 = arith.constant 43 : index
    %swap3A_1460 = arith.constant 0 : index
    %swap3A_1461 = vector.load %arg5[%swap3A_1459, %swap3A_1460] : memref<64x128xf32, #tpu.memory_space<vmem>>, vector<1x128xf32>
    tpu.vector_store %arg5[%swap3A_1459, %swap3A_1460], %add3A_1458 {strides = array<i32>} : memref<64x128xf32, #tpu.memory_space<vmem>>, vector<1x128xf32>,
    %sub3A_1462 = arith.constant 1.250000e+01 : f32
    %sub3A_1463 = vector.broadcast %sub3A_1462 : f32 to vector<104x128xf32>
    %sub3A_1464 = arith.subf %select_n3A, %sub3A_1463 : vector<104x128xf32>
    %mul3A_1465 = arith.mulf %sub3A_1464, %sub3A_1464 : vector<104x128xf32>
    %neg3A_1466 = arith.constant 0.000000e+00 : f32
    %neg3A_1467 = vector.broadcast %neg3A_1466 : f32 to vector<104x128xf32>
    %neg3A_1468 = arith.subf %neg3A_1467, %mul3A_1465 : vector<104x128xf32>
    %exp3A_1469 = math.exp %neg3A_1468 : vector<104x128xf32>
    %mul3A_1470 = arith.mulf %select_n3A_467, %exp3A_1469 : vector<104x128xf32>
    %dot_general3A_1471 = arith.constant dense<0.000000e+00> : vector<1x128xf32>
    %dot_general3A_1472 = tpu.matmul %broadcast_in_dim3A_495, %mul3A_1470, %dot_general3A_1471 {dimension_numbers = #tpu.dot_dimension_numbers<[1], [0], [0], [1], [0, 0, 1, 1], [], []>, transpose_lhs_hint = false} : vector<1x104xf32>, vector<104x128xf32>, vector<1x128xf32> -> vector<1x128xf32>
    %mul3A_1473 = arith.mulf %select_n3A_476, %exp3A_1469 : vector<104x128xf32>
    %dot_general3A_1474 = arith.constant dense<0.000000e+00> : vector<1x128xf32>
    %dot_general3A_1475 = tpu.matmul %broadcast_in_dim3A_495, %mul3A_1473, %dot_general3A_1474 {dimension_numbers = #tpu.dot_dimension_numbers<[1], [0], [0], [1], [0, 0, 1, 1], [], []>, transpose_lhs_hint = false} : vector<1x104xf32>, vector<104x128xf32>, vector<1x128xf32> -> vector<1x128xf32>
    %broadcast_in_dim3A_1476 = arith.constant 0.000000e+00 : f32
    %broadcast_in_dim3A_1477 = vector.broadcast %broadcast_in_dim3A_1476 : f32 to vector<1x1xf32>
    %slice3A_1478 = vector.extract_strided_slice %dot_general3A_1475 {offsets = [0, 0], sizes = [1, 127], strides = [1, 1]} : vector<1x128xf32> to vector<1x127xf32>
    %concatenate3A_1479 = tpu.concatenate %broadcast_in_dim3A_1477, %slice3A_1478 in 1 : vector<1x1xf32>, vector<1x127xf32> -> vector<1x128xf32>
    %add3A_1480 = arith.addf %dot_general3A_1472, %concatenate3A_1479 : vector<1x128xf32>
    %swap3A_1481 = arith.constant 44 : index
    %swap3A_1482 = arith.constant 0 : index
    %swap3A_1483 = vector.load %arg5[%swap3A_1481, %swap3A_1482] : memref<64x128xf32, #tpu.memory_space<vmem>>, vector<1x128xf32>
    tpu.vector_store %arg5[%swap3A_1481, %swap3A_1482], %add3A_1480 {strides = array<i32>} : memref<64x128xf32, #tpu.memory_space<vmem>>, vector<1x128xf32>,
    %sub3A_1484 = arith.constant 1.350000e+01 : f32
    %sub3A_1485 = vector.broadcast %sub3A_1484 : f32 to vector<104x128xf32>
    %sub3A_1486 = arith.subf %select_n3A, %sub3A_1485 : vector<104x128xf32>
    %mul3A_1487 = arith.mulf %sub3A_1486, %sub3A_1486 : vector<104x128xf32>
    %neg3A_1488 = arith.constant 0.000000e+00 : f32
    %neg3A_1489 = vector.broadcast %neg3A_1488 : f32 to vector<104x128xf32>
    %neg3A_1490 = arith.subf %neg3A_1489, %mul3A_1487 : vector<104x128xf32>
    %exp3A_1491 = math.exp %neg3A_1490 : vector<104x128xf32>
    %mul3A_1492 = arith.mulf %select_n3A_467, %exp3A_1491 : vector<104x128xf32>
    %dot_general3A_1493 = arith.constant dense<0.000000e+00> : vector<1x128xf32>
    %dot_general3A_1494 = tpu.matmul %broadcast_in_dim3A_495, %mul3A_1492, %dot_general3A_1493 {dimension_numbers = #tpu.dot_dimension_numbers<[1], [0], [0], [1], [0, 0, 1, 1], [], []>, transpose_lhs_hint = false} : vector<1x104xf32>, vector<104x128xf32>, vector<1x128xf32> -> vector<1x128xf32>
    %mul3A_1495 = arith.mulf %select_n3A_476, %exp3A_1491 : vector<104x128xf32>
    %dot_general3A_1496 = arith.constant dense<0.000000e+00> : vector<1x128xf32>
    %dot_general3A_1497 = tpu.matmul %broadcast_in_dim3A_495, %mul3A_1495, %dot_general3A_1496 {dimension_numbers = #tpu.dot_dimension_numbers<[1], [0], [0], [1], [0, 0, 1, 1], [], []>, transpose_lhs_hint = false} : vector<1x104xf32>, vector<104x128xf32>, vector<1x128xf32> -> vector<1x128xf32>
    %broadcast_in_dim3A_1498 = arith.constant 0.000000e+00 : f32
    %broadcast_in_dim3A_1499 = vector.broadcast %broadcast_in_dim3A_1498 : f32 to vector<1x1xf32>
    %slice3A_1500 = vector.extract_strided_slice %dot_general3A_1497 {offsets = [0, 0], sizes = [1, 127], strides = [1, 1]} : vector<1x128xf32> to vector<1x127xf32>
    %concatenate3A_1501 = tpu.concatenate %broadcast_in_dim3A_1499, %slice3A_1500 in 1 : vector<1x1xf32>, vector<1x127xf32> -> vector<1x128xf32>
    %add3A_1502 = arith.addf %dot_general3A_1494, %concatenate3A_1501 : vector<1x128xf32>
    %swap3A_1503 = arith.constant 45 : index
    %swap3A_1504 = arith.constant 0 : index
    %swap3A_1505 = vector.load %arg5[%swap3A_1503, %swap3A_1504] : memref<64x128xf32, #tpu.memory_space<vmem>>, vector<1x128xf32>
    tpu.vector_store %arg5[%swap3A_1503, %swap3A_1504], %add3A_1502 {strides = array<i32>} : memref<64x128xf32, #tpu.memory_space<vmem>>, vector<1x128xf32>,
    %sub3A_1506 = arith.constant 1.450000e+01 : f32
    %sub3A_1507 = vector.broadcast %sub3A_1506 : f32 to vector<104x128xf32>
    %sub3A_1508 = arith.subf %select_n3A, %sub3A_1507 : vector<104x128xf32>
    %mul3A_1509 = arith.mulf %sub3A_1508, %sub3A_1508 : vector<104x128xf32>
    %neg3A_1510 = arith.constant 0.000000e+00 : f32
    %neg3A_1511 = vector.broadcast %neg3A_1510 : f32 to vector<104x128xf32>
    %neg3A_1512 = arith.subf %neg3A_1511, %mul3A_1509 : vector<104x128xf32>
    %exp3A_1513 = math.exp %neg3A_1512 : vector<104x128xf32>
    %mul3A_1514 = arith.mulf %select_n3A_467, %exp3A_1513 : vector<104x128xf32>
    %dot_general3A_1515 = arith.constant dense<0.000000e+00> : vector<1x128xf32>
    %dot_general3A_1516 = tpu.matmul %broadcast_in_dim3A_495, %mul3A_1514, %dot_general3A_1515 {dimension_numbers = #tpu.dot_dimension_numbers<[1], [0], [0], [1], [0, 0, 1, 1], [], []>, transpose_lhs_hint = false} : vector<1x104xf32>, vector<104x128xf32>, vector<1x128xf32> -> vector<1x128xf32>
    %mul3A_1517 = arith.mulf %select_n3A_476, %exp3A_1513 : vector<104x128xf32>
    %dot_general3A_1518 = arith.constant dense<0.000000e+00> : vector<1x128xf32>
    %dot_general3A_1519 = tpu.matmul %broadcast_in_dim3A_495, %mul3A_1517, %dot_general3A_1518 {dimension_numbers = #tpu.dot_dimension_numbers<[1], [0], [0], [1], [0, 0, 1, 1], [], []>, transpose_lhs_hint = false} : vector<1x104xf32>, vector<104x128xf32>, vector<1x128xf32> -> vector<1x128xf32>
    %broadcast_in_dim3A_1520 = arith.constant 0.000000e+00 : f32
    %broadcast_in_dim3A_1521 = vector.broadcast %broadcast_in_dim3A_1520 : f32 to vector<1x1xf32>
    %slice3A_1522 = vector.extract_strided_slice %dot_general3A_1519 {offsets = [0, 0], sizes = [1, 127], strides = [1, 1]} : vector<1x128xf32> to vector<1x127xf32>
    %concatenate3A_1523 = tpu.concatenate %broadcast_in_dim3A_1521, %slice3A_1522 in 1 : vector<1x1xf32>, vector<1x127xf32> -> vector<1x128xf32>
    %add3A_1524 = arith.addf %dot_general3A_1516, %concatenate3A_1523 : vector<1x128xf32>
    %swap3A_1525 = arith.constant 46 : index
    %swap3A_1526 = arith.constant 0 : index
    %swap3A_1527 = vector.load %arg5[%swap3A_1525, %swap3A_1526] : memref<64x128xf32, #tpu.memory_space<vmem>>, vector<1x128xf32>
    tpu.vector_store %arg5[%swap3A_1525, %swap3A_1526], %add3A_1524 {strides = array<i32>} : memref<64x128xf32, #tpu.memory_space<vmem>>, vector<1x128xf32>,
    %sub3A_1528 = arith.constant 1.550000e+01 : f32
    %sub3A_1529 = vector.broadcast %sub3A_1528 : f32 to vector<104x128xf32>
    %sub3A_1530 = arith.subf %select_n3A, %sub3A_1529 : vector<104x128xf32>
    %mul3A_1531 = arith.mulf %sub3A_1530, %sub3A_1530 : vector<104x128xf32>
    %neg3A_1532 = arith.constant 0.000000e+00 : f32
    %neg3A_1533 = vector.broadcast %neg3A_1532 : f32 to vector<104x128xf32>
    %neg3A_1534 = arith.subf %neg3A_1533, %mul3A_1531 : vector<104x128xf32>
    %exp3A_1535 = math.exp %neg3A_1534 : vector<104x128xf32>
    %mul3A_1536 = arith.mulf %select_n3A_467, %exp3A_1535 : vector<104x128xf32>
    %dot_general3A_1537 = arith.constant dense<0.000000e+00> : vector<1x128xf32>
    %dot_general3A_1538 = tpu.matmul %broadcast_in_dim3A_495, %mul3A_1536, %dot_general3A_1537 {dimension_numbers = #tpu.dot_dimension_numbers<[1], [0], [0], [1], [0, 0, 1, 1], [], []>, transpose_lhs_hint = false} : vector<1x104xf32>, vector<104x128xf32>, vector<1x128xf32> -> vector<1x128xf32>
    %mul3A_1539 = arith.mulf %select_n3A_476, %exp3A_1535 : vector<104x128xf32>
    %dot_general3A_1540 = arith.constant dense<0.000000e+00> : vector<1x128xf32>
    %dot_general3A_1541 = tpu.matmul %broadcast_in_dim3A_495, %mul3A_1539, %dot_general3A_1540 {dimension_numbers = #tpu.dot_dimension_numbers<[1], [0], [0], [1], [0, 0, 1, 1], [], []>, transpose_lhs_hint = false} : vector<1x104xf32>, vector<104x128xf32>, vector<1x128xf32> -> vector<1x128xf32>
    %broadcast_in_dim3A_1542 = arith.constant 0.000000e+00 : f32
    %broadcast_in_dim3A_1543 = vector.broadcast %broadcast_in_dim3A_1542 : f32 to vector<1x1xf32>
    %slice3A_1544 = vector.extract_strided_slice %dot_general3A_1541 {offsets = [0, 0], sizes = [1, 127], strides = [1, 1]} : vector<1x128xf32> to vector<1x127xf32>
    %concatenate3A_1545 = tpu.concatenate %broadcast_in_dim3A_1543, %slice3A_1544 in 1 : vector<1x1xf32>, vector<1x127xf32> -> vector<1x128xf32>
    %add3A_1546 = arith.addf %dot_general3A_1538, %concatenate3A_1545 : vector<1x128xf32>
    %swap3A_1547 = arith.constant 47 : index
    %swap3A_1548 = arith.constant 0 : index
    %swap3A_1549 = vector.load %arg5[%swap3A_1547, %swap3A_1548] : memref<64x128xf32, #tpu.memory_space<vmem>>, vector<1x128xf32>
    tpu.vector_store %arg5[%swap3A_1547, %swap3A_1548], %add3A_1546 {strides = array<i32>} : memref<64x128xf32, #tpu.memory_space<vmem>>, vector<1x128xf32>,
    %sub3A_1550 = arith.constant 1.650000e+01 : f32
    %sub3A_1551 = vector.broadcast %sub3A_1550 : f32 to vector<104x128xf32>
    %sub3A_1552 = arith.subf %select_n3A, %sub3A_1551 : vector<104x128xf32>
    %mul3A_1553 = arith.mulf %sub3A_1552, %sub3A_1552 : vector<104x128xf32>
    %neg3A_1554 = arith.constant 0.000000e+00 : f32
    %neg3A_1555 = vector.broadcast %neg3A_1554 : f32 to vector<104x128xf32>
    %neg3A_1556 = arith.subf %neg3A_1555, %mul3A_1553 : vector<104x128xf32>
    %exp3A_1557 = math.exp %neg3A_1556 : vector<104x128xf32>
    %mul3A_1558 = arith.mulf %select_n3A_467, %exp3A_1557 : vector<104x128xf32>
    %dot_general3A_1559 = arith.constant dense<0.000000e+00> : vector<1x128xf32>
    %dot_general3A_1560 = tpu.matmul %broadcast_in_dim3A_495, %mul3A_1558, %dot_general3A_1559 {dimension_numbers = #tpu.dot_dimension_numbers<[1], [0], [0], [1], [0, 0, 1, 1], [], []>, transpose_lhs_hint = false} : vector<1x104xf32>, vector<104x128xf32>, vector<1x128xf32> -> vector<1x128xf32>
    %mul3A_1561 = arith.mulf %select_n3A_476, %exp3A_1557 : vector<104x128xf32>
    %dot_general3A_1562 = arith.constant dense<0.000000e+00> : vector<1x128xf32>
    %dot_general3A_1563 = tpu.matmul %broadcast_in_dim3A_495, %mul3A_1561, %dot_general3A_1562 {dimension_numbers = #tpu.dot_dimension_numbers<[1], [0], [0], [1], [0, 0, 1, 1], [], []>, transpose_lhs_hint = false} : vector<1x104xf32>, vector<104x128xf32>, vector<1x128xf32> -> vector<1x128xf32>
    %broadcast_in_dim3A_1564 = arith.constant 0.000000e+00 : f32
    %broadcast_in_dim3A_1565 = vector.broadcast %broadcast_in_dim3A_1564 : f32 to vector<1x1xf32>
    %slice3A_1566 = vector.extract_strided_slice %dot_general3A_1563 {offsets = [0, 0], sizes = [1, 127], strides = [1, 1]} : vector<1x128xf32> to vector<1x127xf32>
    %concatenate3A_1567 = tpu.concatenate %broadcast_in_dim3A_1565, %slice3A_1566 in 1 : vector<1x1xf32>, vector<1x127xf32> -> vector<1x128xf32>
    %add3A_1568 = arith.addf %dot_general3A_1560, %concatenate3A_1567 : vector<1x128xf32>
    %swap3A_1569 = arith.constant 48 : index
    %swap3A_1570 = arith.constant 0 : index
    %swap3A_1571 = vector.load %arg5[%swap3A_1569, %swap3A_1570] : memref<64x128xf32, #tpu.memory_space<vmem>>, vector<1x128xf32>
    tpu.vector_store %arg5[%swap3A_1569, %swap3A_1570], %add3A_1568 {strides = array<i32>} : memref<64x128xf32, #tpu.memory_space<vmem>>, vector<1x128xf32>,
    %sub3A_1572 = arith.constant 1.750000e+01 : f32
    %sub3A_1573 = vector.broadcast %sub3A_1572 : f32 to vector<104x128xf32>
    %sub3A_1574 = arith.subf %select_n3A, %sub3A_1573 : vector<104x128xf32>
    %mul3A_1575 = arith.mulf %sub3A_1574, %sub3A_1574 : vector<104x128xf32>
    %neg3A_1576 = arith.constant 0.000000e+00 : f32
    %neg3A_1577 = vector.broadcast %neg3A_1576 : f32 to vector<104x128xf32>
    %neg3A_1578 = arith.subf %neg3A_1577, %mul3A_1575 : vector<104x128xf32>
    %exp3A_1579 = math.exp %neg3A_1578 : vector<104x128xf32>
    %mul3A_1580 = arith.mulf %select_n3A_467, %exp3A_1579 : vector<104x128xf32>
    %dot_general3A_1581 = arith.constant dense<0.000000e+00> : vector<1x128xf32>
    %dot_general3A_1582 = tpu.matmul %broadcast_in_dim3A_495, %mul3A_1580, %dot_general3A_1581 {dimension_numbers = #tpu.dot_dimension_numbers<[1], [0], [0], [1], [0, 0, 1, 1], [], []>, transpose_lhs_hint = false} : vector<1x104xf32>, vector<104x128xf32>, vector<1x128xf32> -> vector<1x128xf32>
    %mul3A_1583 = arith.mulf %select_n3A_476, %exp3A_1579 : vector<104x128xf32>
    %dot_general3A_1584 = arith.constant dense<0.000000e+00> : vector<1x128xf32>
    %dot_general3A_1585 = tpu.matmul %broadcast_in_dim3A_495, %mul3A_1583, %dot_general3A_1584 {dimension_numbers = #tpu.dot_dimension_numbers<[1], [0], [0], [1], [0, 0, 1, 1], [], []>, transpose_lhs_hint = false} : vector<1x104xf32>, vector<104x128xf32>, vector<1x128xf32> -> vector<1x128xf32>
    %broadcast_in_dim3A_1586 = arith.constant 0.000000e+00 : f32
    %broadcast_in_dim3A_1587 = vector.broadcast %broadcast_in_dim3A_1586 : f32 to vector<1x1xf32>
    %slice3A_1588 = vector.extract_strided_slice %dot_general3A_1585 {offsets = [0, 0], sizes = [1, 127], strides = [1, 1]} : vector<1x128xf32> to vector<1x127xf32>
    %concatenate3A_1589 = tpu.concatenate %broadcast_in_dim3A_1587, %slice3A_1588 in 1 : vector<1x1xf32>, vector<1x127xf32> -> vector<1x128xf32>
    %add3A_1590 = arith.addf %dot_general3A_1582, %concatenate3A_1589 : vector<1x128xf32>
    %swap3A_1591 = arith.constant 49 : index
    %swap3A_1592 = arith.constant 0 : index
    %swap3A_1593 = vector.load %arg5[%swap3A_1591, %swap3A_1592] : memref<64x128xf32, #tpu.memory_space<vmem>>, vector<1x128xf32>
    tpu.vector_store %arg5[%swap3A_1591, %swap3A_1592], %add3A_1590 {strides = array<i32>} : memref<64x128xf32, #tpu.memory_space<vmem>>, vector<1x128xf32>,
    %sub3A_1594 = arith.constant 1.850000e+01 : f32
    %sub3A_1595 = vector.broadcast %sub3A_1594 : f32 to vector<104x128xf32>
    %sub3A_1596 = arith.subf %select_n3A, %sub3A_1595 : vector<104x128xf32>
    %mul3A_1597 = arith.mulf %sub3A_1596, %sub3A_1596 : vector<104x128xf32>
    %neg3A_1598 = arith.constant 0.000000e+00 : f32
    %neg3A_1599 = vector.broadcast %neg3A_1598 : f32 to vector<104x128xf32>
    %neg3A_1600 = arith.subf %neg3A_1599, %mul3A_1597 : vector<104x128xf32>
    %exp3A_1601 = math.exp %neg3A_1600 : vector<104x128xf32>
    %mul3A_1602 = arith.mulf %select_n3A_467, %exp3A_1601 : vector<104x128xf32>
    %dot_general3A_1603 = arith.constant dense<0.000000e+00> : vector<1x128xf32>
    %dot_general3A_1604 = tpu.matmul %broadcast_in_dim3A_495, %mul3A_1602, %dot_general3A_1603 {dimension_numbers = #tpu.dot_dimension_numbers<[1], [0], [0], [1], [0, 0, 1, 1], [], []>, transpose_lhs_hint = false} : vector<1x104xf32>, vector<104x128xf32>, vector<1x128xf32> -> vector<1x128xf32>
    %mul3A_1605 = arith.mulf %select_n3A_476, %exp3A_1601 : vector<104x128xf32>
    %dot_general3A_1606 = arith.constant dense<0.000000e+00> : vector<1x128xf32>
    %dot_general3A_1607 = tpu.matmul %broadcast_in_dim3A_495, %mul3A_1605, %dot_general3A_1606 {dimension_numbers = #tpu.dot_dimension_numbers<[1], [0], [0], [1], [0, 0, 1, 1], [], []>, transpose_lhs_hint = false} : vector<1x104xf32>, vector<104x128xf32>, vector<1x128xf32> -> vector<1x128xf32>
    %broadcast_in_dim3A_1608 = arith.constant 0.000000e+00 : f32
    %broadcast_in_dim3A_1609 = vector.broadcast %broadcast_in_dim3A_1608 : f32 to vector<1x1xf32>
    %slice3A_1610 = vector.extract_strided_slice %dot_general3A_1607 {offsets = [0, 0], sizes = [1, 127], strides = [1, 1]} : vector<1x128xf32> to vector<1x127xf32>
    %concatenate3A_1611 = tpu.concatenate %broadcast_in_dim3A_1609, %slice3A_1610 in 1 : vector<1x1xf32>, vector<1x127xf32> -> vector<1x128xf32>
    %add3A_1612 = arith.addf %dot_general3A_1604, %concatenate3A_1611 : vector<1x128xf32>
    %swap3A_1613 = arith.constant 50 : index
    %swap3A_1614 = arith.constant 0 : index
    %swap3A_1615 = vector.load %arg5[%swap3A_1613, %swap3A_1614] : memref<64x128xf32, #tpu.memory_space<vmem>>, vector<1x128xf32>
    tpu.vector_store %arg5[%swap3A_1613, %swap3A_1614], %add3A_1612 {strides = array<i32>} : memref<64x128xf32, #tpu.memory_space<vmem>>, vector<1x128xf32>,
    %sub3A_1616 = arith.constant 1.950000e+01 : f32
    %sub3A_1617 = vector.broadcast %sub3A_1616 : f32 to vector<104x128xf32>
    %sub3A_1618 = arith.subf %select_n3A, %sub3A_1617 : vector<104x128xf32>
    %mul3A_1619 = arith.mulf %sub3A_1618, %sub3A_1618 : vector<104x128xf32>
    %neg3A_1620 = arith.constant 0.000000e+00 : f32
    %neg3A_1621 = vector.broadcast %neg3A_1620 : f32 to vector<104x128xf32>
    %neg3A_1622 = arith.subf %neg3A_1621, %mul3A_1619 : vector<104x128xf32>
    %exp3A_1623 = math.exp %neg3A_1622 : vector<104x128xf32>
    %mul3A_1624 = arith.mulf %select_n3A_467, %exp3A_1623 : vector<104x128xf32>
    %dot_general3A_1625 = arith.constant dense<0.000000e+00> : vector<1x128xf32>
    %dot_general3A_1626 = tpu.matmul %broadcast_in_dim3A_495, %mul3A_1624, %dot_general3A_1625 {dimension_numbers = #tpu.dot_dimension_numbers<[1], [0], [0], [1], [0, 0, 1, 1], [], []>, transpose_lhs_hint = false} : vector<1x104xf32>, vector<104x128xf32>, vector<1x128xf32> -> vector<1x128xf32>
    %mul3A_1627 = arith.mulf %select_n3A_476, %exp3A_1623 : vector<104x128xf32>
    %dot_general3A_1628 = arith.constant dense<0.000000e+00> : vector<1x128xf32>
    %dot_general3A_1629 = tpu.matmul %broadcast_in_dim3A_495, %mul3A_1627, %dot_general3A_1628 {dimension_numbers = #tpu.dot_dimension_numbers<[1], [0], [0], [1], [0, 0, 1, 1], [], []>, transpose_lhs_hint = false} : vector<1x104xf32>, vector<104x128xf32>, vector<1x128xf32> -> vector<1x128xf32>
    %broadcast_in_dim3A_1630 = arith.constant 0.000000e+00 : f32
    %broadcast_in_dim3A_1631 = vector.broadcast %broadcast_in_dim3A_1630 : f32 to vector<1x1xf32>
    %slice3A_1632 = vector.extract_strided_slice %dot_general3A_1629 {offsets = [0, 0], sizes = [1, 127], strides = [1, 1]} : vector<1x128xf32> to vector<1x127xf32>
    %concatenate3A_1633 = tpu.concatenate %broadcast_in_dim3A_1631, %slice3A_1632 in 1 : vector<1x1xf32>, vector<1x127xf32> -> vector<1x128xf32>
    %add3A_1634 = arith.addf %dot_general3A_1626, %concatenate3A_1633 : vector<1x128xf32>
    %swap3A_1635 = arith.constant 51 : index
    %swap3A_1636 = arith.constant 0 : index
    %swap3A_1637 = vector.load %arg5[%swap3A_1635, %swap3A_1636] : memref<64x128xf32, #tpu.memory_space<vmem>>, vector<1x128xf32>
    tpu.vector_store %arg5[%swap3A_1635, %swap3A_1636], %add3A_1634 {strides = array<i32>} : memref<64x128xf32, #tpu.memory_space<vmem>>, vector<1x128xf32>,
    %sub3A_1638 = arith.constant 2.050000e+01 : f32
    %sub3A_1639 = vector.broadcast %sub3A_1638 : f32 to vector<104x128xf32>
    %sub3A_1640 = arith.subf %select_n3A, %sub3A_1639 : vector<104x128xf32>
    %mul3A_1641 = arith.mulf %sub3A_1640, %sub3A_1640 : vector<104x128xf32>
    %neg3A_1642 = arith.constant 0.000000e+00 : f32
    %neg3A_1643 = vector.broadcast %neg3A_1642 : f32 to vector<104x128xf32>
    %neg3A_1644 = arith.subf %neg3A_1643, %mul3A_1641 : vector<104x128xf32>
    %exp3A_1645 = math.exp %neg3A_1644 : vector<104x128xf32>
    %mul3A_1646 = arith.mulf %select_n3A_467, %exp3A_1645 : vector<104x128xf32>
    %dot_general3A_1647 = arith.constant dense<0.000000e+00> : vector<1x128xf32>
    %dot_general3A_1648 = tpu.matmul %broadcast_in_dim3A_495, %mul3A_1646, %dot_general3A_1647 {dimension_numbers = #tpu.dot_dimension_numbers<[1], [0], [0], [1], [0, 0, 1, 1], [], []>, transpose_lhs_hint = false} : vector<1x104xf32>, vector<104x128xf32>, vector<1x128xf32> -> vector<1x128xf32>
    %mul3A_1649 = arith.mulf %select_n3A_476, %exp3A_1645 : vector<104x128xf32>
    %dot_general3A_1650 = arith.constant dense<0.000000e+00> : vector<1x128xf32>
    %dot_general3A_1651 = tpu.matmul %broadcast_in_dim3A_495, %mul3A_1649, %dot_general3A_1650 {dimension_numbers = #tpu.dot_dimension_numbers<[1], [0], [0], [1], [0, 0, 1, 1], [], []>, transpose_lhs_hint = false} : vector<1x104xf32>, vector<104x128xf32>, vector<1x128xf32> -> vector<1x128xf32>
    %broadcast_in_dim3A_1652 = arith.constant 0.000000e+00 : f32
    %broadcast_in_dim3A_1653 = vector.broadcast %broadcast_in_dim3A_1652 : f32 to vector<1x1xf32>
    %slice3A_1654 = vector.extract_strided_slice %dot_general3A_1651 {offsets = [0, 0], sizes = [1, 127], strides = [1, 1]} : vector<1x128xf32> to vector<1x127xf32>
    %concatenate3A_1655 = tpu.concatenate %broadcast_in_dim3A_1653, %slice3A_1654 in 1 : vector<1x1xf32>, vector<1x127xf32> -> vector<1x128xf32>
    %add3A_1656 = arith.addf %dot_general3A_1648, %concatenate3A_1655 : vector<1x128xf32>
    %swap3A_1657 = arith.constant 52 : index
    %swap3A_1658 = arith.constant 0 : index
    %swap3A_1659 = vector.load %arg5[%swap3A_1657, %swap3A_1658] : memref<64x128xf32, #tpu.memory_space<vmem>>, vector<1x128xf32>
    tpu.vector_store %arg5[%swap3A_1657, %swap3A_1658], %add3A_1656 {strides = array<i32>} : memref<64x128xf32, #tpu.memory_space<vmem>>, vector<1x128xf32>,
    %sub3A_1660 = arith.constant 2.150000e+01 : f32
    %sub3A_1661 = vector.broadcast %sub3A_1660 : f32 to vector<104x128xf32>
    %sub3A_1662 = arith.subf %select_n3A, %sub3A_1661 : vector<104x128xf32>
    %mul3A_1663 = arith.mulf %sub3A_1662, %sub3A_1662 : vector<104x128xf32>
    %neg3A_1664 = arith.constant 0.000000e+00 : f32
    %neg3A_1665 = vector.broadcast %neg3A_1664 : f32 to vector<104x128xf32>
    %neg3A_1666 = arith.subf %neg3A_1665, %mul3A_1663 : vector<104x128xf32>
    %exp3A_1667 = math.exp %neg3A_1666 : vector<104x128xf32>
    %mul3A_1668 = arith.mulf %select_n3A_467, %exp3A_1667 : vector<104x128xf32>
    %dot_general3A_1669 = arith.constant dense<0.000000e+00> : vector<1x128xf32>
    %dot_general3A_1670 = tpu.matmul %broadcast_in_dim3A_495, %mul3A_1668, %dot_general3A_1669 {dimension_numbers = #tpu.dot_dimension_numbers<[1], [0], [0], [1], [0, 0, 1, 1], [], []>, transpose_lhs_hint = false} : vector<1x104xf32>, vector<104x128xf32>, vector<1x128xf32> -> vector<1x128xf32>
    %mul3A_1671 = arith.mulf %select_n3A_476, %exp3A_1667 : vector<104x128xf32>
    %dot_general3A_1672 = arith.constant dense<0.000000e+00> : vector<1x128xf32>
    %dot_general3A_1673 = tpu.matmul %broadcast_in_dim3A_495, %mul3A_1671, %dot_general3A_1672 {dimension_numbers = #tpu.dot_dimension_numbers<[1], [0], [0], [1], [0, 0, 1, 1], [], []>, transpose_lhs_hint = false} : vector<1x104xf32>, vector<104x128xf32>, vector<1x128xf32> -> vector<1x128xf32>
    %broadcast_in_dim3A_1674 = arith.constant 0.000000e+00 : f32
    %broadcast_in_dim3A_1675 = vector.broadcast %broadcast_in_dim3A_1674 : f32 to vector<1x1xf32>
    %slice3A_1676 = vector.extract_strided_slice %dot_general3A_1673 {offsets = [0, 0], sizes = [1, 127], strides = [1, 1]} : vector<1x128xf32> to vector<1x127xf32>
    %concatenate3A_1677 = tpu.concatenate %broadcast_in_dim3A_1675, %slice3A_1676 in 1 : vector<1x1xf32>, vector<1x127xf32> -> vector<1x128xf32>
    %add3A_1678 = arith.addf %dot_general3A_1670, %concatenate3A_1677 : vector<1x128xf32>
    %swap3A_1679 = arith.constant 53 : index
    %swap3A_1680 = arith.constant 0 : index
    %swap3A_1681 = vector.load %arg5[%swap3A_1679, %swap3A_1680] : memref<64x128xf32, #tpu.memory_space<vmem>>, vector<1x128xf32>
    tpu.vector_store %arg5[%swap3A_1679, %swap3A_1680], %add3A_1678 {strides = array<i32>} : memref<64x128xf32, #tpu.memory_space<vmem>>, vector<1x128xf32>,
    %sub3A_1682 = arith.constant 2.250000e+01 : f32
    %sub3A_1683 = vector.broadcast %sub3A_1682 : f32 to vector<104x128xf32>
    %sub3A_1684 = arith.subf %select_n3A, %sub3A_1683 : vector<104x128xf32>
    %mul3A_1685 = arith.mulf %sub3A_1684, %sub3A_1684 : vector<104x128xf32>
    %neg3A_1686 = arith.constant 0.000000e+00 : f32
    %neg3A_1687 = vector.broadcast %neg3A_1686 : f32 to vector<104x128xf32>
    %neg3A_1688 = arith.subf %neg3A_1687, %mul3A_1685 : vector<104x128xf32>
    %exp3A_1689 = math.exp %neg3A_1688 : vector<104x128xf32>
    %mul3A_1690 = arith.mulf %select_n3A_467, %exp3A_1689 : vector<104x128xf32>
    %dot_general3A_1691 = arith.constant dense<0.000000e+00> : vector<1x128xf32>
    %dot_general3A_1692 = tpu.matmul %broadcast_in_dim3A_495, %mul3A_1690, %dot_general3A_1691 {dimension_numbers = #tpu.dot_dimension_numbers<[1], [0], [0], [1], [0, 0, 1, 1], [], []>, transpose_lhs_hint = false} : vector<1x104xf32>, vector<104x128xf32>, vector<1x128xf32> -> vector<1x128xf32>
    %mul3A_1693 = arith.mulf %select_n3A_476, %exp3A_1689 : vector<104x128xf32>
    %dot_general3A_1694 = arith.constant dense<0.000000e+00> : vector<1x128xf32>
    %dot_general3A_1695 = tpu.matmul %broadcast_in_dim3A_495, %mul3A_1693, %dot_general3A_1694 {dimension_numbers = #tpu.dot_dimension_numbers<[1], [0], [0], [1], [0, 0, 1, 1], [], []>, transpose_lhs_hint = false} : vector<1x104xf32>, vector<104x128xf32>, vector<1x128xf32> -> vector<1x128xf32>
    %broadcast_in_dim3A_1696 = arith.constant 0.000000e+00 : f32
    %broadcast_in_dim3A_1697 = vector.broadcast %broadcast_in_dim3A_1696 : f32 to vector<1x1xf32>
    %slice3A_1698 = vector.extract_strided_slice %dot_general3A_1695 {offsets = [0, 0], sizes = [1, 127], strides = [1, 1]} : vector<1x128xf32> to vector<1x127xf32>
    %concatenate3A_1699 = tpu.concatenate %broadcast_in_dim3A_1697, %slice3A_1698 in 1 : vector<1x1xf32>, vector<1x127xf32> -> vector<1x128xf32>
    %add3A_1700 = arith.addf %dot_general3A_1692, %concatenate3A_1699 : vector<1x128xf32>
    %swap3A_1701 = arith.constant 54 : index
    %swap3A_1702 = arith.constant 0 : index
    %swap3A_1703 = vector.load %arg5[%swap3A_1701, %swap3A_1702] : memref<64x128xf32, #tpu.memory_space<vmem>>, vector<1x128xf32>
    tpu.vector_store %arg5[%swap3A_1701, %swap3A_1702], %add3A_1700 {strides = array<i32>} : memref<64x128xf32, #tpu.memory_space<vmem>>, vector<1x128xf32>,
    %sub3A_1704 = arith.constant 2.350000e+01 : f32
    %sub3A_1705 = vector.broadcast %sub3A_1704 : f32 to vector<104x128xf32>
    %sub3A_1706 = arith.subf %select_n3A, %sub3A_1705 : vector<104x128xf32>
    %mul3A_1707 = arith.mulf %sub3A_1706, %sub3A_1706 : vector<104x128xf32>
    %neg3A_1708 = arith.constant 0.000000e+00 : f32
    %neg3A_1709 = vector.broadcast %neg3A_1708 : f32 to vector<104x128xf32>
    %neg3A_1710 = arith.subf %neg3A_1709, %mul3A_1707 : vector<104x128xf32>
    %exp3A_1711 = math.exp %neg3A_1710 : vector<104x128xf32>
    %mul3A_1712 = arith.mulf %select_n3A_467, %exp3A_1711 : vector<104x128xf32>
    %dot_general3A_1713 = arith.constant dense<0.000000e+00> : vector<1x128xf32>
    %dot_general3A_1714 = tpu.matmul %broadcast_in_dim3A_495, %mul3A_1712, %dot_general3A_1713 {dimension_numbers = #tpu.dot_dimension_numbers<[1], [0], [0], [1], [0, 0, 1, 1], [], []>, transpose_lhs_hint = false} : vector<1x104xf32>, vector<104x128xf32>, vector<1x128xf32> -> vector<1x128xf32>
    %mul3A_1715 = arith.mulf %select_n3A_476, %exp3A_1711 : vector<104x128xf32>
    %dot_general3A_1716 = arith.constant dense<0.000000e+00> : vector<1x128xf32>
    %dot_general3A_1717 = tpu.matmul %broadcast_in_dim3A_495, %mul3A_1715, %dot_general3A_1716 {dimension_numbers = #tpu.dot_dimension_numbers<[1], [0], [0], [1], [0, 0, 1, 1], [], []>, transpose_lhs_hint = false} : vector<1x104xf32>, vector<104x128xf32>, vector<1x128xf32> -> vector<1x128xf32>
    %broadcast_in_dim3A_1718 = arith.constant 0.000000e+00 : f32
    %broadcast_in_dim3A_1719 = vector.broadcast %broadcast_in_dim3A_1718 : f32 to vector<1x1xf32>
    %slice3A_1720 = vector.extract_strided_slice %dot_general3A_1717 {offsets = [0, 0], sizes = [1, 127], strides = [1, 1]} : vector<1x128xf32> to vector<1x127xf32>
    %concatenate3A_1721 = tpu.concatenate %broadcast_in_dim3A_1719, %slice3A_1720 in 1 : vector<1x1xf32>, vector<1x127xf32> -> vector<1x128xf32>
    %add3A_1722 = arith.addf %dot_general3A_1714, %concatenate3A_1721 : vector<1x128xf32>
    %swap3A_1723 = arith.constant 55 : index
    %swap3A_1724 = arith.constant 0 : index
    %swap3A_1725 = vector.load %arg5[%swap3A_1723, %swap3A_1724] : memref<64x128xf32, #tpu.memory_space<vmem>>, vector<1x128xf32>
    tpu.vector_store %arg5[%swap3A_1723, %swap3A_1724], %add3A_1722 {strides = array<i32>} : memref<64x128xf32, #tpu.memory_space<vmem>>, vector<1x128xf32>,
    %sub3A_1726 = arith.constant 2.450000e+01 : f32
    %sub3A_1727 = vector.broadcast %sub3A_1726 : f32 to vector<104x128xf32>
    %sub3A_1728 = arith.subf %select_n3A, %sub3A_1727 : vector<104x128xf32>
    %mul3A_1729 = arith.mulf %sub3A_1728, %sub3A_1728 : vector<104x128xf32>
    %neg3A_1730 = arith.constant 0.000000e+00 : f32
    %neg3A_1731 = vector.broadcast %neg3A_1730 : f32 to vector<104x128xf32>
    %neg3A_1732 = arith.subf %neg3A_1731, %mul3A_1729 : vector<104x128xf32>
    %exp3A_1733 = math.exp %neg3A_1732 : vector<104x128xf32>
    %mul3A_1734 = arith.mulf %select_n3A_467, %exp3A_1733 : vector<104x128xf32>
    %dot_general3A_1735 = arith.constant dense<0.000000e+00> : vector<1x128xf32>
    %dot_general3A_1736 = tpu.matmul %broadcast_in_dim3A_495, %mul3A_1734, %dot_general3A_1735 {dimension_numbers = #tpu.dot_dimension_numbers<[1], [0], [0], [1], [0, 0, 1, 1], [], []>, transpose_lhs_hint = false} : vector<1x104xf32>, vector<104x128xf32>, vector<1x128xf32> -> vector<1x128xf32>
    %mul3A_1737 = arith.mulf %select_n3A_476, %exp3A_1733 : vector<104x128xf32>
    %dot_general3A_1738 = arith.constant dense<0.000000e+00> : vector<1x128xf32>
    %dot_general3A_1739 = tpu.matmul %broadcast_in_dim3A_495, %mul3A_1737, %dot_general3A_1738 {dimension_numbers = #tpu.dot_dimension_numbers<[1], [0], [0], [1], [0, 0, 1, 1], [], []>, transpose_lhs_hint = false} : vector<1x104xf32>, vector<104x128xf32>, vector<1x128xf32> -> vector<1x128xf32>
    %broadcast_in_dim3A_1740 = arith.constant 0.000000e+00 : f32
    %broadcast_in_dim3A_1741 = vector.broadcast %broadcast_in_dim3A_1740 : f32 to vector<1x1xf32>
    %slice3A_1742 = vector.extract_strided_slice %dot_general3A_1739 {offsets = [0, 0], sizes = [1, 127], strides = [1, 1]} : vector<1x128xf32> to vector<1x127xf32>
    %concatenate3A_1743 = tpu.concatenate %broadcast_in_dim3A_1741, %slice3A_1742 in 1 : vector<1x1xf32>, vector<1x127xf32> -> vector<1x128xf32>
    %add3A_1744 = arith.addf %dot_general3A_1736, %concatenate3A_1743 : vector<1x128xf32>
    %swap3A_1745 = arith.constant 56 : index
    %swap3A_1746 = arith.constant 0 : index
    %swap3A_1747 = vector.load %arg5[%swap3A_1745, %swap3A_1746] : memref<64x128xf32, #tpu.memory_space<vmem>>, vector<1x128xf32>
    tpu.vector_store %arg5[%swap3A_1745, %swap3A_1746], %add3A_1744 {strides = array<i32>} : memref<64x128xf32, #tpu.memory_space<vmem>>, vector<1x128xf32>,
    %sub3A_1748 = arith.constant 2.550000e+01 : f32
    %sub3A_1749 = vector.broadcast %sub3A_1748 : f32 to vector<104x128xf32>
    %sub3A_1750 = arith.subf %select_n3A, %sub3A_1749 : vector<104x128xf32>
    %mul3A_1751 = arith.mulf %sub3A_1750, %sub3A_1750 : vector<104x128xf32>
    %neg3A_1752 = arith.constant 0.000000e+00 : f32
    %neg3A_1753 = vector.broadcast %neg3A_1752 : f32 to vector<104x128xf32>
    %neg3A_1754 = arith.subf %neg3A_1753, %mul3A_1751 : vector<104x128xf32>
    %exp3A_1755 = math.exp %neg3A_1754 : vector<104x128xf32>
    %mul3A_1756 = arith.mulf %select_n3A_467, %exp3A_1755 : vector<104x128xf32>
    %dot_general3A_1757 = arith.constant dense<0.000000e+00> : vector<1x128xf32>
    %dot_general3A_1758 = tpu.matmul %broadcast_in_dim3A_495, %mul3A_1756, %dot_general3A_1757 {dimension_numbers = #tpu.dot_dimension_numbers<[1], [0], [0], [1], [0, 0, 1, 1], [], []>, transpose_lhs_hint = false} : vector<1x104xf32>, vector<104x128xf32>, vector<1x128xf32> -> vector<1x128xf32>
    %mul3A_1759 = arith.mulf %select_n3A_476, %exp3A_1755 : vector<104x128xf32>
    %dot_general3A_1760 = arith.constant dense<0.000000e+00> : vector<1x128xf32>
    %dot_general3A_1761 = tpu.matmul %broadcast_in_dim3A_495, %mul3A_1759, %dot_general3A_1760 {dimension_numbers = #tpu.dot_dimension_numbers<[1], [0], [0], [1], [0, 0, 1, 1], [], []>, transpose_lhs_hint = false} : vector<1x104xf32>, vector<104x128xf32>, vector<1x128xf32> -> vector<1x128xf32>
    %broadcast_in_dim3A_1762 = arith.constant 0.000000e+00 : f32
    %broadcast_in_dim3A_1763 = vector.broadcast %broadcast_in_dim3A_1762 : f32 to vector<1x1xf32>
    %slice3A_1764 = vector.extract_strided_slice %dot_general3A_1761 {offsets = [0, 0], sizes = [1, 127], strides = [1, 1]} : vector<1x128xf32> to vector<1x127xf32>
    %concatenate3A_1765 = tpu.concatenate %broadcast_in_dim3A_1763, %slice3A_1764 in 1 : vector<1x1xf32>, vector<1x127xf32> -> vector<1x128xf32>
    %add3A_1766 = arith.addf %dot_general3A_1758, %concatenate3A_1765 : vector<1x128xf32>
    %swap3A_1767 = arith.constant 57 : index
    %swap3A_1768 = arith.constant 0 : index
    %swap3A_1769 = vector.load %arg5[%swap3A_1767, %swap3A_1768] : memref<64x128xf32, #tpu.memory_space<vmem>>, vector<1x128xf32>
    tpu.vector_store %arg5[%swap3A_1767, %swap3A_1768], %add3A_1766 {strides = array<i32>} : memref<64x128xf32, #tpu.memory_space<vmem>>, vector<1x128xf32>,
    %sub3A_1770 = arith.constant 2.650000e+01 : f32
    %sub3A_1771 = vector.broadcast %sub3A_1770 : f32 to vector<104x128xf32>
    %sub3A_1772 = arith.subf %select_n3A, %sub3A_1771 : vector<104x128xf32>
    %mul3A_1773 = arith.mulf %sub3A_1772, %sub3A_1772 : vector<104x128xf32>
    %neg3A_1774 = arith.constant 0.000000e+00 : f32
    %neg3A_1775 = vector.broadcast %neg3A_1774 : f32 to vector<104x128xf32>
    %neg3A_1776 = arith.subf %neg3A_1775, %mul3A_1773 : vector<104x128xf32>
    %exp3A_1777 = math.exp %neg3A_1776 : vector<104x128xf32>
    %mul3A_1778 = arith.mulf %select_n3A_467, %exp3A_1777 : vector<104x128xf32>
    %dot_general3A_1779 = arith.constant dense<0.000000e+00> : vector<1x128xf32>
    %dot_general3A_1780 = tpu.matmul %broadcast_in_dim3A_495, %mul3A_1778, %dot_general3A_1779 {dimension_numbers = #tpu.dot_dimension_numbers<[1], [0], [0], [1], [0, 0, 1, 1], [], []>, transpose_lhs_hint = false} : vector<1x104xf32>, vector<104x128xf32>, vector<1x128xf32> -> vector<1x128xf32>
    %mul3A_1781 = arith.mulf %select_n3A_476, %exp3A_1777 : vector<104x128xf32>
    %dot_general3A_1782 = arith.constant dense<0.000000e+00> : vector<1x128xf32>
    %dot_general3A_1783 = tpu.matmul %broadcast_in_dim3A_495, %mul3A_1781, %dot_general3A_1782 {dimension_numbers = #tpu.dot_dimension_numbers<[1], [0], [0], [1], [0, 0, 1, 1], [], []>, transpose_lhs_hint = false} : vector<1x104xf32>, vector<104x128xf32>, vector<1x128xf32> -> vector<1x128xf32>
    %broadcast_in_dim3A_1784 = arith.constant 0.000000e+00 : f32
    %broadcast_in_dim3A_1785 = vector.broadcast %broadcast_in_dim3A_1784 : f32 to vector<1x1xf32>
    %slice3A_1786 = vector.extract_strided_slice %dot_general3A_1783 {offsets = [0, 0], sizes = [1, 127], strides = [1, 1]} : vector<1x128xf32> to vector<1x127xf32>
    %concatenate3A_1787 = tpu.concatenate %broadcast_in_dim3A_1785, %slice3A_1786 in 1 : vector<1x1xf32>, vector<1x127xf32> -> vector<1x128xf32>
    %add3A_1788 = arith.addf %dot_general3A_1780, %concatenate3A_1787 : vector<1x128xf32>
    %swap3A_1789 = arith.constant 58 : index
    %swap3A_1790 = arith.constant 0 : index
    %swap3A_1791 = vector.load %arg5[%swap3A_1789, %swap3A_1790] : memref<64x128xf32, #tpu.memory_space<vmem>>, vector<1x128xf32>
    tpu.vector_store %arg5[%swap3A_1789, %swap3A_1790], %add3A_1788 {strides = array<i32>} : memref<64x128xf32, #tpu.memory_space<vmem>>, vector<1x128xf32>,
    %sub3A_1792 = arith.constant 2.750000e+01 : f32
    %sub3A_1793 = vector.broadcast %sub3A_1792 : f32 to vector<104x128xf32>
    %sub3A_1794 = arith.subf %select_n3A, %sub3A_1793 : vector<104x128xf32>
    %mul3A_1795 = arith.mulf %sub3A_1794, %sub3A_1794 : vector<104x128xf32>
    %neg3A_1796 = arith.constant 0.000000e+00 : f32
    %neg3A_1797 = vector.broadcast %neg3A_1796 : f32 to vector<104x128xf32>
    %neg3A_1798 = arith.subf %neg3A_1797, %mul3A_1795 : vector<104x128xf32>
    %exp3A_1799 = math.exp %neg3A_1798 : vector<104x128xf32>
    %mul3A_1800 = arith.mulf %select_n3A_467, %exp3A_1799 : vector<104x128xf32>
    %dot_general3A_1801 = arith.constant dense<0.000000e+00> : vector<1x128xf32>
    %dot_general3A_1802 = tpu.matmul %broadcast_in_dim3A_495, %mul3A_1800, %dot_general3A_1801 {dimension_numbers = #tpu.dot_dimension_numbers<[1], [0], [0], [1], [0, 0, 1, 1], [], []>, transpose_lhs_hint = false} : vector<1x104xf32>, vector<104x128xf32>, vector<1x128xf32> -> vector<1x128xf32>
    %mul3A_1803 = arith.mulf %select_n3A_476, %exp3A_1799 : vector<104x128xf32>
    %dot_general3A_1804 = arith.constant dense<0.000000e+00> : vector<1x128xf32>
    %dot_general3A_1805 = tpu.matmul %broadcast_in_dim3A_495, %mul3A_1803, %dot_general3A_1804 {dimension_numbers = #tpu.dot_dimension_numbers<[1], [0], [0], [1], [0, 0, 1, 1], [], []>, transpose_lhs_hint = false} : vector<1x104xf32>, vector<104x128xf32>, vector<1x128xf32> -> vector<1x128xf32>
    %broadcast_in_dim3A_1806 = arith.constant 0.000000e+00 : f32
    %broadcast_in_dim3A_1807 = vector.broadcast %broadcast_in_dim3A_1806 : f32 to vector<1x1xf32>
    %slice3A_1808 = vector.extract_strided_slice %dot_general3A_1805 {offsets = [0, 0], sizes = [1, 127], strides = [1, 1]} : vector<1x128xf32> to vector<1x127xf32>
    %concatenate3A_1809 = tpu.concatenate %broadcast_in_dim3A_1807, %slice3A_1808 in 1 : vector<1x1xf32>, vector<1x127xf32> -> vector<1x128xf32>
    %add3A_1810 = arith.addf %dot_general3A_1802, %concatenate3A_1809 : vector<1x128xf32>
    %swap3A_1811 = arith.constant 59 : index
    %swap3A_1812 = arith.constant 0 : index
    %swap3A_1813 = vector.load %arg5[%swap3A_1811, %swap3A_1812] : memref<64x128xf32, #tpu.memory_space<vmem>>, vector<1x128xf32>
    tpu.vector_store %arg5[%swap3A_1811, %swap3A_1812], %add3A_1810 {strides = array<i32>} : memref<64x128xf32, #tpu.memory_space<vmem>>, vector<1x128xf32>,
    %sub3A_1814 = arith.constant 2.850000e+01 : f32
    %sub3A_1815 = vector.broadcast %sub3A_1814 : f32 to vector<104x128xf32>
    %sub3A_1816 = arith.subf %select_n3A, %sub3A_1815 : vector<104x128xf32>
    %mul3A_1817 = arith.mulf %sub3A_1816, %sub3A_1816 : vector<104x128xf32>
    %neg3A_1818 = arith.constant 0.000000e+00 : f32
    %neg3A_1819 = vector.broadcast %neg3A_1818 : f32 to vector<104x128xf32>
    %neg3A_1820 = arith.subf %neg3A_1819, %mul3A_1817 : vector<104x128xf32>
    %exp3A_1821 = math.exp %neg3A_1820 : vector<104x128xf32>
    %mul3A_1822 = arith.mulf %select_n3A_467, %exp3A_1821 : vector<104x128xf32>
    %dot_general3A_1823 = arith.constant dense<0.000000e+00> : vector<1x128xf32>
    %dot_general3A_1824 = tpu.matmul %broadcast_in_dim3A_495, %mul3A_1822, %dot_general3A_1823 {dimension_numbers = #tpu.dot_dimension_numbers<[1], [0], [0], [1], [0, 0, 1, 1], [], []>, transpose_lhs_hint = false} : vector<1x104xf32>, vector<104x128xf32>, vector<1x128xf32> -> vector<1x128xf32>
    %mul3A_1825 = arith.mulf %select_n3A_476, %exp3A_1821 : vector<104x128xf32>
    %dot_general3A_1826 = arith.constant dense<0.000000e+00> : vector<1x128xf32>
    %dot_general3A_1827 = tpu.matmul %broadcast_in_dim3A_495, %mul3A_1825, %dot_general3A_1826 {dimension_numbers = #tpu.dot_dimension_numbers<[1], [0], [0], [1], [0, 0, 1, 1], [], []>, transpose_lhs_hint = false} : vector<1x104xf32>, vector<104x128xf32>, vector<1x128xf32> -> vector<1x128xf32>
    %broadcast_in_dim3A_1828 = arith.constant 0.000000e+00 : f32
    %broadcast_in_dim3A_1829 = vector.broadcast %broadcast_in_dim3A_1828 : f32 to vector<1x1xf32>
    %slice3A_1830 = vector.extract_strided_slice %dot_general3A_1827 {offsets = [0, 0], sizes = [1, 127], strides = [1, 1]} : vector<1x128xf32> to vector<1x127xf32>
    %concatenate3A_1831 = tpu.concatenate %broadcast_in_dim3A_1829, %slice3A_1830 in 1 : vector<1x1xf32>, vector<1x127xf32> -> vector<1x128xf32>
    %add3A_1832 = arith.addf %dot_general3A_1824, %concatenate3A_1831 : vector<1x128xf32>
    %swap3A_1833 = arith.constant 60 : index
    %swap3A_1834 = arith.constant 0 : index
    %swap3A_1835 = vector.load %arg5[%swap3A_1833, %swap3A_1834] : memref<64x128xf32, #tpu.memory_space<vmem>>, vector<1x128xf32>
    tpu.vector_store %arg5[%swap3A_1833, %swap3A_1834], %add3A_1832 {strides = array<i32>} : memref<64x128xf32, #tpu.memory_space<vmem>>, vector<1x128xf32>,
    %sub3A_1836 = arith.constant 2.950000e+01 : f32
    %sub3A_1837 = vector.broadcast %sub3A_1836 : f32 to vector<104x128xf32>
    %sub3A_1838 = arith.subf %select_n3A, %sub3A_1837 : vector<104x128xf32>
    %mul3A_1839 = arith.mulf %sub3A_1838, %sub3A_1838 : vector<104x128xf32>
    %neg3A_1840 = arith.constant 0.000000e+00 : f32
    %neg3A_1841 = vector.broadcast %neg3A_1840 : f32 to vector<104x128xf32>
    %neg3A_1842 = arith.subf %neg3A_1841, %mul3A_1839 : vector<104x128xf32>
    %exp3A_1843 = math.exp %neg3A_1842 : vector<104x128xf32>
    %mul3A_1844 = arith.mulf %select_n3A_467, %exp3A_1843 : vector<104x128xf32>
    %dot_general3A_1845 = arith.constant dense<0.000000e+00> : vector<1x128xf32>
    %dot_general3A_1846 = tpu.matmul %broadcast_in_dim3A_495, %mul3A_1844, %dot_general3A_1845 {dimension_numbers = #tpu.dot_dimension_numbers<[1], [0], [0], [1], [0, 0, 1, 1], [], []>, transpose_lhs_hint = false} : vector<1x104xf32>, vector<104x128xf32>, vector<1x128xf32> -> vector<1x128xf32>
    %mul3A_1847 = arith.mulf %select_n3A_476, %exp3A_1843 : vector<104x128xf32>
    %dot_general3A_1848 = arith.constant dense<0.000000e+00> : vector<1x128xf32>
    %dot_general3A_1849 = tpu.matmul %broadcast_in_dim3A_495, %mul3A_1847, %dot_general3A_1848 {dimension_numbers = #tpu.dot_dimension_numbers<[1], [0], [0], [1], [0, 0, 1, 1], [], []>, transpose_lhs_hint = false} : vector<1x104xf32>, vector<104x128xf32>, vector<1x128xf32> -> vector<1x128xf32>
    %broadcast_in_dim3A_1850 = arith.constant 0.000000e+00 : f32
    %broadcast_in_dim3A_1851 = vector.broadcast %broadcast_in_dim3A_1850 : f32 to vector<1x1xf32>
    %slice3A_1852 = vector.extract_strided_slice %dot_general3A_1849 {offsets = [0, 0], sizes = [1, 127], strides = [1, 1]} : vector<1x128xf32> to vector<1x127xf32>
    %concatenate3A_1853 = tpu.concatenate %broadcast_in_dim3A_1851, %slice3A_1852 in 1 : vector<1x1xf32>, vector<1x127xf32> -> vector<1x128xf32>
    %add3A_1854 = arith.addf %dot_general3A_1846, %concatenate3A_1853 : vector<1x128xf32>
    %swap3A_1855 = arith.constant 61 : index
    %swap3A_1856 = arith.constant 0 : index
    %swap3A_1857 = vector.load %arg5[%swap3A_1855, %swap3A_1856] : memref<64x128xf32, #tpu.memory_space<vmem>>, vector<1x128xf32>
    tpu.vector_store %arg5[%swap3A_1855, %swap3A_1856], %add3A_1854 {strides = array<i32>} : memref<64x128xf32, #tpu.memory_space<vmem>>, vector<1x128xf32>,
    %sub3A_1858 = arith.constant 3.050000e+01 : f32
    %sub3A_1859 = vector.broadcast %sub3A_1858 : f32 to vector<104x128xf32>
    %sub3A_1860 = arith.subf %select_n3A, %sub3A_1859 : vector<104x128xf32>
    %mul3A_1861 = arith.mulf %sub3A_1860, %sub3A_1860 : vector<104x128xf32>
    %neg3A_1862 = arith.constant 0.000000e+00 : f32
    %neg3A_1863 = vector.broadcast %neg3A_1862 : f32 to vector<104x128xf32>
    %neg3A_1864 = arith.subf %neg3A_1863, %mul3A_1861 : vector<104x128xf32>
    %exp3A_1865 = math.exp %neg3A_1864 : vector<104x128xf32>
    %mul3A_1866 = arith.mulf %select_n3A_467, %exp3A_1865 : vector<104x128xf32>
    %dot_general3A_1867 = arith.constant dense<0.000000e+00> : vector<1x128xf32>
    %dot_general3A_1868 = tpu.matmul %broadcast_in_dim3A_495, %mul3A_1866, %dot_general3A_1867 {dimension_numbers = #tpu.dot_dimension_numbers<[1], [0], [0], [1], [0, 0, 1, 1], [], []>, transpose_lhs_hint = false} : vector<1x104xf32>, vector<104x128xf32>, vector<1x128xf32> -> vector<1x128xf32>
    %mul3A_1869 = arith.mulf %select_n3A_476, %exp3A_1865 : vector<104x128xf32>
    %dot_general3A_1870 = arith.constant dense<0.000000e+00> : vector<1x128xf32>
    %dot_general3A_1871 = tpu.matmul %broadcast_in_dim3A_495, %mul3A_1869, %dot_general3A_1870 {dimension_numbers = #tpu.dot_dimension_numbers<[1], [0], [0], [1], [0, 0, 1, 1], [], []>, transpose_lhs_hint = false} : vector<1x104xf32>, vector<104x128xf32>, vector<1x128xf32> -> vector<1x128xf32>
    %broadcast_in_dim3A_1872 = arith.constant 0.000000e+00 : f32
    %broadcast_in_dim3A_1873 = vector.broadcast %broadcast_in_dim3A_1872 : f32 to vector<1x1xf32>
    %slice3A_1874 = vector.extract_strided_slice %dot_general3A_1871 {offsets = [0, 0], sizes = [1, 127], strides = [1, 1]} : vector<1x128xf32> to vector<1x127xf32>
    %concatenate3A_1875 = tpu.concatenate %broadcast_in_dim3A_1873, %slice3A_1874 in 1 : vector<1x1xf32>, vector<1x127xf32> -> vector<1x128xf32>
    %add3A_1876 = arith.addf %dot_general3A_1868, %concatenate3A_1875 : vector<1x128xf32>
    %swap3A_1877 = arith.constant 62 : index
    %swap3A_1878 = arith.constant 0 : index
    %swap3A_1879 = vector.load %arg5[%swap3A_1877, %swap3A_1878] : memref<64x128xf32, #tpu.memory_space<vmem>>, vector<1x128xf32>
    tpu.vector_store %arg5[%swap3A_1877, %swap3A_1878], %add3A_1876 {strides = array<i32>} : memref<64x128xf32, #tpu.memory_space<vmem>>, vector<1x128xf32>,
    %sub3A_1880 = arith.constant 3.150000e+01 : f32
    %sub3A_1881 = vector.broadcast %sub3A_1880 : f32 to vector<104x128xf32>
    %sub3A_1882 = arith.subf %select_n3A, %sub3A_1881 : vector<104x128xf32>
    %mul3A_1883 = arith.mulf %sub3A_1882, %sub3A_1882 : vector<104x128xf32>
    %neg3A_1884 = arith.constant 0.000000e+00 : f32
    %neg3A_1885 = vector.broadcast %neg3A_1884 : f32 to vector<104x128xf32>
    %neg3A_1886 = arith.subf %neg3A_1885, %mul3A_1883 : vector<104x128xf32>
    %exp3A_1887 = math.exp %neg3A_1886 : vector<104x128xf32>
    %mul3A_1888 = arith.mulf %select_n3A_467, %exp3A_1887 : vector<104x128xf32>
    %dot_general3A_1889 = arith.constant dense<0.000000e+00> : vector<1x128xf32>
    %dot_general3A_1890 = tpu.matmul %broadcast_in_dim3A_495, %mul3A_1888, %dot_general3A_1889 {dimension_numbers = #tpu.dot_dimension_numbers<[1], [0], [0], [1], [0, 0, 1, 1], [], []>, transpose_lhs_hint = false} : vector<1x104xf32>, vector<104x128xf32>, vector<1x128xf32> -> vector<1x128xf32>
    %mul3A_1891 = arith.mulf %select_n3A_476, %exp3A_1887 : vector<104x128xf32>
    %dot_general3A_1892 = arith.constant dense<0.000000e+00> : vector<1x128xf32>
    %dot_general3A_1893 = tpu.matmul %broadcast_in_dim3A_495, %mul3A_1891, %dot_general3A_1892 {dimension_numbers = #tpu.dot_dimension_numbers<[1], [0], [0], [1], [0, 0, 1, 1], [], []>, transpose_lhs_hint = false} : vector<1x104xf32>, vector<104x128xf32>, vector<1x128xf32> -> vector<1x128xf32>
    %broadcast_in_dim3A_1894 = arith.constant 0.000000e+00 : f32
    %broadcast_in_dim3A_1895 = vector.broadcast %broadcast_in_dim3A_1894 : f32 to vector<1x1xf32>
    %slice3A_1896 = vector.extract_strided_slice %dot_general3A_1893 {offsets = [0, 0], sizes = [1, 127], strides = [1, 1]} : vector<1x128xf32> to vector<1x127xf32>
    %concatenate3A_1897 = tpu.concatenate %broadcast_in_dim3A_1895, %slice3A_1896 in 1 : vector<1x1xf32>, vector<1x127xf32> -> vector<1x128xf32>
    %add3A_1898 = arith.addf %dot_general3A_1890, %concatenate3A_1897 : vector<1x128xf32>
    %swap3A_1899 = arith.constant 63 : index
    %swap3A_1900 = arith.constant 0 : index
    %swap3A_1901 = vector.load %arg5[%swap3A_1899, %swap3A_1900] : memref<64x128xf32, #tpu.memory_space<vmem>>, vector<1x128xf32>
    tpu.vector_store %arg5[%swap3A_1899, %swap3A_1900], %add3A_1898 {strides = array<i32>} : memref<64x128xf32, #tpu.memory_space<vmem>>, vector<1x128xf32>,
    %get3A_1902 = arith.constant 0 : index
    %get3A_1903 = arith.constant 0 : index
    %get3A_1904 = vector.load %arg5[%get3A_1902, %get3A_1903] : memref<64x128xf32, #tpu.memory_space<vmem>>, vector<64x128xf32>
    %mul3A_1905 = vector.broadcast %select_n3A_493 : vector<1x128xf32> to vector<64x128xf32>
    %mul3A_1906 = arith.mulf %get3A_1904, %mul3A_1905 : vector<64x128xf32>
    %get3A_1907 = arith.constant 0 : index
    %get3A_1908 = arith.constant 0 : index
    %get3A_1909 = vector.load %arg3[%get3A_1907, %get3A_1908] : memref<64x64xf32, #tpu.memory_space<vmem>>, vector<64x64xf32>
    %dot_general3A_1910 = arith.constant dense<0.000000e+00> : vector<128x64xf32>
    %dot_general3A_1911 = tpu.matmul %mul3A_1906, %get3A_1909, %dot_general3A_1910 {dimension_numbers = #tpu.dot_dimension_numbers<[0], [0], [1], [1], [0, 1, 1, 1], [], []>, transpose_lhs_hint = false} : vector<64x128xf32>, vector<64x64xf32>, vector<128x64xf32> -> vector<128x64xf32>
    %get3A_1912 = arith.constant 0 : index
    %get3A_1913 = arith.constant 0 : index
    %get3A_1914 = vector.load %arg2[%get3A_1912, %get3A_1913] : memref<200x64xf32, #tpu.memory_space<vmem>>, vector<100x64xf32>
    %slice3A_1915 = vector.extract_strided_slice %dot_general3A_1911 {offsets = [0, 0], sizes = [100, 64], strides = [1, 1]} : vector<128x64xf32> to vector<100x64xf32>
    %add3A_1916 = arith.addf %get3A_1914, %slice3A_1915 : vector<100x64xf32>
    %swap3A_1917 = arith.constant 0 : index
    %swap3A_1918 = arith.constant 0 : index
    %swap3A_1919 = vector.load %arg4[%swap3A_1917, %swap3A_1918] : memref<200x64xf32, #tpu.memory_space<vmem>>, vector<100x64xf32>
    tpu.vector_store %arg4[%swap3A_1917, %swap3A_1918], %add3A_1916 {strides = array<i32>} : memref<200x64xf32, #tpu.memory_space<vmem>>, vector<100x64xf32>,
    %get3A_1920 = arith.constant 1 : index
    %get3A_1921 = arith.constant 0 : index
    %get3A_1922 = arith.constant 0 : index
    %get3A_1923 = vector.load %arg1[%get3A_1920, %get3A_1921, %get3A_1922] : memref<2x3x128xf32, #tpu.memory_space<vmem>>, vector<1x3x128xf32>
    %get3A_1924 = vector.shape_cast %get3A_1923 : vector<1x3x128xf32> to vector<3x128xf32>
    %slice3A_1925 = vector.extract_strided_slice %get3A_1924 {offsets = [0, 0], sizes = [1, 128], strides = [1, 1]} : vector<3x128xf32> to vector<1x128xf32>
    %broadcast_in_dim3A_1926 = vector.shape_cast %slice3A_1925 : vector<1x128xf32> to vector<1x128xf32>
    %broadcast_in_dim3A_1927 = vector.broadcast %broadcast_in_dim3A_1926 : vector<1x128xf32> to vector<128x128xf32>
    %transpose3A_1928 = tpu.transpose %broadcast_in_dim3A_1927, [1, 0] : vector<128x128xf32> -> vector<128x128xf32>
    %slice3A_1929 = vector.extract_strided_slice %transpose3A_1928 {offsets = [0, 0], sizes = [104, 128], strides = [1, 1]} : vector<128x128xf32> to vector<104x128xf32>
    %slice3A_1930 = vector.extract_strided_slice %get3A_1924 {offsets = [1, 0], sizes = [1, 128], strides = [1, 1]} : vector<3x128xf32> to vector<1x128xf32>
    %broadcast_in_dim3A_1931 = vector.shape_cast %slice3A_1930 : vector<1x128xf32> to vector<1x128xf32>
    %broadcast_in_dim3A_1932 = vector.broadcast %broadcast_in_dim3A_1931 : vector<1x128xf32> to vector<128x128xf32>
    %transpose3A_1933 = tpu.transpose %broadcast_in_dim3A_1932, [1, 0] : vector<128x128xf32> -> vector<128x128xf32>
    %slice3A_1934 = vector.extract_strided_slice %transpose3A_1933 {offsets = [0, 0], sizes = [104, 128], strides = [1, 1]} : vector<128x128xf32> to vector<104x128xf32>
    %slice3A_1935 = vector.extract_strided_slice %get3A_1924 {offsets = [2, 0], sizes = [1, 128], strides = [1, 1]} : vector<3x128xf32> to vector<1x128xf32>
    %broadcast_in_dim3A_1936 = vector.shape_cast %slice3A_1935 : vector<1x128xf32> to vector<1x128xf32>
    %broadcast_in_dim3A_1937 = vector.broadcast %broadcast_in_dim3A_1936 : vector<1x128xf32> to vector<128x128xf32>
    %transpose3A_1938 = tpu.transpose %broadcast_in_dim3A_1937, [1, 0] : vector<128x128xf32> -> vector<128x128xf32>
    %slice3A_1939 = vector.extract_strided_slice %transpose3A_1938 {offsets = [0, 0], sizes = [104, 128], strides = [1, 1]} : vector<128x128xf32> to vector<104x128xf32>
    %slice3A_1940 = vector.extract_strided_slice %get3A_1924 {offsets = [0, 0], sizes = [1, 128], strides = [1, 1]} : vector<3x128xf32> to vector<1x128xf32>
    %broadcast_in_dim3A_1941 = vector.shape_cast %slice3A_1940 : vector<1x128xf32> to vector<1x128xf32>
    %broadcast_in_dim3A_1942 = vector.broadcast %broadcast_in_dim3A_1941 : vector<1x128xf32> to vector<104x128xf32>
    %slice3A_1943 = vector.extract_strided_slice %get3A_1924 {offsets = [1, 0], sizes = [1, 128], strides = [1, 1]} : vector<3x128xf32> to vector<1x128xf32>
    %broadcast_in_dim3A_1944 = vector.shape_cast %slice3A_1943 : vector<1x128xf32> to vector<1x128xf32>
    %broadcast_in_dim3A_1945 = vector.broadcast %broadcast_in_dim3A_1944 : vector<1x128xf32> to vector<104x128xf32>
    %slice3A_1946 = vector.extract_strided_slice %get3A_1924 {offsets = [2, 0], sizes = [1, 128], strides = [1, 1]} : vector<3x128xf32> to vector<1x128xf32>
    %broadcast_in_dim3A_1947 = vector.shape_cast %slice3A_1946 : vector<1x128xf32> to vector<1x128xf32>
    %broadcast_in_dim3A_1948 = vector.broadcast %broadcast_in_dim3A_1947 : vector<1x128xf32> to vector<104x128xf32>
    %sub3A_1949 = arith.subf %broadcast_in_dim3A_1942, %slice3A_1929 : vector<104x128xf32>
    %sub3A_1950 = arith.subf %broadcast_in_dim3A_1945, %slice3A_1934 : vector<104x128xf32>
    %sub3A_1951 = arith.subf %broadcast_in_dim3A_1948, %slice3A_1939 : vector<104x128xf32>
    %mul3A_1952 = arith.mulf %sub3A_1949, %sub3A_1949 : vector<104x128xf32>
    %mul3A_1953 = arith.mulf %sub3A_1950, %sub3A_1950 : vector<104x128xf32>
    %add3A_1954 = arith.addf %mul3A_1952, %mul3A_1953 : vector<104x128xf32>
    %mul3A_1955 = arith.mulf %sub3A_1951, %sub3A_1951 : vector<104x128xf32>
    %add3A_1956 = arith.addf %add3A_1954, %mul3A_1955 : vector<104x128xf32>
    %neg3A_1957 = arith.constant 0.000000e+00 : f32
    %neg3A_1958 = vector.broadcast %neg3A_1957 : f32 to vector<104x128xf32>
    %neg3A_1959 = arith.subf %neg3A_1958, %add3A_1956 : vector<104x128xf32>
    %exp3A_1960 = math.exp %neg3A_1959 : vector<104x128xf32>
    %rsqrt3A_1961 = math.rsqrt %add3A_1956 : vector<104x128xf32>
    %mul3A_1962 = arith.mulf %sub3A_1949, %rsqrt3A_1961 : vector<104x128xf32>
    %mul3A_1963 = arith.mulf %sub3A_1950, %rsqrt3A_1961 : vector<104x128xf32>
    %mul3A_1964 = arith.mulf %sub3A_1951, %rsqrt3A_1961 : vector<104x128xf32>
    %slice3A_1965 = vector.extract_strided_slice %mul3A_1962 {offsets = [0, 1], sizes = [104, 127], strides = [1, 1]} : vector<104x128xf32> to vector<104x127xf32>
    %slice3A_1966 = vector.extract_strided_slice %mul3A_1962 {offsets = [0, 0], sizes = [104, 1], strides = [1, 1]} : vector<104x128xf32> to vector<104x1xf32>
    %concatenate3A_1967 = tpu.concatenate %slice3A_1965, %slice3A_1966 in 1 : vector<104x127xf32>, vector<104x1xf32> -> vector<104x128xf32>
    %slice3A_1968 = vector.extract_strided_slice %mul3A_1963 {offsets = [0, 1], sizes = [104, 127], strides = [1, 1]} : vector<104x128xf32> to vector<104x127xf32>
    %slice3A_1969 = vector.extract_strided_slice %mul3A_1963 {offsets = [0, 0], sizes = [104, 1], strides = [1, 1]} : vector<104x128xf32> to vector<104x1xf32>
    %concatenate3A_1970 = tpu.concatenate %slice3A_1968, %slice3A_1969 in 1 : vector<104x127xf32>, vector<104x1xf32> -> vector<104x128xf32>
    %slice3A_1971 = vector.extract_strided_slice %mul3A_1964 {offsets = [0, 1], sizes = [104, 127], strides = [1, 1]} : vector<104x128xf32> to vector<104x127xf32>
    %slice3A_1972 = vector.extract_strided_slice %mul3A_1964 {offsets = [0, 0], sizes = [104, 1], strides = [1, 1]} : vector<104x128xf32> to vector<104x1xf32>
    %concatenate3A_1973 = tpu.concatenate %slice3A_1971, %slice3A_1972 in 1 : vector<104x127xf32>, vector<104x1xf32> -> vector<104x128xf32>
    %slice3A_1974 = vector.extract_strided_slice %mul3A_1962 {offsets = [1, 0], sizes = [103, 128], strides = [1, 1]} : vector<104x128xf32> to vector<103x128xf32>
    %slice3A_1975 = vector.extract_strided_slice %mul3A_1962 {offsets = [0, 0], sizes = [1, 128], strides = [1, 1]} : vector<104x128xf32> to vector<1x128xf32>
    %concatenate3A_1976 = tpu.concatenate %slice3A_1974, %slice3A_1975 in 0 : vector<103x128xf32>, vector<1x128xf32> -> vector<104x128xf32>
    %slice3A_1977 = vector.extract_strided_slice %mul3A_1963 {offsets = [1, 0], sizes = [103, 128], strides = [1, 1]} : vector<104x128xf32> to vector<103x128xf32>
    %slice3A_1978 = vector.extract_strided_slice %mul3A_1963 {offsets = [0, 0], sizes = [1, 128], strides = [1, 1]} : vector<104x128xf32> to vector<1x128xf32>
    %concatenate3A_1979 = tpu.concatenate %slice3A_1977, %slice3A_1978 in 0 : vector<103x128xf32>, vector<1x128xf32> -> vector<104x128xf32>
    %slice3A_1980 = vector.extract_strided_slice %mul3A_1964 {offsets = [1, 0], sizes = [103, 128], strides = [1, 1]} : vector<104x128xf32> to vector<103x128xf32>
    %slice3A_1981 = vector.extract_strided_slice %mul3A_1964 {offsets = [0, 0], sizes = [1, 128], strides = [1, 1]} : vector<104x128xf32> to vector<1x128xf32>
    %concatenate3A_1982 = tpu.concatenate %slice3A_1980, %slice3A_1981 in 0 : vector<103x128xf32>, vector<1x128xf32> -> vector<104x128xf32>
    %slice3A_1983 = vector.extract_strided_slice %concatenate3A_1967 {offsets = [1, 0], sizes = [103, 128], strides = [1, 1]} : vector<104x128xf32> to vector<103x128xf32>
    %slice3A_1984 = vector.extract_strided_slice %concatenate3A_1967 {offsets = [0, 0], sizes = [1, 128], strides = [1, 1]} : vector<104x128xf32> to vector<1x128xf32>
    %concatenate3A_1985 = tpu.concatenate %slice3A_1983, %slice3A_1984 in 0 : vector<103x128xf32>, vector<1x128xf32> -> vector<104x128xf32>
    %slice3A_1986 = vector.extract_strided_slice %concatenate3A_1970 {offsets = [1, 0], sizes = [103, 128], strides = [1, 1]} : vector<104x128xf32> to vector<103x128xf32>
    %slice3A_1987 = vector.extract_strided_slice %concatenate3A_1970 {offsets = [0, 0], sizes = [1, 128], strides = [1, 1]} : vector<104x128xf32> to vector<1x128xf32>
    %concatenate3A_1988 = tpu.concatenate %slice3A_1986, %slice3A_1987 in 0 : vector<103x128xf32>, vector<1x128xf32> -> vector<104x128xf32>
    %slice3A_1989 = vector.extract_strided_slice %concatenate3A_1973 {offsets = [1, 0], sizes = [103, 128], strides = [1, 1]} : vector<104x128xf32> to vector<103x128xf32>
    %slice3A_1990 = vector.extract_strided_slice %concatenate3A_1973 {offsets = [0, 0], sizes = [1, 128], strides = [1, 1]} : vector<104x128xf32> to vector<1x128xf32>
    %concatenate3A_1991 = tpu.concatenate %slice3A_1989, %slice3A_1990 in 0 : vector<103x128xf32>, vector<1x128xf32> -> vector<104x128xf32>
    %mul3A_1992 = arith.mulf %mul3A_1963, %concatenate3A_1973 : vector<104x128xf32>
    %mul3A_1993 = arith.mulf %mul3A_1964, %concatenate3A_1970 : vector<104x128xf32>
    %sub3A_1994 = arith.subf %mul3A_1992, %mul3A_1993 : vector<104x128xf32>
    %mul3A_1995 = arith.mulf %mul3A_1964, %concatenate3A_1967 : vector<104x128xf32>
    %mul3A_1996 = arith.mulf %mul3A_1962, %concatenate3A_1973 : vector<104x128xf32>
    %sub3A_1997 = arith.subf %mul3A_1995, %mul3A_1996 : vector<104x128xf32>
    %mul3A_1998 = arith.mulf %mul3A_1962, %concatenate3A_1970 : vector<104x128xf32>
    %mul3A_1999 = arith.mulf %mul3A_1963, %concatenate3A_1967 : vector<104x128xf32>
    %sub3A_2000 = arith.subf %mul3A_1998, %mul3A_1999 : vector<104x128xf32>
    %mul3A_2001 = arith.mulf %sub3A_1994, %sub3A_1994 : vector<104x128xf32>
    %mul3A_2002 = arith.mulf %sub3A_1997, %sub3A_1997 : vector<104x128xf32>
    %add3A_2003 = arith.addf %mul3A_2001, %mul3A_2002 : vector<104x128xf32>
    %mul3A_2004 = arith.mulf %sub3A_2000, %sub3A_2000 : vector<104x128xf32>
    %add3A_2005 = arith.addf %add3A_2003, %mul3A_2004 : vector<104x128xf32>
    %rsqrt3A_2006 = math.rsqrt %add3A_2005 : vector<104x128xf32>
    %mul3A_2007 = arith.mulf %sub3A_1994, %rsqrt3A_2006 : vector<104x128xf32>
    %mul3A_2008 = arith.mulf %sub3A_1997, %rsqrt3A_2006 : vector<104x128xf32>
    %mul3A_2009 = arith.mulf %sub3A_2000, %rsqrt3A_2006 : vector<104x128xf32>
    %mul3A_2010 = arith.mulf %concatenate3A_1970, %concatenate3A_1991 : vector<104x128xf32>
    %mul3A_2011 = arith.mulf %concatenate3A_1973, %concatenate3A_1988 : vector<104x128xf32>
    %sub3A_2012 = arith.subf %mul3A_2010, %mul3A_2011 : vector<104x128xf32>
    %mul3A_2013 = arith.mulf %concatenate3A_1973, %concatenate3A_1985 : vector<104x128xf32>
    %mul3A_2014 = arith.mulf %concatenate3A_1967, %concatenate3A_1991 : vector<104x128xf32>
    %sub3A_2015 = arith.subf %mul3A_2013, %mul3A_2014 : vector<104x128xf32>
    %mul3A_2016 = arith.mulf %concatenate3A_1967, %concatenate3A_1988 : vector<104x128xf32>
    %mul3A_2017 = arith.mulf %concatenate3A_1970, %concatenate3A_1985 : vector<104x128xf32>
    %sub3A_2018 = arith.subf %mul3A_2016, %mul3A_2017 : vector<104x128xf32>
    %mul3A_2019 = arith.mulf %sub3A_2012, %sub3A_2012 : vector<104x128xf32>
    %mul3A_2020 = arith.mulf %sub3A_2015, %sub3A_2015 : vector<104x128xf32>
    %add3A_2021 = arith.addf %mul3A_2019, %mul3A_2020 : vector<104x128xf32>
    %mul3A_2022 = arith.mulf %sub3A_2018, %sub3A_2018 : vector<104x128xf32>
    %add3A_2023 = arith.addf %add3A_2021, %mul3A_2022 : vector<104x128xf32>
    %rsqrt3A_2024 = math.rsqrt %add3A_2023 : vector<104x128xf32>
    %mul3A_2025 = arith.mulf %sub3A_2012, %rsqrt3A_2024 : vector<104x128xf32>
    %mul3A_2026 = arith.mulf %sub3A_2015, %rsqrt3A_2024 : vector<104x128xf32>
    %mul3A_2027 = arith.mulf %sub3A_2018, %rsqrt3A_2024 : vector<104x128xf32>
    %mul3A_2028 = arith.mulf %concatenate3A_1988, %concatenate3A_1982 : vector<104x128xf32>
    %mul3A_2029 = arith.mulf %concatenate3A_1991, %concatenate3A_1979 : vector<104x128xf32>
    %sub3A_2030 = arith.subf %mul3A_2028, %mul3A_2029 : vector<104x128xf32>
    %mul3A_2031 = arith.mulf %concatenate3A_1991, %concatenate3A_1976 : vector<104x128xf32>
    %mul3A_2032 = arith.mulf %concatenate3A_1985, %concatenate3A_1982 : vector<104x128xf32>
    %sub3A_2033 = arith.subf %mul3A_2031, %mul3A_2032 : vector<104x128xf32>
    %mul3A_2034 = arith.mulf %concatenate3A_1985, %concatenate3A_1979 : vector<104x128xf32>
    %mul3A_2035 = arith.mulf %concatenate3A_1988, %concatenate3A_1976 : vector<104x128xf32>
    %sub3A_2036 = arith.subf %mul3A_2034, %mul3A_2035 : vector<104x128xf32>
    %mul3A_2037 = arith.mulf %sub3A_2030, %sub3A_2030 : vector<104x128xf32>
    %mul3A_2038 = arith.mulf %sub3A_2033, %sub3A_2033 : vector<104x128xf32>
    %add3A_2039 = arith.addf %mul3A_2037, %mul3A_2038 : vector<104x128xf32>
    %mul3A_2040 = arith.mulf %sub3A_2036, %sub3A_2036 : vector<104x128xf32>
    %add3A_2041 = arith.addf %add3A_2039, %mul3A_2040 : vector<104x128xf32>
    %rsqrt3A_2042 = math.rsqrt %add3A_2041 : vector<104x128xf32>
    %mul3A_2043 = arith.mulf %sub3A_2030, %rsqrt3A_2042 : vector<104x128xf32>
    %mul3A_2044 = arith.mulf %sub3A_2033, %rsqrt3A_2042 : vector<104x128xf32>
    %mul3A_2045 = arith.mulf %sub3A_2036, %rsqrt3A_2042 : vector<104x128xf32>
    %mul3A_2046 = arith.mulf %concatenate3A_1979, %mul3A_1964 : vector<104x128xf32>
    %mul3A_2047 = arith.mulf %concatenate3A_1982, %mul3A_1963 : vector<104x128xf32>
    %sub3A_2048 = arith.subf %mul3A_2046, %mul3A_2047 : vector<104x128xf32>
    %mul3A_2049 = arith.mulf %concatenate3A_1982, %mul3A_1962 : vector<104x128xf32>
    %mul3A_2050 = arith.mulf %concatenate3A_1976, %mul3A_1964 : vector<104x128xf32>
    %sub3A_2051 = arith.subf %mul3A_2049, %mul3A_2050 : vector<104x128xf32>
    %mul3A_2052 = arith.mulf %concatenate3A_1976, %mul3A_1963 : vector<104x128xf32>
    %mul3A_2053 = arith.mulf %concatenate3A_1979, %mul3A_1962 : vector<104x128xf32>
    %sub3A_2054 = arith.subf %mul3A_2052, %mul3A_2053 : vector<104x128xf32>
    %mul3A_2055 = arith.mulf %sub3A_2048, %sub3A_2048 : vector<104x128xf32>
    %mul3A_2056 = arith.mulf %sub3A_2051, %sub3A_2051 : vector<104x128xf32>
    %add3A_2057 = arith.addf %mul3A_2055, %mul3A_2056 : vector<104x128xf32>
    %mul3A_2058 = arith.mulf %sub3A_2054, %sub3A_2054 : vector<104x128xf32>
    %add3A_2059 = arith.addf %add3A_2057, %mul3A_2058 : vector<104x128xf32>
    %rsqrt3A_2060 = math.rsqrt %add3A_2059 : vector<104x128xf32>
    %mul3A_2061 = arith.mulf %sub3A_2048, %rsqrt3A_2060 : vector<104x128xf32>
    %mul3A_2062 = arith.mulf %sub3A_2051, %rsqrt3A_2060 : vector<104x128xf32>
    %mul3A_2063 = arith.mulf %sub3A_2054, %rsqrt3A_2060 : vector<104x128xf32>
    %mul3A_2064 = arith.mulf %mul3A_2007, %mul3A_2025 : vector<104x128xf32>
    %mul3A_2065 = arith.mulf %mul3A_2008, %mul3A_2026 : vector<104x128xf32>
    %add3A_2066 = arith.addf %mul3A_2064, %mul3A_2065 : vector<104x128xf32>
    %mul3A_2067 = arith.mulf %mul3A_2009, %mul3A_2027 : vector<104x128xf32>
    %add3A_2068 = arith.addf %add3A_2066, %mul3A_2067 : vector<104x128xf32>
    %jit3A_2069 = arith.constant -1.000000e+00 : f32
    %jit3A_2070 = arith.constant 1.000000e+00 : f32
    %max3A_2071 = vector.broadcast %jit3A_2069 : f32 to vector<104x128xf32>
    %max3A_2072 = arith.maximumf %max3A_2071, %add3A_2068 : vector<104x128xf32>
    %min3A_2073 = vector.broadcast %jit3A_2070 : f32 to vector<104x128xf32>
    %min3A_2074 = arith.minimumf %min3A_2073, %max3A_2072 : vector<104x128xf32>
    %abs3A_2075 = math.absf %min3A_2074 : vector<104x128xf32>
    %mul3A_2076 = arith.constant -0.0012624911 : f32
    %mul3A_2077 = vector.broadcast %mul3A_2076 : f32 to vector<104x128xf32>
    %mul3A_2078 = arith.mulf %mul3A_2077, %abs3A_2075 : vector<104x128xf32>
    %add3A_2079 = arith.constant 6.670090e-03 : f32
    %add3A_2080 = vector.broadcast %add3A_2079 : f32 to vector<104x128xf32>
    %add3A_2081 = arith.addf %mul3A_2078, %add3A_2080 : vector<104x128xf32>
    %mul3A_2082 = arith.mulf %add3A_2081, %abs3A_2075 : vector<104x128xf32>
    %add3A_2083 = arith.constant -0.0170881264 : f32
    %add3A_2084 = vector.broadcast %add3A_2083 : f32 to vector<104x128xf32>
    %add3A_2085 = arith.addf %mul3A_2082, %add3A_2084 : vector<104x128xf32>
    %mul3A_2086 = arith.mulf %add3A_2085, %abs3A_2075 : vector<104x128xf32>
    %add3A_2087 = arith.constant 0.0308918804 : f32
    %add3A_2088 = vector.broadcast %add3A_2087 : f32 to vector<104x128xf32>
    %add3A_2089 = arith.addf %mul3A_2086, %add3A_2088 : vector<104x128xf32>
    %mul3A_2090 = arith.mulf %add3A_2089, %abs3A_2075 : vector<104x128xf32>
    %add3A_2091 = arith.constant -0.0501743034 : f32
    %add3A_2092 = vector.broadcast %add3A_2091 : f32 to vector<104x128xf32>
    %add3A_2093 = arith.addf %mul3A_2090, %add3A_2092 : vector<104x128xf32>
    %mul3A_2094 = arith.mulf %add3A_2093, %abs3A_2075 : vector<104x128xf32>
    %add3A_2095 = arith.constant 0.0889789909 : f32
    %add3A_2096 = vector.broadcast %add3A_2095 : f32 to vector<104x128xf32>
    %add3A_2097 = arith.addf %mul3A_2094, %add3A_2096 : vector<104x128xf32>
    %mul3A_2098 = arith.mulf %add3A_2097, %abs3A_2075 : vector<104x128xf32>
    %add3A_2099 = arith.constant -0.214598805 : f32
    %add3A_2100 = vector.broadcast %add3A_2099 : f32 to vector<104x128xf32>
    %add3A_2101 = arith.addf %mul3A_2098, %add3A_2100 : vector<104x128xf32>
    %mul3A_2102 = arith.mulf %add3A_2101, %abs3A_2075 : vector<104x128xf32>
    %add3A_2103 = arith.constant 1.57079625 : f32
    %add3A_2104 = vector.broadcast %add3A_2103 : f32 to vector<104x128xf32>
    %add3A_2105 = arith.addf %mul3A_2102, %add3A_2104 : vector<104x128xf32>
    %sub3A_2106 = arith.constant 1.000000e+00 : f32
    %sub3A_2107 = vector.broadcast %sub3A_2106 : f32 to vector<104x128xf32>
    %sub3A_2108 = arith.subf %sub3A_2107, %abs3A_2075 : vector<104x128xf32>
    %max3A_2109 = arith.constant 0.000000e+00 : f32
    %max3A_2110 = vector.broadcast %max3A_2109 : f32 to vector<104x128xf32>
    %max3A_2111 = arith.maximumf %sub3A_2108, %max3A_2110 : vector<104x128xf32>
    %sqrt3A_2112 = math.sqrt %max3A_2111 : vector<104x128xf32>
    %mul3A_2113 = arith.mulf %sqrt3A_2112, %add3A_2105 : vector<104x128xf32>
    %sub3A_2114 = arith.constant 1.57079637 : f32
    %sub3A_2115 = vector.broadcast %sub3A_2114 : f32 to vector<104x128xf32>
    %sub3A_2116 = arith.subf %sub3A_2115, %mul3A_2113 : vector<104x128xf32>
    %sign3A_2117 = tpu.bitcast %min3A_2074 : vector<104x128xf32> -> vector<104x128xi32>
    %sign3A_2118 = arith.constant -2147483648 : i32
    %sign3A_2119 = vector.broadcast %sign3A_2118 : i32 to vector<104x128xi32>
    %sign3A_2120 = arith.andi %sign3A_2117, %sign3A_2119 : vector<104x128xi32>
    %sign3A_2121 = arith.constant 1065353216 : i32
    %sign3A_2122 = vector.broadcast %sign3A_2121 : i32 to vector<104x128xi32>
    %sign3A_2123 = arith.ori %sign3A_2122, %sign3A_2120 : vector<104x128xi32>
    %sign3A_2124 = tpu.bitcast %sign3A_2123 : vector<104x128xi32> -> vector<104x128xf32>
    %sign3A_2125 = math.absf %min3A_2074 : vector<104x128xf32>
    %sign3A_2126 = arith.constant 0.000000e+00 : f32
    %sign3A_2127 = vector.broadcast %sign3A_2126 : f32 to vector<104x128xf32>
    %sign3A_2128 = arith.cmpf ogt, %sign3A_2125, %sign3A_2127 : vector<104x128xf32>
    %sign3A_2129 = arith.select %sign3A_2128, %sign3A_2124, %min3A_2074 : vector<104x128xi1>, vector<104x128xf32>
    %mul3A_2130 = arith.mulf %sign3A_2129, %sub3A_2116 : vector<104x128xf32>
    %mul3A_2131 = arith.mulf %mul3A_2025, %mul3A_2043 : vector<104x128xf32>
    %mul3A_2132 = arith.mulf %mul3A_2026, %mul3A_2044 : vector<104x128xf32>
    %add3A_2133 = arith.addf %mul3A_2131, %mul3A_2132 : vector<104x128xf32>
    %mul3A_2134 = arith.mulf %mul3A_2027, %mul3A_2045 : vector<104x128xf32>
    %add3A_2135 = arith.addf %add3A_2133, %mul3A_2134 : vector<104x128xf32>
    %jit3A_2136 = arith.constant -1.000000e+00 : f32
    %jit3A_2137 = arith.constant 1.000000e+00 : f32
    %max3A_2138 = vector.broadcast %jit3A_2136 : f32 to vector<104x128xf32>
    %max3A_2139 = arith.maximumf %max3A_2138, %add3A_2135 : vector<104x128xf32>
    %min3A_2140 = vector.broadcast %jit3A_2137 : f32 to vector<104x128xf32>
    %min3A_2141 = arith.minimumf %min3A_2140, %max3A_2139 : vector<104x128xf32>
    %abs3A_2142 = math.absf %min3A_2141 : vector<104x128xf32>
    %mul3A_2143 = arith.constant -0.0012624911 : f32
    %mul3A_2144 = vector.broadcast %mul3A_2143 : f32 to vector<104x128xf32>
    %mul3A_2145 = arith.mulf %mul3A_2144, %abs3A_2142 : vector<104x128xf32>
    %add3A_2146 = arith.constant 6.670090e-03 : f32
    %add3A_2147 = vector.broadcast %add3A_2146 : f32 to vector<104x128xf32>
    %add3A_2148 = arith.addf %mul3A_2145, %add3A_2147 : vector<104x128xf32>
    %mul3A_2149 = arith.mulf %add3A_2148, %abs3A_2142 : vector<104x128xf32>
    %add3A_2150 = arith.constant -0.0170881264 : f32
    %add3A_2151 = vector.broadcast %add3A_2150 : f32 to vector<104x128xf32>
    %add3A_2152 = arith.addf %mul3A_2149, %add3A_2151 : vector<104x128xf32>
    %mul3A_2153 = arith.mulf %add3A_2152, %abs3A_2142 : vector<104x128xf32>
    %add3A_2154 = arith.constant 0.0308918804 : f32
    %add3A_2155 = vector.broadcast %add3A_2154 : f32 to vector<104x128xf32>
    %add3A_2156 = arith.addf %mul3A_2153, %add3A_2155 : vector<104x128xf32>
    %mul3A_2157 = arith.mulf %add3A_2156, %abs3A_2142 : vector<104x128xf32>
    %add3A_2158 = arith.constant -0.0501743034 : f32
    %add3A_2159 = vector.broadcast %add3A_2158 : f32 to vector<104x128xf32>
    %add3A_2160 = arith.addf %mul3A_2157, %add3A_2159 : vector<104x128xf32>
    %mul3A_2161 = arith.mulf %add3A_2160, %abs3A_2142 : vector<104x128xf32>
    %add3A_2162 = arith.constant 0.0889789909 : f32
    %add3A_2163 = vector.broadcast %add3A_2162 : f32 to vector<104x128xf32>
    %add3A_2164 = arith.addf %mul3A_2161, %add3A_2163 : vector<104x128xf32>
    %mul3A_2165 = arith.mulf %add3A_2164, %abs3A_2142 : vector<104x128xf32>
    %add3A_2166 = arith.constant -0.214598805 : f32
    %add3A_2167 = vector.broadcast %add3A_2166 : f32 to vector<104x128xf32>
    %add3A_2168 = arith.addf %mul3A_2165, %add3A_2167 : vector<104x128xf32>
    %mul3A_2169 = arith.mulf %add3A_2168, %abs3A_2142 : vector<104x128xf32>
    %add3A_2170 = arith.constant 1.57079625 : f32
    %add3A_2171 = vector.broadcast %add3A_2170 : f32 to vector<104x128xf32>
    %add3A_2172 = arith.addf %mul3A_2169, %add3A_2171 : vector<104x128xf32>
    %sub3A_2173 = arith.constant 1.000000e+00 : f32
    %sub3A_2174 = vector.broadcast %sub3A_2173 : f32 to vector<104x128xf32>
    %sub3A_2175 = arith.subf %sub3A_2174, %abs3A_2142 : vector<104x128xf32>
    %max3A_2176 = arith.constant 0.000000e+00 : f32
    %max3A_2177 = vector.broadcast %max3A_2176 : f32 to vector<104x128xf32>
    %max3A_2178 = arith.maximumf %sub3A_2175, %max3A_2177 : vector<104x128xf32>
    %sqrt3A_2179 = math.sqrt %max3A_2178 : vector<104x128xf32>
    %mul3A_2180 = arith.mulf %sqrt3A_2179, %add3A_2172 : vector<104x128xf32>
    %sub3A_2181 = arith.constant 1.57079637 : f32
    %sub3A_2182 = vector.broadcast %sub3A_2181 : f32 to vector<104x128xf32>
    %sub3A_2183 = arith.subf %sub3A_2182, %mul3A_2180 : vector<104x128xf32>
    %sign3A_2184 = tpu.bitcast %min3A_2141 : vector<104x128xf32> -> vector<104x128xi32>
    %sign3A_2185 = arith.constant -2147483648 : i32
    %sign3A_2186 = vector.broadcast %sign3A_2185 : i32 to vector<104x128xi32>
    %sign3A_2187 = arith.andi %sign3A_2184, %sign3A_2186 : vector<104x128xi32>
    %sign3A_2188 = arith.constant 1065353216 : i32
    %sign3A_2189 = vector.broadcast %sign3A_2188 : i32 to vector<104x128xi32>
    %sign3A_2190 = arith.ori %sign3A_2189, %sign3A_2187 : vector<104x128xi32>
    %sign3A_2191 = tpu.bitcast %sign3A_2190 : vector<104x128xi32> -> vector<104x128xf32>
    %sign3A_2192 = math.absf %min3A_2141 : vector<104x128xf32>
    %sign3A_2193 = arith.constant 0.000000e+00 : f32
    %sign3A_2194 = vector.broadcast %sign3A_2193 : f32 to vector<104x128xf32>
    %sign3A_2195 = arith.cmpf ogt, %sign3A_2192, %sign3A_2194 : vector<104x128xf32>
    %sign3A_2196 = arith.select %sign3A_2195, %sign3A_2191, %min3A_2141 : vector<104x128xi1>, vector<104x128xf32>
    %mul3A_2197 = arith.mulf %sign3A_2196, %sub3A_2183 : vector<104x128xf32>
    %add3A_2198 = arith.addf %mul3A_2130, %mul3A_2197 : vector<104x128xf32>
    %mul3A_2199 = arith.mulf %mul3A_2043, %mul3A_2061 : vector<104x128xf32>
    %mul3A_2200 = arith.mulf %mul3A_2044, %mul3A_2062 : vector<104x128xf32>
    %add3A_2201 = arith.addf %mul3A_2199, %mul3A_2200 : vector<104x128xf32>
    %mul3A_2202 = arith.mulf %mul3A_2045, %mul3A_2063 : vector<104x128xf32>
    %add3A_2203 = arith.addf %add3A_2201, %mul3A_2202 : vector<104x128xf32>
    %jit3A_2204 = arith.constant -1.000000e+00 : f32
    %jit3A_2205 = arith.constant 1.000000e+00 : f32
    %max3A_2206 = vector.broadcast %jit3A_2204 : f32 to vector<104x128xf32>
    %max3A_2207 = arith.maximumf %max3A_2206, %add3A_2203 : vector<104x128xf32>
    %min3A_2208 = vector.broadcast %jit3A_2205 : f32 to vector<104x128xf32>
    %min3A_2209 = arith.minimumf %min3A_2208, %max3A_2207 : vector<104x128xf32>
    %abs3A_2210 = math.absf %min3A_2209 : vector<104x128xf32>
    %mul3A_2211 = arith.constant -0.0012624911 : f32
    %mul3A_2212 = vector.broadcast %mul3A_2211 : f32 to vector<104x128xf32>
    %mul3A_2213 = arith.mulf %mul3A_2212, %abs3A_2210 : vector<104x128xf32>
    %add3A_2214 = arith.constant 6.670090e-03 : f32
    %add3A_2215 = vector.broadcast %add3A_2214 : f32 to vector<104x128xf32>
    %add3A_2216 = arith.addf %mul3A_2213, %add3A_2215 : vector<104x128xf32>
    %mul3A_2217 = arith.mulf %add3A_2216, %abs3A_2210 : vector<104x128xf32>
    %add3A_2218 = arith.constant -0.0170881264 : f32
    %add3A_2219 = vector.broadcast %add3A_2218 : f32 to vector<104x128xf32>
    %add3A_2220 = arith.addf %mul3A_2217, %add3A_2219 : vector<104x128xf32>
    %mul3A_2221 = arith.mulf %add3A_2220, %abs3A_2210 : vector<104x128xf32>
    %add3A_2222 = arith.constant 0.0308918804 : f32
    %add3A_2223 = vector.broadcast %add3A_2222 : f32 to vector<104x128xf32>
    %add3A_2224 = arith.addf %mul3A_2221, %add3A_2223 : vector<104x128xf32>
    %mul3A_2225 = arith.mulf %add3A_2224, %abs3A_2210 : vector<104x128xf32>
    %add3A_2226 = arith.constant -0.0501743034 : f32
    %add3A_2227 = vector.broadcast %add3A_2226 : f32 to vector<104x128xf32>
    %add3A_2228 = arith.addf %mul3A_2225, %add3A_2227 : vector<104x128xf32>
    %mul3A_2229 = arith.mulf %add3A_2228, %abs3A_2210 : vector<104x128xf32>
    %add3A_2230 = arith.constant 0.0889789909 : f32
    %add3A_2231 = vector.broadcast %add3A_2230 : f32 to vector<104x128xf32>
    %add3A_2232 = arith.addf %mul3A_2229, %add3A_2231 : vector<104x128xf32>
    %mul3A_2233 = arith.mulf %add3A_2232, %abs3A_2210 : vector<104x128xf32>
    %add3A_2234 = arith.constant -0.214598805 : f32
    %add3A_2235 = vector.broadcast %add3A_2234 : f32 to vector<104x128xf32>
    %add3A_2236 = arith.addf %mul3A_2233, %add3A_2235 : vector<104x128xf32>
    %mul3A_2237 = arith.mulf %add3A_2236, %abs3A_2210 : vector<104x128xf32>
    %add3A_2238 = arith.constant 1.57079625 : f32
    %add3A_2239 = vector.broadcast %add3A_2238 : f32 to vector<104x128xf32>
    %add3A_2240 = arith.addf %mul3A_2237, %add3A_2239 : vector<104x128xf32>
    %sub3A_2241 = arith.constant 1.000000e+00 : f32
    %sub3A_2242 = vector.broadcast %sub3A_2241 : f32 to vector<104x128xf32>
    %sub3A_2243 = arith.subf %sub3A_2242, %abs3A_2210 : vector<104x128xf32>
    %max3A_2244 = arith.constant 0.000000e+00 : f32
    %max3A_2245 = vector.broadcast %max3A_2244 : f32 to vector<104x128xf32>
    %max3A_2246 = arith.maximumf %sub3A_2243, %max3A_2245 : vector<104x128xf32>
    %sqrt3A_2247 = math.sqrt %max3A_2246 : vector<104x128xf32>
    %mul3A_2248 = arith.mulf %sqrt3A_2247, %add3A_2240 : vector<104x128xf32>
    %sub3A_2249 = arith.constant 1.57079637 : f32
    %sub3A_2250 = vector.broadcast %sub3A_2249 : f32 to vector<104x128xf32>
    %sub3A_2251 = arith.subf %sub3A_2250, %mul3A_2248 : vector<104x128xf32>
    %sign3A_2252 = tpu.bitcast %min3A_2209 : vector<104x128xf32> -> vector<104x128xi32>
    %sign3A_2253 = arith.constant -2147483648 : i32
    %sign3A_2254 = vector.broadcast %sign3A_2253 : i32 to vector<104x128xi32>
    %sign3A_2255 = arith.andi %sign3A_2252, %sign3A_2254 : vector<104x128xi32>
    %sign3A_2256 = arith.constant 1065353216 : i32
    %sign3A_2257 = vector.broadcast %sign3A_2256 : i32 to vector<104x128xi32>
    %sign3A_2258 = arith.ori %sign3A_2257, %sign3A_2255 : vector<104x128xi32>
    %sign3A_2259 = tpu.bitcast %sign3A_2258 : vector<104x128xi32> -> vector<104x128xf32>
    %sign3A_2260 = math.absf %min3A_2209 : vector<104x128xf32>
    %sign3A_2261 = arith.constant 0.000000e+00 : f32
    %sign3A_2262 = vector.broadcast %sign3A_2261 : f32 to vector<104x128xf32>
    %sign3A_2263 = arith.cmpf ogt, %sign3A_2260, %sign3A_2262 : vector<104x128xf32>
    %sign3A_2264 = arith.select %sign3A_2263, %sign3A_2259, %min3A_2209 : vector<104x128xi1>, vector<104x128xf32>
    %mul3A_2265 = arith.mulf %sign3A_2264, %sub3A_2251 : vector<104x128xf32>
    %add3A_2266 = arith.addf %add3A_2198, %mul3A_2265 : vector<104x128xf32>
    %mul3A_2267 = arith.mulf %mul3A_2061, %mul3A_2007 : vector<104x128xf32>
    %mul3A_2268 = arith.mulf %mul3A_2062, %mul3A_2008 : vector<104x128xf32>
    %add3A_2269 = arith.addf %mul3A_2267, %mul3A_2268 : vector<104x128xf32>
    %mul3A_2270 = arith.mulf %mul3A_2063, %mul3A_2009 : vector<104x128xf32>
    %add3A_2271 = arith.addf %add3A_2269, %mul3A_2270 : vector<104x128xf32>
    %jit3A_2272 = arith.constant -1.000000e+00 : f32
    %jit3A_2273 = arith.constant 1.000000e+00 : f32
    %max3A_2274 = vector.broadcast %jit3A_2272 : f32 to vector<104x128xf32>
    %max3A_2275 = arith.maximumf %max3A_2274, %add3A_2271 : vector<104x128xf32>
    %min3A_2276 = vector.broadcast %jit3A_2273 : f32 to vector<104x128xf32>
    %min3A_2277 = arith.minimumf %min3A_2276, %max3A_2275 : vector<104x128xf32>
    %abs3A_2278 = math.absf %min3A_2277 : vector<104x128xf32>
    %mul3A_2279 = arith.constant -0.0012624911 : f32
    %mul3A_2280 = vector.broadcast %mul3A_2279 : f32 to vector<104x128xf32>
    %mul3A_2281 = arith.mulf %mul3A_2280, %abs3A_2278 : vector<104x128xf32>
    %add3A_2282 = arith.constant 6.670090e-03 : f32
    %add3A_2283 = vector.broadcast %add3A_2282 : f32 to vector<104x128xf32>
    %add3A_2284 = arith.addf %mul3A_2281, %add3A_2283 : vector<104x128xf32>
    %mul3A_2285 = arith.mulf %add3A_2284, %abs3A_2278 : vector<104x128xf32>
    %add3A_2286 = arith.constant -0.0170881264 : f32
    %add3A_2287 = vector.broadcast %add3A_2286 : f32 to vector<104x128xf32>
    %add3A_2288 = arith.addf %mul3A_2285, %add3A_2287 : vector<104x128xf32>
    %mul3A_2289 = arith.mulf %add3A_2288, %abs3A_2278 : vector<104x128xf32>
    %add3A_2290 = arith.constant 0.0308918804 : f32
    %add3A_2291 = vector.broadcast %add3A_2290 : f32 to vector<104x128xf32>
    %add3A_2292 = arith.addf %mul3A_2289, %add3A_2291 : vector<104x128xf32>
    %mul3A_2293 = arith.mulf %add3A_2292, %abs3A_2278 : vector<104x128xf32>
    %add3A_2294 = arith.constant -0.0501743034 : f32
    %add3A_2295 = vector.broadcast %add3A_2294 : f32 to vector<104x128xf32>
    %add3A_2296 = arith.addf %mul3A_2293, %add3A_2295 : vector<104x128xf32>
    %mul3A_2297 = arith.mulf %add3A_2296, %abs3A_2278 : vector<104x128xf32>
    %add3A_2298 = arith.constant 0.0889789909 : f32
    %add3A_2299 = vector.broadcast %add3A_2298 : f32 to vector<104x128xf32>
    %add3A_2300 = arith.addf %mul3A_2297, %add3A_2299 : vector<104x128xf32>
    %mul3A_2301 = arith.mulf %add3A_2300, %abs3A_2278 : vector<104x128xf32>
    %add3A_2302 = arith.constant -0.214598805 : f32
    %add3A_2303 = vector.broadcast %add3A_2302 : f32 to vector<104x128xf32>
    %add3A_2304 = arith.addf %mul3A_2301, %add3A_2303 : vector<104x128xf32>
    %mul3A_2305 = arith.mulf %add3A_2304, %abs3A_2278 : vector<104x128xf32>
    %add3A_2306 = arith.constant 1.57079625 : f32
    %add3A_2307 = vector.broadcast %add3A_2306 : f32 to vector<104x128xf32>
    %add3A_2308 = arith.addf %mul3A_2305, %add3A_2307 : vector<104x128xf32>
    %sub3A_2309 = arith.constant 1.000000e+00 : f32
    %sub3A_2310 = vector.broadcast %sub3A_2309 : f32 to vector<104x128xf32>
    %sub3A_2311 = arith.subf %sub3A_2310, %abs3A_2278 : vector<104x128xf32>
    %max3A_2312 = arith.constant 0.000000e+00 : f32
    %max3A_2313 = vector.broadcast %max3A_2312 : f32 to vector<104x128xf32>
    %max3A_2314 = arith.maximumf %sub3A_2311, %max3A_2313 : vector<104x128xf32>
    %sqrt3A_2315 = math.sqrt %max3A_2314 : vector<104x128xf32>
    %mul3A_2316 = arith.mulf %sqrt3A_2315, %add3A_2308 : vector<104x128xf32>
    %sub3A_2317 = arith.constant 1.57079637 : f32
    %sub3A_2318 = vector.broadcast %sub3A_2317 : f32 to vector<104x128xf32>
    %sub3A_2319 = arith.subf %sub3A_2318, %mul3A_2316 : vector<104x128xf32>
    %sign3A_2320 = tpu.bitcast %min3A_2277 : vector<104x128xf32> -> vector<104x128xi32>
    %sign3A_2321 = arith.constant -2147483648 : i32
    %sign3A_2322 = vector.broadcast %sign3A_2321 : i32 to vector<104x128xi32>
    %sign3A_2323 = arith.andi %sign3A_2320, %sign3A_2322 : vector<104x128xi32>
    %sign3A_2324 = arith.constant 1065353216 : i32
    %sign3A_2325 = vector.broadcast %sign3A_2324 : i32 to vector<104x128xi32>
    %sign3A_2326 = arith.ori %sign3A_2325, %sign3A_2323 : vector<104x128xi32>
    %sign3A_2327 = tpu.bitcast %sign3A_2326 : vector<104x128xi32> -> vector<104x128xf32>
    %sign3A_2328 = math.absf %min3A_2277 : vector<104x128xf32>
    %sign3A_2329 = arith.constant 0.000000e+00 : f32
    %sign3A_2330 = vector.broadcast %sign3A_2329 : f32 to vector<104x128xf32>
    %sign3A_2331 = arith.cmpf ogt, %sign3A_2328, %sign3A_2330 : vector<104x128xf32>
    %sign3A_2332 = arith.select %sign3A_2331, %sign3A_2327, %min3A_2277 : vector<104x128xi1>, vector<104x128xf32>
    %mul3A_2333 = arith.mulf %sign3A_2332, %sub3A_2319 : vector<104x128xf32>
    %add3A_2334 = arith.addf %add3A_2266, %mul3A_2333 : vector<104x128xf32>
    %slice3A_2335 = vector.extract_strided_slice %broadcast_in_dim3A_1942 {offsets = [0, 1], sizes = [104, 127], strides = [1, 1]} : vector<104x128xf32> to vector<104x127xf32>
    %slice3A_2336 = vector.extract_strided_slice %broadcast_in_dim3A_1942 {offsets = [0, 0], sizes = [104, 1], strides = [1, 1]} : vector<104x128xf32> to vector<104x1xf32>
    %concatenate3A_2337 = tpu.concatenate %slice3A_2335, %slice3A_2336 in 1 : vector<104x127xf32>, vector<104x1xf32> -> vector<104x128xf32>
    %sub3A_2338 = arith.subf %concatenate3A_2337, %broadcast_in_dim3A_1942 : vector<104x128xf32>
    %slice3A_2339 = vector.extract_strided_slice %broadcast_in_dim3A_1945 {offsets = [0, 1], sizes = [104, 127], strides = [1, 1]} : vector<104x128xf32> to vector<104x127xf32>
    %slice3A_2340 = vector.extract_strided_slice %broadcast_in_dim3A_1945 {offsets = [0, 0], sizes = [104, 1], strides = [1, 1]} : vector<104x128xf32> to vector<104x1xf32>
    %concatenate3A_2341 = tpu.concatenate %slice3A_2339, %slice3A_2340 in 1 : vector<104x127xf32>, vector<104x1xf32> -> vector<104x128xf32>
    %sub3A_2342 = arith.subf %concatenate3A_2341, %broadcast_in_dim3A_1945 : vector<104x128xf32>
    %slice3A_2343 = vector.extract_strided_slice %broadcast_in_dim3A_1948 {offsets = [0, 1], sizes = [104, 127], strides = [1, 1]} : vector<104x128xf32> to vector<104x127xf32>
    %slice3A_2344 = vector.extract_strided_slice %broadcast_in_dim3A_1948 {offsets = [0, 0], sizes = [104, 1], strides = [1, 1]} : vector<104x128xf32> to vector<104x1xf32>
    %concatenate3A_2345 = tpu.concatenate %slice3A_2343, %slice3A_2344 in 1 : vector<104x127xf32>, vector<104x1xf32> -> vector<104x128xf32>
    %sub3A_2346 = arith.subf %concatenate3A_2345, %broadcast_in_dim3A_1948 : vector<104x128xf32>
    %slice3A_2347 = vector.extract_strided_slice %slice3A_1929 {offsets = [1, 0], sizes = [103, 128], strides = [1, 1]} : vector<104x128xf32> to vector<103x128xf32>
    %slice3A_2348 = vector.extract_strided_slice %slice3A_1929 {offsets = [0, 0], sizes = [1, 128], strides = [1, 1]} : vector<104x128xf32> to vector<1x128xf32>
    %concatenate3A_2349 = tpu.concatenate %slice3A_2347, %slice3A_2348 in 0 : vector<103x128xf32>, vector<1x128xf32> -> vector<104x128xf32>
    %sub3A_2350 = arith.subf %concatenate3A_2349, %slice3A_1929 : vector<104x128xf32>
    %slice3A_2351 = vector.extract_strided_slice %slice3A_1934 {offsets = [1, 0], sizes = [103, 128], strides = [1, 1]} : vector<104x128xf32> to vector<103x128xf32>
    %slice3A_2352 = vector.extract_strided_slice %slice3A_1934 {offsets = [0, 0], sizes = [1, 128], strides = [1, 1]} : vector<104x128xf32> to vector<1x128xf32>
    %concatenate3A_2353 = tpu.concatenate %slice3A_2351, %slice3A_2352 in 0 : vector<103x128xf32>, vector<1x128xf32> -> vector<104x128xf32>
    %sub3A_2354 = arith.subf %concatenate3A_2353, %slice3A_1934 : vector<104x128xf32>
    %slice3A_2355 = vector.extract_strided_slice %slice3A_1939 {offsets = [1, 0], sizes = [103, 128], strides = [1, 1]} : vector<104x128xf32> to vector<103x128xf32>
    %slice3A_2356 = vector.extract_strided_slice %slice3A_1939 {offsets = [0, 0], sizes = [1, 128], strides = [1, 1]} : vector<104x128xf32> to vector<1x128xf32>
    %concatenate3A_2357 = tpu.concatenate %slice3A_2355, %slice3A_2356 in 0 : vector<103x128xf32>, vector<1x128xf32> -> vector<104x128xf32>
    %sub3A_2358 = arith.subf %concatenate3A_2357, %slice3A_1939 : vector<104x128xf32>
    %mul3A_2359 = arith.mulf %sub3A_2342, %sub3A_2358 : vector<104x128xf32>
    %mul3A_2360 = arith.mulf %sub3A_2346, %sub3A_2354 : vector<104x128xf32>
    %sub3A_2361 = arith.subf %mul3A_2359, %mul3A_2360 : vector<104x128xf32>
    %mul3A_2362 = arith.mulf %sub3A_2346, %sub3A_2350 : vector<104x128xf32>
    %mul3A_2363 = arith.mulf %sub3A_2338, %sub3A_2358 : vector<104x128xf32>
    %sub3A_2364 = arith.subf %mul3A_2362, %mul3A_2363 : vector<104x128xf32>
    %mul3A_2365 = arith.mulf %sub3A_2338, %sub3A_2354 : vector<104x128xf32>
    %mul3A_2366 = arith.mulf %sub3A_2342, %sub3A_2350 : vector<104x128xf32>
    %sub3A_2367 = arith.subf %mul3A_2365, %mul3A_2366 : vector<104x128xf32>
    %mul3A_2368 = arith.mulf %sub3A_2361, %mul3A_1962 : vector<104x128xf32>
    %mul3A_2369 = arith.mulf %sub3A_2364, %mul3A_1963 : vector<104x128xf32>
    %add3A_2370 = arith.addf %mul3A_2368, %mul3A_2369 : vector<104x128xf32>
    %mul3A_2371 = arith.mulf %sub3A_2367, %mul3A_1964 : vector<104x128xf32>
    %add3A_2372 = arith.addf %add3A_2370, %mul3A_2371 : vector<104x128xf32>
    %sign3A_2373 = tpu.bitcast %add3A_2372 : vector<104x128xf32> -> vector<104x128xi32>
    %sign3A_2374 = arith.constant -2147483648 : i32
    %sign3A_2375 = vector.broadcast %sign3A_2374 : i32 to vector<104x128xi32>
    %sign3A_2376 = arith.andi %sign3A_2373, %sign3A_2375 : vector<104x128xi32>
    %sign3A_2377 = arith.constant 1065353216 : i32
    %sign3A_2378 = vector.broadcast %sign3A_2377 : i32 to vector<104x128xi32>
    %sign3A_2379 = arith.ori %sign3A_2378, %sign3A_2376 : vector<104x128xi32>
    %sign3A_2380 = tpu.bitcast %sign3A_2379 : vector<104x128xi32> -> vector<104x128xf32>
    %sign3A_2381 = math.absf %add3A_2372 : vector<104x128xf32>
    %sign3A_2382 = arith.constant 0.000000e+00 : f32
    %sign3A_2383 = vector.broadcast %sign3A_2382 : f32 to vector<104x128xf32>
    %sign3A_2384 = arith.cmpf ogt, %sign3A_2381, %sign3A_2383 : vector<104x128xf32>
    %sign3A_2385 = arith.select %sign3A_2384, %sign3A_2380, %add3A_2372 : vector<104x128xi1>, vector<104x128xf32>
    %mul3A_2386 = arith.mulf %add3A_2334, %sign3A_2385 : vector<104x128xf32>
    %mul3A_2387 = arith.constant 0.159154937 : f32
    %mul3A_2388 = vector.broadcast %mul3A_2387 : f32 to vector<104x128xf32>
    %mul3A_2389 = arith.mulf %mul3A_2386, %mul3A_2388 : vector<104x128xf32>
    %iota3A_2390 = tpu.iota {dimensions = array<i32: 0>} : vector<104x128xi32>
    %iota3A_2391 = tpu.iota {dimensions = array<i32: 1>} : vector<104x128xi32>
    %add3A_2392 = arith.constant 2 : i32
    %add3A_2393 = vector.broadcast %add3A_2392 : i32 to vector<104x128xi32>
    %add3A_2394 = arith.addi %iota3A_2390, %add3A_2393 : vector<104x128xi32>
    %le3A_2395 = arith.cmpi sle, %add3A_2394, %iota3A_2391 : vector<104x128xi32>
    %le3A_2396 = arith.constant 98 : i32
    %le3A_2397 = vector.broadcast %le3A_2396 : i32 to vector<104x128xi32>
    %le3A_2398 = arith.cmpi sle, %iota3A_2391, %le3A_2397 : vector<104x128xi32>
    %and3A_2399 = arith.andi %le3A_2395, %le3A_2398 : vector<104x128xi1>
    %mul3A_2400 = arith.constant 3.150000e+01 : f32
    %mul3A_2401 = vector.broadcast %mul3A_2400 : f32 to vector<104x128xf32>
    %mul3A_2402 = arith.mulf %mul3A_2389, %mul3A_2401 : vector<104x128xf32>
    %jit3A_2403 = arith.constant 0.000000e+00 : f32
    %broadcast_in_dim3A_2404 = vector.broadcast %jit3A_2403 : f32 to vector<104x128xf32>
    %select_n3A_2405 = arith.select %and3A_2399, %mul3A_2402, %broadcast_in_dim3A_2404 : vector<104x128xi1>, vector<104x128xf32>
    %jit3A_2406 = arith.constant 0.000000e+00 : f32
    %broadcast_in_dim3A_2407 = vector.broadcast %jit3A_2406 : f32 to vector<104x128xf32>
    %select_n3A_2408 = arith.select %and3A_2399, %exp3A_1960, %broadcast_in_dim3A_2407 : vector<104x128xi1>, vector<104x128xf32>
    %slice3A_2409 = vector.extract_strided_slice %exp3A_1960 {offsets = [0, 1], sizes = [104, 127], strides = [1, 1]} : vector<104x128xf32> to vector<104x127xf32>
    %slice3A_2410 = vector.extract_strided_slice %exp3A_1960 {offsets = [0, 0], sizes = [104, 1], strides = [1, 1]} : vector<104x128xf32> to vector<104x1xf32>
    %concatenate3A_2411 = tpu.concatenate %slice3A_2409, %slice3A_2410 in 1 : vector<104x127xf32>, vector<104x1xf32> -> vector<104x128xf32>
    %slice3A_2412 = vector.extract_strided_slice %concatenate3A_2411 {offsets = [1, 0], sizes = [103, 128], strides = [1, 1]} : vector<104x128xf32> to vector<103x128xf32>
    %slice3A_2413 = vector.extract_strided_slice %concatenate3A_2411 {offsets = [0, 0], sizes = [1, 128], strides = [1, 1]} : vector<104x128xf32> to vector<1x128xf32>
    %concatenate3A_2414 = tpu.concatenate %slice3A_2412, %slice3A_2413 in 0 : vector<103x128xf32>, vector<1x128xf32> -> vector<104x128xf32>
    %jit3A_2415 = arith.constant 0.000000e+00 : f32
    %broadcast_in_dim3A_2416 = vector.broadcast %jit3A_2415 : f32 to vector<104x128xf32>
    %select_n3A_2417 = arith.select %and3A_2399, %concatenate3A_2414, %broadcast_in_dim3A_2416 : vector<104x128xi1>, vector<104x128xf32>
    %reduce_sum3A_2418 = arith.constant dense<0.000000e+00> : vector<128xf32>
    %reduce_sum3A_2419 = vector.multi_reduction <add>, %select_n3A_2408, %reduce_sum3A_2418 [0] : vector<104x128xf32> to vector<128xf32>
    %broadcast_in_dim3A_2420 = vector.shape_cast %reduce_sum3A_2419 : vector<128xf32> to vector<1x128xf32>
    %reduce_sum3A_2421 = arith.constant dense<0.000000e+00> : vector<128xf32>
    %reduce_sum3A_2422 = vector.multi_reduction <add>, %select_n3A_2417, %reduce_sum3A_2421 [0] : vector<104x128xf32> to vector<128xf32>
    %broadcast_in_dim3A_2423 = vector.shape_cast %reduce_sum3A_2422 : vector<128xf32> to vector<1x128xf32>
    %broadcast_in_dim3A_2424 = arith.constant 0.000000e+00 : f32
    %broadcast_in_dim3A_2425 = vector.broadcast %broadcast_in_dim3A_2424 : f32 to vector<1x1xf32>
    %slice3A_2426 = vector.extract_strided_slice %broadcast_in_dim3A_2423 {offsets = [0, 0], sizes = [1, 127], strides = [1, 1]} : vector<1x128xf32> to vector<1x127xf32>
    %concatenate3A_2427 = tpu.concatenate %broadcast_in_dim3A_2425, %slice3A_2426 in 1 : vector<1x1xf32>, vector<1x127xf32> -> vector<1x128xf32>
    %add3A_2428 = arith.addf %broadcast_in_dim3A_2420, %concatenate3A_2427 : vector<1x128xf32>
    %gt3A_2429 = arith.constant 0.000000e+00 : f32
    %gt3A_2430 = vector.broadcast %gt3A_2429 : f32 to vector<1x128xf32>
    %gt3A_2431 = arith.cmpf ogt, %add3A_2428, %gt3A_2430 : vector<1x128xf32>
    %div3A_2432 = arith.constant 0.892857134 : f32
    %div3A_2433 = vector.broadcast %div3A_2432 : f32 to vector<1x128xf32>
    %div3A_2434 = arith.divf %div3A_2433, %add3A_2428 : vector<1x128xf32>
    %jit3A_2435 = arith.constant 0.000000e+00 : f32
    %broadcast_in_dim3A_2436 = vector.broadcast %jit3A_2435 : f32 to vector<1x128xf32>
    %select_n3A_2437 = arith.select %gt3A_2431, %div3A_2434, %broadcast_in_dim3A_2436 : vector<1x128xi1>, vector<1x128xf32>
    %broadcast_in_dim3A_2438 = arith.constant 1.000000e+00 : f32
    %broadcast_in_dim3A_2439 = vector.broadcast %broadcast_in_dim3A_2438 : f32 to vector<1x104xf32>
    %sub3A_2440 = arith.constant -3.150000e+01 : f32
    %sub3A_2441 = vector.broadcast %sub3A_2440 : f32 to vector<104x128xf32>
    %sub3A_2442 = arith.subf %select_n3A_2405, %sub3A_2441 : vector<104x128xf32>
    %mul3A_2443 = arith.mulf %sub3A_2442, %sub3A_2442 : vector<104x128xf32>
    %neg3A_2444 = arith.constant 0.000000e+00 : f32
    %neg3A_2445 = vector.broadcast %neg3A_2444 : f32 to vector<104x128xf32>
    %neg3A_2446 = arith.subf %neg3A_2445, %mul3A_2443 : vector<104x128xf32>
    %exp3A_2447 = math.exp %neg3A_2446 : vector<104x128xf32>
    %mul3A_2448 = arith.mulf %select_n3A_2408, %exp3A_2447 : vector<104x128xf32>
    %dot_general3A_2449 = arith.constant dense<0.000000e+00> : vector<1x128xf32>
    %dot_general3A_2450 = tpu.matmul %broadcast_in_dim3A_2439, %mul3A_2448, %dot_general3A_2449 {dimension_numbers = #tpu.dot_dimension_numbers<[1], [0], [0], [1], [0, 0, 1, 1], [], []>, transpose_lhs_hint = false} : vector<1x104xf32>, vector<104x128xf32>, vector<1x128xf32> -> vector<1x128xf32>
    %mul3A_2451 = arith.mulf %select_n3A_2417, %exp3A_2447 : vector<104x128xf32>
    %dot_general3A_2452 = arith.constant dense<0.000000e+00> : vector<1x128xf32>
    %dot_general3A_2453 = tpu.matmul %broadcast_in_dim3A_2439, %mul3A_2451, %dot_general3A_2452 {dimension_numbers = #tpu.dot_dimension_numbers<[1], [0], [0], [1], [0, 0, 1, 1], [], []>, transpose_lhs_hint = false} : vector<1x104xf32>, vector<104x128xf32>, vector<1x128xf32> -> vector<1x128xf32>
    %broadcast_in_dim3A_2454 = arith.constant 0.000000e+00 : f32
    %broadcast_in_dim3A_2455 = vector.broadcast %broadcast_in_dim3A_2454 : f32 to vector<1x1xf32>
    %slice3A_2456 = vector.extract_strided_slice %dot_general3A_2453 {offsets = [0, 0], sizes = [1, 127], strides = [1, 1]} : vector<1x128xf32> to vector<1x127xf32>
    %concatenate3A_2457 = tpu.concatenate %broadcast_in_dim3A_2455, %slice3A_2456 in 1 : vector<1x1xf32>, vector<1x127xf32> -> vector<1x128xf32>
    %add3A_2458 = arith.addf %dot_general3A_2450, %concatenate3A_2457 : vector<1x128xf32>
    %swap3A_2459 = arith.constant 0 : index
    %swap3A_2460 = arith.constant 0 : index
    %swap3A_2461 = vector.load %arg5[%swap3A_2459, %swap3A_2460] : memref<64x128xf32, #tpu.memory_space<vmem>>, vector<1x128xf32>
    tpu.vector_store %arg5[%swap3A_2459, %swap3A_2460], %add3A_2458 {strides = array<i32>} : memref<64x128xf32, #tpu.memory_space<vmem>>, vector<1x128xf32>,
    %sub3A_2462 = arith.constant -3.050000e+01 : f32
    %sub3A_2463 = vector.broadcast %sub3A_2462 : f32 to vector<104x128xf32>
    %sub3A_2464 = arith.subf %select_n3A_2405, %sub3A_2463 : vector<104x128xf32>
    %mul3A_2465 = arith.mulf %sub3A_2464, %sub3A_2464 : vector<104x128xf32>
    %neg3A_2466 = arith.constant 0.000000e+00 : f32
    %neg3A_2467 = vector.broadcast %neg3A_2466 : f32 to vector<104x128xf32>
    %neg3A_2468 = arith.subf %neg3A_2467, %mul3A_2465 : vector<104x128xf32>
    %exp3A_2469 = math.exp %neg3A_2468 : vector<104x128xf32>
    %mul3A_2470 = arith.mulf %select_n3A_2408, %exp3A_2469 : vector<104x128xf32>
    %dot_general3A_2471 = arith.constant dense<0.000000e+00> : vector<1x128xf32>
    %dot_general3A_2472 = tpu.matmul %broadcast_in_dim3A_2439, %mul3A_2470, %dot_general3A_2471 {dimension_numbers = #tpu.dot_dimension_numbers<[1], [0], [0], [1], [0, 0, 1, 1], [], []>, transpose_lhs_hint = false} : vector<1x104xf32>, vector<104x128xf32>, vector<1x128xf32> -> vector<1x128xf32>
    %mul3A_2473 = arith.mulf %select_n3A_2417, %exp3A_2469 : vector<104x128xf32>
    %dot_general3A_2474 = arith.constant dense<0.000000e+00> : vector<1x128xf32>
    %dot_general3A_2475 = tpu.matmul %broadcast_in_dim3A_2439, %mul3A_2473, %dot_general3A_2474 {dimension_numbers = #tpu.dot_dimension_numbers<[1], [0], [0], [1], [0, 0, 1, 1], [], []>, transpose_lhs_hint = false} : vector<1x104xf32>, vector<104x128xf32>, vector<1x128xf32> -> vector<1x128xf32>
    %broadcast_in_dim3A_2476 = arith.constant 0.000000e+00 : f32
    %broadcast_in_dim3A_2477 = vector.broadcast %broadcast_in_dim3A_2476 : f32 to vector<1x1xf32>
    %slice3A_2478 = vector.extract_strided_slice %dot_general3A_2475 {offsets = [0, 0], sizes = [1, 127], strides = [1, 1]} : vector<1x128xf32> to vector<1x127xf32>
    %concatenate3A_2479 = tpu.concatenate %broadcast_in_dim3A_2477, %slice3A_2478 in 1 : vector<1x1xf32>, vector<1x127xf32> -> vector<1x128xf32>
    %add3A_2480 = arith.addf %dot_general3A_2472, %concatenate3A_2479 : vector<1x128xf32>
    %swap3A_2481 = arith.constant 1 : index
    %swap3A_2482 = arith.constant 0 : index
    %swap3A_2483 = vector.load %arg5[%swap3A_2481, %swap3A_2482] : memref<64x128xf32, #tpu.memory_space<vmem>>, vector<1x128xf32>
    tpu.vector_store %arg5[%swap3A_2481, %swap3A_2482], %add3A_2480 {strides = array<i32>} : memref<64x128xf32, #tpu.memory_space<vmem>>, vector<1x128xf32>,
    %sub3A_2484 = arith.constant -2.950000e+01 : f32
    %sub3A_2485 = vector.broadcast %sub3A_2484 : f32 to vector<104x128xf32>
    %sub3A_2486 = arith.subf %select_n3A_2405, %sub3A_2485 : vector<104x128xf32>
    %mul3A_2487 = arith.mulf %sub3A_2486, %sub3A_2486 : vector<104x128xf32>
    %neg3A_2488 = arith.constant 0.000000e+00 : f32
    %neg3A_2489 = vector.broadcast %neg3A_2488 : f32 to vector<104x128xf32>
    %neg3A_2490 = arith.subf %neg3A_2489, %mul3A_2487 : vector<104x128xf32>
    %exp3A_2491 = math.exp %neg3A_2490 : vector<104x128xf32>
    %mul3A_2492 = arith.mulf %select_n3A_2408, %exp3A_2491 : vector<104x128xf32>
    %dot_general3A_2493 = arith.constant dense<0.000000e+00> : vector<1x128xf32>
    %dot_general3A_2494 = tpu.matmul %broadcast_in_dim3A_2439, %mul3A_2492, %dot_general3A_2493 {dimension_numbers = #tpu.dot_dimension_numbers<[1], [0], [0], [1], [0, 0, 1, 1], [], []>, transpose_lhs_hint = false} : vector<1x104xf32>, vector<104x128xf32>, vector<1x128xf32> -> vector<1x128xf32>
    %mul3A_2495 = arith.mulf %select_n3A_2417, %exp3A_2491 : vector<104x128xf32>
    %dot_general3A_2496 = arith.constant dense<0.000000e+00> : vector<1x128xf32>
    %dot_general3A_2497 = tpu.matmul %broadcast_in_dim3A_2439, %mul3A_2495, %dot_general3A_2496 {dimension_numbers = #tpu.dot_dimension_numbers<[1], [0], [0], [1], [0, 0, 1, 1], [], []>, transpose_lhs_hint = false} : vector<1x104xf32>, vector<104x128xf32>, vector<1x128xf32> -> vector<1x128xf32>
    %broadcast_in_dim3A_2498 = arith.constant 0.000000e+00 : f32
    %broadcast_in_dim3A_2499 = vector.broadcast %broadcast_in_dim3A_2498 : f32 to vector<1x1xf32>
    %slice3A_2500 = vector.extract_strided_slice %dot_general3A_2497 {offsets = [0, 0], sizes = [1, 127], strides = [1, 1]} : vector<1x128xf32> to vector<1x127xf32>
    %concatenate3A_2501 = tpu.concatenate %broadcast_in_dim3A_2499, %slice3A_2500 in 1 : vector<1x1xf32>, vector<1x127xf32> -> vector<1x128xf32>
    %add3A_2502 = arith.addf %dot_general3A_2494, %concatenate3A_2501 : vector<1x128xf32>
    %swap3A_2503 = arith.constant 2 : index
    %swap3A_2504 = arith.constant 0 : index
    %swap3A_2505 = vector.load %arg5[%swap3A_2503, %swap3A_2504] : memref<64x128xf32, #tpu.memory_space<vmem>>, vector<1x128xf32>
    tpu.vector_store %arg5[%swap3A_2503, %swap3A_2504], %add3A_2502 {strides = array<i32>} : memref<64x128xf32, #tpu.memory_space<vmem>>, vector<1x128xf32>,
    %sub3A_2506 = arith.constant -2.850000e+01 : f32
    %sub3A_2507 = vector.broadcast %sub3A_2506 : f32 to vector<104x128xf32>
    %sub3A_2508 = arith.subf %select_n3A_2405, %sub3A_2507 : vector<104x128xf32>
    %mul3A_2509 = arith.mulf %sub3A_2508, %sub3A_2508 : vector<104x128xf32>
    %neg3A_2510 = arith.constant 0.000000e+00 : f32
    %neg3A_2511 = vector.broadcast %neg3A_2510 : f32 to vector<104x128xf32>
    %neg3A_2512 = arith.subf %neg3A_2511, %mul3A_2509 : vector<104x128xf32>
    %exp3A_2513 = math.exp %neg3A_2512 : vector<104x128xf32>
    %mul3A_2514 = arith.mulf %select_n3A_2408, %exp3A_2513 : vector<104x128xf32>
    %dot_general3A_2515 = arith.constant dense<0.000000e+00> : vector<1x128xf32>
    %dot_general3A_2516 = tpu.matmul %broadcast_in_dim3A_2439, %mul3A_2514, %dot_general3A_2515 {dimension_numbers = #tpu.dot_dimension_numbers<[1], [0], [0], [1], [0, 0, 1, 1], [], []>, transpose_lhs_hint = false} : vector<1x104xf32>, vector<104x128xf32>, vector<1x128xf32> -> vector<1x128xf32>
    %mul3A_2517 = arith.mulf %select_n3A_2417, %exp3A_2513 : vector<104x128xf32>
    %dot_general3A_2518 = arith.constant dense<0.000000e+00> : vector<1x128xf32>
    %dot_general3A_2519 = tpu.matmul %broadcast_in_dim3A_2439, %mul3A_2517, %dot_general3A_2518 {dimension_numbers = #tpu.dot_dimension_numbers<[1], [0], [0], [1], [0, 0, 1, 1], [], []>, transpose_lhs_hint = false} : vector<1x104xf32>, vector<104x128xf32>, vector<1x128xf32> -> vector<1x128xf32>
    %broadcast_in_dim3A_2520 = arith.constant 0.000000e+00 : f32
    %broadcast_in_dim3A_2521 = vector.broadcast %broadcast_in_dim3A_2520 : f32 to vector<1x1xf32>
    %slice3A_2522 = vector.extract_strided_slice %dot_general3A_2519 {offsets = [0, 0], sizes = [1, 127], strides = [1, 1]} : vector<1x128xf32> to vector<1x127xf32>
    %concatenate3A_2523 = tpu.concatenate %broadcast_in_dim3A_2521, %slice3A_2522 in 1 : vector<1x1xf32>, vector<1x127xf32> -> vector<1x128xf32>
    %add3A_2524 = arith.addf %dot_general3A_2516, %concatenate3A_2523 : vector<1x128xf32>
    %swap3A_2525 = arith.constant 3 : index
    %swap3A_2526 = arith.constant 0 : index
    %swap3A_2527 = vector.load %arg5[%swap3A_2525, %swap3A_2526] : memref<64x128xf32, #tpu.memory_space<vmem>>, vector<1x128xf32>
    tpu.vector_store %arg5[%swap3A_2525, %swap3A_2526], %add3A_2524 {strides = array<i32>} : memref<64x128xf32, #tpu.memory_space<vmem>>, vector<1x128xf32>,
    %sub3A_2528 = arith.constant -2.750000e+01 : f32
    %sub3A_2529 = vector.broadcast %sub3A_2528 : f32 to vector<104x128xf32>
    %sub3A_2530 = arith.subf %select_n3A_2405, %sub3A_2529 : vector<104x128xf32>
    %mul3A_2531 = arith.mulf %sub3A_2530, %sub3A_2530 : vector<104x128xf32>
    %neg3A_2532 = arith.constant 0.000000e+00 : f32
    %neg3A_2533 = vector.broadcast %neg3A_2532 : f32 to vector<104x128xf32>
    %neg3A_2534 = arith.subf %neg3A_2533, %mul3A_2531 : vector<104x128xf32>
    %exp3A_2535 = math.exp %neg3A_2534 : vector<104x128xf32>
    %mul3A_2536 = arith.mulf %select_n3A_2408, %exp3A_2535 : vector<104x128xf32>
    %dot_general3A_2537 = arith.constant dense<0.000000e+00> : vector<1x128xf32>
    %dot_general3A_2538 = tpu.matmul %broadcast_in_dim3A_2439, %mul3A_2536, %dot_general3A_2537 {dimension_numbers = #tpu.dot_dimension_numbers<[1], [0], [0], [1], [0, 0, 1, 1], [], []>, transpose_lhs_hint = false} : vector<1x104xf32>, vector<104x128xf32>, vector<1x128xf32> -> vector<1x128xf32>
    %mul3A_2539 = arith.mulf %select_n3A_2417, %exp3A_2535 : vector<104x128xf32>
    %dot_general3A_2540 = arith.constant dense<0.000000e+00> : vector<1x128xf32>
    %dot_general3A_2541 = tpu.matmul %broadcast_in_dim3A_2439, %mul3A_2539, %dot_general3A_2540 {dimension_numbers = #tpu.dot_dimension_numbers<[1], [0], [0], [1], [0, 0, 1, 1], [], []>, transpose_lhs_hint = false} : vector<1x104xf32>, vector<104x128xf32>, vector<1x128xf32> -> vector<1x128xf32>
    %broadcast_in_dim3A_2542 = arith.constant 0.000000e+00 : f32
    %broadcast_in_dim3A_2543 = vector.broadcast %broadcast_in_dim3A_2542 : f32 to vector<1x1xf32>
    %slice3A_2544 = vector.extract_strided_slice %dot_general3A_2541 {offsets = [0, 0], sizes = [1, 127], strides = [1, 1]} : vector<1x128xf32> to vector<1x127xf32>
    %concatenate3A_2545 = tpu.concatenate %broadcast_in_dim3A_2543, %slice3A_2544 in 1 : vector<1x1xf32>, vector<1x127xf32> -> vector<1x128xf32>
    %add3A_2546 = arith.addf %dot_general3A_2538, %concatenate3A_2545 : vector<1x128xf32>
    %swap3A_2547 = arith.constant 4 : index
    %swap3A_2548 = arith.constant 0 : index
    %swap3A_2549 = vector.load %arg5[%swap3A_2547, %swap3A_2548] : memref<64x128xf32, #tpu.memory_space<vmem>>, vector<1x128xf32>
    tpu.vector_store %arg5[%swap3A_2547, %swap3A_2548], %add3A_2546 {strides = array<i32>} : memref<64x128xf32, #tpu.memory_space<vmem>>, vector<1x128xf32>,
    %sub3A_2550 = arith.constant -2.650000e+01 : f32
    %sub3A_2551 = vector.broadcast %sub3A_2550 : f32 to vector<104x128xf32>
    %sub3A_2552 = arith.subf %select_n3A_2405, %sub3A_2551 : vector<104x128xf32>
    %mul3A_2553 = arith.mulf %sub3A_2552, %sub3A_2552 : vector<104x128xf32>
    %neg3A_2554 = arith.constant 0.000000e+00 : f32
    %neg3A_2555 = vector.broadcast %neg3A_2554 : f32 to vector<104x128xf32>
    %neg3A_2556 = arith.subf %neg3A_2555, %mul3A_2553 : vector<104x128xf32>
    %exp3A_2557 = math.exp %neg3A_2556 : vector<104x128xf32>
    %mul3A_2558 = arith.mulf %select_n3A_2408, %exp3A_2557 : vector<104x128xf32>
    %dot_general3A_2559 = arith.constant dense<0.000000e+00> : vector<1x128xf32>
    %dot_general3A_2560 = tpu.matmul %broadcast_in_dim3A_2439, %mul3A_2558, %dot_general3A_2559 {dimension_numbers = #tpu.dot_dimension_numbers<[1], [0], [0], [1], [0, 0, 1, 1], [], []>, transpose_lhs_hint = false} : vector<1x104xf32>, vector<104x128xf32>, vector<1x128xf32> -> vector<1x128xf32>
    %mul3A_2561 = arith.mulf %select_n3A_2417, %exp3A_2557 : vector<104x128xf32>
    %dot_general3A_2562 = arith.constant dense<0.000000e+00> : vector<1x128xf32>
    %dot_general3A_2563 = tpu.matmul %broadcast_in_dim3A_2439, %mul3A_2561, %dot_general3A_2562 {dimension_numbers = #tpu.dot_dimension_numbers<[1], [0], [0], [1], [0, 0, 1, 1], [], []>, transpose_lhs_hint = false} : vector<1x104xf32>, vector<104x128xf32>, vector<1x128xf32> -> vector<1x128xf32>
    %broadcast_in_dim3A_2564 = arith.constant 0.000000e+00 : f32
    %broadcast_in_dim3A_2565 = vector.broadcast %broadcast_in_dim3A_2564 : f32 to vector<1x1xf32>
    %slice3A_2566 = vector.extract_strided_slice %dot_general3A_2563 {offsets = [0, 0], sizes = [1, 127], strides = [1, 1]} : vector<1x128xf32> to vector<1x127xf32>
    %concatenate3A_2567 = tpu.concatenate %broadcast_in_dim3A_2565, %slice3A_2566 in 1 : vector<1x1xf32>, vector<1x127xf32> -> vector<1x128xf32>
    %add3A_2568 = arith.addf %dot_general3A_2560, %concatenate3A_2567 : vector<1x128xf32>
    %swap3A_2569 = arith.constant 5 : index
    %swap3A_2570 = arith.constant 0 : index
    %swap3A_2571 = vector.load %arg5[%swap3A_2569, %swap3A_2570] : memref<64x128xf32, #tpu.memory_space<vmem>>, vector<1x128xf32>
    tpu.vector_store %arg5[%swap3A_2569, %swap3A_2570], %add3A_2568 {strides = array<i32>} : memref<64x128xf32, #tpu.memory_space<vmem>>, vector<1x128xf32>,
    %sub3A_2572 = arith.constant -2.550000e+01 : f32
    %sub3A_2573 = vector.broadcast %sub3A_2572 : f32 to vector<104x128xf32>
    %sub3A_2574 = arith.subf %select_n3A_2405, %sub3A_2573 : vector<104x128xf32>
    %mul3A_2575 = arith.mulf %sub3A_2574, %sub3A_2574 : vector<104x128xf32>
    %neg3A_2576 = arith.constant 0.000000e+00 : f32
    %neg3A_2577 = vector.broadcast %neg3A_2576 : f32 to vector<104x128xf32>
    %neg3A_2578 = arith.subf %neg3A_2577, %mul3A_2575 : vector<104x128xf32>
    %exp3A_2579 = math.exp %neg3A_2578 : vector<104x128xf32>
    %mul3A_2580 = arith.mulf %select_n3A_2408, %exp3A_2579 : vector<104x128xf32>
    %dot_general3A_2581 = arith.constant dense<0.000000e+00> : vector<1x128xf32>
    %dot_general3A_2582 = tpu.matmul %broadcast_in_dim3A_2439, %mul3A_2580, %dot_general3A_2581 {dimension_numbers = #tpu.dot_dimension_numbers<[1], [0], [0], [1], [0, 0, 1, 1], [], []>, transpose_lhs_hint = false} : vector<1x104xf32>, vector<104x128xf32>, vector<1x128xf32> -> vector<1x128xf32>
    %mul3A_2583 = arith.mulf %select_n3A_2417, %exp3A_2579 : vector<104x128xf32>
    %dot_general3A_2584 = arith.constant dense<0.000000e+00> : vector<1x128xf32>
    %dot_general3A_2585 = tpu.matmul %broadcast_in_dim3A_2439, %mul3A_2583, %dot_general3A_2584 {dimension_numbers = #tpu.dot_dimension_numbers<[1], [0], [0], [1], [0, 0, 1, 1], [], []>, transpose_lhs_hint = false} : vector<1x104xf32>, vector<104x128xf32>, vector<1x128xf32> -> vector<1x128xf32>
    %broadcast_in_dim3A_2586 = arith.constant 0.000000e+00 : f32
    %broadcast_in_dim3A_2587 = vector.broadcast %broadcast_in_dim3A_2586 : f32 to vector<1x1xf32>
    %slice3A_2588 = vector.extract_strided_slice %dot_general3A_2585 {offsets = [0, 0], sizes = [1, 127], strides = [1, 1]} : vector<1x128xf32> to vector<1x127xf32>
    %concatenate3A_2589 = tpu.concatenate %broadcast_in_dim3A_2587, %slice3A_2588 in 1 : vector<1x1xf32>, vector<1x127xf32> -> vector<1x128xf32>
    %add3A_2590 = arith.addf %dot_general3A_2582, %concatenate3A_2589 : vector<1x128xf32>
    %swap3A_2591 = arith.constant 6 : index
    %swap3A_2592 = arith.constant 0 : index
    %swap3A_2593 = vector.load %arg5[%swap3A_2591, %swap3A_2592] : memref<64x128xf32, #tpu.memory_space<vmem>>, vector<1x128xf32>
    tpu.vector_store %arg5[%swap3A_2591, %swap3A_2592], %add3A_2590 {strides = array<i32>} : memref<64x128xf32, #tpu.memory_space<vmem>>, vector<1x128xf32>,
    %sub3A_2594 = arith.constant -2.450000e+01 : f32
    %sub3A_2595 = vector.broadcast %sub3A_2594 : f32 to vector<104x128xf32>
    %sub3A_2596 = arith.subf %select_n3A_2405, %sub3A_2595 : vector<104x128xf32>
    %mul3A_2597 = arith.mulf %sub3A_2596, %sub3A_2596 : vector<104x128xf32>
    %neg3A_2598 = arith.constant 0.000000e+00 : f32
    %neg3A_2599 = vector.broadcast %neg3A_2598 : f32 to vector<104x128xf32>
    %neg3A_2600 = arith.subf %neg3A_2599, %mul3A_2597 : vector<104x128xf32>
    %exp3A_2601 = math.exp %neg3A_2600 : vector<104x128xf32>
    %mul3A_2602 = arith.mulf %select_n3A_2408, %exp3A_2601 : vector<104x128xf32>
    %dot_general3A_2603 = arith.constant dense<0.000000e+00> : vector<1x128xf32>
    %dot_general3A_2604 = tpu.matmul %broadcast_in_dim3A_2439, %mul3A_2602, %dot_general3A_2603 {dimension_numbers = #tpu.dot_dimension_numbers<[1], [0], [0], [1], [0, 0, 1, 1], [], []>, transpose_lhs_hint = false} : vector<1x104xf32>, vector<104x128xf32>, vector<1x128xf32> -> vector<1x128xf32>
    %mul3A_2605 = arith.mulf %select_n3A_2417, %exp3A_2601 : vector<104x128xf32>
    %dot_general3A_2606 = arith.constant dense<0.000000e+00> : vector<1x128xf32>
    %dot_general3A_2607 = tpu.matmul %broadcast_in_dim3A_2439, %mul3A_2605, %dot_general3A_2606 {dimension_numbers = #tpu.dot_dimension_numbers<[1], [0], [0], [1], [0, 0, 1, 1], [], []>, transpose_lhs_hint = false} : vector<1x104xf32>, vector<104x128xf32>, vector<1x128xf32> -> vector<1x128xf32>
    %broadcast_in_dim3A_2608 = arith.constant 0.000000e+00 : f32
    %broadcast_in_dim3A_2609 = vector.broadcast %broadcast_in_dim3A_2608 : f32 to vector<1x1xf32>
    %slice3A_2610 = vector.extract_strided_slice %dot_general3A_2607 {offsets = [0, 0], sizes = [1, 127], strides = [1, 1]} : vector<1x128xf32> to vector<1x127xf32>
    %concatenate3A_2611 = tpu.concatenate %broadcast_in_dim3A_2609, %slice3A_2610 in 1 : vector<1x1xf32>, vector<1x127xf32> -> vector<1x128xf32>
    %add3A_2612 = arith.addf %dot_general3A_2604, %concatenate3A_2611 : vector<1x128xf32>
    %swap3A_2613 = arith.constant 7 : index
    %swap3A_2614 = arith.constant 0 : index
    %swap3A_2615 = vector.load %arg5[%swap3A_2613, %swap3A_2614] : memref<64x128xf32, #tpu.memory_space<vmem>>, vector<1x128xf32>
    tpu.vector_store %arg5[%swap3A_2613, %swap3A_2614], %add3A_2612 {strides = array<i32>} : memref<64x128xf32, #tpu.memory_space<vmem>>, vector<1x128xf32>,
    %sub3A_2616 = arith.constant -2.350000e+01 : f32
    %sub3A_2617 = vector.broadcast %sub3A_2616 : f32 to vector<104x128xf32>
    %sub3A_2618 = arith.subf %select_n3A_2405, %sub3A_2617 : vector<104x128xf32>
    %mul3A_2619 = arith.mulf %sub3A_2618, %sub3A_2618 : vector<104x128xf32>
    %neg3A_2620 = arith.constant 0.000000e+00 : f32
    %neg3A_2621 = vector.broadcast %neg3A_2620 : f32 to vector<104x128xf32>
    %neg3A_2622 = arith.subf %neg3A_2621, %mul3A_2619 : vector<104x128xf32>
    %exp3A_2623 = math.exp %neg3A_2622 : vector<104x128xf32>
    %mul3A_2624 = arith.mulf %select_n3A_2408, %exp3A_2623 : vector<104x128xf32>
    %dot_general3A_2625 = arith.constant dense<0.000000e+00> : vector<1x128xf32>
    %dot_general3A_2626 = tpu.matmul %broadcast_in_dim3A_2439, %mul3A_2624, %dot_general3A_2625 {dimension_numbers = #tpu.dot_dimension_numbers<[1], [0], [0], [1], [0, 0, 1, 1], [], []>, transpose_lhs_hint = false} : vector<1x104xf32>, vector<104x128xf32>, vector<1x128xf32> -> vector<1x128xf32>
    %mul3A_2627 = arith.mulf %select_n3A_2417, %exp3A_2623 : vector<104x128xf32>
    %dot_general3A_2628 = arith.constant dense<0.000000e+00> : vector<1x128xf32>
    %dot_general3A_2629 = tpu.matmul %broadcast_in_dim3A_2439, %mul3A_2627, %dot_general3A_2628 {dimension_numbers = #tpu.dot_dimension_numbers<[1], [0], [0], [1], [0, 0, 1, 1], [], []>, transpose_lhs_hint = false} : vector<1x104xf32>, vector<104x128xf32>, vector<1x128xf32> -> vector<1x128xf32>
    %broadcast_in_dim3A_2630 = arith.constant 0.000000e+00 : f32
    %broadcast_in_dim3A_2631 = vector.broadcast %broadcast_in_dim3A_2630 : f32 to vector<1x1xf32>
    %slice3A_2632 = vector.extract_strided_slice %dot_general3A_2629 {offsets = [0, 0], sizes = [1, 127], strides = [1, 1]} : vector<1x128xf32> to vector<1x127xf32>
    %concatenate3A_2633 = tpu.concatenate %broadcast_in_dim3A_2631, %slice3A_2632 in 1 : vector<1x1xf32>, vector<1x127xf32> -> vector<1x128xf32>
    %add3A_2634 = arith.addf %dot_general3A_2626, %concatenate3A_2633 : vector<1x128xf32>
    %swap3A_2635 = arith.constant 8 : index
    %swap3A_2636 = arith.constant 0 : index
    %swap3A_2637 = vector.load %arg5[%swap3A_2635, %swap3A_2636] : memref<64x128xf32, #tpu.memory_space<vmem>>, vector<1x128xf32>
    tpu.vector_store %arg5[%swap3A_2635, %swap3A_2636], %add3A_2634 {strides = array<i32>} : memref<64x128xf32, #tpu.memory_space<vmem>>, vector<1x128xf32>,
    %sub3A_2638 = arith.constant -2.250000e+01 : f32
    %sub3A_2639 = vector.broadcast %sub3A_2638 : f32 to vector<104x128xf32>
    %sub3A_2640 = arith.subf %select_n3A_2405, %sub3A_2639 : vector<104x128xf32>
    %mul3A_2641 = arith.mulf %sub3A_2640, %sub3A_2640 : vector<104x128xf32>
    %neg3A_2642 = arith.constant 0.000000e+00 : f32
    %neg3A_2643 = vector.broadcast %neg3A_2642 : f32 to vector<104x128xf32>
    %neg3A_2644 = arith.subf %neg3A_2643, %mul3A_2641 : vector<104x128xf32>
    %exp3A_2645 = math.exp %neg3A_2644 : vector<104x128xf32>
    %mul3A_2646 = arith.mulf %select_n3A_2408, %exp3A_2645 : vector<104x128xf32>
    %dot_general3A_2647 = arith.constant dense<0.000000e+00> : vector<1x128xf32>
    %dot_general3A_2648 = tpu.matmul %broadcast_in_dim3A_2439, %mul3A_2646, %dot_general3A_2647 {dimension_numbers = #tpu.dot_dimension_numbers<[1], [0], [0], [1], [0, 0, 1, 1], [], []>, transpose_lhs_hint = false} : vector<1x104xf32>, vector<104x128xf32>, vector<1x128xf32> -> vector<1x128xf32>
    %mul3A_2649 = arith.mulf %select_n3A_2417, %exp3A_2645 : vector<104x128xf32>
    %dot_general3A_2650 = arith.constant dense<0.000000e+00> : vector<1x128xf32>
    %dot_general3A_2651 = tpu.matmul %broadcast_in_dim3A_2439, %mul3A_2649, %dot_general3A_2650 {dimension_numbers = #tpu.dot_dimension_numbers<[1], [0], [0], [1], [0, 0, 1, 1], [], []>, transpose_lhs_hint = false} : vector<1x104xf32>, vector<104x128xf32>, vector<1x128xf32> -> vector<1x128xf32>
    %broadcast_in_dim3A_2652 = arith.constant 0.000000e+00 : f32
    %broadcast_in_dim3A_2653 = vector.broadcast %broadcast_in_dim3A_2652 : f32 to vector<1x1xf32>
    %slice3A_2654 = vector.extract_strided_slice %dot_general3A_2651 {offsets = [0, 0], sizes = [1, 127], strides = [1, 1]} : vector<1x128xf32> to vector<1x127xf32>
    %concatenate3A_2655 = tpu.concatenate %broadcast_in_dim3A_2653, %slice3A_2654 in 1 : vector<1x1xf32>, vector<1x127xf32> -> vector<1x128xf32>
    %add3A_2656 = arith.addf %dot_general3A_2648, %concatenate3A_2655 : vector<1x128xf32>
    %swap3A_2657 = arith.constant 9 : index
    %swap3A_2658 = arith.constant 0 : index
    %swap3A_2659 = vector.load %arg5[%swap3A_2657, %swap3A_2658] : memref<64x128xf32, #tpu.memory_space<vmem>>, vector<1x128xf32>
    tpu.vector_store %arg5[%swap3A_2657, %swap3A_2658], %add3A_2656 {strides = array<i32>} : memref<64x128xf32, #tpu.memory_space<vmem>>, vector<1x128xf32>,
    %sub3A_2660 = arith.constant -2.150000e+01 : f32
    %sub3A_2661 = vector.broadcast %sub3A_2660 : f32 to vector<104x128xf32>
    %sub3A_2662 = arith.subf %select_n3A_2405, %sub3A_2661 : vector<104x128xf32>
    %mul3A_2663 = arith.mulf %sub3A_2662, %sub3A_2662 : vector<104x128xf32>
    %neg3A_2664 = arith.constant 0.000000e+00 : f32
    %neg3A_2665 = vector.broadcast %neg3A_2664 : f32 to vector<104x128xf32>
    %neg3A_2666 = arith.subf %neg3A_2665, %mul3A_2663 : vector<104x128xf32>
    %exp3A_2667 = math.exp %neg3A_2666 : vector<104x128xf32>
    %mul3A_2668 = arith.mulf %select_n3A_2408, %exp3A_2667 : vector<104x128xf32>
    %dot_general3A_2669 = arith.constant dense<0.000000e+00> : vector<1x128xf32>
    %dot_general3A_2670 = tpu.matmul %broadcast_in_dim3A_2439, %mul3A_2668, %dot_general3A_2669 {dimension_numbers = #tpu.dot_dimension_numbers<[1], [0], [0], [1], [0, 0, 1, 1], [], []>, transpose_lhs_hint = false} : vector<1x104xf32>, vector<104x128xf32>, vector<1x128xf32> -> vector<1x128xf32>
    %mul3A_2671 = arith.mulf %select_n3A_2417, %exp3A_2667 : vector<104x128xf32>
    %dot_general3A_2672 = arith.constant dense<0.000000e+00> : vector<1x128xf32>
    %dot_general3A_2673 = tpu.matmul %broadcast_in_dim3A_2439, %mul3A_2671, %dot_general3A_2672 {dimension_numbers = #tpu.dot_dimension_numbers<[1], [0], [0], [1], [0, 0, 1, 1], [], []>, transpose_lhs_hint = false} : vector<1x104xf32>, vector<104x128xf32>, vector<1x128xf32> -> vector<1x128xf32>
    %broadcast_in_dim3A_2674 = arith.constant 0.000000e+00 : f32
    %broadcast_in_dim3A_2675 = vector.broadcast %broadcast_in_dim3A_2674 : f32 to vector<1x1xf32>
    %slice3A_2676 = vector.extract_strided_slice %dot_general3A_2673 {offsets = [0, 0], sizes = [1, 127], strides = [1, 1]} : vector<1x128xf32> to vector<1x127xf32>
    %concatenate3A_2677 = tpu.concatenate %broadcast_in_dim3A_2675, %slice3A_2676 in 1 : vector<1x1xf32>, vector<1x127xf32> -> vector<1x128xf32>
    %add3A_2678 = arith.addf %dot_general3A_2670, %concatenate3A_2677 : vector<1x128xf32>
    %swap3A_2679 = arith.constant 10 : index
    %swap3A_2680 = arith.constant 0 : index
    %swap3A_2681 = vector.load %arg5[%swap3A_2679, %swap3A_2680] : memref<64x128xf32, #tpu.memory_space<vmem>>, vector<1x128xf32>
    tpu.vector_store %arg5[%swap3A_2679, %swap3A_2680], %add3A_2678 {strides = array<i32>} : memref<64x128xf32, #tpu.memory_space<vmem>>, vector<1x128xf32>,
    %sub3A_2682 = arith.constant -2.050000e+01 : f32
    %sub3A_2683 = vector.broadcast %sub3A_2682 : f32 to vector<104x128xf32>
    %sub3A_2684 = arith.subf %select_n3A_2405, %sub3A_2683 : vector<104x128xf32>
    %mul3A_2685 = arith.mulf %sub3A_2684, %sub3A_2684 : vector<104x128xf32>
    %neg3A_2686 = arith.constant 0.000000e+00 : f32
    %neg3A_2687 = vector.broadcast %neg3A_2686 : f32 to vector<104x128xf32>
    %neg3A_2688 = arith.subf %neg3A_2687, %mul3A_2685 : vector<104x128xf32>
    %exp3A_2689 = math.exp %neg3A_2688 : vector<104x128xf32>
    %mul3A_2690 = arith.mulf %select_n3A_2408, %exp3A_2689 : vector<104x128xf32>
    %dot_general3A_2691 = arith.constant dense<0.000000e+00> : vector<1x128xf32>
    %dot_general3A_2692 = tpu.matmul %broadcast_in_dim3A_2439, %mul3A_2690, %dot_general3A_2691 {dimension_numbers = #tpu.dot_dimension_numbers<[1], [0], [0], [1], [0, 0, 1, 1], [], []>, transpose_lhs_hint = false} : vector<1x104xf32>, vector<104x128xf32>, vector<1x128xf32> -> vector<1x128xf32>
    %mul3A_2693 = arith.mulf %select_n3A_2417, %exp3A_2689 : vector<104x128xf32>
    %dot_general3A_2694 = arith.constant dense<0.000000e+00> : vector<1x128xf32>
    %dot_general3A_2695 = tpu.matmul %broadcast_in_dim3A_2439, %mul3A_2693, %dot_general3A_2694 {dimension_numbers = #tpu.dot_dimension_numbers<[1], [0], [0], [1], [0, 0, 1, 1], [], []>, transpose_lhs_hint = false} : vector<1x104xf32>, vector<104x128xf32>, vector<1x128xf32> -> vector<1x128xf32>
    %broadcast_in_dim3A_2696 = arith.constant 0.000000e+00 : f32
    %broadcast_in_dim3A_2697 = vector.broadcast %broadcast_in_dim3A_2696 : f32 to vector<1x1xf32>
    %slice3A_2698 = vector.extract_strided_slice %dot_general3A_2695 {offsets = [0, 0], sizes = [1, 127], strides = [1, 1]} : vector<1x128xf32> to vector<1x127xf32>
    %concatenate3A_2699 = tpu.concatenate %broadcast_in_dim3A_2697, %slice3A_2698 in 1 : vector<1x1xf32>, vector<1x127xf32> -> vector<1x128xf32>
    %add3A_2700 = arith.addf %dot_general3A_2692, %concatenate3A_2699 : vector<1x128xf32>
    %swap3A_2701 = arith.constant 11 : index
    %swap3A_2702 = arith.constant 0 : index
    %swap3A_2703 = vector.load %arg5[%swap3A_2701, %swap3A_2702] : memref<64x128xf32, #tpu.memory_space<vmem>>, vector<1x128xf32>
    tpu.vector_store %arg5[%swap3A_2701, %swap3A_2702], %add3A_2700 {strides = array<i32>} : memref<64x128xf32, #tpu.memory_space<vmem>>, vector<1x128xf32>,
    %sub3A_2704 = arith.constant -1.950000e+01 : f32
    %sub3A_2705 = vector.broadcast %sub3A_2704 : f32 to vector<104x128xf32>
    %sub3A_2706 = arith.subf %select_n3A_2405, %sub3A_2705 : vector<104x128xf32>
    %mul3A_2707 = arith.mulf %sub3A_2706, %sub3A_2706 : vector<104x128xf32>
    %neg3A_2708 = arith.constant 0.000000e+00 : f32
    %neg3A_2709 = vector.broadcast %neg3A_2708 : f32 to vector<104x128xf32>
    %neg3A_2710 = arith.subf %neg3A_2709, %mul3A_2707 : vector<104x128xf32>
    %exp3A_2711 = math.exp %neg3A_2710 : vector<104x128xf32>
    %mul3A_2712 = arith.mulf %select_n3A_2408, %exp3A_2711 : vector<104x128xf32>
    %dot_general3A_2713 = arith.constant dense<0.000000e+00> : vector<1x128xf32>
    %dot_general3A_2714 = tpu.matmul %broadcast_in_dim3A_2439, %mul3A_2712, %dot_general3A_2713 {dimension_numbers = #tpu.dot_dimension_numbers<[1], [0], [0], [1], [0, 0, 1, 1], [], []>, transpose_lhs_hint = false} : vector<1x104xf32>, vector<104x128xf32>, vector<1x128xf32> -> vector<1x128xf32>
    %mul3A_2715 = arith.mulf %select_n3A_2417, %exp3A_2711 : vector<104x128xf32>
    %dot_general3A_2716 = arith.constant dense<0.000000e+00> : vector<1x128xf32>
    %dot_general3A_2717 = tpu.matmul %broadcast_in_dim3A_2439, %mul3A_2715, %dot_general3A_2716 {dimension_numbers = #tpu.dot_dimension_numbers<[1], [0], [0], [1], [0, 0, 1, 1], [], []>, transpose_lhs_hint = false} : vector<1x104xf32>, vector<104x128xf32>, vector<1x128xf32> -> vector<1x128xf32>
    %broadcast_in_dim3A_2718 = arith.constant 0.000000e+00 : f32
    %broadcast_in_dim3A_2719 = vector.broadcast %broadcast_in_dim3A_2718 : f32 to vector<1x1xf32>
    %slice3A_2720 = vector.extract_strided_slice %dot_general3A_2717 {offsets = [0, 0], sizes = [1, 127], strides = [1, 1]} : vector<1x128xf32> to vector<1x127xf32>
    %concatenate3A_2721 = tpu.concatenate %broadcast_in_dim3A_2719, %slice3A_2720 in 1 : vector<1x1xf32>, vector<1x127xf32> -> vector<1x128xf32>
    %add3A_2722 = arith.addf %dot_general3A_2714, %concatenate3A_2721 : vector<1x128xf32>
    %swap3A_2723 = arith.constant 12 : index
    %swap3A_2724 = arith.constant 0 : index
    %swap3A_2725 = vector.load %arg5[%swap3A_2723, %swap3A_2724] : memref<64x128xf32, #tpu.memory_space<vmem>>, vector<1x128xf32>
    tpu.vector_store %arg5[%swap3A_2723, %swap3A_2724], %add3A_2722 {strides = array<i32>} : memref<64x128xf32, #tpu.memory_space<vmem>>, vector<1x128xf32>,
    %sub3A_2726 = arith.constant -1.850000e+01 : f32
    %sub3A_2727 = vector.broadcast %sub3A_2726 : f32 to vector<104x128xf32>
    %sub3A_2728 = arith.subf %select_n3A_2405, %sub3A_2727 : vector<104x128xf32>
    %mul3A_2729 = arith.mulf %sub3A_2728, %sub3A_2728 : vector<104x128xf32>
    %neg3A_2730 = arith.constant 0.000000e+00 : f32
    %neg3A_2731 = vector.broadcast %neg3A_2730 : f32 to vector<104x128xf32>
    %neg3A_2732 = arith.subf %neg3A_2731, %mul3A_2729 : vector<104x128xf32>
    %exp3A_2733 = math.exp %neg3A_2732 : vector<104x128xf32>
    %mul3A_2734 = arith.mulf %select_n3A_2408, %exp3A_2733 : vector<104x128xf32>
    %dot_general3A_2735 = arith.constant dense<0.000000e+00> : vector<1x128xf32>
    %dot_general3A_2736 = tpu.matmul %broadcast_in_dim3A_2439, %mul3A_2734, %dot_general3A_2735 {dimension_numbers = #tpu.dot_dimension_numbers<[1], [0], [0], [1], [0, 0, 1, 1], [], []>, transpose_lhs_hint = false} : vector<1x104xf32>, vector<104x128xf32>, vector<1x128xf32> -> vector<1x128xf32>
    %mul3A_2737 = arith.mulf %select_n3A_2417, %exp3A_2733 : vector<104x128xf32>
    %dot_general3A_2738 = arith.constant dense<0.000000e+00> : vector<1x128xf32>
    %dot_general3A_2739 = tpu.matmul %broadcast_in_dim3A_2439, %mul3A_2737, %dot_general3A_2738 {dimension_numbers = #tpu.dot_dimension_numbers<[1], [0], [0], [1], [0, 0, 1, 1], [], []>, transpose_lhs_hint = false} : vector<1x104xf32>, vector<104x128xf32>, vector<1x128xf32> -> vector<1x128xf32>
    %broadcast_in_dim3A_2740 = arith.constant 0.000000e+00 : f32
    %broadcast_in_dim3A_2741 = vector.broadcast %broadcast_in_dim3A_2740 : f32 to vector<1x1xf32>
    %slice3A_2742 = vector.extract_strided_slice %dot_general3A_2739 {offsets = [0, 0], sizes = [1, 127], strides = [1, 1]} : vector<1x128xf32> to vector<1x127xf32>
    %concatenate3A_2743 = tpu.concatenate %broadcast_in_dim3A_2741, %slice3A_2742 in 1 : vector<1x1xf32>, vector<1x127xf32> -> vector<1x128xf32>
    %add3A_2744 = arith.addf %dot_general3A_2736, %concatenate3A_2743 : vector<1x128xf32>
    %swap3A_2745 = arith.constant 13 : index
    %swap3A_2746 = arith.constant 0 : index
    %swap3A_2747 = vector.load %arg5[%swap3A_2745, %swap3A_2746] : memref<64x128xf32, #tpu.memory_space<vmem>>, vector<1x128xf32>
    tpu.vector_store %arg5[%swap3A_2745, %swap3A_2746], %add3A_2744 {strides = array<i32>} : memref<64x128xf32, #tpu.memory_space<vmem>>, vector<1x128xf32>,
    %sub3A_2748 = arith.constant -1.750000e+01 : f32
    %sub3A_2749 = vector.broadcast %sub3A_2748 : f32 to vector<104x128xf32>
    %sub3A_2750 = arith.subf %select_n3A_2405, %sub3A_2749 : vector<104x128xf32>
    %mul3A_2751 = arith.mulf %sub3A_2750, %sub3A_2750 : vector<104x128xf32>
    %neg3A_2752 = arith.constant 0.000000e+00 : f32
    %neg3A_2753 = vector.broadcast %neg3A_2752 : f32 to vector<104x128xf32>
    %neg3A_2754 = arith.subf %neg3A_2753, %mul3A_2751 : vector<104x128xf32>
    %exp3A_2755 = math.exp %neg3A_2754 : vector<104x128xf32>
    %mul3A_2756 = arith.mulf %select_n3A_2408, %exp3A_2755 : vector<104x128xf32>
    %dot_general3A_2757 = arith.constant dense<0.000000e+00> : vector<1x128xf32>
    %dot_general3A_2758 = tpu.matmul %broadcast_in_dim3A_2439, %mul3A_2756, %dot_general3A_2757 {dimension_numbers = #tpu.dot_dimension_numbers<[1], [0], [0], [1], [0, 0, 1, 1], [], []>, transpose_lhs_hint = false} : vector<1x104xf32>, vector<104x128xf32>, vector<1x128xf32> -> vector<1x128xf32>
    %mul3A_2759 = arith.mulf %select_n3A_2417, %exp3A_2755 : vector<104x128xf32>
    %dot_general3A_2760 = arith.constant dense<0.000000e+00> : vector<1x128xf32>
    %dot_general3A_2761 = tpu.matmul %broadcast_in_dim3A_2439, %mul3A_2759, %dot_general3A_2760 {dimension_numbers = #tpu.dot_dimension_numbers<[1], [0], [0], [1], [0, 0, 1, 1], [], []>, transpose_lhs_hint = false} : vector<1x104xf32>, vector<104x128xf32>, vector<1x128xf32> -> vector<1x128xf32>
    %broadcast_in_dim3A_2762 = arith.constant 0.000000e+00 : f32
    %broadcast_in_dim3A_2763 = vector.broadcast %broadcast_in_dim3A_2762 : f32 to vector<1x1xf32>
    %slice3A_2764 = vector.extract_strided_slice %dot_general3A_2761 {offsets = [0, 0], sizes = [1, 127], strides = [1, 1]} : vector<1x128xf32> to vector<1x127xf32>
    %concatenate3A_2765 = tpu.concatenate %broadcast_in_dim3A_2763, %slice3A_2764 in 1 : vector<1x1xf32>, vector<1x127xf32> -> vector<1x128xf32>
    %add3A_2766 = arith.addf %dot_general3A_2758, %concatenate3A_2765 : vector<1x128xf32>
    %swap3A_2767 = arith.constant 14 : index
    %swap3A_2768 = arith.constant 0 : index
    %swap3A_2769 = vector.load %arg5[%swap3A_2767, %swap3A_2768] : memref<64x128xf32, #tpu.memory_space<vmem>>, vector<1x128xf32>
    tpu.vector_store %arg5[%swap3A_2767, %swap3A_2768], %add3A_2766 {strides = array<i32>} : memref<64x128xf32, #tpu.memory_space<vmem>>, vector<1x128xf32>,
    %sub3A_2770 = arith.constant -1.650000e+01 : f32
    %sub3A_2771 = vector.broadcast %sub3A_2770 : f32 to vector<104x128xf32>
    %sub3A_2772 = arith.subf %select_n3A_2405, %sub3A_2771 : vector<104x128xf32>
    %mul3A_2773 = arith.mulf %sub3A_2772, %sub3A_2772 : vector<104x128xf32>
    %neg3A_2774 = arith.constant 0.000000e+00 : f32
    %neg3A_2775 = vector.broadcast %neg3A_2774 : f32 to vector<104x128xf32>
    %neg3A_2776 = arith.subf %neg3A_2775, %mul3A_2773 : vector<104x128xf32>
    %exp3A_2777 = math.exp %neg3A_2776 : vector<104x128xf32>
    %mul3A_2778 = arith.mulf %select_n3A_2408, %exp3A_2777 : vector<104x128xf32>
    %dot_general3A_2779 = arith.constant dense<0.000000e+00> : vector<1x128xf32>
    %dot_general3A_2780 = tpu.matmul %broadcast_in_dim3A_2439, %mul3A_2778, %dot_general3A_2779 {dimension_numbers = #tpu.dot_dimension_numbers<[1], [0], [0], [1], [0, 0, 1, 1], [], []>, transpose_lhs_hint = false} : vector<1x104xf32>, vector<104x128xf32>, vector<1x128xf32> -> vector<1x128xf32>
    %mul3A_2781 = arith.mulf %select_n3A_2417, %exp3A_2777 : vector<104x128xf32>
    %dot_general3A_2782 = arith.constant dense<0.000000e+00> : vector<1x128xf32>
    %dot_general3A_2783 = tpu.matmul %broadcast_in_dim3A_2439, %mul3A_2781, %dot_general3A_2782 {dimension_numbers = #tpu.dot_dimension_numbers<[1], [0], [0], [1], [0, 0, 1, 1], [], []>, transpose_lhs_hint = false} : vector<1x104xf32>, vector<104x128xf32>, vector<1x128xf32> -> vector<1x128xf32>
    %broadcast_in_dim3A_2784 = arith.constant 0.000000e+00 : f32
    %broadcast_in_dim3A_2785 = vector.broadcast %broadcast_in_dim3A_2784 : f32 to vector<1x1xf32>
    %slice3A_2786 = vector.extract_strided_slice %dot_general3A_2783 {offsets = [0, 0], sizes = [1, 127], strides = [1, 1]} : vector<1x128xf32> to vector<1x127xf32>
    %concatenate3A_2787 = tpu.concatenate %broadcast_in_dim3A_2785, %slice3A_2786 in 1 : vector<1x1xf32>, vector<1x127xf32> -> vector<1x128xf32>
    %add3A_2788 = arith.addf %dot_general3A_2780, %concatenate3A_2787 : vector<1x128xf32>
    %swap3A_2789 = arith.constant 15 : index
    %swap3A_2790 = arith.constant 0 : index
    %swap3A_2791 = vector.load %arg5[%swap3A_2789, %swap3A_2790] : memref<64x128xf32, #tpu.memory_space<vmem>>, vector<1x128xf32>
    tpu.vector_store %arg5[%swap3A_2789, %swap3A_2790], %add3A_2788 {strides = array<i32>} : memref<64x128xf32, #tpu.memory_space<vmem>>, vector<1x128xf32>,
    %sub3A_2792 = arith.constant -1.550000e+01 : f32
    %sub3A_2793 = vector.broadcast %sub3A_2792 : f32 to vector<104x128xf32>
    %sub3A_2794 = arith.subf %select_n3A_2405, %sub3A_2793 : vector<104x128xf32>
    %mul3A_2795 = arith.mulf %sub3A_2794, %sub3A_2794 : vector<104x128xf32>
    %neg3A_2796 = arith.constant 0.000000e+00 : f32
    %neg3A_2797 = vector.broadcast %neg3A_2796 : f32 to vector<104x128xf32>
    %neg3A_2798 = arith.subf %neg3A_2797, %mul3A_2795 : vector<104x128xf32>
    %exp3A_2799 = math.exp %neg3A_2798 : vector<104x128xf32>
    %mul3A_2800 = arith.mulf %select_n3A_2408, %exp3A_2799 : vector<104x128xf32>
    %dot_general3A_2801 = arith.constant dense<0.000000e+00> : vector<1x128xf32>
    %dot_general3A_2802 = tpu.matmul %broadcast_in_dim3A_2439, %mul3A_2800, %dot_general3A_2801 {dimension_numbers = #tpu.dot_dimension_numbers<[1], [0], [0], [1], [0, 0, 1, 1], [], []>, transpose_lhs_hint = false} : vector<1x104xf32>, vector<104x128xf32>, vector<1x128xf32> -> vector<1x128xf32>
    %mul3A_2803 = arith.mulf %select_n3A_2417, %exp3A_2799 : vector<104x128xf32>
    %dot_general3A_2804 = arith.constant dense<0.000000e+00> : vector<1x128xf32>
    %dot_general3A_2805 = tpu.matmul %broadcast_in_dim3A_2439, %mul3A_2803, %dot_general3A_2804 {dimension_numbers = #tpu.dot_dimension_numbers<[1], [0], [0], [1], [0, 0, 1, 1], [], []>, transpose_lhs_hint = false} : vector<1x104xf32>, vector<104x128xf32>, vector<1x128xf32> -> vector<1x128xf32>
    %broadcast_in_dim3A_2806 = arith.constant 0.000000e+00 : f32
    %broadcast_in_dim3A_2807 = vector.broadcast %broadcast_in_dim3A_2806 : f32 to vector<1x1xf32>
    %slice3A_2808 = vector.extract_strided_slice %dot_general3A_2805 {offsets = [0, 0], sizes = [1, 127], strides = [1, 1]} : vector<1x128xf32> to vector<1x127xf32>
    %concatenate3A_2809 = tpu.concatenate %broadcast_in_dim3A_2807, %slice3A_2808 in 1 : vector<1x1xf32>, vector<1x127xf32> -> vector<1x128xf32>
    %add3A_2810 = arith.addf %dot_general3A_2802, %concatenate3A_2809 : vector<1x128xf32>
    %swap3A_2811 = arith.constant 16 : index
    %swap3A_2812 = arith.constant 0 : index
    %swap3A_2813 = vector.load %arg5[%swap3A_2811, %swap3A_2812] : memref<64x128xf32, #tpu.memory_space<vmem>>, vector<1x128xf32>
    tpu.vector_store %arg5[%swap3A_2811, %swap3A_2812], %add3A_2810 {strides = array<i32>} : memref<64x128xf32, #tpu.memory_space<vmem>>, vector<1x128xf32>,
    %sub3A_2814 = arith.constant -1.450000e+01 : f32
    %sub3A_2815 = vector.broadcast %sub3A_2814 : f32 to vector<104x128xf32>
    %sub3A_2816 = arith.subf %select_n3A_2405, %sub3A_2815 : vector<104x128xf32>
    %mul3A_2817 = arith.mulf %sub3A_2816, %sub3A_2816 : vector<104x128xf32>
    %neg3A_2818 = arith.constant 0.000000e+00 : f32
    %neg3A_2819 = vector.broadcast %neg3A_2818 : f32 to vector<104x128xf32>
    %neg3A_2820 = arith.subf %neg3A_2819, %mul3A_2817 : vector<104x128xf32>
    %exp3A_2821 = math.exp %neg3A_2820 : vector<104x128xf32>
    %mul3A_2822 = arith.mulf %select_n3A_2408, %exp3A_2821 : vector<104x128xf32>
    %dot_general3A_2823 = arith.constant dense<0.000000e+00> : vector<1x128xf32>
    %dot_general3A_2824 = tpu.matmul %broadcast_in_dim3A_2439, %mul3A_2822, %dot_general3A_2823 {dimension_numbers = #tpu.dot_dimension_numbers<[1], [0], [0], [1], [0, 0, 1, 1], [], []>, transpose_lhs_hint = false} : vector<1x104xf32>, vector<104x128xf32>, vector<1x128xf32> -> vector<1x128xf32>
    %mul3A_2825 = arith.mulf %select_n3A_2417, %exp3A_2821 : vector<104x128xf32>
    %dot_general3A_2826 = arith.constant dense<0.000000e+00> : vector<1x128xf32>
    %dot_general3A_2827 = tpu.matmul %broadcast_in_dim3A_2439, %mul3A_2825, %dot_general3A_2826 {dimension_numbers = #tpu.dot_dimension_numbers<[1], [0], [0], [1], [0, 0, 1, 1], [], []>, transpose_lhs_hint = false} : vector<1x104xf32>, vector<104x128xf32>, vector<1x128xf32> -> vector<1x128xf32>
    %broadcast_in_dim3A_2828 = arith.constant 0.000000e+00 : f32
    %broadcast_in_dim3A_2829 = vector.broadcast %broadcast_in_dim3A_2828 : f32 to vector<1x1xf32>
    %slice3A_2830 = vector.extract_strided_slice %dot_general3A_2827 {offsets = [0, 0], sizes = [1, 127], strides = [1, 1]} : vector<1x128xf32> to vector<1x127xf32>
    %concatenate3A_2831 = tpu.concatenate %broadcast_in_dim3A_2829, %slice3A_2830 in 1 : vector<1x1xf32>, vector<1x127xf32> -> vector<1x128xf32>
    %add3A_2832 = arith.addf %dot_general3A_2824, %concatenate3A_2831 : vector<1x128xf32>
    %swap3A_2833 = arith.constant 17 : index
    %swap3A_2834 = arith.constant 0 : index
    %swap3A_2835 = vector.load %arg5[%swap3A_2833, %swap3A_2834] : memref<64x128xf32, #tpu.memory_space<vmem>>, vector<1x128xf32>
    tpu.vector_store %arg5[%swap3A_2833, %swap3A_2834], %add3A_2832 {strides = array<i32>} : memref<64x128xf32, #tpu.memory_space<vmem>>, vector<1x128xf32>,
    %sub3A_2836 = arith.constant -1.350000e+01 : f32
    %sub3A_2837 = vector.broadcast %sub3A_2836 : f32 to vector<104x128xf32>
    %sub3A_2838 = arith.subf %select_n3A_2405, %sub3A_2837 : vector<104x128xf32>
    %mul3A_2839 = arith.mulf %sub3A_2838, %sub3A_2838 : vector<104x128xf32>
    %neg3A_2840 = arith.constant 0.000000e+00 : f32
    %neg3A_2841 = vector.broadcast %neg3A_2840 : f32 to vector<104x128xf32>
    %neg3A_2842 = arith.subf %neg3A_2841, %mul3A_2839 : vector<104x128xf32>
    %exp3A_2843 = math.exp %neg3A_2842 : vector<104x128xf32>
    %mul3A_2844 = arith.mulf %select_n3A_2408, %exp3A_2843 : vector<104x128xf32>
    %dot_general3A_2845 = arith.constant dense<0.000000e+00> : vector<1x128xf32>
    %dot_general3A_2846 = tpu.matmul %broadcast_in_dim3A_2439, %mul3A_2844, %dot_general3A_2845 {dimension_numbers = #tpu.dot_dimension_numbers<[1], [0], [0], [1], [0, 0, 1, 1], [], []>, transpose_lhs_hint = false} : vector<1x104xf32>, vector<104x128xf32>, vector<1x128xf32> -> vector<1x128xf32>
    %mul3A_2847 = arith.mulf %select_n3A_2417, %exp3A_2843 : vector<104x128xf32>
    %dot_general3A_2848 = arith.constant dense<0.000000e+00> : vector<1x128xf32>
    %dot_general3A_2849 = tpu.matmul %broadcast_in_dim3A_2439, %mul3A_2847, %dot_general3A_2848 {dimension_numbers = #tpu.dot_dimension_numbers<[1], [0], [0], [1], [0, 0, 1, 1], [], []>, transpose_lhs_hint = false} : vector<1x104xf32>, vector<104x128xf32>, vector<1x128xf32> -> vector<1x128xf32>
    %broadcast_in_dim3A_2850 = arith.constant 0.000000e+00 : f32
    %broadcast_in_dim3A_2851 = vector.broadcast %broadcast_in_dim3A_2850 : f32 to vector<1x1xf32>
    %slice3A_2852 = vector.extract_strided_slice %dot_general3A_2849 {offsets = [0, 0], sizes = [1, 127], strides = [1, 1]} : vector<1x128xf32> to vector<1x127xf32>
    %concatenate3A_2853 = tpu.concatenate %broadcast_in_dim3A_2851, %slice3A_2852 in 1 : vector<1x1xf32>, vector<1x127xf32> -> vector<1x128xf32>
    %add3A_2854 = arith.addf %dot_general3A_2846, %concatenate3A_2853 : vector<1x128xf32>
    %swap3A_2855 = arith.constant 18 : index
    %swap3A_2856 = arith.constant 0 : index
    %swap3A_2857 = vector.load %arg5[%swap3A_2855, %swap3A_2856] : memref<64x128xf32, #tpu.memory_space<vmem>>, vector<1x128xf32>
    tpu.vector_store %arg5[%swap3A_2855, %swap3A_2856], %add3A_2854 {strides = array<i32>} : memref<64x128xf32, #tpu.memory_space<vmem>>, vector<1x128xf32>,
    %sub3A_2858 = arith.constant -1.250000e+01 : f32
    %sub3A_2859 = vector.broadcast %sub3A_2858 : f32 to vector<104x128xf32>
    %sub3A_2860 = arith.subf %select_n3A_2405, %sub3A_2859 : vector<104x128xf32>
    %mul3A_2861 = arith.mulf %sub3A_2860, %sub3A_2860 : vector<104x128xf32>
    %neg3A_2862 = arith.constant 0.000000e+00 : f32
    %neg3A_2863 = vector.broadcast %neg3A_2862 : f32 to vector<104x128xf32>
    %neg3A_2864 = arith.subf %neg3A_2863, %mul3A_2861 : vector<104x128xf32>
    %exp3A_2865 = math.exp %neg3A_2864 : vector<104x128xf32>
    %mul3A_2866 = arith.mulf %select_n3A_2408, %exp3A_2865 : vector<104x128xf32>
    %dot_general3A_2867 = arith.constant dense<0.000000e+00> : vector<1x128xf32>
    %dot_general3A_2868 = tpu.matmul %broadcast_in_dim3A_2439, %mul3A_2866, %dot_general3A_2867 {dimension_numbers = #tpu.dot_dimension_numbers<[1], [0], [0], [1], [0, 0, 1, 1], [], []>, transpose_lhs_hint = false} : vector<1x104xf32>, vector<104x128xf32>, vector<1x128xf32> -> vector<1x128xf32>
    %mul3A_2869 = arith.mulf %select_n3A_2417, %exp3A_2865 : vector<104x128xf32>
    %dot_general3A_2870 = arith.constant dense<0.000000e+00> : vector<1x128xf32>
    %dot_general3A_2871 = tpu.matmul %broadcast_in_dim3A_2439, %mul3A_2869, %dot_general3A_2870 {dimension_numbers = #tpu.dot_dimension_numbers<[1], [0], [0], [1], [0, 0, 1, 1], [], []>, transpose_lhs_hint = false} : vector<1x104xf32>, vector<104x128xf32>, vector<1x128xf32> -> vector<1x128xf32>
    %broadcast_in_dim3A_2872 = arith.constant 0.000000e+00 : f32
    %broadcast_in_dim3A_2873 = vector.broadcast %broadcast_in_dim3A_2872 : f32 to vector<1x1xf32>
    %slice3A_2874 = vector.extract_strided_slice %dot_general3A_2871 {offsets = [0, 0], sizes = [1, 127], strides = [1, 1]} : vector<1x128xf32> to vector<1x127xf32>
    %concatenate3A_2875 = tpu.concatenate %broadcast_in_dim3A_2873, %slice3A_2874 in 1 : vector<1x1xf32>, vector<1x127xf32> -> vector<1x128xf32>
    %add3A_2876 = arith.addf %dot_general3A_2868, %concatenate3A_2875 : vector<1x128xf32>
    %swap3A_2877 = arith.constant 19 : index
    %swap3A_2878 = arith.constant 0 : index
    %swap3A_2879 = vector.load %arg5[%swap3A_2877, %swap3A_2878] : memref<64x128xf32, #tpu.memory_space<vmem>>, vector<1x128xf32>
    tpu.vector_store %arg5[%swap3A_2877, %swap3A_2878], %add3A_2876 {strides = array<i32>} : memref<64x128xf32, #tpu.memory_space<vmem>>, vector<1x128xf32>,
    %sub3A_2880 = arith.constant -1.150000e+01 : f32
    %sub3A_2881 = vector.broadcast %sub3A_2880 : f32 to vector<104x128xf32>
    %sub3A_2882 = arith.subf %select_n3A_2405, %sub3A_2881 : vector<104x128xf32>
    %mul3A_2883 = arith.mulf %sub3A_2882, %sub3A_2882 : vector<104x128xf32>
    %neg3A_2884 = arith.constant 0.000000e+00 : f32
    %neg3A_2885 = vector.broadcast %neg3A_2884 : f32 to vector<104x128xf32>
    %neg3A_2886 = arith.subf %neg3A_2885, %mul3A_2883 : vector<104x128xf32>
    %exp3A_2887 = math.exp %neg3A_2886 : vector<104x128xf32>
    %mul3A_2888 = arith.mulf %select_n3A_2408, %exp3A_2887 : vector<104x128xf32>
    %dot_general3A_2889 = arith.constant dense<0.000000e+00> : vector<1x128xf32>
    %dot_general3A_2890 = tpu.matmul %broadcast_in_dim3A_2439, %mul3A_2888, %dot_general3A_2889 {dimension_numbers = #tpu.dot_dimension_numbers<[1], [0], [0], [1], [0, 0, 1, 1], [], []>, transpose_lhs_hint = false} : vector<1x104xf32>, vector<104x128xf32>, vector<1x128xf32> -> vector<1x128xf32>
    %mul3A_2891 = arith.mulf %select_n3A_2417, %exp3A_2887 : vector<104x128xf32>
    %dot_general3A_2892 = arith.constant dense<0.000000e+00> : vector<1x128xf32>
    %dot_general3A_2893 = tpu.matmul %broadcast_in_dim3A_2439, %mul3A_2891, %dot_general3A_2892 {dimension_numbers = #tpu.dot_dimension_numbers<[1], [0], [0], [1], [0, 0, 1, 1], [], []>, transpose_lhs_hint = false} : vector<1x104xf32>, vector<104x128xf32>, vector<1x128xf32> -> vector<1x128xf32>
    %broadcast_in_dim3A_2894 = arith.constant 0.000000e+00 : f32
    %broadcast_in_dim3A_2895 = vector.broadcast %broadcast_in_dim3A_2894 : f32 to vector<1x1xf32>
    %slice3A_2896 = vector.extract_strided_slice %dot_general3A_2893 {offsets = [0, 0], sizes = [1, 127], strides = [1, 1]} : vector<1x128xf32> to vector<1x127xf32>
    %concatenate3A_2897 = tpu.concatenate %broadcast_in_dim3A_2895, %slice3A_2896 in 1 : vector<1x1xf32>, vector<1x127xf32> -> vector<1x128xf32>
    %add3A_2898 = arith.addf %dot_general3A_2890, %concatenate3A_2897 : vector<1x128xf32>
    %swap3A_2899 = arith.constant 20 : index
    %swap3A_2900 = arith.constant 0 : index
    %swap3A_2901 = vector.load %arg5[%swap3A_2899, %swap3A_2900] : memref<64x128xf32, #tpu.memory_space<vmem>>, vector<1x128xf32>
    tpu.vector_store %arg5[%swap3A_2899, %swap3A_2900], %add3A_2898 {strides = array<i32>} : memref<64x128xf32, #tpu.memory_space<vmem>>, vector<1x128xf32>,
    %sub3A_2902 = arith.constant -1.050000e+01 : f32
    %sub3A_2903 = vector.broadcast %sub3A_2902 : f32 to vector<104x128xf32>
    %sub3A_2904 = arith.subf %select_n3A_2405, %sub3A_2903 : vector<104x128xf32>
    %mul3A_2905 = arith.mulf %sub3A_2904, %sub3A_2904 : vector<104x128xf32>
    %neg3A_2906 = arith.constant 0.000000e+00 : f32
    %neg3A_2907 = vector.broadcast %neg3A_2906 : f32 to vector<104x128xf32>
    %neg3A_2908 = arith.subf %neg3A_2907, %mul3A_2905 : vector<104x128xf32>
    %exp3A_2909 = math.exp %neg3A_2908 : vector<104x128xf32>
    %mul3A_2910 = arith.mulf %select_n3A_2408, %exp3A_2909 : vector<104x128xf32>
    %dot_general3A_2911 = arith.constant dense<0.000000e+00> : vector<1x128xf32>
    %dot_general3A_2912 = tpu.matmul %broadcast_in_dim3A_2439, %mul3A_2910, %dot_general3A_2911 {dimension_numbers = #tpu.dot_dimension_numbers<[1], [0], [0], [1], [0, 0, 1, 1], [], []>, transpose_lhs_hint = false} : vector<1x104xf32>, vector<104x128xf32>, vector<1x128xf32> -> vector<1x128xf32>
    %mul3A_2913 = arith.mulf %select_n3A_2417, %exp3A_2909 : vector<104x128xf32>
    %dot_general3A_2914 = arith.constant dense<0.000000e+00> : vector<1x128xf32>
    %dot_general3A_2915 = tpu.matmul %broadcast_in_dim3A_2439, %mul3A_2913, %dot_general3A_2914 {dimension_numbers = #tpu.dot_dimension_numbers<[1], [0], [0], [1], [0, 0, 1, 1], [], []>, transpose_lhs_hint = false} : vector<1x104xf32>, vector<104x128xf32>, vector<1x128xf32> -> vector<1x128xf32>
    %broadcast_in_dim3A_2916 = arith.constant 0.000000e+00 : f32
    %broadcast_in_dim3A_2917 = vector.broadcast %broadcast_in_dim3A_2916 : f32 to vector<1x1xf32>
    %slice3A_2918 = vector.extract_strided_slice %dot_general3A_2915 {offsets = [0, 0], sizes = [1, 127], strides = [1, 1]} : vector<1x128xf32> to vector<1x127xf32>
    %concatenate3A_2919 = tpu.concatenate %broadcast_in_dim3A_2917, %slice3A_2918 in 1 : vector<1x1xf32>, vector<1x127xf32> -> vector<1x128xf32>
    %add3A_2920 = arith.addf %dot_general3A_2912, %concatenate3A_2919 : vector<1x128xf32>
    %swap3A_2921 = arith.constant 21 : index
    %swap3A_2922 = arith.constant 0 : index
    %swap3A_2923 = vector.load %arg5[%swap3A_2921, %swap3A_2922] : memref<64x128xf32, #tpu.memory_space<vmem>>, vector<1x128xf32>
    tpu.vector_store %arg5[%swap3A_2921, %swap3A_2922], %add3A_2920 {strides = array<i32>} : memref<64x128xf32, #tpu.memory_space<vmem>>, vector<1x128xf32>,
    %sub3A_2924 = arith.constant -9.500000e+00 : f32
    %sub3A_2925 = vector.broadcast %sub3A_2924 : f32 to vector<104x128xf32>
    %sub3A_2926 = arith.subf %select_n3A_2405, %sub3A_2925 : vector<104x128xf32>
    %mul3A_2927 = arith.mulf %sub3A_2926, %sub3A_2926 : vector<104x128xf32>
    %neg3A_2928 = arith.constant 0.000000e+00 : f32
    %neg3A_2929 = vector.broadcast %neg3A_2928 : f32 to vector<104x128xf32>
    %neg3A_2930 = arith.subf %neg3A_2929, %mul3A_2927 : vector<104x128xf32>
    %exp3A_2931 = math.exp %neg3A_2930 : vector<104x128xf32>
    %mul3A_2932 = arith.mulf %select_n3A_2408, %exp3A_2931 : vector<104x128xf32>
    %dot_general3A_2933 = arith.constant dense<0.000000e+00> : vector<1x128xf32>
    %dot_general3A_2934 = tpu.matmul %broadcast_in_dim3A_2439, %mul3A_2932, %dot_general3A_2933 {dimension_numbers = #tpu.dot_dimension_numbers<[1], [0], [0], [1], [0, 0, 1, 1], [], []>, transpose_lhs_hint = false} : vector<1x104xf32>, vector<104x128xf32>, vector<1x128xf32> -> vector<1x128xf32>
    %mul3A_2935 = arith.mulf %select_n3A_2417, %exp3A_2931 : vector<104x128xf32>
    %dot_general3A_2936 = arith.constant dense<0.000000e+00> : vector<1x128xf32>
    %dot_general3A_2937 = tpu.matmul %broadcast_in_dim3A_2439, %mul3A_2935, %dot_general3A_2936 {dimension_numbers = #tpu.dot_dimension_numbers<[1], [0], [0], [1], [0, 0, 1, 1], [], []>, transpose_lhs_hint = false} : vector<1x104xf32>, vector<104x128xf32>, vector<1x128xf32> -> vector<1x128xf32>
    %broadcast_in_dim3A_2938 = arith.constant 0.000000e+00 : f32
    %broadcast_in_dim3A_2939 = vector.broadcast %broadcast_in_dim3A_2938 : f32 to vector<1x1xf32>
    %slice3A_2940 = vector.extract_strided_slice %dot_general3A_2937 {offsets = [0, 0], sizes = [1, 127], strides = [1, 1]} : vector<1x128xf32> to vector<1x127xf32>
    %concatenate3A_2941 = tpu.concatenate %broadcast_in_dim3A_2939, %slice3A_2940 in 1 : vector<1x1xf32>, vector<1x127xf32> -> vector<1x128xf32>
    %add3A_2942 = arith.addf %dot_general3A_2934, %concatenate3A_2941 : vector<1x128xf32>
    %swap3A_2943 = arith.constant 22 : index
    %swap3A_2944 = arith.constant 0 : index
    %swap3A_2945 = vector.load %arg5[%swap3A_2943, %swap3A_2944] : memref<64x128xf32, #tpu.memory_space<vmem>>, vector<1x128xf32>
    tpu.vector_store %arg5[%swap3A_2943, %swap3A_2944], %add3A_2942 {strides = array<i32>} : memref<64x128xf32, #tpu.memory_space<vmem>>, vector<1x128xf32>,
    %sub3A_2946 = arith.constant -8.500000e+00 : f32
    %sub3A_2947 = vector.broadcast %sub3A_2946 : f32 to vector<104x128xf32>
    %sub3A_2948 = arith.subf %select_n3A_2405, %sub3A_2947 : vector<104x128xf32>
    %mul3A_2949 = arith.mulf %sub3A_2948, %sub3A_2948 : vector<104x128xf32>
    %neg3A_2950 = arith.constant 0.000000e+00 : f32
    %neg3A_2951 = vector.broadcast %neg3A_2950 : f32 to vector<104x128xf32>
    %neg3A_2952 = arith.subf %neg3A_2951, %mul3A_2949 : vector<104x128xf32>
    %exp3A_2953 = math.exp %neg3A_2952 : vector<104x128xf32>
    %mul3A_2954 = arith.mulf %select_n3A_2408, %exp3A_2953 : vector<104x128xf32>
    %dot_general3A_2955 = arith.constant dense<0.000000e+00> : vector<1x128xf32>
    %dot_general3A_2956 = tpu.matmul %broadcast_in_dim3A_2439, %mul3A_2954, %dot_general3A_2955 {dimension_numbers = #tpu.dot_dimension_numbers<[1], [0], [0], [1], [0, 0, 1, 1], [], []>, transpose_lhs_hint = false} : vector<1x104xf32>, vector<104x128xf32>, vector<1x128xf32> -> vector<1x128xf32>
    %mul3A_2957 = arith.mulf %select_n3A_2417, %exp3A_2953 : vector<104x128xf32>
    %dot_general3A_2958 = arith.constant dense<0.000000e+00> : vector<1x128xf32>
    %dot_general3A_2959 = tpu.matmul %broadcast_in_dim3A_2439, %mul3A_2957, %dot_general3A_2958 {dimension_numbers = #tpu.dot_dimension_numbers<[1], [0], [0], [1], [0, 0, 1, 1], [], []>, transpose_lhs_hint = false} : vector<1x104xf32>, vector<104x128xf32>, vector<1x128xf32> -> vector<1x128xf32>
    %broadcast_in_dim3A_2960 = arith.constant 0.000000e+00 : f32
    %broadcast_in_dim3A_2961 = vector.broadcast %broadcast_in_dim3A_2960 : f32 to vector<1x1xf32>
    %slice3A_2962 = vector.extract_strided_slice %dot_general3A_2959 {offsets = [0, 0], sizes = [1, 127], strides = [1, 1]} : vector<1x128xf32> to vector<1x127xf32>
    %concatenate3A_2963 = tpu.concatenate %broadcast_in_dim3A_2961, %slice3A_2962 in 1 : vector<1x1xf32>, vector<1x127xf32> -> vector<1x128xf32>
    %add3A_2964 = arith.addf %dot_general3A_2956, %concatenate3A_2963 : vector<1x128xf32>
    %swap3A_2965 = arith.constant 23 : index
    %swap3A_2966 = arith.constant 0 : index
    %swap3A_2967 = vector.load %arg5[%swap3A_2965, %swap3A_2966] : memref<64x128xf32, #tpu.memory_space<vmem>>, vector<1x128xf32>
    tpu.vector_store %arg5[%swap3A_2965, %swap3A_2966], %add3A_2964 {strides = array<i32>} : memref<64x128xf32, #tpu.memory_space<vmem>>, vector<1x128xf32>,
    %sub3A_2968 = arith.constant -7.500000e+00 : f32
    %sub3A_2969 = vector.broadcast %sub3A_2968 : f32 to vector<104x128xf32>
    %sub3A_2970 = arith.subf %select_n3A_2405, %sub3A_2969 : vector<104x128xf32>
    %mul3A_2971 = arith.mulf %sub3A_2970, %sub3A_2970 : vector<104x128xf32>
    %neg3A_2972 = arith.constant 0.000000e+00 : f32
    %neg3A_2973 = vector.broadcast %neg3A_2972 : f32 to vector<104x128xf32>
    %neg3A_2974 = arith.subf %neg3A_2973, %mul3A_2971 : vector<104x128xf32>
    %exp3A_2975 = math.exp %neg3A_2974 : vector<104x128xf32>
    %mul3A_2976 = arith.mulf %select_n3A_2408, %exp3A_2975 : vector<104x128xf32>
    %dot_general3A_2977 = arith.constant dense<0.000000e+00> : vector<1x128xf32>
    %dot_general3A_2978 = tpu.matmul %broadcast_in_dim3A_2439, %mul3A_2976, %dot_general3A_2977 {dimension_numbers = #tpu.dot_dimension_numbers<[1], [0], [0], [1], [0, 0, 1, 1], [], []>, transpose_lhs_hint = false} : vector<1x104xf32>, vector<104x128xf32>, vector<1x128xf32> -> vector<1x128xf32>
    %mul3A_2979 = arith.mulf %select_n3A_2417, %exp3A_2975 : vector<104x128xf32>
    %dot_general3A_2980 = arith.constant dense<0.000000e+00> : vector<1x128xf32>
    %dot_general3A_2981 = tpu.matmul %broadcast_in_dim3A_2439, %mul3A_2979, %dot_general3A_2980 {dimension_numbers = #tpu.dot_dimension_numbers<[1], [0], [0], [1], [0, 0, 1, 1], [], []>, transpose_lhs_hint = false} : vector<1x104xf32>, vector<104x128xf32>, vector<1x128xf32> -> vector<1x128xf32>
    %broadcast_in_dim3A_2982 = arith.constant 0.000000e+00 : f32
    %broadcast_in_dim3A_2983 = vector.broadcast %broadcast_in_dim3A_2982 : f32 to vector<1x1xf32>
    %slice3A_2984 = vector.extract_strided_slice %dot_general3A_2981 {offsets = [0, 0], sizes = [1, 127], strides = [1, 1]} : vector<1x128xf32> to vector<1x127xf32>
    %concatenate3A_2985 = tpu.concatenate %broadcast_in_dim3A_2983, %slice3A_2984 in 1 : vector<1x1xf32>, vector<1x127xf32> -> vector<1x128xf32>
    %add3A_2986 = arith.addf %dot_general3A_2978, %concatenate3A_2985 : vector<1x128xf32>
    %swap3A_2987 = arith.constant 24 : index
    %swap3A_2988 = arith.constant 0 : index
    %swap3A_2989 = vector.load %arg5[%swap3A_2987, %swap3A_2988] : memref<64x128xf32, #tpu.memory_space<vmem>>, vector<1x128xf32>
    tpu.vector_store %arg5[%swap3A_2987, %swap3A_2988], %add3A_2986 {strides = array<i32>} : memref<64x128xf32, #tpu.memory_space<vmem>>, vector<1x128xf32>,
    %sub3A_2990 = arith.constant -6.500000e+00 : f32
    %sub3A_2991 = vector.broadcast %sub3A_2990 : f32 to vector<104x128xf32>
    %sub3A_2992 = arith.subf %select_n3A_2405, %sub3A_2991 : vector<104x128xf32>
    %mul3A_2993 = arith.mulf %sub3A_2992, %sub3A_2992 : vector<104x128xf32>
    %neg3A_2994 = arith.constant 0.000000e+00 : f32
    %neg3A_2995 = vector.broadcast %neg3A_2994 : f32 to vector<104x128xf32>
    %neg3A_2996 = arith.subf %neg3A_2995, %mul3A_2993 : vector<104x128xf32>
    %exp3A_2997 = math.exp %neg3A_2996 : vector<104x128xf32>
    %mul3A_2998 = arith.mulf %select_n3A_2408, %exp3A_2997 : vector<104x128xf32>
    %dot_general3A_2999 = arith.constant dense<0.000000e+00> : vector<1x128xf32>
    %dot_general3A_3000 = tpu.matmul %broadcast_in_dim3A_2439, %mul3A_2998, %dot_general3A_2999 {dimension_numbers = #tpu.dot_dimension_numbers<[1], [0], [0], [1], [0, 0, 1, 1], [], []>, transpose_lhs_hint = false} : vector<1x104xf32>, vector<104x128xf32>, vector<1x128xf32> -> vector<1x128xf32>
    %mul3A_3001 = arith.mulf %select_n3A_2417, %exp3A_2997 : vector<104x128xf32>
    %dot_general3A_3002 = arith.constant dense<0.000000e+00> : vector<1x128xf32>
    %dot_general3A_3003 = tpu.matmul %broadcast_in_dim3A_2439, %mul3A_3001, %dot_general3A_3002 {dimension_numbers = #tpu.dot_dimension_numbers<[1], [0], [0], [1], [0, 0, 1, 1], [], []>, transpose_lhs_hint = false} : vector<1x104xf32>, vector<104x128xf32>, vector<1x128xf32> -> vector<1x128xf32>
    %broadcast_in_dim3A_3004 = arith.constant 0.000000e+00 : f32
    %broadcast_in_dim3A_3005 = vector.broadcast %broadcast_in_dim3A_3004 : f32 to vector<1x1xf32>
    %slice3A_3006 = vector.extract_strided_slice %dot_general3A_3003 {offsets = [0, 0], sizes = [1, 127], strides = [1, 1]} : vector<1x128xf32> to vector<1x127xf32>
    %concatenate3A_3007 = tpu.concatenate %broadcast_in_dim3A_3005, %slice3A_3006 in 1 : vector<1x1xf32>, vector<1x127xf32> -> vector<1x128xf32>
    %add3A_3008 = arith.addf %dot_general3A_3000, %concatenate3A_3007 : vector<1x128xf32>
    %swap3A_3009 = arith.constant 25 : index
    %swap3A_3010 = arith.constant 0 : index
    %swap3A_3011 = vector.load %arg5[%swap3A_3009, %swap3A_3010] : memref<64x128xf32, #tpu.memory_space<vmem>>, vector<1x128xf32>
    tpu.vector_store %arg5[%swap3A_3009, %swap3A_3010], %add3A_3008 {strides = array<i32>} : memref<64x128xf32, #tpu.memory_space<vmem>>, vector<1x128xf32>,
    %sub3A_3012 = arith.constant -5.500000e+00 : f32
    %sub3A_3013 = vector.broadcast %sub3A_3012 : f32 to vector<104x128xf32>
    %sub3A_3014 = arith.subf %select_n3A_2405, %sub3A_3013 : vector<104x128xf32>
    %mul3A_3015 = arith.mulf %sub3A_3014, %sub3A_3014 : vector<104x128xf32>
    %neg3A_3016 = arith.constant 0.000000e+00 : f32
    %neg3A_3017 = vector.broadcast %neg3A_3016 : f32 to vector<104x128xf32>
    %neg3A_3018 = arith.subf %neg3A_3017, %mul3A_3015 : vector<104x128xf32>
    %exp3A_3019 = math.exp %neg3A_3018 : vector<104x128xf32>
    %mul3A_3020 = arith.mulf %select_n3A_2408, %exp3A_3019 : vector<104x128xf32>
    %dot_general3A_3021 = arith.constant dense<0.000000e+00> : vector<1x128xf32>
    %dot_general3A_3022 = tpu.matmul %broadcast_in_dim3A_2439, %mul3A_3020, %dot_general3A_3021 {dimension_numbers = #tpu.dot_dimension_numbers<[1], [0], [0], [1], [0, 0, 1, 1], [], []>, transpose_lhs_hint = false} : vector<1x104xf32>, vector<104x128xf32>, vector<1x128xf32> -> vector<1x128xf32>
    %mul3A_3023 = arith.mulf %select_n3A_2417, %exp3A_3019 : vector<104x128xf32>
    %dot_general3A_3024 = arith.constant dense<0.000000e+00> : vector<1x128xf32>
    %dot_general3A_3025 = tpu.matmul %broadcast_in_dim3A_2439, %mul3A_3023, %dot_general3A_3024 {dimension_numbers = #tpu.dot_dimension_numbers<[1], [0], [0], [1], [0, 0, 1, 1], [], []>, transpose_lhs_hint = false} : vector<1x104xf32>, vector<104x128xf32>, vector<1x128xf32> -> vector<1x128xf32>
    %broadcast_in_dim3A_3026 = arith.constant 0.000000e+00 : f32
    %broadcast_in_dim3A_3027 = vector.broadcast %broadcast_in_dim3A_3026 : f32 to vector<1x1xf32>
    %slice3A_3028 = vector.extract_strided_slice %dot_general3A_3025 {offsets = [0, 0], sizes = [1, 127], strides = [1, 1]} : vector<1x128xf32> to vector<1x127xf32>
    %concatenate3A_3029 = tpu.concatenate %broadcast_in_dim3A_3027, %slice3A_3028 in 1 : vector<1x1xf32>, vector<1x127xf32> -> vector<1x128xf32>
    %add3A_3030 = arith.addf %dot_general3A_3022, %concatenate3A_3029 : vector<1x128xf32>
    %swap3A_3031 = arith.constant 26 : index
    %swap3A_3032 = arith.constant 0 : index
    %swap3A_3033 = vector.load %arg5[%swap3A_3031, %swap3A_3032] : memref<64x128xf32, #tpu.memory_space<vmem>>, vector<1x128xf32>
    tpu.vector_store %arg5[%swap3A_3031, %swap3A_3032], %add3A_3030 {strides = array<i32>} : memref<64x128xf32, #tpu.memory_space<vmem>>, vector<1x128xf32>,
    %sub3A_3034 = arith.constant -4.500000e+00 : f32
    %sub3A_3035 = vector.broadcast %sub3A_3034 : f32 to vector<104x128xf32>
    %sub3A_3036 = arith.subf %select_n3A_2405, %sub3A_3035 : vector<104x128xf32>
    %mul3A_3037 = arith.mulf %sub3A_3036, %sub3A_3036 : vector<104x128xf32>
    %neg3A_3038 = arith.constant 0.000000e+00 : f32
    %neg3A_3039 = vector.broadcast %neg3A_3038 : f32 to vector<104x128xf32>
    %neg3A_3040 = arith.subf %neg3A_3039, %mul3A_3037 : vector<104x128xf32>
    %exp3A_3041 = math.exp %neg3A_3040 : vector<104x128xf32>
    %mul3A_3042 = arith.mulf %select_n3A_2408, %exp3A_3041 : vector<104x128xf32>
    %dot_general3A_3043 = arith.constant dense<0.000000e+00> : vector<1x128xf32>
    %dot_general3A_3044 = tpu.matmul %broadcast_in_dim3A_2439, %mul3A_3042, %dot_general3A_3043 {dimension_numbers = #tpu.dot_dimension_numbers<[1], [0], [0], [1], [0, 0, 1, 1], [], []>, transpose_lhs_hint = false} : vector<1x104xf32>, vector<104x128xf32>, vector<1x128xf32> -> vector<1x128xf32>
    %mul3A_3045 = arith.mulf %select_n3A_2417, %exp3A_3041 : vector<104x128xf32>
    %dot_general3A_3046 = arith.constant dense<0.000000e+00> : vector<1x128xf32>
    %dot_general3A_3047 = tpu.matmul %broadcast_in_dim3A_2439, %mul3A_3045, %dot_general3A_3046 {dimension_numbers = #tpu.dot_dimension_numbers<[1], [0], [0], [1], [0, 0, 1, 1], [], []>, transpose_lhs_hint = false} : vector<1x104xf32>, vector<104x128xf32>, vector<1x128xf32> -> vector<1x128xf32>
    %broadcast_in_dim3A_3048 = arith.constant 0.000000e+00 : f32
    %broadcast_in_dim3A_3049 = vector.broadcast %broadcast_in_dim3A_3048 : f32 to vector<1x1xf32>
    %slice3A_3050 = vector.extract_strided_slice %dot_general3A_3047 {offsets = [0, 0], sizes = [1, 127], strides = [1, 1]} : vector<1x128xf32> to vector<1x127xf32>
    %concatenate3A_3051 = tpu.concatenate %broadcast_in_dim3A_3049, %slice3A_3050 in 1 : vector<1x1xf32>, vector<1x127xf32> -> vector<1x128xf32>
    %add3A_3052 = arith.addf %dot_general3A_3044, %concatenate3A_3051 : vector<1x128xf32>
    %swap3A_3053 = arith.constant 27 : index
    %swap3A_3054 = arith.constant 0 : index
    %swap3A_3055 = vector.load %arg5[%swap3A_3053, %swap3A_3054] : memref<64x128xf32, #tpu.memory_space<vmem>>, vector<1x128xf32>
    tpu.vector_store %arg5[%swap3A_3053, %swap3A_3054], %add3A_3052 {strides = array<i32>} : memref<64x128xf32, #tpu.memory_space<vmem>>, vector<1x128xf32>,
    %sub3A_3056 = arith.constant -3.500000e+00 : f32
    %sub3A_3057 = vector.broadcast %sub3A_3056 : f32 to vector<104x128xf32>
    %sub3A_3058 = arith.subf %select_n3A_2405, %sub3A_3057 : vector<104x128xf32>
    %mul3A_3059 = arith.mulf %sub3A_3058, %sub3A_3058 : vector<104x128xf32>
    %neg3A_3060 = arith.constant 0.000000e+00 : f32
    %neg3A_3061 = vector.broadcast %neg3A_3060 : f32 to vector<104x128xf32>
    %neg3A_3062 = arith.subf %neg3A_3061, %mul3A_3059 : vector<104x128xf32>
    %exp3A_3063 = math.exp %neg3A_3062 : vector<104x128xf32>
    %mul3A_3064 = arith.mulf %select_n3A_2408, %exp3A_3063 : vector<104x128xf32>
    %dot_general3A_3065 = arith.constant dense<0.000000e+00> : vector<1x128xf32>
    %dot_general3A_3066 = tpu.matmul %broadcast_in_dim3A_2439, %mul3A_3064, %dot_general3A_3065 {dimension_numbers = #tpu.dot_dimension_numbers<[1], [0], [0], [1], [0, 0, 1, 1], [], []>, transpose_lhs_hint = false} : vector<1x104xf32>, vector<104x128xf32>, vector<1x128xf32> -> vector<1x128xf32>
    %mul3A_3067 = arith.mulf %select_n3A_2417, %exp3A_3063 : vector<104x128xf32>
    %dot_general3A_3068 = arith.constant dense<0.000000e+00> : vector<1x128xf32>
    %dot_general3A_3069 = tpu.matmul %broadcast_in_dim3A_2439, %mul3A_3067, %dot_general3A_3068 {dimension_numbers = #tpu.dot_dimension_numbers<[1], [0], [0], [1], [0, 0, 1, 1], [], []>, transpose_lhs_hint = false} : vector<1x104xf32>, vector<104x128xf32>, vector<1x128xf32> -> vector<1x128xf32>
    %broadcast_in_dim3A_3070 = arith.constant 0.000000e+00 : f32
    %broadcast_in_dim3A_3071 = vector.broadcast %broadcast_in_dim3A_3070 : f32 to vector<1x1xf32>
    %slice3A_3072 = vector.extract_strided_slice %dot_general3A_3069 {offsets = [0, 0], sizes = [1, 127], strides = [1, 1]} : vector<1x128xf32> to vector<1x127xf32>
    %concatenate3A_3073 = tpu.concatenate %broadcast_in_dim3A_3071, %slice3A_3072 in 1 : vector<1x1xf32>, vector<1x127xf32> -> vector<1x128xf32>
    %add3A_3074 = arith.addf %dot_general3A_3066, %concatenate3A_3073 : vector<1x128xf32>
    %swap3A_3075 = arith.constant 28 : index
    %swap3A_3076 = arith.constant 0 : index
    %swap3A_3077 = vector.load %arg5[%swap3A_3075, %swap3A_3076] : memref<64x128xf32, #tpu.memory_space<vmem>>, vector<1x128xf32>
    tpu.vector_store %arg5[%swap3A_3075, %swap3A_3076], %add3A_3074 {strides = array<i32>} : memref<64x128xf32, #tpu.memory_space<vmem>>, vector<1x128xf32>,
    %sub3A_3078 = arith.constant -2.500000e+00 : f32
    %sub3A_3079 = vector.broadcast %sub3A_3078 : f32 to vector<104x128xf32>
    %sub3A_3080 = arith.subf %select_n3A_2405, %sub3A_3079 : vector<104x128xf32>
    %mul3A_3081 = arith.mulf %sub3A_3080, %sub3A_3080 : vector<104x128xf32>
    %neg3A_3082 = arith.constant 0.000000e+00 : f32
    %neg3A_3083 = vector.broadcast %neg3A_3082 : f32 to vector<104x128xf32>
    %neg3A_3084 = arith.subf %neg3A_3083, %mul3A_3081 : vector<104x128xf32>
    %exp3A_3085 = math.exp %neg3A_3084 : vector<104x128xf32>
    %mul3A_3086 = arith.mulf %select_n3A_2408, %exp3A_3085 : vector<104x128xf32>
    %dot_general3A_3087 = arith.constant dense<0.000000e+00> : vector<1x128xf32>
    %dot_general3A_3088 = tpu.matmul %broadcast_in_dim3A_2439, %mul3A_3086, %dot_general3A_3087 {dimension_numbers = #tpu.dot_dimension_numbers<[1], [0], [0], [1], [0, 0, 1, 1], [], []>, transpose_lhs_hint = false} : vector<1x104xf32>, vector<104x128xf32>, vector<1x128xf32> -> vector<1x128xf32>
    %mul3A_3089 = arith.mulf %select_n3A_2417, %exp3A_3085 : vector<104x128xf32>
    %dot_general3A_3090 = arith.constant dense<0.000000e+00> : vector<1x128xf32>
    %dot_general3A_3091 = tpu.matmul %broadcast_in_dim3A_2439, %mul3A_3089, %dot_general3A_3090 {dimension_numbers = #tpu.dot_dimension_numbers<[1], [0], [0], [1], [0, 0, 1, 1], [], []>, transpose_lhs_hint = false} : vector<1x104xf32>, vector<104x128xf32>, vector<1x128xf32> -> vector<1x128xf32>
    %broadcast_in_dim3A_3092 = arith.constant 0.000000e+00 : f32
    %broadcast_in_dim3A_3093 = vector.broadcast %broadcast_in_dim3A_3092 : f32 to vector<1x1xf32>
    %slice3A_3094 = vector.extract_strided_slice %dot_general3A_3091 {offsets = [0, 0], sizes = [1, 127], strides = [1, 1]} : vector<1x128xf32> to vector<1x127xf32>
    %concatenate3A_3095 = tpu.concatenate %broadcast_in_dim3A_3093, %slice3A_3094 in 1 : vector<1x1xf32>, vector<1x127xf32> -> vector<1x128xf32>
    %add3A_3096 = arith.addf %dot_general3A_3088, %concatenate3A_3095 : vector<1x128xf32>
    %swap3A_3097 = arith.constant 29 : index
    %swap3A_3098 = arith.constant 0 : index
    %swap3A_3099 = vector.load %arg5[%swap3A_3097, %swap3A_3098] : memref<64x128xf32, #tpu.memory_space<vmem>>, vector<1x128xf32>
    tpu.vector_store %arg5[%swap3A_3097, %swap3A_3098], %add3A_3096 {strides = array<i32>} : memref<64x128xf32, #tpu.memory_space<vmem>>, vector<1x128xf32>,
    %sub3A_3100 = arith.constant -1.500000e+00 : f32
    %sub3A_3101 = vector.broadcast %sub3A_3100 : f32 to vector<104x128xf32>
    %sub3A_3102 = arith.subf %select_n3A_2405, %sub3A_3101 : vector<104x128xf32>
    %mul3A_3103 = arith.mulf %sub3A_3102, %sub3A_3102 : vector<104x128xf32>
    %neg3A_3104 = arith.constant 0.000000e+00 : f32
    %neg3A_3105 = vector.broadcast %neg3A_3104 : f32 to vector<104x128xf32>
    %neg3A_3106 = arith.subf %neg3A_3105, %mul3A_3103 : vector<104x128xf32>
    %exp3A_3107 = math.exp %neg3A_3106 : vector<104x128xf32>
    %mul3A_3108 = arith.mulf %select_n3A_2408, %exp3A_3107 : vector<104x128xf32>
    %dot_general3A_3109 = arith.constant dense<0.000000e+00> : vector<1x128xf32>
    %dot_general3A_3110 = tpu.matmul %broadcast_in_dim3A_2439, %mul3A_3108, %dot_general3A_3109 {dimension_numbers = #tpu.dot_dimension_numbers<[1], [0], [0], [1], [0, 0, 1, 1], [], []>, transpose_lhs_hint = false} : vector<1x104xf32>, vector<104x128xf32>, vector<1x128xf32> -> vector<1x128xf32>
    %mul3A_3111 = arith.mulf %select_n3A_2417, %exp3A_3107 : vector<104x128xf32>
    %dot_general3A_3112 = arith.constant dense<0.000000e+00> : vector<1x128xf32>
    %dot_general3A_3113 = tpu.matmul %broadcast_in_dim3A_2439, %mul3A_3111, %dot_general3A_3112 {dimension_numbers = #tpu.dot_dimension_numbers<[1], [0], [0], [1], [0, 0, 1, 1], [], []>, transpose_lhs_hint = false} : vector<1x104xf32>, vector<104x128xf32>, vector<1x128xf32> -> vector<1x128xf32>
    %broadcast_in_dim3A_3114 = arith.constant 0.000000e+00 : f32
    %broadcast_in_dim3A_3115 = vector.broadcast %broadcast_in_dim3A_3114 : f32 to vector<1x1xf32>
    %slice3A_3116 = vector.extract_strided_slice %dot_general3A_3113 {offsets = [0, 0], sizes = [1, 127], strides = [1, 1]} : vector<1x128xf32> to vector<1x127xf32>
    %concatenate3A_3117 = tpu.concatenate %broadcast_in_dim3A_3115, %slice3A_3116 in 1 : vector<1x1xf32>, vector<1x127xf32> -> vector<1x128xf32>
    %add3A_3118 = arith.addf %dot_general3A_3110, %concatenate3A_3117 : vector<1x128xf32>
    %swap3A_3119 = arith.constant 30 : index
    %swap3A_3120 = arith.constant 0 : index
    %swap3A_3121 = vector.load %arg5[%swap3A_3119, %swap3A_3120] : memref<64x128xf32, #tpu.memory_space<vmem>>, vector<1x128xf32>
    tpu.vector_store %arg5[%swap3A_3119, %swap3A_3120], %add3A_3118 {strides = array<i32>} : memref<64x128xf32, #tpu.memory_space<vmem>>, vector<1x128xf32>,
    %sub3A_3122 = arith.constant -5.000000e-01 : f32
    %sub3A_3123 = vector.broadcast %sub3A_3122 : f32 to vector<104x128xf32>
    %sub3A_3124 = arith.subf %select_n3A_2405, %sub3A_3123 : vector<104x128xf32>
    %mul3A_3125 = arith.mulf %sub3A_3124, %sub3A_3124 : vector<104x128xf32>
    %neg3A_3126 = arith.constant 0.000000e+00 : f32
    %neg3A_3127 = vector.broadcast %neg3A_3126 : f32 to vector<104x128xf32>
    %neg3A_3128 = arith.subf %neg3A_3127, %mul3A_3125 : vector<104x128xf32>
    %exp3A_3129 = math.exp %neg3A_3128 : vector<104x128xf32>
    %mul3A_3130 = arith.mulf %select_n3A_2408, %exp3A_3129 : vector<104x128xf32>
    %dot_general3A_3131 = arith.constant dense<0.000000e+00> : vector<1x128xf32>
    %dot_general3A_3132 = tpu.matmul %broadcast_in_dim3A_2439, %mul3A_3130, %dot_general3A_3131 {dimension_numbers = #tpu.dot_dimension_numbers<[1], [0], [0], [1], [0, 0, 1, 1], [], []>, transpose_lhs_hint = false} : vector<1x104xf32>, vector<104x128xf32>, vector<1x128xf32> -> vector<1x128xf32>
    %mul3A_3133 = arith.mulf %select_n3A_2417, %exp3A_3129 : vector<104x128xf32>
    %dot_general3A_3134 = arith.constant dense<0.000000e+00> : vector<1x128xf32>
    %dot_general3A_3135 = tpu.matmul %broadcast_in_dim3A_2439, %mul3A_3133, %dot_general3A_3134 {dimension_numbers = #tpu.dot_dimension_numbers<[1], [0], [0], [1], [0, 0, 1, 1], [], []>, transpose_lhs_hint = false} : vector<1x104xf32>, vector<104x128xf32>, vector<1x128xf32> -> vector<1x128xf32>
    %broadcast_in_dim3A_3136 = arith.constant 0.000000e+00 : f32
    %broadcast_in_dim3A_3137 = vector.broadcast %broadcast_in_dim3A_3136 : f32 to vector<1x1xf32>
    %slice3A_3138 = vector.extract_strided_slice %dot_general3A_3135 {offsets = [0, 0], sizes = [1, 127], strides = [1, 1]} : vector<1x128xf32> to vector<1x127xf32>
    %concatenate3A_3139 = tpu.concatenate %broadcast_in_dim3A_3137, %slice3A_3138 in 1 : vector<1x1xf32>, vector<1x127xf32> -> vector<1x128xf32>
    %add3A_3140 = arith.addf %dot_general3A_3132, %concatenate3A_3139 : vector<1x128xf32>
    %swap3A_3141 = arith.constant 31 : index
    %swap3A_3142 = arith.constant 0 : index
    %swap3A_3143 = vector.load %arg5[%swap3A_3141, %swap3A_3142] : memref<64x128xf32, #tpu.memory_space<vmem>>, vector<1x128xf32>
    tpu.vector_store %arg5[%swap3A_3141, %swap3A_3142], %add3A_3140 {strides = array<i32>} : memref<64x128xf32, #tpu.memory_space<vmem>>, vector<1x128xf32>,
    %sub3A_3144 = arith.constant 5.000000e-01 : f32
    %sub3A_3145 = vector.broadcast %sub3A_3144 : f32 to vector<104x128xf32>
    %sub3A_3146 = arith.subf %select_n3A_2405, %sub3A_3145 : vector<104x128xf32>
    %mul3A_3147 = arith.mulf %sub3A_3146, %sub3A_3146 : vector<104x128xf32>
    %neg3A_3148 = arith.constant 0.000000e+00 : f32
    %neg3A_3149 = vector.broadcast %neg3A_3148 : f32 to vector<104x128xf32>
    %neg3A_3150 = arith.subf %neg3A_3149, %mul3A_3147 : vector<104x128xf32>
    %exp3A_3151 = math.exp %neg3A_3150 : vector<104x128xf32>
    %mul3A_3152 = arith.mulf %select_n3A_2408, %exp3A_3151 : vector<104x128xf32>
    %dot_general3A_3153 = arith.constant dense<0.000000e+00> : vector<1x128xf32>
    %dot_general3A_3154 = tpu.matmul %broadcast_in_dim3A_2439, %mul3A_3152, %dot_general3A_3153 {dimension_numbers = #tpu.dot_dimension_numbers<[1], [0], [0], [1], [0, 0, 1, 1], [], []>, transpose_lhs_hint = false} : vector<1x104xf32>, vector<104x128xf32>, vector<1x128xf32> -> vector<1x128xf32>
    %mul3A_3155 = arith.mulf %select_n3A_2417, %exp3A_3151 : vector<104x128xf32>
    %dot_general3A_3156 = arith.constant dense<0.000000e+00> : vector<1x128xf32>
    %dot_general3A_3157 = tpu.matmul %broadcast_in_dim3A_2439, %mul3A_3155, %dot_general3A_3156 {dimension_numbers = #tpu.dot_dimension_numbers<[1], [0], [0], [1], [0, 0, 1, 1], [], []>, transpose_lhs_hint = false} : vector<1x104xf32>, vector<104x128xf32>, vector<1x128xf32> -> vector<1x128xf32>
    %broadcast_in_dim3A_3158 = arith.constant 0.000000e+00 : f32
    %broadcast_in_dim3A_3159 = vector.broadcast %broadcast_in_dim3A_3158 : f32 to vector<1x1xf32>
    %slice3A_3160 = vector.extract_strided_slice %dot_general3A_3157 {offsets = [0, 0], sizes = [1, 127], strides = [1, 1]} : vector<1x128xf32> to vector<1x127xf32>
    %concatenate3A_3161 = tpu.concatenate %broadcast_in_dim3A_3159, %slice3A_3160 in 1 : vector<1x1xf32>, vector<1x127xf32> -> vector<1x128xf32>
    %add3A_3162 = arith.addf %dot_general3A_3154, %concatenate3A_3161 : vector<1x128xf32>
    %swap3A_3163 = arith.constant 32 : index
    %swap3A_3164 = arith.constant 0 : index
    %swap3A_3165 = vector.load %arg5[%swap3A_3163, %swap3A_3164] : memref<64x128xf32, #tpu.memory_space<vmem>>, vector<1x128xf32>
    tpu.vector_store %arg5[%swap3A_3163, %swap3A_3164], %add3A_3162 {strides = array<i32>} : memref<64x128xf32, #tpu.memory_space<vmem>>, vector<1x128xf32>,
    %sub3A_3166 = arith.constant 1.500000e+00 : f32
    %sub3A_3167 = vector.broadcast %sub3A_3166 : f32 to vector<104x128xf32>
    %sub3A_3168 = arith.subf %select_n3A_2405, %sub3A_3167 : vector<104x128xf32>
    %mul3A_3169 = arith.mulf %sub3A_3168, %sub3A_3168 : vector<104x128xf32>
    %neg3A_3170 = arith.constant 0.000000e+00 : f32
    %neg3A_3171 = vector.broadcast %neg3A_3170 : f32 to vector<104x128xf32>
    %neg3A_3172 = arith.subf %neg3A_3171, %mul3A_3169 : vector<104x128xf32>
    %exp3A_3173 = math.exp %neg3A_3172 : vector<104x128xf32>
    %mul3A_3174 = arith.mulf %select_n3A_2408, %exp3A_3173 : vector<104x128xf32>
    %dot_general3A_3175 = arith.constant dense<0.000000e+00> : vector<1x128xf32>
    %dot_general3A_3176 = tpu.matmul %broadcast_in_dim3A_2439, %mul3A_3174, %dot_general3A_3175 {dimension_numbers = #tpu.dot_dimension_numbers<[1], [0], [0], [1], [0, 0, 1, 1], [], []>, transpose_lhs_hint = false} : vector<1x104xf32>, vector<104x128xf32>, vector<1x128xf32> -> vector<1x128xf32>
    %mul3A_3177 = arith.mulf %select_n3A_2417, %exp3A_3173 : vector<104x128xf32>
    %dot_general3A_3178 = arith.constant dense<0.000000e+00> : vector<1x128xf32>
    %dot_general3A_3179 = tpu.matmul %broadcast_in_dim3A_2439, %mul3A_3177, %dot_general3A_3178 {dimension_numbers = #tpu.dot_dimension_numbers<[1], [0], [0], [1], [0, 0, 1, 1], [], []>, transpose_lhs_hint = false} : vector<1x104xf32>, vector<104x128xf32>, vector<1x128xf32> -> vector<1x128xf32>
    %broadcast_in_dim3A_3180 = arith.constant 0.000000e+00 : f32
    %broadcast_in_dim3A_3181 = vector.broadcast %broadcast_in_dim3A_3180 : f32 to vector<1x1xf32>
    %slice3A_3182 = vector.extract_strided_slice %dot_general3A_3179 {offsets = [0, 0], sizes = [1, 127], strides = [1, 1]} : vector<1x128xf32> to vector<1x127xf32>
    %concatenate3A_3183 = tpu.concatenate %broadcast_in_dim3A_3181, %slice3A_3182 in 1 : vector<1x1xf32>, vector<1x127xf32> -> vector<1x128xf32>
    %add3A_3184 = arith.addf %dot_general3A_3176, %concatenate3A_3183 : vector<1x128xf32>
    %swap3A_3185 = arith.constant 33 : index
    %swap3A_3186 = arith.constant 0 : index
    %swap3A_3187 = vector.load %arg5[%swap3A_3185, %swap3A_3186] : memref<64x128xf32, #tpu.memory_space<vmem>>, vector<1x128xf32>
    tpu.vector_store %arg5[%swap3A_3185, %swap3A_3186], %add3A_3184 {strides = array<i32>} : memref<64x128xf32, #tpu.memory_space<vmem>>, vector<1x128xf32>,
    %sub3A_3188 = arith.constant 2.500000e+00 : f32
    %sub3A_3189 = vector.broadcast %sub3A_3188 : f32 to vector<104x128xf32>
    %sub3A_3190 = arith.subf %select_n3A_2405, %sub3A_3189 : vector<104x128xf32>
    %mul3A_3191 = arith.mulf %sub3A_3190, %sub3A_3190 : vector<104x128xf32>
    %neg3A_3192 = arith.constant 0.000000e+00 : f32
    %neg3A_3193 = vector.broadcast %neg3A_3192 : f32 to vector<104x128xf32>
    %neg3A_3194 = arith.subf %neg3A_3193, %mul3A_3191 : vector<104x128xf32>
    %exp3A_3195 = math.exp %neg3A_3194 : vector<104x128xf32>
    %mul3A_3196 = arith.mulf %select_n3A_2408, %exp3A_3195 : vector<104x128xf32>
    %dot_general3A_3197 = arith.constant dense<0.000000e+00> : vector<1x128xf32>
    %dot_general3A_3198 = tpu.matmul %broadcast_in_dim3A_2439, %mul3A_3196, %dot_general3A_3197 {dimension_numbers = #tpu.dot_dimension_numbers<[1], [0], [0], [1], [0, 0, 1, 1], [], []>, transpose_lhs_hint = false} : vector<1x104xf32>, vector<104x128xf32>, vector<1x128xf32> -> vector<1x128xf32>
    %mul3A_3199 = arith.mulf %select_n3A_2417, %exp3A_3195 : vector<104x128xf32>
    %dot_general3A_3200 = arith.constant dense<0.000000e+00> : vector<1x128xf32>
    %dot_general3A_3201 = tpu.matmul %broadcast_in_dim3A_2439, %mul3A_3199, %dot_general3A_3200 {dimension_numbers = #tpu.dot_dimension_numbers<[1], [0], [0], [1], [0, 0, 1, 1], [], []>, transpose_lhs_hint = false} : vector<1x104xf32>, vector<104x128xf32>, vector<1x128xf32> -> vector<1x128xf32>
    %broadcast_in_dim3A_3202 = arith.constant 0.000000e+00 : f32
    %broadcast_in_dim3A_3203 = vector.broadcast %broadcast_in_dim3A_3202 : f32 to vector<1x1xf32>
    %slice3A_3204 = vector.extract_strided_slice %dot_general3A_3201 {offsets = [0, 0], sizes = [1, 127], strides = [1, 1]} : vector<1x128xf32> to vector<1x127xf32>
    %concatenate3A_3205 = tpu.concatenate %broadcast_in_dim3A_3203, %slice3A_3204 in 1 : vector<1x1xf32>, vector<1x127xf32> -> vector<1x128xf32>
    %add3A_3206 = arith.addf %dot_general3A_3198, %concatenate3A_3205 : vector<1x128xf32>
    %swap3A_3207 = arith.constant 34 : index
    %swap3A_3208 = arith.constant 0 : index
    %swap3A_3209 = vector.load %arg5[%swap3A_3207, %swap3A_3208] : memref<64x128xf32, #tpu.memory_space<vmem>>, vector<1x128xf32>
    tpu.vector_store %arg5[%swap3A_3207, %swap3A_3208], %add3A_3206 {strides = array<i32>} : memref<64x128xf32, #tpu.memory_space<vmem>>, vector<1x128xf32>,
    %sub3A_3210 = arith.constant 3.500000e+00 : f32
    %sub3A_3211 = vector.broadcast %sub3A_3210 : f32 to vector<104x128xf32>
    %sub3A_3212 = arith.subf %select_n3A_2405, %sub3A_3211 : vector<104x128xf32>
    %mul3A_3213 = arith.mulf %sub3A_3212, %sub3A_3212 : vector<104x128xf32>
    %neg3A_3214 = arith.constant 0.000000e+00 : f32
    %neg3A_3215 = vector.broadcast %neg3A_3214 : f32 to vector<104x128xf32>
    %neg3A_3216 = arith.subf %neg3A_3215, %mul3A_3213 : vector<104x128xf32>
    %exp3A_3217 = math.exp %neg3A_3216 : vector<104x128xf32>
    %mul3A_3218 = arith.mulf %select_n3A_2408, %exp3A_3217 : vector<104x128xf32>
    %dot_general3A_3219 = arith.constant dense<0.000000e+00> : vector<1x128xf32>
    %dot_general3A_3220 = tpu.matmul %broadcast_in_dim3A_2439, %mul3A_3218, %dot_general3A_3219 {dimension_numbers = #tpu.dot_dimension_numbers<[1], [0], [0], [1], [0, 0, 1, 1], [], []>, transpose_lhs_hint = false} : vector<1x104xf32>, vector<104x128xf32>, vector<1x128xf32> -> vector<1x128xf32>
    %mul3A_3221 = arith.mulf %select_n3A_2417, %exp3A_3217 : vector<104x128xf32>
    %dot_general3A_3222 = arith.constant dense<0.000000e+00> : vector<1x128xf32>
    %dot_general3A_3223 = tpu.matmul %broadcast_in_dim3A_2439, %mul3A_3221, %dot_general3A_3222 {dimension_numbers = #tpu.dot_dimension_numbers<[1], [0], [0], [1], [0, 0, 1, 1], [], []>, transpose_lhs_hint = false} : vector<1x104xf32>, vector<104x128xf32>, vector<1x128xf32> -> vector<1x128xf32>
    %broadcast_in_dim3A_3224 = arith.constant 0.000000e+00 : f32
    %broadcast_in_dim3A_3225 = vector.broadcast %broadcast_in_dim3A_3224 : f32 to vector<1x1xf32>
    %slice3A_3226 = vector.extract_strided_slice %dot_general3A_3223 {offsets = [0, 0], sizes = [1, 127], strides = [1, 1]} : vector<1x128xf32> to vector<1x127xf32>
    %concatenate3A_3227 = tpu.concatenate %broadcast_in_dim3A_3225, %slice3A_3226 in 1 : vector<1x1xf32>, vector<1x127xf32> -> vector<1x128xf32>
    %add3A_3228 = arith.addf %dot_general3A_3220, %concatenate3A_3227 : vector<1x128xf32>
    %swap3A_3229 = arith.constant 35 : index
    %swap3A_3230 = arith.constant 0 : index
    %swap3A_3231 = vector.load %arg5[%swap3A_3229, %swap3A_3230] : memref<64x128xf32, #tpu.memory_space<vmem>>, vector<1x128xf32>
    tpu.vector_store %arg5[%swap3A_3229, %swap3A_3230], %add3A_3228 {strides = array<i32>} : memref<64x128xf32, #tpu.memory_space<vmem>>, vector<1x128xf32>,
    %sub3A_3232 = arith.constant 4.500000e+00 : f32
    %sub3A_3233 = vector.broadcast %sub3A_3232 : f32 to vector<104x128xf32>
    %sub3A_3234 = arith.subf %select_n3A_2405, %sub3A_3233 : vector<104x128xf32>
    %mul3A_3235 = arith.mulf %sub3A_3234, %sub3A_3234 : vector<104x128xf32>
    %neg3A_3236 = arith.constant 0.000000e+00 : f32
    %neg3A_3237 = vector.broadcast %neg3A_3236 : f32 to vector<104x128xf32>
    %neg3A_3238 = arith.subf %neg3A_3237, %mul3A_3235 : vector<104x128xf32>
    %exp3A_3239 = math.exp %neg3A_3238 : vector<104x128xf32>
    %mul3A_3240 = arith.mulf %select_n3A_2408, %exp3A_3239 : vector<104x128xf32>
    %dot_general3A_3241 = arith.constant dense<0.000000e+00> : vector<1x128xf32>
    %dot_general3A_3242 = tpu.matmul %broadcast_in_dim3A_2439, %mul3A_3240, %dot_general3A_3241 {dimension_numbers = #tpu.dot_dimension_numbers<[1], [0], [0], [1], [0, 0, 1, 1], [], []>, transpose_lhs_hint = false} : vector<1x104xf32>, vector<104x128xf32>, vector<1x128xf32> -> vector<1x128xf32>
    %mul3A_3243 = arith.mulf %select_n3A_2417, %exp3A_3239 : vector<104x128xf32>
    %dot_general3A_3244 = arith.constant dense<0.000000e+00> : vector<1x128xf32>
    %dot_general3A_3245 = tpu.matmul %broadcast_in_dim3A_2439, %mul3A_3243, %dot_general3A_3244 {dimension_numbers = #tpu.dot_dimension_numbers<[1], [0], [0], [1], [0, 0, 1, 1], [], []>, transpose_lhs_hint = false} : vector<1x104xf32>, vector<104x128xf32>, vector<1x128xf32> -> vector<1x128xf32>
    %broadcast_in_dim3A_3246 = arith.constant 0.000000e+00 : f32
    %broadcast_in_dim3A_3247 = vector.broadcast %broadcast_in_dim3A_3246 : f32 to vector<1x1xf32>
    %slice3A_3248 = vector.extract_strided_slice %dot_general3A_3245 {offsets = [0, 0], sizes = [1, 127], strides = [1, 1]} : vector<1x128xf32> to vector<1x127xf32>
    %concatenate3A_3249 = tpu.concatenate %broadcast_in_dim3A_3247, %slice3A_3248 in 1 : vector<1x1xf32>, vector<1x127xf32> -> vector<1x128xf32>
    %add3A_3250 = arith.addf %dot_general3A_3242, %concatenate3A_3249 : vector<1x128xf32>
    %swap3A_3251 = arith.constant 36 : index
    %swap3A_3252 = arith.constant 0 : index
    %swap3A_3253 = vector.load %arg5[%swap3A_3251, %swap3A_3252] : memref<64x128xf32, #tpu.memory_space<vmem>>, vector<1x128xf32>
    tpu.vector_store %arg5[%swap3A_3251, %swap3A_3252], %add3A_3250 {strides = array<i32>} : memref<64x128xf32, #tpu.memory_space<vmem>>, vector<1x128xf32>,
    %sub3A_3254 = arith.constant 5.500000e+00 : f32
    %sub3A_3255 = vector.broadcast %sub3A_3254 : f32 to vector<104x128xf32>
    %sub3A_3256 = arith.subf %select_n3A_2405, %sub3A_3255 : vector<104x128xf32>
    %mul3A_3257 = arith.mulf %sub3A_3256, %sub3A_3256 : vector<104x128xf32>
    %neg3A_3258 = arith.constant 0.000000e+00 : f32
    %neg3A_3259 = vector.broadcast %neg3A_3258 : f32 to vector<104x128xf32>
    %neg3A_3260 = arith.subf %neg3A_3259, %mul3A_3257 : vector<104x128xf32>
    %exp3A_3261 = math.exp %neg3A_3260 : vector<104x128xf32>
    %mul3A_3262 = arith.mulf %select_n3A_2408, %exp3A_3261 : vector<104x128xf32>
    %dot_general3A_3263 = arith.constant dense<0.000000e+00> : vector<1x128xf32>
    %dot_general3A_3264 = tpu.matmul %broadcast_in_dim3A_2439, %mul3A_3262, %dot_general3A_3263 {dimension_numbers = #tpu.dot_dimension_numbers<[1], [0], [0], [1], [0, 0, 1, 1], [], []>, transpose_lhs_hint = false} : vector<1x104xf32>, vector<104x128xf32>, vector<1x128xf32> -> vector<1x128xf32>
    %mul3A_3265 = arith.mulf %select_n3A_2417, %exp3A_3261 : vector<104x128xf32>
    %dot_general3A_3266 = arith.constant dense<0.000000e+00> : vector<1x128xf32>
    %dot_general3A_3267 = tpu.matmul %broadcast_in_dim3A_2439, %mul3A_3265, %dot_general3A_3266 {dimension_numbers = #tpu.dot_dimension_numbers<[1], [0], [0], [1], [0, 0, 1, 1], [], []>, transpose_lhs_hint = false} : vector<1x104xf32>, vector<104x128xf32>, vector<1x128xf32> -> vector<1x128xf32>
    %broadcast_in_dim3A_3268 = arith.constant 0.000000e+00 : f32
    %broadcast_in_dim3A_3269 = vector.broadcast %broadcast_in_dim3A_3268 : f32 to vector<1x1xf32>
    %slice3A_3270 = vector.extract_strided_slice %dot_general3A_3267 {offsets = [0, 0], sizes = [1, 127], strides = [1, 1]} : vector<1x128xf32> to vector<1x127xf32>
    %concatenate3A_3271 = tpu.concatenate %broadcast_in_dim3A_3269, %slice3A_3270 in 1 : vector<1x1xf32>, vector<1x127xf32> -> vector<1x128xf32>
    %add3A_3272 = arith.addf %dot_general3A_3264, %concatenate3A_3271 : vector<1x128xf32>
    %swap3A_3273 = arith.constant 37 : index
    %swap3A_3274 = arith.constant 0 : index
    %swap3A_3275 = vector.load %arg5[%swap3A_3273, %swap3A_3274] : memref<64x128xf32, #tpu.memory_space<vmem>>, vector<1x128xf32>
    tpu.vector_store %arg5[%swap3A_3273, %swap3A_3274], %add3A_3272 {strides = array<i32>} : memref<64x128xf32, #tpu.memory_space<vmem>>, vector<1x128xf32>,
    %sub3A_3276 = arith.constant 6.500000e+00 : f32
    %sub3A_3277 = vector.broadcast %sub3A_3276 : f32 to vector<104x128xf32>
    %sub3A_3278 = arith.subf %select_n3A_2405, %sub3A_3277 : vector<104x128xf32>
    %mul3A_3279 = arith.mulf %sub3A_3278, %sub3A_3278 : vector<104x128xf32>
    %neg3A_3280 = arith.constant 0.000000e+00 : f32
    %neg3A_3281 = vector.broadcast %neg3A_3280 : f32 to vector<104x128xf32>
    %neg3A_3282 = arith.subf %neg3A_3281, %mul3A_3279 : vector<104x128xf32>
    %exp3A_3283 = math.exp %neg3A_3282 : vector<104x128xf32>
    %mul3A_3284 = arith.mulf %select_n3A_2408, %exp3A_3283 : vector<104x128xf32>
    %dot_general3A_3285 = arith.constant dense<0.000000e+00> : vector<1x128xf32>
    %dot_general3A_3286 = tpu.matmul %broadcast_in_dim3A_2439, %mul3A_3284, %dot_general3A_3285 {dimension_numbers = #tpu.dot_dimension_numbers<[1], [0], [0], [1], [0, 0, 1, 1], [], []>, transpose_lhs_hint = false} : vector<1x104xf32>, vector<104x128xf32>, vector<1x128xf32> -> vector<1x128xf32>
    %mul3A_3287 = arith.mulf %select_n3A_2417, %exp3A_3283 : vector<104x128xf32>
    %dot_general3A_3288 = arith.constant dense<0.000000e+00> : vector<1x128xf32>
    %dot_general3A_3289 = tpu.matmul %broadcast_in_dim3A_2439, %mul3A_3287, %dot_general3A_3288 {dimension_numbers = #tpu.dot_dimension_numbers<[1], [0], [0], [1], [0, 0, 1, 1], [], []>, transpose_lhs_hint = false} : vector<1x104xf32>, vector<104x128xf32>, vector<1x128xf32> -> vector<1x128xf32>
    %broadcast_in_dim3A_3290 = arith.constant 0.000000e+00 : f32
    %broadcast_in_dim3A_3291 = vector.broadcast %broadcast_in_dim3A_3290 : f32 to vector<1x1xf32>
    %slice3A_3292 = vector.extract_strided_slice %dot_general3A_3289 {offsets = [0, 0], sizes = [1, 127], strides = [1, 1]} : vector<1x128xf32> to vector<1x127xf32>
    %concatenate3A_3293 = tpu.concatenate %broadcast_in_dim3A_3291, %slice3A_3292 in 1 : vector<1x1xf32>, vector<1x127xf32> -> vector<1x128xf32>
    %add3A_3294 = arith.addf %dot_general3A_3286, %concatenate3A_3293 : vector<1x128xf32>
    %swap3A_3295 = arith.constant 38 : index
    %swap3A_3296 = arith.constant 0 : index
    %swap3A_3297 = vector.load %arg5[%swap3A_3295, %swap3A_3296] : memref<64x128xf32, #tpu.memory_space<vmem>>, vector<1x128xf32>
    tpu.vector_store %arg5[%swap3A_3295, %swap3A_3296], %add3A_3294 {strides = array<i32>} : memref<64x128xf32, #tpu.memory_space<vmem>>, vector<1x128xf32>,
    %sub3A_3298 = arith.constant 7.500000e+00 : f32
    %sub3A_3299 = vector.broadcast %sub3A_3298 : f32 to vector<104x128xf32>
    %sub3A_3300 = arith.subf %select_n3A_2405, %sub3A_3299 : vector<104x128xf32>
    %mul3A_3301 = arith.mulf %sub3A_3300, %sub3A_3300 : vector<104x128xf32>
    %neg3A_3302 = arith.constant 0.000000e+00 : f32
    %neg3A_3303 = vector.broadcast %neg3A_3302 : f32 to vector<104x128xf32>
    %neg3A_3304 = arith.subf %neg3A_3303, %mul3A_3301 : vector<104x128xf32>
    %exp3A_3305 = math.exp %neg3A_3304 : vector<104x128xf32>
    %mul3A_3306 = arith.mulf %select_n3A_2408, %exp3A_3305 : vector<104x128xf32>
    %dot_general3A_3307 = arith.constant dense<0.000000e+00> : vector<1x128xf32>
    %dot_general3A_3308 = tpu.matmul %broadcast_in_dim3A_2439, %mul3A_3306, %dot_general3A_3307 {dimension_numbers = #tpu.dot_dimension_numbers<[1], [0], [0], [1], [0, 0, 1, 1], [], []>, transpose_lhs_hint = false} : vector<1x104xf32>, vector<104x128xf32>, vector<1x128xf32> -> vector<1x128xf32>
    %mul3A_3309 = arith.mulf %select_n3A_2417, %exp3A_3305 : vector<104x128xf32>
    %dot_general3A_3310 = arith.constant dense<0.000000e+00> : vector<1x128xf32>
    %dot_general3A_3311 = tpu.matmul %broadcast_in_dim3A_2439, %mul3A_3309, %dot_general3A_3310 {dimension_numbers = #tpu.dot_dimension_numbers<[1], [0], [0], [1], [0, 0, 1, 1], [], []>, transpose_lhs_hint = false} : vector<1x104xf32>, vector<104x128xf32>, vector<1x128xf32> -> vector<1x128xf32>
    %broadcast_in_dim3A_3312 = arith.constant 0.000000e+00 : f32
    %broadcast_in_dim3A_3313 = vector.broadcast %broadcast_in_dim3A_3312 : f32 to vector<1x1xf32>
    %slice3A_3314 = vector.extract_strided_slice %dot_general3A_3311 {offsets = [0, 0], sizes = [1, 127], strides = [1, 1]} : vector<1x128xf32> to vector<1x127xf32>
    %concatenate3A_3315 = tpu.concatenate %broadcast_in_dim3A_3313, %slice3A_3314 in 1 : vector<1x1xf32>, vector<1x127xf32> -> vector<1x128xf32>
    %add3A_3316 = arith.addf %dot_general3A_3308, %concatenate3A_3315 : vector<1x128xf32>
    %swap3A_3317 = arith.constant 39 : index
    %swap3A_3318 = arith.constant 0 : index
    %swap3A_3319 = vector.load %arg5[%swap3A_3317, %swap3A_3318] : memref<64x128xf32, #tpu.memory_space<vmem>>, vector<1x128xf32>
    tpu.vector_store %arg5[%swap3A_3317, %swap3A_3318], %add3A_3316 {strides = array<i32>} : memref<64x128xf32, #tpu.memory_space<vmem>>, vector<1x128xf32>,
    %sub3A_3320 = arith.constant 8.500000e+00 : f32
    %sub3A_3321 = vector.broadcast %sub3A_3320 : f32 to vector<104x128xf32>
    %sub3A_3322 = arith.subf %select_n3A_2405, %sub3A_3321 : vector<104x128xf32>
    %mul3A_3323 = arith.mulf %sub3A_3322, %sub3A_3322 : vector<104x128xf32>
    %neg3A_3324 = arith.constant 0.000000e+00 : f32
    %neg3A_3325 = vector.broadcast %neg3A_3324 : f32 to vector<104x128xf32>
    %neg3A_3326 = arith.subf %neg3A_3325, %mul3A_3323 : vector<104x128xf32>
    %exp3A_3327 = math.exp %neg3A_3326 : vector<104x128xf32>
    %mul3A_3328 = arith.mulf %select_n3A_2408, %exp3A_3327 : vector<104x128xf32>
    %dot_general3A_3329 = arith.constant dense<0.000000e+00> : vector<1x128xf32>
    %dot_general3A_3330 = tpu.matmul %broadcast_in_dim3A_2439, %mul3A_3328, %dot_general3A_3329 {dimension_numbers = #tpu.dot_dimension_numbers<[1], [0], [0], [1], [0, 0, 1, 1], [], []>, transpose_lhs_hint = false} : vector<1x104xf32>, vector<104x128xf32>, vector<1x128xf32> -> vector<1x128xf32>
    %mul3A_3331 = arith.mulf %select_n3A_2417, %exp3A_3327 : vector<104x128xf32>
    %dot_general3A_3332 = arith.constant dense<0.000000e+00> : vector<1x128xf32>
    %dot_general3A_3333 = tpu.matmul %broadcast_in_dim3A_2439, %mul3A_3331, %dot_general3A_3332 {dimension_numbers = #tpu.dot_dimension_numbers<[1], [0], [0], [1], [0, 0, 1, 1], [], []>, transpose_lhs_hint = false} : vector<1x104xf32>, vector<104x128xf32>, vector<1x128xf32> -> vector<1x128xf32>
    %broadcast_in_dim3A_3334 = arith.constant 0.000000e+00 : f32
    %broadcast_in_dim3A_3335 = vector.broadcast %broadcast_in_dim3A_3334 : f32 to vector<1x1xf32>
    %slice3A_3336 = vector.extract_strided_slice %dot_general3A_3333 {offsets = [0, 0], sizes = [1, 127], strides = [1, 1]} : vector<1x128xf32> to vector<1x127xf32>
    %concatenate3A_3337 = tpu.concatenate %broadcast_in_dim3A_3335, %slice3A_3336 in 1 : vector<1x1xf32>, vector<1x127xf32> -> vector<1x128xf32>
    %add3A_3338 = arith.addf %dot_general3A_3330, %concatenate3A_3337 : vector<1x128xf32>
    %swap3A_3339 = arith.constant 40 : index
    %swap3A_3340 = arith.constant 0 : index
    %swap3A_3341 = vector.load %arg5[%swap3A_3339, %swap3A_3340] : memref<64x128xf32, #tpu.memory_space<vmem>>, vector<1x128xf32>
    tpu.vector_store %arg5[%swap3A_3339, %swap3A_3340], %add3A_3338 {strides = array<i32>} : memref<64x128xf32, #tpu.memory_space<vmem>>, vector<1x128xf32>,
    %sub3A_3342 = arith.constant 9.500000e+00 : f32
    %sub3A_3343 = vector.broadcast %sub3A_3342 : f32 to vector<104x128xf32>
    %sub3A_3344 = arith.subf %select_n3A_2405, %sub3A_3343 : vector<104x128xf32>
    %mul3A_3345 = arith.mulf %sub3A_3344, %sub3A_3344 : vector<104x128xf32>
    %neg3A_3346 = arith.constant 0.000000e+00 : f32
    %neg3A_3347 = vector.broadcast %neg3A_3346 : f32 to vector<104x128xf32>
    %neg3A_3348 = arith.subf %neg3A_3347, %mul3A_3345 : vector<104x128xf32>
    %exp3A_3349 = math.exp %neg3A_3348 : vector<104x128xf32>
    %mul3A_3350 = arith.mulf %select_n3A_2408, %exp3A_3349 : vector<104x128xf32>
    %dot_general3A_3351 = arith.constant dense<0.000000e+00> : vector<1x128xf32>
    %dot_general3A_3352 = tpu.matmul %broadcast_in_dim3A_2439, %mul3A_3350, %dot_general3A_3351 {dimension_numbers = #tpu.dot_dimension_numbers<[1], [0], [0], [1], [0, 0, 1, 1], [], []>, transpose_lhs_hint = false} : vector<1x104xf32>, vector<104x128xf32>, vector<1x128xf32> -> vector<1x128xf32>
    %mul3A_3353 = arith.mulf %select_n3A_2417, %exp3A_3349 : vector<104x128xf32>
    %dot_general3A_3354 = arith.constant dense<0.000000e+00> : vector<1x128xf32>
    %dot_general3A_3355 = tpu.matmul %broadcast_in_dim3A_2439, %mul3A_3353, %dot_general3A_3354 {dimension_numbers = #tpu.dot_dimension_numbers<[1], [0], [0], [1], [0, 0, 1, 1], [], []>, transpose_lhs_hint = false} : vector<1x104xf32>, vector<104x128xf32>, vector<1x128xf32> -> vector<1x128xf32>
    %broadcast_in_dim3A_3356 = arith.constant 0.000000e+00 : f32
    %broadcast_in_dim3A_3357 = vector.broadcast %broadcast_in_dim3A_3356 : f32 to vector<1x1xf32>
    %slice3A_3358 = vector.extract_strided_slice %dot_general3A_3355 {offsets = [0, 0], sizes = [1, 127], strides = [1, 1]} : vector<1x128xf32> to vector<1x127xf32>
    %concatenate3A_3359 = tpu.concatenate %broadcast_in_dim3A_3357, %slice3A_3358 in 1 : vector<1x1xf32>, vector<1x127xf32> -> vector<1x128xf32>
    %add3A_3360 = arith.addf %dot_general3A_3352, %concatenate3A_3359 : vector<1x128xf32>
    %swap3A_3361 = arith.constant 41 : index
    %swap3A_3362 = arith.constant 0 : index
    %swap3A_3363 = vector.load %arg5[%swap3A_3361, %swap3A_3362] : memref<64x128xf32, #tpu.memory_space<vmem>>, vector<1x128xf32>
    tpu.vector_store %arg5[%swap3A_3361, %swap3A_3362], %add3A_3360 {strides = array<i32>} : memref<64x128xf32, #tpu.memory_space<vmem>>, vector<1x128xf32>,
    %sub3A_3364 = arith.constant 1.050000e+01 : f32
    %sub3A_3365 = vector.broadcast %sub3A_3364 : f32 to vector<104x128xf32>
    %sub3A_3366 = arith.subf %select_n3A_2405, %sub3A_3365 : vector<104x128xf32>
    %mul3A_3367 = arith.mulf %sub3A_3366, %sub3A_3366 : vector<104x128xf32>
    %neg3A_3368 = arith.constant 0.000000e+00 : f32
    %neg3A_3369 = vector.broadcast %neg3A_3368 : f32 to vector<104x128xf32>
    %neg3A_3370 = arith.subf %neg3A_3369, %mul3A_3367 : vector<104x128xf32>
    %exp3A_3371 = math.exp %neg3A_3370 : vector<104x128xf32>
    %mul3A_3372 = arith.mulf %select_n3A_2408, %exp3A_3371 : vector<104x128xf32>
    %dot_general3A_3373 = arith.constant dense<0.000000e+00> : vector<1x128xf32>
    %dot_general3A_3374 = tpu.matmul %broadcast_in_dim3A_2439, %mul3A_3372, %dot_general3A_3373 {dimension_numbers = #tpu.dot_dimension_numbers<[1], [0], [0], [1], [0, 0, 1, 1], [], []>, transpose_lhs_hint = false} : vector<1x104xf32>, vector<104x128xf32>, vector<1x128xf32> -> vector<1x128xf32>
    %mul3A_3375 = arith.mulf %select_n3A_2417, %exp3A_3371 : vector<104x128xf32>
    %dot_general3A_3376 = arith.constant dense<0.000000e+00> : vector<1x128xf32>
    %dot_general3A_3377 = tpu.matmul %broadcast_in_dim3A_2439, %mul3A_3375, %dot_general3A_3376 {dimension_numbers = #tpu.dot_dimension_numbers<[1], [0], [0], [1], [0, 0, 1, 1], [], []>, transpose_lhs_hint = false} : vector<1x104xf32>, vector<104x128xf32>, vector<1x128xf32> -> vector<1x128xf32>
    %broadcast_in_dim3A_3378 = arith.constant 0.000000e+00 : f32
    %broadcast_in_dim3A_3379 = vector.broadcast %broadcast_in_dim3A_3378 : f32 to vector<1x1xf32>
    %slice3A_3380 = vector.extract_strided_slice %dot_general3A_3377 {offsets = [0, 0], sizes = [1, 127], strides = [1, 1]} : vector<1x128xf32> to vector<1x127xf32>
    %concatenate3A_3381 = tpu.concatenate %broadcast_in_dim3A_3379, %slice3A_3380 in 1 : vector<1x1xf32>, vector<1x127xf32> -> vector<1x128xf32>
    %add3A_3382 = arith.addf %dot_general3A_3374, %concatenate3A_3381 : vector<1x128xf32>
    %swap3A_3383 = arith.constant 42 : index
    %swap3A_3384 = arith.constant 0 : index
    %swap3A_3385 = vector.load %arg5[%swap3A_3383, %swap3A_3384] : memref<64x128xf32, #tpu.memory_space<vmem>>, vector<1x128xf32>
    tpu.vector_store %arg5[%swap3A_3383, %swap3A_3384], %add3A_3382 {strides = array<i32>} : memref<64x128xf32, #tpu.memory_space<vmem>>, vector<1x128xf32>,
    %sub3A_3386 = arith.constant 1.150000e+01 : f32
    %sub3A_3387 = vector.broadcast %sub3A_3386 : f32 to vector<104x128xf32>
    %sub3A_3388 = arith.subf %select_n3A_2405, %sub3A_3387 : vector<104x128xf32>
    %mul3A_3389 = arith.mulf %sub3A_3388, %sub3A_3388 : vector<104x128xf32>
    %neg3A_3390 = arith.constant 0.000000e+00 : f32
    %neg3A_3391 = vector.broadcast %neg3A_3390 : f32 to vector<104x128xf32>
    %neg3A_3392 = arith.subf %neg3A_3391, %mul3A_3389 : vector<104x128xf32>
    %exp3A_3393 = math.exp %neg3A_3392 : vector<104x128xf32>
    %mul3A_3394 = arith.mulf %select_n3A_2408, %exp3A_3393 : vector<104x128xf32>
    %dot_general3A_3395 = arith.constant dense<0.000000e+00> : vector<1x128xf32>
    %dot_general3A_3396 = tpu.matmul %broadcast_in_dim3A_2439, %mul3A_3394, %dot_general3A_3395 {dimension_numbers = #tpu.dot_dimension_numbers<[1], [0], [0], [1], [0, 0, 1, 1], [], []>, transpose_lhs_hint = false} : vector<1x104xf32>, vector<104x128xf32>, vector<1x128xf32> -> vector<1x128xf32>
    %mul3A_3397 = arith.mulf %select_n3A_2417, %exp3A_3393 : vector<104x128xf32>
    %dot_general3A_3398 = arith.constant dense<0.000000e+00> : vector<1x128xf32>
    %dot_general3A_3399 = tpu.matmul %broadcast_in_dim3A_2439, %mul3A_3397, %dot_general3A_3398 {dimension_numbers = #tpu.dot_dimension_numbers<[1], [0], [0], [1], [0, 0, 1, 1], [], []>, transpose_lhs_hint = false} : vector<1x104xf32>, vector<104x128xf32>, vector<1x128xf32> -> vector<1x128xf32>
    %broadcast_in_dim3A_3400 = arith.constant 0.000000e+00 : f32
    %broadcast_in_dim3A_3401 = vector.broadcast %broadcast_in_dim3A_3400 : f32 to vector<1x1xf32>
    %slice3A_3402 = vector.extract_strided_slice %dot_general3A_3399 {offsets = [0, 0], sizes = [1, 127], strides = [1, 1]} : vector<1x128xf32> to vector<1x127xf32>
    %concatenate3A_3403 = tpu.concatenate %broadcast_in_dim3A_3401, %slice3A_3402 in 1 : vector<1x1xf32>, vector<1x127xf32> -> vector<1x128xf32>
    %add3A_3404 = arith.addf %dot_general3A_3396, %concatenate3A_3403 : vector<1x128xf32>
    %swap3A_3405 = arith.constant 43 : index
    %swap3A_3406 = arith.constant 0 : index
    %swap3A_3407 = vector.load %arg5[%swap3A_3405, %swap3A_3406] : memref<64x128xf32, #tpu.memory_space<vmem>>, vector<1x128xf32>
    tpu.vector_store %arg5[%swap3A_3405, %swap3A_3406], %add3A_3404 {strides = array<i32>} : memref<64x128xf32, #tpu.memory_space<vmem>>, vector<1x128xf32>,
    %sub3A_3408 = arith.constant 1.250000e+01 : f32
    %sub3A_3409 = vector.broadcast %sub3A_3408 : f32 to vector<104x128xf32>
    %sub3A_3410 = arith.subf %select_n3A_2405, %sub3A_3409 : vector<104x128xf32>
    %mul3A_3411 = arith.mulf %sub3A_3410, %sub3A_3410 : vector<104x128xf32>
    %neg3A_3412 = arith.constant 0.000000e+00 : f32
    %neg3A_3413 = vector.broadcast %neg3A_3412 : f32 to vector<104x128xf32>
    %neg3A_3414 = arith.subf %neg3A_3413, %mul3A_3411 : vector<104x128xf32>
    %exp3A_3415 = math.exp %neg3A_3414 : vector<104x128xf32>
    %mul3A_3416 = arith.mulf %select_n3A_2408, %exp3A_3415 : vector<104x128xf32>
    %dot_general3A_3417 = arith.constant dense<0.000000e+00> : vector<1x128xf32>
    %dot_general3A_3418 = tpu.matmul %broadcast_in_dim3A_2439, %mul3A_3416, %dot_general3A_3417 {dimension_numbers = #tpu.dot_dimension_numbers<[1], [0], [0], [1], [0, 0, 1, 1], [], []>, transpose_lhs_hint = false} : vector<1x104xf32>, vector<104x128xf32>, vector<1x128xf32> -> vector<1x128xf32>
    %mul3A_3419 = arith.mulf %select_n3A_2417, %exp3A_3415 : vector<104x128xf32>
    %dot_general3A_3420 = arith.constant dense<0.000000e+00> : vector<1x128xf32>
    %dot_general3A_3421 = tpu.matmul %broadcast_in_dim3A_2439, %mul3A_3419, %dot_general3A_3420 {dimension_numbers = #tpu.dot_dimension_numbers<[1], [0], [0], [1], [0, 0, 1, 1], [], []>, transpose_lhs_hint = false} : vector<1x104xf32>, vector<104x128xf32>, vector<1x128xf32> -> vector<1x128xf32>
    %broadcast_in_dim3A_3422 = arith.constant 0.000000e+00 : f32
    %broadcast_in_dim3A_3423 = vector.broadcast %broadcast_in_dim3A_3422 : f32 to vector<1x1xf32>
    %slice3A_3424 = vector.extract_strided_slice %dot_general3A_3421 {offsets = [0, 0], sizes = [1, 127], strides = [1, 1]} : vector<1x128xf32> to vector<1x127xf32>
    %concatenate3A_3425 = tpu.concatenate %broadcast_in_dim3A_3423, %slice3A_3424 in 1 : vector<1x1xf32>, vector<1x127xf32> -> vector<1x128xf32>
    %add3A_3426 = arith.addf %dot_general3A_3418, %concatenate3A_3425 : vector<1x128xf32>
    %swap3A_3427 = arith.constant 44 : index
    %swap3A_3428 = arith.constant 0 : index
    %swap3A_3429 = vector.load %arg5[%swap3A_3427, %swap3A_3428] : memref<64x128xf32, #tpu.memory_space<vmem>>, vector<1x128xf32>
    tpu.vector_store %arg5[%swap3A_3427, %swap3A_3428], %add3A_3426 {strides = array<i32>} : memref<64x128xf32, #tpu.memory_space<vmem>>, vector<1x128xf32>,
    %sub3A_3430 = arith.constant 1.350000e+01 : f32
    %sub3A_3431 = vector.broadcast %sub3A_3430 : f32 to vector<104x128xf32>
    %sub3A_3432 = arith.subf %select_n3A_2405, %sub3A_3431 : vector<104x128xf32>
    %mul3A_3433 = arith.mulf %sub3A_3432, %sub3A_3432 : vector<104x128xf32>
    %neg3A_3434 = arith.constant 0.000000e+00 : f32
    %neg3A_3435 = vector.broadcast %neg3A_3434 : f32 to vector<104x128xf32>
    %neg3A_3436 = arith.subf %neg3A_3435, %mul3A_3433 : vector<104x128xf32>
    %exp3A_3437 = math.exp %neg3A_3436 : vector<104x128xf32>
    %mul3A_3438 = arith.mulf %select_n3A_2408, %exp3A_3437 : vector<104x128xf32>
    %dot_general3A_3439 = arith.constant dense<0.000000e+00> : vector<1x128xf32>
    %dot_general3A_3440 = tpu.matmul %broadcast_in_dim3A_2439, %mul3A_3438, %dot_general3A_3439 {dimension_numbers = #tpu.dot_dimension_numbers<[1], [0], [0], [1], [0, 0, 1, 1], [], []>, transpose_lhs_hint = false} : vector<1x104xf32>, vector<104x128xf32>, vector<1x128xf32> -> vector<1x128xf32>
    %mul3A_3441 = arith.mulf %select_n3A_2417, %exp3A_3437 : vector<104x128xf32>
    %dot_general3A_3442 = arith.constant dense<0.000000e+00> : vector<1x128xf32>
    %dot_general3A_3443 = tpu.matmul %broadcast_in_dim3A_2439, %mul3A_3441, %dot_general3A_3442 {dimension_numbers = #tpu.dot_dimension_numbers<[1], [0], [0], [1], [0, 0, 1, 1], [], []>, transpose_lhs_hint = false} : vector<1x104xf32>, vector<104x128xf32>, vector<1x128xf32> -> vector<1x128xf32>
    %broadcast_in_dim3A_3444 = arith.constant 0.000000e+00 : f32
    %broadcast_in_dim3A_3445 = vector.broadcast %broadcast_in_dim3A_3444 : f32 to vector<1x1xf32>
    %slice3A_3446 = vector.extract_strided_slice %dot_general3A_3443 {offsets = [0, 0], sizes = [1, 127], strides = [1, 1]} : vector<1x128xf32> to vector<1x127xf32>
    %concatenate3A_3447 = tpu.concatenate %broadcast_in_dim3A_3445, %slice3A_3446 in 1 : vector<1x1xf32>, vector<1x127xf32> -> vector<1x128xf32>
    %add3A_3448 = arith.addf %dot_general3A_3440, %concatenate3A_3447 : vector<1x128xf32>
    %swap3A_3449 = arith.constant 45 : index
    %swap3A_3450 = arith.constant 0 : index
    %swap3A_3451 = vector.load %arg5[%swap3A_3449, %swap3A_3450] : memref<64x128xf32, #tpu.memory_space<vmem>>, vector<1x128xf32>
    tpu.vector_store %arg5[%swap3A_3449, %swap3A_3450], %add3A_3448 {strides = array<i32>} : memref<64x128xf32, #tpu.memory_space<vmem>>, vector<1x128xf32>,
    %sub3A_3452 = arith.constant 1.450000e+01 : f32
    %sub3A_3453 = vector.broadcast %sub3A_3452 : f32 to vector<104x128xf32>
    %sub3A_3454 = arith.subf %select_n3A_2405, %sub3A_3453 : vector<104x128xf32>
    %mul3A_3455 = arith.mulf %sub3A_3454, %sub3A_3454 : vector<104x128xf32>
    %neg3A_3456 = arith.constant 0.000000e+00 : f32
    %neg3A_3457 = vector.broadcast %neg3A_3456 : f32 to vector<104x128xf32>
    %neg3A_3458 = arith.subf %neg3A_3457, %mul3A_3455 : vector<104x128xf32>
    %exp3A_3459 = math.exp %neg3A_3458 : vector<104x128xf32>
    %mul3A_3460 = arith.mulf %select_n3A_2408, %exp3A_3459 : vector<104x128xf32>
    %dot_general3A_3461 = arith.constant dense<0.000000e+00> : vector<1x128xf32>
    %dot_general3A_3462 = tpu.matmul %broadcast_in_dim3A_2439, %mul3A_3460, %dot_general3A_3461 {dimension_numbers = #tpu.dot_dimension_numbers<[1], [0], [0], [1], [0, 0, 1, 1], [], []>, transpose_lhs_hint = false} : vector<1x104xf32>, vector<104x128xf32>, vector<1x128xf32> -> vector<1x128xf32>
    %mul3A_3463 = arith.mulf %select_n3A_2417, %exp3A_3459 : vector<104x128xf32>
    %dot_general3A_3464 = arith.constant dense<0.000000e+00> : vector<1x128xf32>
    %dot_general3A_3465 = tpu.matmul %broadcast_in_dim3A_2439, %mul3A_3463, %dot_general3A_3464 {dimension_numbers = #tpu.dot_dimension_numbers<[1], [0], [0], [1], [0, 0, 1, 1], [], []>, transpose_lhs_hint = false} : vector<1x104xf32>, vector<104x128xf32>, vector<1x128xf32> -> vector<1x128xf32>
    %broadcast_in_dim3A_3466 = arith.constant 0.000000e+00 : f32
    %broadcast_in_dim3A_3467 = vector.broadcast %broadcast_in_dim3A_3466 : f32 to vector<1x1xf32>
    %slice3A_3468 = vector.extract_strided_slice %dot_general3A_3465 {offsets = [0, 0], sizes = [1, 127], strides = [1, 1]} : vector<1x128xf32> to vector<1x127xf32>
    %concatenate3A_3469 = tpu.concatenate %broadcast_in_dim3A_3467, %slice3A_3468 in 1 : vector<1x1xf32>, vector<1x127xf32> -> vector<1x128xf32>
    %add3A_3470 = arith.addf %dot_general3A_3462, %concatenate3A_3469 : vector<1x128xf32>
    %swap3A_3471 = arith.constant 46 : index
    %swap3A_3472 = arith.constant 0 : index
    %swap3A_3473 = vector.load %arg5[%swap3A_3471, %swap3A_3472] : memref<64x128xf32, #tpu.memory_space<vmem>>, vector<1x128xf32>
    tpu.vector_store %arg5[%swap3A_3471, %swap3A_3472], %add3A_3470 {strides = array<i32>} : memref<64x128xf32, #tpu.memory_space<vmem>>, vector<1x128xf32>,
    %sub3A_3474 = arith.constant 1.550000e+01 : f32
    %sub3A_3475 = vector.broadcast %sub3A_3474 : f32 to vector<104x128xf32>
    %sub3A_3476 = arith.subf %select_n3A_2405, %sub3A_3475 : vector<104x128xf32>
    %mul3A_3477 = arith.mulf %sub3A_3476, %sub3A_3476 : vector<104x128xf32>
    %neg3A_3478 = arith.constant 0.000000e+00 : f32
    %neg3A_3479 = vector.broadcast %neg3A_3478 : f32 to vector<104x128xf32>
    %neg3A_3480 = arith.subf %neg3A_3479, %mul3A_3477 : vector<104x128xf32>
    %exp3A_3481 = math.exp %neg3A_3480 : vector<104x128xf32>
    %mul3A_3482 = arith.mulf %select_n3A_2408, %exp3A_3481 : vector<104x128xf32>
    %dot_general3A_3483 = arith.constant dense<0.000000e+00> : vector<1x128xf32>
    %dot_general3A_3484 = tpu.matmul %broadcast_in_dim3A_2439, %mul3A_3482, %dot_general3A_3483 {dimension_numbers = #tpu.dot_dimension_numbers<[1], [0], [0], [1], [0, 0, 1, 1], [], []>, transpose_lhs_hint = false} : vector<1x104xf32>, vector<104x128xf32>, vector<1x128xf32> -> vector<1x128xf32>
    %mul3A_3485 = arith.mulf %select_n3A_2417, %exp3A_3481 : vector<104x128xf32>
    %dot_general3A_3486 = arith.constant dense<0.000000e+00> : vector<1x128xf32>
    %dot_general3A_3487 = tpu.matmul %broadcast_in_dim3A_2439, %mul3A_3485, %dot_general3A_3486 {dimension_numbers = #tpu.dot_dimension_numbers<[1], [0], [0], [1], [0, 0, 1, 1], [], []>, transpose_lhs_hint = false} : vector<1x104xf32>, vector<104x128xf32>, vector<1x128xf32> -> vector<1x128xf32>
    %broadcast_in_dim3A_3488 = arith.constant 0.000000e+00 : f32
    %broadcast_in_dim3A_3489 = vector.broadcast %broadcast_in_dim3A_3488 : f32 to vector<1x1xf32>
    %slice3A_3490 = vector.extract_strided_slice %dot_general3A_3487 {offsets = [0, 0], sizes = [1, 127], strides = [1, 1]} : vector<1x128xf32> to vector<1x127xf32>
    %concatenate3A_3491 = tpu.concatenate %broadcast_in_dim3A_3489, %slice3A_3490 in 1 : vector<1x1xf32>, vector<1x127xf32> -> vector<1x128xf32>
    %add3A_3492 = arith.addf %dot_general3A_3484, %concatenate3A_3491 : vector<1x128xf32>
    %swap3A_3493 = arith.constant 47 : index
    %swap3A_3494 = arith.constant 0 : index
    %swap3A_3495 = vector.load %arg5[%swap3A_3493, %swap3A_3494] : memref<64x128xf32, #tpu.memory_space<vmem>>, vector<1x128xf32>
    tpu.vector_store %arg5[%swap3A_3493, %swap3A_3494], %add3A_3492 {strides = array<i32>} : memref<64x128xf32, #tpu.memory_space<vmem>>, vector<1x128xf32>,
    %sub3A_3496 = arith.constant 1.650000e+01 : f32
    %sub3A_3497 = vector.broadcast %sub3A_3496 : f32 to vector<104x128xf32>
    %sub3A_3498 = arith.subf %select_n3A_2405, %sub3A_3497 : vector<104x128xf32>
    %mul3A_3499 = arith.mulf %sub3A_3498, %sub3A_3498 : vector<104x128xf32>
    %neg3A_3500 = arith.constant 0.000000e+00 : f32
    %neg3A_3501 = vector.broadcast %neg3A_3500 : f32 to vector<104x128xf32>
    %neg3A_3502 = arith.subf %neg3A_3501, %mul3A_3499 : vector<104x128xf32>
    %exp3A_3503 = math.exp %neg3A_3502 : vector<104x128xf32>
    %mul3A_3504 = arith.mulf %select_n3A_2408, %exp3A_3503 : vector<104x128xf32>
    %dot_general3A_3505 = arith.constant dense<0.000000e+00> : vector<1x128xf32>
    %dot_general3A_3506 = tpu.matmul %broadcast_in_dim3A_2439, %mul3A_3504, %dot_general3A_3505 {dimension_numbers = #tpu.dot_dimension_numbers<[1], [0], [0], [1], [0, 0, 1, 1], [], []>, transpose_lhs_hint = false} : vector<1x104xf32>, vector<104x128xf32>, vector<1x128xf32> -> vector<1x128xf32>
    %mul3A_3507 = arith.mulf %select_n3A_2417, %exp3A_3503 : vector<104x128xf32>
    %dot_general3A_3508 = arith.constant dense<0.000000e+00> : vector<1x128xf32>
    %dot_general3A_3509 = tpu.matmul %broadcast_in_dim3A_2439, %mul3A_3507, %dot_general3A_3508 {dimension_numbers = #tpu.dot_dimension_numbers<[1], [0], [0], [1], [0, 0, 1, 1], [], []>, transpose_lhs_hint = false} : vector<1x104xf32>, vector<104x128xf32>, vector<1x128xf32> -> vector<1x128xf32>
    %broadcast_in_dim3A_3510 = arith.constant 0.000000e+00 : f32
    %broadcast_in_dim3A_3511 = vector.broadcast %broadcast_in_dim3A_3510 : f32 to vector<1x1xf32>
    %slice3A_3512 = vector.extract_strided_slice %dot_general3A_3509 {offsets = [0, 0], sizes = [1, 127], strides = [1, 1]} : vector<1x128xf32> to vector<1x127xf32>
    %concatenate3A_3513 = tpu.concatenate %broadcast_in_dim3A_3511, %slice3A_3512 in 1 : vector<1x1xf32>, vector<1x127xf32> -> vector<1x128xf32>
    %add3A_3514 = arith.addf %dot_general3A_3506, %concatenate3A_3513 : vector<1x128xf32>
    %swap3A_3515 = arith.constant 48 : index
    %swap3A_3516 = arith.constant 0 : index
    %swap3A_3517 = vector.load %arg5[%swap3A_3515, %swap3A_3516] : memref<64x128xf32, #tpu.memory_space<vmem>>, vector<1x128xf32>
    tpu.vector_store %arg5[%swap3A_3515, %swap3A_3516], %add3A_3514 {strides = array<i32>} : memref<64x128xf32, #tpu.memory_space<vmem>>, vector<1x128xf32>,
    %sub3A_3518 = arith.constant 1.750000e+01 : f32
    %sub3A_3519 = vector.broadcast %sub3A_3518 : f32 to vector<104x128xf32>
    %sub3A_3520 = arith.subf %select_n3A_2405, %sub3A_3519 : vector<104x128xf32>
    %mul3A_3521 = arith.mulf %sub3A_3520, %sub3A_3520 : vector<104x128xf32>
    %neg3A_3522 = arith.constant 0.000000e+00 : f32
    %neg3A_3523 = vector.broadcast %neg3A_3522 : f32 to vector<104x128xf32>
    %neg3A_3524 = arith.subf %neg3A_3523, %mul3A_3521 : vector<104x128xf32>
    %exp3A_3525 = math.exp %neg3A_3524 : vector<104x128xf32>
    %mul3A_3526 = arith.mulf %select_n3A_2408, %exp3A_3525 : vector<104x128xf32>
    %dot_general3A_3527 = arith.constant dense<0.000000e+00> : vector<1x128xf32>
    %dot_general3A_3528 = tpu.matmul %broadcast_in_dim3A_2439, %mul3A_3526, %dot_general3A_3527 {dimension_numbers = #tpu.dot_dimension_numbers<[1], [0], [0], [1], [0, 0, 1, 1], [], []>, transpose_lhs_hint = false} : vector<1x104xf32>, vector<104x128xf32>, vector<1x128xf32> -> vector<1x128xf32>
    %mul3A_3529 = arith.mulf %select_n3A_2417, %exp3A_3525 : vector<104x128xf32>
    %dot_general3A_3530 = arith.constant dense<0.000000e+00> : vector<1x128xf32>
    %dot_general3A_3531 = tpu.matmul %broadcast_in_dim3A_2439, %mul3A_3529, %dot_general3A_3530 {dimension_numbers = #tpu.dot_dimension_numbers<[1], [0], [0], [1], [0, 0, 1, 1], [], []>, transpose_lhs_hint = false} : vector<1x104xf32>, vector<104x128xf32>, vector<1x128xf32> -> vector<1x128xf32>
    %broadcast_in_dim3A_3532 = arith.constant 0.000000e+00 : f32
    %broadcast_in_dim3A_3533 = vector.broadcast %broadcast_in_dim3A_3532 : f32 to vector<1x1xf32>
    %slice3A_3534 = vector.extract_strided_slice %dot_general3A_3531 {offsets = [0, 0], sizes = [1, 127], strides = [1, 1]} : vector<1x128xf32> to vector<1x127xf32>
    %concatenate3A_3535 = tpu.concatenate %broadcast_in_dim3A_3533, %slice3A_3534 in 1 : vector<1x1xf32>, vector<1x127xf32> -> vector<1x128xf32>
    %add3A_3536 = arith.addf %dot_general3A_3528, %concatenate3A_3535 : vector<1x128xf32>
    %swap3A_3537 = arith.constant 49 : index
    %swap3A_3538 = arith.constant 0 : index
    %swap3A_3539 = vector.load %arg5[%swap3A_3537, %swap3A_3538] : memref<64x128xf32, #tpu.memory_space<vmem>>, vector<1x128xf32>
    tpu.vector_store %arg5[%swap3A_3537, %swap3A_3538], %add3A_3536 {strides = array<i32>} : memref<64x128xf32, #tpu.memory_space<vmem>>, vector<1x128xf32>,
    %sub3A_3540 = arith.constant 1.850000e+01 : f32
    %sub3A_3541 = vector.broadcast %sub3A_3540 : f32 to vector<104x128xf32>
    %sub3A_3542 = arith.subf %select_n3A_2405, %sub3A_3541 : vector<104x128xf32>
    %mul3A_3543 = arith.mulf %sub3A_3542, %sub3A_3542 : vector<104x128xf32>
    %neg3A_3544 = arith.constant 0.000000e+00 : f32
    %neg3A_3545 = vector.broadcast %neg3A_3544 : f32 to vector<104x128xf32>
    %neg3A_3546 = arith.subf %neg3A_3545, %mul3A_3543 : vector<104x128xf32>
    %exp3A_3547 = math.exp %neg3A_3546 : vector<104x128xf32>
    %mul3A_3548 = arith.mulf %select_n3A_2408, %exp3A_3547 : vector<104x128xf32>
    %dot_general3A_3549 = arith.constant dense<0.000000e+00> : vector<1x128xf32>
    %dot_general3A_3550 = tpu.matmul %broadcast_in_dim3A_2439, %mul3A_3548, %dot_general3A_3549 {dimension_numbers = #tpu.dot_dimension_numbers<[1], [0], [0], [1], [0, 0, 1, 1], [], []>, transpose_lhs_hint = false} : vector<1x104xf32>, vector<104x128xf32>, vector<1x128xf32> -> vector<1x128xf32>
    %mul3A_3551 = arith.mulf %select_n3A_2417, %exp3A_3547 : vector<104x128xf32>
    %dot_general3A_3552 = arith.constant dense<0.000000e+00> : vector<1x128xf32>
    %dot_general3A_3553 = tpu.matmul %broadcast_in_dim3A_2439, %mul3A_3551, %dot_general3A_3552 {dimension_numbers = #tpu.dot_dimension_numbers<[1], [0], [0], [1], [0, 0, 1, 1], [], []>, transpose_lhs_hint = false} : vector<1x104xf32>, vector<104x128xf32>, vector<1x128xf32> -> vector<1x128xf32>
    %broadcast_in_dim3A_3554 = arith.constant 0.000000e+00 : f32
    %broadcast_in_dim3A_3555 = vector.broadcast %broadcast_in_dim3A_3554 : f32 to vector<1x1xf32>
    %slice3A_3556 = vector.extract_strided_slice %dot_general3A_3553 {offsets = [0, 0], sizes = [1, 127], strides = [1, 1]} : vector<1x128xf32> to vector<1x127xf32>
    %concatenate3A_3557 = tpu.concatenate %broadcast_in_dim3A_3555, %slice3A_3556 in 1 : vector<1x1xf32>, vector<1x127xf32> -> vector<1x128xf32>
    %add3A_3558 = arith.addf %dot_general3A_3550, %concatenate3A_3557 : vector<1x128xf32>
    %swap3A_3559 = arith.constant 50 : index
    %swap3A_3560 = arith.constant 0 : index
    %swap3A_3561 = vector.load %arg5[%swap3A_3559, %swap3A_3560] : memref<64x128xf32, #tpu.memory_space<vmem>>, vector<1x128xf32>
    tpu.vector_store %arg5[%swap3A_3559, %swap3A_3560], %add3A_3558 {strides = array<i32>} : memref<64x128xf32, #tpu.memory_space<vmem>>, vector<1x128xf32>,
    %sub3A_3562 = arith.constant 1.950000e+01 : f32
    %sub3A_3563 = vector.broadcast %sub3A_3562 : f32 to vector<104x128xf32>
    %sub3A_3564 = arith.subf %select_n3A_2405, %sub3A_3563 : vector<104x128xf32>
    %mul3A_3565 = arith.mulf %sub3A_3564, %sub3A_3564 : vector<104x128xf32>
    %neg3A_3566 = arith.constant 0.000000e+00 : f32
    %neg3A_3567 = vector.broadcast %neg3A_3566 : f32 to vector<104x128xf32>
    %neg3A_3568 = arith.subf %neg3A_3567, %mul3A_3565 : vector<104x128xf32>
    %exp3A_3569 = math.exp %neg3A_3568 : vector<104x128xf32>
    %mul3A_3570 = arith.mulf %select_n3A_2408, %exp3A_3569 : vector<104x128xf32>
    %dot_general3A_3571 = arith.constant dense<0.000000e+00> : vector<1x128xf32>
    %dot_general3A_3572 = tpu.matmul %broadcast_in_dim3A_2439, %mul3A_3570, %dot_general3A_3571 {dimension_numbers = #tpu.dot_dimension_numbers<[1], [0], [0], [1], [0, 0, 1, 1], [], []>, transpose_lhs_hint = false} : vector<1x104xf32>, vector<104x128xf32>, vector<1x128xf32> -> vector<1x128xf32>
    %mul3A_3573 = arith.mulf %select_n3A_2417, %exp3A_3569 : vector<104x128xf32>
    %dot_general3A_3574 = arith.constant dense<0.000000e+00> : vector<1x128xf32>
    %dot_general3A_3575 = tpu.matmul %broadcast_in_dim3A_2439, %mul3A_3573, %dot_general3A_3574 {dimension_numbers = #tpu.dot_dimension_numbers<[1], [0], [0], [1], [0, 0, 1, 1], [], []>, transpose_lhs_hint = false} : vector<1x104xf32>, vector<104x128xf32>, vector<1x128xf32> -> vector<1x128xf32>
    %broadcast_in_dim3A_3576 = arith.constant 0.000000e+00 : f32
    %broadcast_in_dim3A_3577 = vector.broadcast %broadcast_in_dim3A_3576 : f32 to vector<1x1xf32>
    %slice3A_3578 = vector.extract_strided_slice %dot_general3A_3575 {offsets = [0, 0], sizes = [1, 127], strides = [1, 1]} : vector<1x128xf32> to vector<1x127xf32>
    %concatenate3A_3579 = tpu.concatenate %broadcast_in_dim3A_3577, %slice3A_3578 in 1 : vector<1x1xf32>, vector<1x127xf32> -> vector<1x128xf32>
    %add3A_3580 = arith.addf %dot_general3A_3572, %concatenate3A_3579 : vector<1x128xf32>
    %swap3A_3581 = arith.constant 51 : index
    %swap3A_3582 = arith.constant 0 : index
    %swap3A_3583 = vector.load %arg5[%swap3A_3581, %swap3A_3582] : memref<64x128xf32, #tpu.memory_space<vmem>>, vector<1x128xf32>
    tpu.vector_store %arg5[%swap3A_3581, %swap3A_3582], %add3A_3580 {strides = array<i32>} : memref<64x128xf32, #tpu.memory_space<vmem>>, vector<1x128xf32>,
    %sub3A_3584 = arith.constant 2.050000e+01 : f32
    %sub3A_3585 = vector.broadcast %sub3A_3584 : f32 to vector<104x128xf32>
    %sub3A_3586 = arith.subf %select_n3A_2405, %sub3A_3585 : vector<104x128xf32>
    %mul3A_3587 = arith.mulf %sub3A_3586, %sub3A_3586 : vector<104x128xf32>
    %neg3A_3588 = arith.constant 0.000000e+00 : f32
    %neg3A_3589 = vector.broadcast %neg3A_3588 : f32 to vector<104x128xf32>
    %neg3A_3590 = arith.subf %neg3A_3589, %mul3A_3587 : vector<104x128xf32>
    %exp3A_3591 = math.exp %neg3A_3590 : vector<104x128xf32>
    %mul3A_3592 = arith.mulf %select_n3A_2408, %exp3A_3591 : vector<104x128xf32>
    %dot_general3A_3593 = arith.constant dense<0.000000e+00> : vector<1x128xf32>
    %dot_general3A_3594 = tpu.matmul %broadcast_in_dim3A_2439, %mul3A_3592, %dot_general3A_3593 {dimension_numbers = #tpu.dot_dimension_numbers<[1], [0], [0], [1], [0, 0, 1, 1], [], []>, transpose_lhs_hint = false} : vector<1x104xf32>, vector<104x128xf32>, vector<1x128xf32> -> vector<1x128xf32>
    %mul3A_3595 = arith.mulf %select_n3A_2417, %exp3A_3591 : vector<104x128xf32>
    %dot_general3A_3596 = arith.constant dense<0.000000e+00> : vector<1x128xf32>
    %dot_general3A_3597 = tpu.matmul %broadcast_in_dim3A_2439, %mul3A_3595, %dot_general3A_3596 {dimension_numbers = #tpu.dot_dimension_numbers<[1], [0], [0], [1], [0, 0, 1, 1], [], []>, transpose_lhs_hint = false} : vector<1x104xf32>, vector<104x128xf32>, vector<1x128xf32> -> vector<1x128xf32>
    %broadcast_in_dim3A_3598 = arith.constant 0.000000e+00 : f32
    %broadcast_in_dim3A_3599 = vector.broadcast %broadcast_in_dim3A_3598 : f32 to vector<1x1xf32>
    %slice3A_3600 = vector.extract_strided_slice %dot_general3A_3597 {offsets = [0, 0], sizes = [1, 127], strides = [1, 1]} : vector<1x128xf32> to vector<1x127xf32>
    %concatenate3A_3601 = tpu.concatenate %broadcast_in_dim3A_3599, %slice3A_3600 in 1 : vector<1x1xf32>, vector<1x127xf32> -> vector<1x128xf32>
    %add3A_3602 = arith.addf %dot_general3A_3594, %concatenate3A_3601 : vector<1x128xf32>
    %swap3A_3603 = arith.constant 52 : index
    %swap3A_3604 = arith.constant 0 : index
    %swap3A_3605 = vector.load %arg5[%swap3A_3603, %swap3A_3604] : memref<64x128xf32, #tpu.memory_space<vmem>>, vector<1x128xf32>
    tpu.vector_store %arg5[%swap3A_3603, %swap3A_3604], %add3A_3602 {strides = array<i32>} : memref<64x128xf32, #tpu.memory_space<vmem>>, vector<1x128xf32>,
    %sub3A_3606 = arith.constant 2.150000e+01 : f32
    %sub3A_3607 = vector.broadcast %sub3A_3606 : f32 to vector<104x128xf32>
    %sub3A_3608 = arith.subf %select_n3A_2405, %sub3A_3607 : vector<104x128xf32>
    %mul3A_3609 = arith.mulf %sub3A_3608, %sub3A_3608 : vector<104x128xf32>
    %neg3A_3610 = arith.constant 0.000000e+00 : f32
    %neg3A_3611 = vector.broadcast %neg3A_3610 : f32 to vector<104x128xf32>
    %neg3A_3612 = arith.subf %neg3A_3611, %mul3A_3609 : vector<104x128xf32>
    %exp3A_3613 = math.exp %neg3A_3612 : vector<104x128xf32>
    %mul3A_3614 = arith.mulf %select_n3A_2408, %exp3A_3613 : vector<104x128xf32>
    %dot_general3A_3615 = arith.constant dense<0.000000e+00> : vector<1x128xf32>
    %dot_general3A_3616 = tpu.matmul %broadcast_in_dim3A_2439, %mul3A_3614, %dot_general3A_3615 {dimension_numbers = #tpu.dot_dimension_numbers<[1], [0], [0], [1], [0, 0, 1, 1], [], []>, transpose_lhs_hint = false} : vector<1x104xf32>, vector<104x128xf32>, vector<1x128xf32> -> vector<1x128xf32>
    %mul3A_3617 = arith.mulf %select_n3A_2417, %exp3A_3613 : vector<104x128xf32>
    %dot_general3A_3618 = arith.constant dense<0.000000e+00> : vector<1x128xf32>
    %dot_general3A_3619 = tpu.matmul %broadcast_in_dim3A_2439, %mul3A_3617, %dot_general3A_3618 {dimension_numbers = #tpu.dot_dimension_numbers<[1], [0], [0], [1], [0, 0, 1, 1], [], []>, transpose_lhs_hint = false} : vector<1x104xf32>, vector<104x128xf32>, vector<1x128xf32> -> vector<1x128xf32>
    %broadcast_in_dim3A_3620 = arith.constant 0.000000e+00 : f32
    %broadcast_in_dim3A_3621 = vector.broadcast %broadcast_in_dim3A_3620 : f32 to vector<1x1xf32>
    %slice3A_3622 = vector.extract_strided_slice %dot_general3A_3619 {offsets = [0, 0], sizes = [1, 127], strides = [1, 1]} : vector<1x128xf32> to vector<1x127xf32>
    %concatenate3A_3623 = tpu.concatenate %broadcast_in_dim3A_3621, %slice3A_3622 in 1 : vector<1x1xf32>, vector<1x127xf32> -> vector<1x128xf32>
    %add3A_3624 = arith.addf %dot_general3A_3616, %concatenate3A_3623 : vector<1x128xf32>
    %swap3A_3625 = arith.constant 53 : index
    %swap3A_3626 = arith.constant 0 : index
    %swap3A_3627 = vector.load %arg5[%swap3A_3625, %swap3A_3626] : memref<64x128xf32, #tpu.memory_space<vmem>>, vector<1x128xf32>
    tpu.vector_store %arg5[%swap3A_3625, %swap3A_3626], %add3A_3624 {strides = array<i32>} : memref<64x128xf32, #tpu.memory_space<vmem>>, vector<1x128xf32>,
    %sub3A_3628 = arith.constant 2.250000e+01 : f32
    %sub3A_3629 = vector.broadcast %sub3A_3628 : f32 to vector<104x128xf32>
    %sub3A_3630 = arith.subf %select_n3A_2405, %sub3A_3629 : vector<104x128xf32>
    %mul3A_3631 = arith.mulf %sub3A_3630, %sub3A_3630 : vector<104x128xf32>
    %neg3A_3632 = arith.constant 0.000000e+00 : f32
    %neg3A_3633 = vector.broadcast %neg3A_3632 : f32 to vector<104x128xf32>
    %neg3A_3634 = arith.subf %neg3A_3633, %mul3A_3631 : vector<104x128xf32>
    %exp3A_3635 = math.exp %neg3A_3634 : vector<104x128xf32>
    %mul3A_3636 = arith.mulf %select_n3A_2408, %exp3A_3635 : vector<104x128xf32>
    %dot_general3A_3637 = arith.constant dense<0.000000e+00> : vector<1x128xf32>
    %dot_general3A_3638 = tpu.matmul %broadcast_in_dim3A_2439, %mul3A_3636, %dot_general3A_3637 {dimension_numbers = #tpu.dot_dimension_numbers<[1], [0], [0], [1], [0, 0, 1, 1], [], []>, transpose_lhs_hint = false} : vector<1x104xf32>, vector<104x128xf32>, vector<1x128xf32> -> vector<1x128xf32>
    %mul3A_3639 = arith.mulf %select_n3A_2417, %exp3A_3635 : vector<104x128xf32>
    %dot_general3A_3640 = arith.constant dense<0.000000e+00> : vector<1x128xf32>
    %dot_general3A_3641 = tpu.matmul %broadcast_in_dim3A_2439, %mul3A_3639, %dot_general3A_3640 {dimension_numbers = #tpu.dot_dimension_numbers<[1], [0], [0], [1], [0, 0, 1, 1], [], []>, transpose_lhs_hint = false} : vector<1x104xf32>, vector<104x128xf32>, vector<1x128xf32> -> vector<1x128xf32>
    %broadcast_in_dim3A_3642 = arith.constant 0.000000e+00 : f32
    %broadcast_in_dim3A_3643 = vector.broadcast %broadcast_in_dim3A_3642 : f32 to vector<1x1xf32>
    %slice3A_3644 = vector.extract_strided_slice %dot_general3A_3641 {offsets = [0, 0], sizes = [1, 127], strides = [1, 1]} : vector<1x128xf32> to vector<1x127xf32>
    %concatenate3A_3645 = tpu.concatenate %broadcast_in_dim3A_3643, %slice3A_3644 in 1 : vector<1x1xf32>, vector<1x127xf32> -> vector<1x128xf32>
    %add3A_3646 = arith.addf %dot_general3A_3638, %concatenate3A_3645 : vector<1x128xf32>
    %swap3A_3647 = arith.constant 54 : index
    %swap3A_3648 = arith.constant 0 : index
    %swap3A_3649 = vector.load %arg5[%swap3A_3647, %swap3A_3648] : memref<64x128xf32, #tpu.memory_space<vmem>>, vector<1x128xf32>
    tpu.vector_store %arg5[%swap3A_3647, %swap3A_3648], %add3A_3646 {strides = array<i32>} : memref<64x128xf32, #tpu.memory_space<vmem>>, vector<1x128xf32>,
    %sub3A_3650 = arith.constant 2.350000e+01 : f32
    %sub3A_3651 = vector.broadcast %sub3A_3650 : f32 to vector<104x128xf32>
    %sub3A_3652 = arith.subf %select_n3A_2405, %sub3A_3651 : vector<104x128xf32>
    %mul3A_3653 = arith.mulf %sub3A_3652, %sub3A_3652 : vector<104x128xf32>
    %neg3A_3654 = arith.constant 0.000000e+00 : f32
    %neg3A_3655 = vector.broadcast %neg3A_3654 : f32 to vector<104x128xf32>
    %neg3A_3656 = arith.subf %neg3A_3655, %mul3A_3653 : vector<104x128xf32>
    %exp3A_3657 = math.exp %neg3A_3656 : vector<104x128xf32>
    %mul3A_3658 = arith.mulf %select_n3A_2408, %exp3A_3657 : vector<104x128xf32>
    %dot_general3A_3659 = arith.constant dense<0.000000e+00> : vector<1x128xf32>
    %dot_general3A_3660 = tpu.matmul %broadcast_in_dim3A_2439, %mul3A_3658, %dot_general3A_3659 {dimension_numbers = #tpu.dot_dimension_numbers<[1], [0], [0], [1], [0, 0, 1, 1], [], []>, transpose_lhs_hint = false} : vector<1x104xf32>, vector<104x128xf32>, vector<1x128xf32> -> vector<1x128xf32>
    %mul3A_3661 = arith.mulf %select_n3A_2417, %exp3A_3657 : vector<104x128xf32>
    %dot_general3A_3662 = arith.constant dense<0.000000e+00> : vector<1x128xf32>
    %dot_general3A_3663 = tpu.matmul %broadcast_in_dim3A_2439, %mul3A_3661, %dot_general3A_3662 {dimension_numbers = #tpu.dot_dimension_numbers<[1], [0], [0], [1], [0, 0, 1, 1], [], []>, transpose_lhs_hint = false} : vector<1x104xf32>, vector<104x128xf32>, vector<1x128xf32> -> vector<1x128xf32>
    %broadcast_in_dim3A_3664 = arith.constant 0.000000e+00 : f32
    %broadcast_in_dim3A_3665 = vector.broadcast %broadcast_in_dim3A_3664 : f32 to vector<1x1xf32>
    %slice3A_3666 = vector.extract_strided_slice %dot_general3A_3663 {offsets = [0, 0], sizes = [1, 127], strides = [1, 1]} : vector<1x128xf32> to vector<1x127xf32>
    %concatenate3A_3667 = tpu.concatenate %broadcast_in_dim3A_3665, %slice3A_3666 in 1 : vector<1x1xf32>, vector<1x127xf32> -> vector<1x128xf32>
    %add3A_3668 = arith.addf %dot_general3A_3660, %concatenate3A_3667 : vector<1x128xf32>
    %swap3A_3669 = arith.constant 55 : index
    %swap3A_3670 = arith.constant 0 : index
    %swap3A_3671 = vector.load %arg5[%swap3A_3669, %swap3A_3670] : memref<64x128xf32, #tpu.memory_space<vmem>>, vector<1x128xf32>
    tpu.vector_store %arg5[%swap3A_3669, %swap3A_3670], %add3A_3668 {strides = array<i32>} : memref<64x128xf32, #tpu.memory_space<vmem>>, vector<1x128xf32>,
    %sub3A_3672 = arith.constant 2.450000e+01 : f32
    %sub3A_3673 = vector.broadcast %sub3A_3672 : f32 to vector<104x128xf32>
    %sub3A_3674 = arith.subf %select_n3A_2405, %sub3A_3673 : vector<104x128xf32>
    %mul3A_3675 = arith.mulf %sub3A_3674, %sub3A_3674 : vector<104x128xf32>
    %neg3A_3676 = arith.constant 0.000000e+00 : f32
    %neg3A_3677 = vector.broadcast %neg3A_3676 : f32 to vector<104x128xf32>
    %neg3A_3678 = arith.subf %neg3A_3677, %mul3A_3675 : vector<104x128xf32>
    %exp3A_3679 = math.exp %neg3A_3678 : vector<104x128xf32>
    %mul3A_3680 = arith.mulf %select_n3A_2408, %exp3A_3679 : vector<104x128xf32>
    %dot_general3A_3681 = arith.constant dense<0.000000e+00> : vector<1x128xf32>
    %dot_general3A_3682 = tpu.matmul %broadcast_in_dim3A_2439, %mul3A_3680, %dot_general3A_3681 {dimension_numbers = #tpu.dot_dimension_numbers<[1], [0], [0], [1], [0, 0, 1, 1], [], []>, transpose_lhs_hint = false} : vector<1x104xf32>, vector<104x128xf32>, vector<1x128xf32> -> vector<1x128xf32>
    %mul3A_3683 = arith.mulf %select_n3A_2417, %exp3A_3679 : vector<104x128xf32>
    %dot_general3A_3684 = arith.constant dense<0.000000e+00> : vector<1x128xf32>
    %dot_general3A_3685 = tpu.matmul %broadcast_in_dim3A_2439, %mul3A_3683, %dot_general3A_3684 {dimension_numbers = #tpu.dot_dimension_numbers<[1], [0], [0], [1], [0, 0, 1, 1], [], []>, transpose_lhs_hint = false} : vector<1x104xf32>, vector<104x128xf32>, vector<1x128xf32> -> vector<1x128xf32>
    %broadcast_in_dim3A_3686 = arith.constant 0.000000e+00 : f32
    %broadcast_in_dim3A_3687 = vector.broadcast %broadcast_in_dim3A_3686 : f32 to vector<1x1xf32>
    %slice3A_3688 = vector.extract_strided_slice %dot_general3A_3685 {offsets = [0, 0], sizes = [1, 127], strides = [1, 1]} : vector<1x128xf32> to vector<1x127xf32>
    %concatenate3A_3689 = tpu.concatenate %broadcast_in_dim3A_3687, %slice3A_3688 in 1 : vector<1x1xf32>, vector<1x127xf32> -> vector<1x128xf32>
    %add3A_3690 = arith.addf %dot_general3A_3682, %concatenate3A_3689 : vector<1x128xf32>
    %swap3A_3691 = arith.constant 56 : index
    %swap3A_3692 = arith.constant 0 : index
    %swap3A_3693 = vector.load %arg5[%swap3A_3691, %swap3A_3692] : memref<64x128xf32, #tpu.memory_space<vmem>>, vector<1x128xf32>
    tpu.vector_store %arg5[%swap3A_3691, %swap3A_3692], %add3A_3690 {strides = array<i32>} : memref<64x128xf32, #tpu.memory_space<vmem>>, vector<1x128xf32>,
    %sub3A_3694 = arith.constant 2.550000e+01 : f32
    %sub3A_3695 = vector.broadcast %sub3A_3694 : f32 to vector<104x128xf32>
    %sub3A_3696 = arith.subf %select_n3A_2405, %sub3A_3695 : vector<104x128xf32>
    %mul3A_3697 = arith.mulf %sub3A_3696, %sub3A_3696 : vector<104x128xf32>
    %neg3A_3698 = arith.constant 0.000000e+00 : f32
    %neg3A_3699 = vector.broadcast %neg3A_3698 : f32 to vector<104x128xf32>
    %neg3A_3700 = arith.subf %neg3A_3699, %mul3A_3697 : vector<104x128xf32>
    %exp3A_3701 = math.exp %neg3A_3700 : vector<104x128xf32>
    %mul3A_3702 = arith.mulf %select_n3A_2408, %exp3A_3701 : vector<104x128xf32>
    %dot_general3A_3703 = arith.constant dense<0.000000e+00> : vector<1x128xf32>
    %dot_general3A_3704 = tpu.matmul %broadcast_in_dim3A_2439, %mul3A_3702, %dot_general3A_3703 {dimension_numbers = #tpu.dot_dimension_numbers<[1], [0], [0], [1], [0, 0, 1, 1], [], []>, transpose_lhs_hint = false} : vector<1x104xf32>, vector<104x128xf32>, vector<1x128xf32> -> vector<1x128xf32>
    %mul3A_3705 = arith.mulf %select_n3A_2417, %exp3A_3701 : vector<104x128xf32>
    %dot_general3A_3706 = arith.constant dense<0.000000e+00> : vector<1x128xf32>
    %dot_general3A_3707 = tpu.matmul %broadcast_in_dim3A_2439, %mul3A_3705, %dot_general3A_3706 {dimension_numbers = #tpu.dot_dimension_numbers<[1], [0], [0], [1], [0, 0, 1, 1], [], []>, transpose_lhs_hint = false} : vector<1x104xf32>, vector<104x128xf32>, vector<1x128xf32> -> vector<1x128xf32>
    %broadcast_in_dim3A_3708 = arith.constant 0.000000e+00 : f32
    %broadcast_in_dim3A_3709 = vector.broadcast %broadcast_in_dim3A_3708 : f32 to vector<1x1xf32>
    %slice3A_3710 = vector.extract_strided_slice %dot_general3A_3707 {offsets = [0, 0], sizes = [1, 127], strides = [1, 1]} : vector<1x128xf32> to vector<1x127xf32>
    %concatenate3A_3711 = tpu.concatenate %broadcast_in_dim3A_3709, %slice3A_3710 in 1 : vector<1x1xf32>, vector<1x127xf32> -> vector<1x128xf32>
    %add3A_3712 = arith.addf %dot_general3A_3704, %concatenate3A_3711 : vector<1x128xf32>
    %swap3A_3713 = arith.constant 57 : index
    %swap3A_3714 = arith.constant 0 : index
    %swap3A_3715 = vector.load %arg5[%swap3A_3713, %swap3A_3714] : memref<64x128xf32, #tpu.memory_space<vmem>>, vector<1x128xf32>
    tpu.vector_store %arg5[%swap3A_3713, %swap3A_3714], %add3A_3712 {strides = array<i32>} : memref<64x128xf32, #tpu.memory_space<vmem>>, vector<1x128xf32>,
    %sub3A_3716 = arith.constant 2.650000e+01 : f32
    %sub3A_3717 = vector.broadcast %sub3A_3716 : f32 to vector<104x128xf32>
    %sub3A_3718 = arith.subf %select_n3A_2405, %sub3A_3717 : vector<104x128xf32>
    %mul3A_3719 = arith.mulf %sub3A_3718, %sub3A_3718 : vector<104x128xf32>
    %neg3A_3720 = arith.constant 0.000000e+00 : f32
    %neg3A_3721 = vector.broadcast %neg3A_3720 : f32 to vector<104x128xf32>
    %neg3A_3722 = arith.subf %neg3A_3721, %mul3A_3719 : vector<104x128xf32>
    %exp3A_3723 = math.exp %neg3A_3722 : vector<104x128xf32>
    %mul3A_3724 = arith.mulf %select_n3A_2408, %exp3A_3723 : vector<104x128xf32>
    %dot_general3A_3725 = arith.constant dense<0.000000e+00> : vector<1x128xf32>
    %dot_general3A_3726 = tpu.matmul %broadcast_in_dim3A_2439, %mul3A_3724, %dot_general3A_3725 {dimension_numbers = #tpu.dot_dimension_numbers<[1], [0], [0], [1], [0, 0, 1, 1], [], []>, transpose_lhs_hint = false} : vector<1x104xf32>, vector<104x128xf32>, vector<1x128xf32> -> vector<1x128xf32>
    %mul3A_3727 = arith.mulf %select_n3A_2417, %exp3A_3723 : vector<104x128xf32>
    %dot_general3A_3728 = arith.constant dense<0.000000e+00> : vector<1x128xf32>
    %dot_general3A_3729 = tpu.matmul %broadcast_in_dim3A_2439, %mul3A_3727, %dot_general3A_3728 {dimension_numbers = #tpu.dot_dimension_numbers<[1], [0], [0], [1], [0, 0, 1, 1], [], []>, transpose_lhs_hint = false} : vector<1x104xf32>, vector<104x128xf32>, vector<1x128xf32> -> vector<1x128xf32>
    %broadcast_in_dim3A_3730 = arith.constant 0.000000e+00 : f32
    %broadcast_in_dim3A_3731 = vector.broadcast %broadcast_in_dim3A_3730 : f32 to vector<1x1xf32>
    %slice3A_3732 = vector.extract_strided_slice %dot_general3A_3729 {offsets = [0, 0], sizes = [1, 127], strides = [1, 1]} : vector<1x128xf32> to vector<1x127xf32>
    %concatenate3A_3733 = tpu.concatenate %broadcast_in_dim3A_3731, %slice3A_3732 in 1 : vector<1x1xf32>, vector<1x127xf32> -> vector<1x128xf32>
    %add3A_3734 = arith.addf %dot_general3A_3726, %concatenate3A_3733 : vector<1x128xf32>
    %swap3A_3735 = arith.constant 58 : index
    %swap3A_3736 = arith.constant 0 : index
    %swap3A_3737 = vector.load %arg5[%swap3A_3735, %swap3A_3736] : memref<64x128xf32, #tpu.memory_space<vmem>>, vector<1x128xf32>
    tpu.vector_store %arg5[%swap3A_3735, %swap3A_3736], %add3A_3734 {strides = array<i32>} : memref<64x128xf32, #tpu.memory_space<vmem>>, vector<1x128xf32>,
    %sub3A_3738 = arith.constant 2.750000e+01 : f32
    %sub3A_3739 = vector.broadcast %sub3A_3738 : f32 to vector<104x128xf32>
    %sub3A_3740 = arith.subf %select_n3A_2405, %sub3A_3739 : vector<104x128xf32>
    %mul3A_3741 = arith.mulf %sub3A_3740, %sub3A_3740 : vector<104x128xf32>
    %neg3A_3742 = arith.constant 0.000000e+00 : f32
    %neg3A_3743 = vector.broadcast %neg3A_3742 : f32 to vector<104x128xf32>
    %neg3A_3744 = arith.subf %neg3A_3743, %mul3A_3741 : vector<104x128xf32>
    %exp3A_3745 = math.exp %neg3A_3744 : vector<104x128xf32>
    %mul3A_3746 = arith.mulf %select_n3A_2408, %exp3A_3745 : vector<104x128xf32>
    %dot_general3A_3747 = arith.constant dense<0.000000e+00> : vector<1x128xf32>
    %dot_general3A_3748 = tpu.matmul %broadcast_in_dim3A_2439, %mul3A_3746, %dot_general3A_3747 {dimension_numbers = #tpu.dot_dimension_numbers<[1], [0], [0], [1], [0, 0, 1, 1], [], []>, transpose_lhs_hint = false} : vector<1x104xf32>, vector<104x128xf32>, vector<1x128xf32> -> vector<1x128xf32>
    %mul3A_3749 = arith.mulf %select_n3A_2417, %exp3A_3745 : vector<104x128xf32>
    %dot_general3A_3750 = arith.constant dense<0.000000e+00> : vector<1x128xf32>
    %dot_general3A_3751 = tpu.matmul %broadcast_in_dim3A_2439, %mul3A_3749, %dot_general3A_3750 {dimension_numbers = #tpu.dot_dimension_numbers<[1], [0], [0], [1], [0, 0, 1, 1], [], []>, transpose_lhs_hint = false} : vector<1x104xf32>, vector<104x128xf32>, vector<1x128xf32> -> vector<1x128xf32>
    %broadcast_in_dim3A_3752 = arith.constant 0.000000e+00 : f32
    %broadcast_in_dim3A_3753 = vector.broadcast %broadcast_in_dim3A_3752 : f32 to vector<1x1xf32>
    %slice3A_3754 = vector.extract_strided_slice %dot_general3A_3751 {offsets = [0, 0], sizes = [1, 127], strides = [1, 1]} : vector<1x128xf32> to vector<1x127xf32>
    %concatenate3A_3755 = tpu.concatenate %broadcast_in_dim3A_3753, %slice3A_3754 in 1 : vector<1x1xf32>, vector<1x127xf32> -> vector<1x128xf32>
    %add3A_3756 = arith.addf %dot_general3A_3748, %concatenate3A_3755 : vector<1x128xf32>
    %swap3A_3757 = arith.constant 59 : index
    %swap3A_3758 = arith.constant 0 : index
    %swap3A_3759 = vector.load %arg5[%swap3A_3757, %swap3A_3758] : memref<64x128xf32, #tpu.memory_space<vmem>>, vector<1x128xf32>
    tpu.vector_store %arg5[%swap3A_3757, %swap3A_3758], %add3A_3756 {strides = array<i32>} : memref<64x128xf32, #tpu.memory_space<vmem>>, vector<1x128xf32>,
    %sub3A_3760 = arith.constant 2.850000e+01 : f32
    %sub3A_3761 = vector.broadcast %sub3A_3760 : f32 to vector<104x128xf32>
    %sub3A_3762 = arith.subf %select_n3A_2405, %sub3A_3761 : vector<104x128xf32>
    %mul3A_3763 = arith.mulf %sub3A_3762, %sub3A_3762 : vector<104x128xf32>
    %neg3A_3764 = arith.constant 0.000000e+00 : f32
    %neg3A_3765 = vector.broadcast %neg3A_3764 : f32 to vector<104x128xf32>
    %neg3A_3766 = arith.subf %neg3A_3765, %mul3A_3763 : vector<104x128xf32>
    %exp3A_3767 = math.exp %neg3A_3766 : vector<104x128xf32>
    %mul3A_3768 = arith.mulf %select_n3A_2408, %exp3A_3767 : vector<104x128xf32>
    %dot_general3A_3769 = arith.constant dense<0.000000e+00> : vector<1x128xf32>
    %dot_general3A_3770 = tpu.matmul %broadcast_in_dim3A_2439, %mul3A_3768, %dot_general3A_3769 {dimension_numbers = #tpu.dot_dimension_numbers<[1], [0], [0], [1], [0, 0, 1, 1], [], []>, transpose_lhs_hint = false} : vector<1x104xf32>, vector<104x128xf32>, vector<1x128xf32> -> vector<1x128xf32>
    %mul3A_3771 = arith.mulf %select_n3A_2417, %exp3A_3767 : vector<104x128xf32>
    %dot_general3A_3772 = arith.constant dense<0.000000e+00> : vector<1x128xf32>
    %dot_general3A_3773 = tpu.matmul %broadcast_in_dim3A_2439, %mul3A_3771, %dot_general3A_3772 {dimension_numbers = #tpu.dot_dimension_numbers<[1], [0], [0], [1], [0, 0, 1, 1], [], []>, transpose_lhs_hint = false} : vector<1x104xf32>, vector<104x128xf32>, vector<1x128xf32> -> vector<1x128xf32>
    %broadcast_in_dim3A_3774 = arith.constant 0.000000e+00 : f32
    %broadcast_in_dim3A_3775 = vector.broadcast %broadcast_in_dim3A_3774 : f32 to vector<1x1xf32>
    %slice3A_3776 = vector.extract_strided_slice %dot_general3A_3773 {offsets = [0, 0], sizes = [1, 127], strides = [1, 1]} : vector<1x128xf32> to vector<1x127xf32>
    %concatenate3A_3777 = tpu.concatenate %broadcast_in_dim3A_3775, %slice3A_3776 in 1 : vector<1x1xf32>, vector<1x127xf32> -> vector<1x128xf32>
    %add3A_3778 = arith.addf %dot_general3A_3770, %concatenate3A_3777 : vector<1x128xf32>
    %swap3A_3779 = arith.constant 60 : index
    %swap3A_3780 = arith.constant 0 : index
    %swap3A_3781 = vector.load %arg5[%swap3A_3779, %swap3A_3780] : memref<64x128xf32, #tpu.memory_space<vmem>>, vector<1x128xf32>
    tpu.vector_store %arg5[%swap3A_3779, %swap3A_3780], %add3A_3778 {strides = array<i32>} : memref<64x128xf32, #tpu.memory_space<vmem>>, vector<1x128xf32>,
    %sub3A_3782 = arith.constant 2.950000e+01 : f32
    %sub3A_3783 = vector.broadcast %sub3A_3782 : f32 to vector<104x128xf32>
    %sub3A_3784 = arith.subf %select_n3A_2405, %sub3A_3783 : vector<104x128xf32>
    %mul3A_3785 = arith.mulf %sub3A_3784, %sub3A_3784 : vector<104x128xf32>
    %neg3A_3786 = arith.constant 0.000000e+00 : f32
    %neg3A_3787 = vector.broadcast %neg3A_3786 : f32 to vector<104x128xf32>
    %neg3A_3788 = arith.subf %neg3A_3787, %mul3A_3785 : vector<104x128xf32>
    %exp3A_3789 = math.exp %neg3A_3788 : vector<104x128xf32>
    %mul3A_3790 = arith.mulf %select_n3A_2408, %exp3A_3789 : vector<104x128xf32>
    %dot_general3A_3791 = arith.constant dense<0.000000e+00> : vector<1x128xf32>
    %dot_general3A_3792 = tpu.matmul %broadcast_in_dim3A_2439, %mul3A_3790, %dot_general3A_3791 {dimension_numbers = #tpu.dot_dimension_numbers<[1], [0], [0], [1], [0, 0, 1, 1], [], []>, transpose_lhs_hint = false} : vector<1x104xf32>, vector<104x128xf32>, vector<1x128xf32> -> vector<1x128xf32>
    %mul3A_3793 = arith.mulf %select_n3A_2417, %exp3A_3789 : vector<104x128xf32>
    %dot_general3A_3794 = arith.constant dense<0.000000e+00> : vector<1x128xf32>
    %dot_general3A_3795 = tpu.matmul %broadcast_in_dim3A_2439, %mul3A_3793, %dot_general3A_3794 {dimension_numbers = #tpu.dot_dimension_numbers<[1], [0], [0], [1], [0, 0, 1, 1], [], []>, transpose_lhs_hint = false} : vector<1x104xf32>, vector<104x128xf32>, vector<1x128xf32> -> vector<1x128xf32>
    %broadcast_in_dim3A_3796 = arith.constant 0.000000e+00 : f32
    %broadcast_in_dim3A_3797 = vector.broadcast %broadcast_in_dim3A_3796 : f32 to vector<1x1xf32>
    %slice3A_3798 = vector.extract_strided_slice %dot_general3A_3795 {offsets = [0, 0], sizes = [1, 127], strides = [1, 1]} : vector<1x128xf32> to vector<1x127xf32>
    %concatenate3A_3799 = tpu.concatenate %broadcast_in_dim3A_3797, %slice3A_3798 in 1 : vector<1x1xf32>, vector<1x127xf32> -> vector<1x128xf32>
    %add3A_3800 = arith.addf %dot_general3A_3792, %concatenate3A_3799 : vector<1x128xf32>
    %swap3A_3801 = arith.constant 61 : index
    %swap3A_3802 = arith.constant 0 : index
    %swap3A_3803 = vector.load %arg5[%swap3A_3801, %swap3A_3802] : memref<64x128xf32, #tpu.memory_space<vmem>>, vector<1x128xf32>
    tpu.vector_store %arg5[%swap3A_3801, %swap3A_3802], %add3A_3800 {strides = array<i32>} : memref<64x128xf32, #tpu.memory_space<vmem>>, vector<1x128xf32>,
    %sub3A_3804 = arith.constant 3.050000e+01 : f32
    %sub3A_3805 = vector.broadcast %sub3A_3804 : f32 to vector<104x128xf32>
    %sub3A_3806 = arith.subf %select_n3A_2405, %sub3A_3805 : vector<104x128xf32>
    %mul3A_3807 = arith.mulf %sub3A_3806, %sub3A_3806 : vector<104x128xf32>
    %neg3A_3808 = arith.constant 0.000000e+00 : f32
    %neg3A_3809 = vector.broadcast %neg3A_3808 : f32 to vector<104x128xf32>
    %neg3A_3810 = arith.subf %neg3A_3809, %mul3A_3807 : vector<104x128xf32>
    %exp3A_3811 = math.exp %neg3A_3810 : vector<104x128xf32>
    %mul3A_3812 = arith.mulf %select_n3A_2408, %exp3A_3811 : vector<104x128xf32>
    %dot_general3A_3813 = arith.constant dense<0.000000e+00> : vector<1x128xf32>
    %dot_general3A_3814 = tpu.matmul %broadcast_in_dim3A_2439, %mul3A_3812, %dot_general3A_3813 {dimension_numbers = #tpu.dot_dimension_numbers<[1], [0], [0], [1], [0, 0, 1, 1], [], []>, transpose_lhs_hint = false} : vector<1x104xf32>, vector<104x128xf32>, vector<1x128xf32> -> vector<1x128xf32>
    %mul3A_3815 = arith.mulf %select_n3A_2417, %exp3A_3811 : vector<104x128xf32>
    %dot_general3A_3816 = arith.constant dense<0.000000e+00> : vector<1x128xf32>
    %dot_general3A_3817 = tpu.matmul %broadcast_in_dim3A_2439, %mul3A_3815, %dot_general3A_3816 {dimension_numbers = #tpu.dot_dimension_numbers<[1], [0], [0], [1], [0, 0, 1, 1], [], []>, transpose_lhs_hint = false} : vector<1x104xf32>, vector<104x128xf32>, vector<1x128xf32> -> vector<1x128xf32>
    %broadcast_in_dim3A_3818 = arith.constant 0.000000e+00 : f32
    %broadcast_in_dim3A_3819 = vector.broadcast %broadcast_in_dim3A_3818 : f32 to vector<1x1xf32>
    %slice3A_3820 = vector.extract_strided_slice %dot_general3A_3817 {offsets = [0, 0], sizes = [1, 127], strides = [1, 1]} : vector<1x128xf32> to vector<1x127xf32>
    %concatenate3A_3821 = tpu.concatenate %broadcast_in_dim3A_3819, %slice3A_3820 in 1 : vector<1x1xf32>, vector<1x127xf32> -> vector<1x128xf32>
    %add3A_3822 = arith.addf %dot_general3A_3814, %concatenate3A_3821 : vector<1x128xf32>
    %swap3A_3823 = arith.constant 62 : index
    %swap3A_3824 = arith.constant 0 : index
    %swap3A_3825 = vector.load %arg5[%swap3A_3823, %swap3A_3824] : memref<64x128xf32, #tpu.memory_space<vmem>>, vector<1x128xf32>
    tpu.vector_store %arg5[%swap3A_3823, %swap3A_3824], %add3A_3822 {strides = array<i32>} : memref<64x128xf32, #tpu.memory_space<vmem>>, vector<1x128xf32>,
    %sub3A_3826 = arith.constant 3.150000e+01 : f32
    %sub3A_3827 = vector.broadcast %sub3A_3826 : f32 to vector<104x128xf32>
    %sub3A_3828 = arith.subf %select_n3A_2405, %sub3A_3827 : vector<104x128xf32>
    %mul3A_3829 = arith.mulf %sub3A_3828, %sub3A_3828 : vector<104x128xf32>
    %neg3A_3830 = arith.constant 0.000000e+00 : f32
    %neg3A_3831 = vector.broadcast %neg3A_3830 : f32 to vector<104x128xf32>
    %neg3A_3832 = arith.subf %neg3A_3831, %mul3A_3829 : vector<104x128xf32>
    %exp3A_3833 = math.exp %neg3A_3832 : vector<104x128xf32>
    %mul3A_3834 = arith.mulf %select_n3A_2408, %exp3A_3833 : vector<104x128xf32>
    %dot_general3A_3835 = arith.constant dense<0.000000e+00> : vector<1x128xf32>
    %dot_general3A_3836 = tpu.matmul %broadcast_in_dim3A_2439, %mul3A_3834, %dot_general3A_3835 {dimension_numbers = #tpu.dot_dimension_numbers<[1], [0], [0], [1], [0, 0, 1, 1], [], []>, transpose_lhs_hint = false} : vector<1x104xf32>, vector<104x128xf32>, vector<1x128xf32> -> vector<1x128xf32>
    %mul3A_3837 = arith.mulf %select_n3A_2417, %exp3A_3833 : vector<104x128xf32>
    %dot_general3A_3838 = arith.constant dense<0.000000e+00> : vector<1x128xf32>
    %dot_general3A_3839 = tpu.matmul %broadcast_in_dim3A_2439, %mul3A_3837, %dot_general3A_3838 {dimension_numbers = #tpu.dot_dimension_numbers<[1], [0], [0], [1], [0, 0, 1, 1], [], []>, transpose_lhs_hint = false} : vector<1x104xf32>, vector<104x128xf32>, vector<1x128xf32> -> vector<1x128xf32>
    %broadcast_in_dim3A_3840 = arith.constant 0.000000e+00 : f32
    %broadcast_in_dim3A_3841 = vector.broadcast %broadcast_in_dim3A_3840 : f32 to vector<1x1xf32>
    %slice3A_3842 = vector.extract_strided_slice %dot_general3A_3839 {offsets = [0, 0], sizes = [1, 127], strides = [1, 1]} : vector<1x128xf32> to vector<1x127xf32>
    %concatenate3A_3843 = tpu.concatenate %broadcast_in_dim3A_3841, %slice3A_3842 in 1 : vector<1x1xf32>, vector<1x127xf32> -> vector<1x128xf32>
    %add3A_3844 = arith.addf %dot_general3A_3836, %concatenate3A_3843 : vector<1x128xf32>
    %swap3A_3845 = arith.constant 63 : index
    %swap3A_3846 = arith.constant 0 : index
    %swap3A_3847 = vector.load %arg5[%swap3A_3845, %swap3A_3846] : memref<64x128xf32, #tpu.memory_space<vmem>>, vector<1x128xf32>
    tpu.vector_store %arg5[%swap3A_3845, %swap3A_3846], %add3A_3844 {strides = array<i32>} : memref<64x128xf32, #tpu.memory_space<vmem>>, vector<1x128xf32>,
    %get3A_3848 = arith.constant 0 : index
    %get3A_3849 = arith.constant 0 : index
    %get3A_3850 = vector.load %arg5[%get3A_3848, %get3A_3849] : memref<64x128xf32, #tpu.memory_space<vmem>>, vector<64x128xf32>
    %mul3A_3851 = vector.broadcast %select_n3A_2437 : vector<1x128xf32> to vector<64x128xf32>
    %mul3A_3852 = arith.mulf %get3A_3850, %mul3A_3851 : vector<64x128xf32>
    %get3A_3853 = arith.constant 0 : index
    %get3A_3854 = arith.constant 0 : index
    %get3A_3855 = vector.load %arg3[%get3A_3853, %get3A_3854] : memref<64x64xf32, #tpu.memory_space<vmem>>, vector<64x64xf32>
    %dot_general3A_3856 = arith.constant dense<0.000000e+00> : vector<128x64xf32>
    %dot_general3A_3857 = tpu.matmul %mul3A_3852, %get3A_3855, %dot_general3A_3856 {dimension_numbers = #tpu.dot_dimension_numbers<[0], [0], [1], [1], [0, 1, 1, 1], [], []>, transpose_lhs_hint = false} : vector<64x128xf32>, vector<64x64xf32>, vector<128x64xf32> -> vector<128x64xf32>
    %get3A_3858 = arith.constant 100 : index
    %get3A_3859 = arith.constant 0 : index
    %get3A_3860 = vector.load %arg2[%get3A_3858, %get3A_3859] : memref<200x64xf32, #tpu.memory_space<vmem>>, vector<100x64xf32>
    %slice3A_3861 = vector.extract_strided_slice %dot_general3A_3857 {offsets = [0, 0], sizes = [100, 64], strides = [1, 1]} : vector<128x64xf32> to vector<100x64xf32>
    %add3A_3862 = arith.addf %get3A_3860, %slice3A_3861 : vector<100x64xf32>
    %swap3A_3863 = arith.constant 100 : index
    %swap3A_3864 = arith.constant 0 : index
    %swap3A_3865 = vector.load %arg4[%swap3A_3863, %swap3A_3864] : memref<200x64xf32, #tpu.memory_space<vmem>>, vector<100x64xf32>
    tpu.vector_store %arg4[%swap3A_3863, %swap3A_3864], %add3A_3862 {strides = array<i32>} : memref<200x64xf32, #tpu.memory_space<vmem>>, vector<100x64xf32>,
    return
  }
  func.func @transform_0(%arg0: i32) -> (i32, i32, i32) {
    %c0_i32 = arith.constant 0 : i32
    %c0_i32_0 = arith.constant 0 : i32
    %c0_i32_1 = arith.constant 0 : i32
    return %arg0, %c0_i32, %c0_i32_0 : i32, i32, i32
  }
  func.func @transform_1(%arg0: i32) -> (i32, i32) {
    %add3A = arith.constant 32 : i32
    %add3A_0 = arith.addi %arg0, %add3A : i32
    %c0_i32 = arith.constant 0 : i32
    %c0_i32_1 = arith.constant 0 : i32
    return %add3A_0, %c0_i32 : i32, i32
  }
  func.func @transform_2(%arg0: i32) -> (i32, i32) {
    %c0_i32 = arith.constant 0 : i32
    %c0_i32_0 = arith.constant 0 : i32
    %c0_i32_1 = arith.constant 0 : i32
    return %c0_i32, %c0_i32_0 : i32, i32
  }
  func.func @transform_3(%arg0: i32) -> (i32, i32) {
    %add3A = arith.constant 32 : i32
    %add3A_0 = arith.addi %arg0, %add3A : i32
    %c0_i32 = arith.constant 0 : i32
    %c0_i32_1 = arith.constant 0 : i32
    return %add3A_0, %c0_i32 : i32, i32
  }
}

</mosaic_0001>

<sc_bundles>
// kernel: kernel.5.cloned.1.call-start
scs
__scs_entry_jumppad:
0x0: {  	(pc) =	sbr.rel $0x88, $3  }
0x1: {  	(tag) =	ssettag $0x0;
	lr =	simm.s32 $0x1  }
0x2: {  	[smem:$0x3F9E] =	sst lr;
	_ =	strace $0xD0000000  }
0x3: {  	_ = 	snop  }
0x4: {  	_ = 	snop  }
0x5: {  	_ = 	snop  }
0x6: {  	_ = 	snop  }
0x7: {  	_ = 	snop  }
__scs_overlays_trampoline_lowered:
0x8: {  	[smem:$0x3FAD] =	sst s0  }
0x9: {  	[smem:$0x3FAE] =	sst s1  }
0xa: {  	[smem:$0x3FAF] =	sst s2  }
0xb: {  	[smem:$0x3FB0] =	sst s3  }
0xc: {  	[smem:$0x3FB1] =	sst s4  }
0xd: {  	[smem:$0x3FB2] =	sst s5  }
0xe: {  	[smem:$0x3FB3] =	sst s6  }
0xf: {  	[smem:$0x3FB4] =	sst s7  }
0x10: {  	[smem:$0x3FB5] =	sst s8  }
0x11: {  	[smem:$0x3FB6] =	sst s9;
	s0 =	simm.s32 @!p0 $0x0  }
0x12: {  	s1 =	sld [smem:$0x3F9C];
	s0 =	simm.s32 @p0 $0x1  }
0x13: {  	[smem:$0x3FB7] =	sst s0;
	s0 =	simm.s32 @!p1 $0x0  }
0x14: {  	s2 =	sld [smem:$0x3F9B];
	s0 =	simm.s32 @p1 $0x1  }
0x15: {  	[smem:$0x3FB8] =	sst s0;
	s0 =	simm.s32 @!p2 $0x0  }
0x16: {  	s3 =	sld [smem:$0x3FDB];
	s0 =	simm.s32 @p2 $0x1  }
0x17: {  	s4 =	simm.s32 $0x1BF5;
	[smem:$0x3FBA] =	sst s0  }
0x18: {  	s0 =	sld [smem:$0x3F9D];
	_ =	swait.ge [sflag:s4], $0x0  }
0x19: {  	s7 =	sld [smem:$0x3F9E]  }
0x1a: {  	s8 =	sadd.s32 $0xFFFFE003, lr  }
0x1b: {  	s9 =	sadd.s32 $0xFFFFFEF7, lr;
	s5 =	simm.s32 $0xFFFFFFFF;
	p2 =	slt.u32 s8, $0xFFFFF086  }
0x1c: {  	p1 =	slt.u32 s9, $0xF7A;
	s5 =	simm.s32 @!p2 $0x0  }
0x1d: {  	s5 =	simm.s32 @p1 $0x1;
	p0 =	seq.s32 s7, s2  }
0x1e: {  	s7 =	smul.u32 @!p0 $0xF7A, s2;
	p2 =	seq.s32 @!p0 s5, $0x0  }
0x1f: {  	s9 =	smul.u32 $0xF7A, s1;
	s8 =	simm.s32 @!p0 $0x1BF5;
	p2 =	por !p2, p0  }
0x20: {  	[sflag:s8] =	ssyncset.s32 @!p0 $0xFFFFF086;
	s6 =	sadd.s32 @!p0 s3, s7;
	s7 =	simm.s32 @!p0 $0x108  }
0x21: {  	s3 =	sadd.s32 s3, s9;
	s6 =	sadd.s32 @!p0 $0x88, s6;
	s7 =	simm.s32 @p2 $0x1082  }
0x22: {  	[simem:s7], [sflag:s8] =	dma.local @!p0 [hbm:s6], $0xF7A  }
0x23: {  	s9 =	sor.u32 $0xD0000000, s2;
	s6 =	simm.s32 $0x108;
	_ =	swait.ge @!p0 [sflag:s8], $0x0  }
0x24: {  	s3 =	sadd.s32 $0x88, s3;
	s6 =	simm.s32 @!p1 $0x1082;
	[sflag:s4] =	ssyncset.s32 $0xFFFFF086  }
0x25: {  	[simem:s6], [sflag:s4] =	dma.local [hbm:s3], $0xF7A  }
0x26: {  	[smem:$0x3F9E] =	sst s1;
	(tag) =	ssettag s2;
	_ =	strace s9  }
0x27: {  	s1 =	sld [smem:$0x3FAE]  }
0x28: {  	s2 =	sld [smem:$0x3FAF]  }
0x29: {  	s4 =	sld [smem:$0x3FB1]  }
0x2a: {  	p0 =	seq.s32 s5, $0x0;
	s5 =	sld [smem:$0x3FB2]  }
0x2b: {  	s6 =	sld [smem:$0x3FB3]  }
0x2c: {  	s7 =	sld [smem:$0x3FB4]  }
0x2d: {  	s3 =	simm.s32 $0x108;
	s8 =	sld [smem:$0x3FB5]  }
0x2e: {  	s3 =	simm.s32 @!p0 $0x1082;
	s9 =	sld [smem:$0x3FB6]  }
0x2f: {  	lr =	sadd.s32 s0, s3;
	s0 =	sld [smem:$0x3FAD]  }
0x30: {  	s3 =	sld [smem:$0x3FB0]  }
0x31: {  	[smem:$0x3FB9] =	sst s10  }
0x32: {  	s10 =	sld [smem:$0x3FB7];
	_ =	sdelay $0x3  }
0x33: {  	p0 =	seq.s32 s10, $0x1;
	s10 =	sld [smem:$0x3FB9];
	_ =	sdelay $0x3  }
0x34: {  	[smem:$0x3FB9] =	sst s10  }
0x35: {  	s10 =	sld [smem:$0x3FB8];
	_ =	sdelay $0x3  }
0x36: {  	p1 =	seq.s32 s10, $0x1;
	s10 =	sld [smem:$0x3FB9];
	_ =	sdelay $0x3  }
0x37: {  	[smem:$0x3FB9] =	sst s10  }
0x38: {  	s10 =	sld [smem:$0x3FBA]  }
0x39: {  	_ = 	snop;
	(pc) =	sbr.ind lr, $3  }
0x3a: {  	_ = 	snop  }
0x3b: {  	_ = 	snop  }
0x3c: {  	p2 =	seq.s32 s10, $0x1;
	s10 =	sld [smem:$0x3FB9]  }
0x3d: {  	_ =	shalt  }
0x3e: {  	_ =	shalt  }
0x3f: {  	_ =	shalt  }
0x40: {  	_ =	shalt  }
0x41: {  	_ =	shalt  }
0x42: {  	_ =	shalt  }
0x43: {  	_ =	shalt  }
0x44: {  	_ =	shalt  }
0x45: {  	_ =	shalt  }
0x46: {  	_ =	shalt  }
0x47: {  	_ =	shalt  }
0x48: {  	_ =	shalt  }
0x49: {  	_ =	shalt  }
0x4a: {  	_ =	shalt  }
0x4b: {  	_ =	shalt  }
0x4c: {  	_ =	shalt  }
0x4d: {  	_ =	shalt  }
0x4e: {  	_ =	shalt  }
0x4f: {  	_ =	shalt  }
0x50: {  	_ =	shalt  }
0x51: {  	_ =	shalt  }
0x52: {  	_ =	shalt  }
0x53: {  	_ =	shalt  }
0x54: {  	_ =	shalt  }
0x55: {  	_ =	shalt  }
0x56: {  	_ =	shalt  }
0x57: {  	_ =	shalt  }
0x58: {  	_ =	shalt  }
0x59: {  	_ =	shalt  }
0x5a: {  	_ =	shalt  }
0x5b: {  	_ =	shalt  }
0x5c: {  	_ =	shalt  }
0x5d: {  	_ =	shalt  }
0x5e: {  	_ =	shalt  }
0x5f: {  	_ =	shalt  }
0x60: {  	_ =	shalt  }
0x61: {  	_ =	shalt  }
0x62: {  	_ =	shalt  }
0x63: {  	_ =	shalt  }
0x64: {  	_ =	shalt  }
0x65: {  	_ =	shalt  }
0x66: {  	_ =	shalt  }
0x67: {  	_ =	shalt  }
0x68: {  	_ =	shalt  }
0x69: {  	_ =	shalt  }
0x6a: {  	_ =	shalt  }
0x6b: {  	_ =	shalt  }
0x6c: {  	_ =	shalt  }
0x6d: {  	_ =	shalt  }
0x6e: {  	_ =	shalt  }
0x6f: {  	_ =	shalt  }
0x70: {  	_ =	shalt  }
0x71: {  	_ =	shalt  }
0x72: {  	_ =	shalt  }
0x73: {  	_ =	shalt  }
0x74: {  	_ =	shalt  }
0x75: {  	_ =	shalt  }
0x76: {  	_ =	shalt  }
0x77: {  	_ =	shalt  }
0x78: {  	_ =	shalt  }
0x79: {  	_ =	shalt  }
0x7a: {  	_ =	shalt  }
0x7b: {  	_ =	shalt  }
0x7c: {  	_ =	shalt  }
0x7d: {  	_ =	shalt  }
0x7e: {  	_ =	shalt  }
0x7f: {  	_ =	shalt  }
0x80: {  	_ =	shalt  }
0x81: {  	_ =	shalt  }
0x82: {  	_ =	shalt  }
0x83: {  	_ =	shalt  }
0x84: {  	_ =	shalt  }
0x85: {  	_ =	shalt  }
0x86: {  	_ =	shalt  }
0x87: {  	_ =	shalt  }
.Lfunc_end0:
.L_simem_size_0:
called_computation_lowered:
.L_overlay_start_0:
0x88: {  	s2 =	sld [smem:$0x3FD9]  }
0x89: {  	s3 =	sld [smem:$0x3FFE];
	_ =	sdelay $0x1  }
0x8a: {  	s1 =	srdreg.scid  }
0x8b: {  	s0 =	sand.u32 $0x1, s1  }
0x8c: {  	s17 =	sshll.u32 s0, $0xA;
	s2 =	sadd.s32 s3, s2  }
0x8d: {  	s2 =	sadd.s32 s2, s17  }
0x8e: {  	[smem:$0x3FC5] =	sst s2  }
0x8f: {  	_ = 	snop  }
0x90: {  	s2 =	sld [smem:$0x3FD0];
	(tm) =	ssettm $0x1  }
0x91: {  	s18 =	sld [smem:$0x3FFB];
	_ =	sdelay $0x3  }
0x92: {  	_ =	strace s18  }
0x93: {  	s3 =	sld [smem:$0x3FFC];
	_ =	sdelay $0x3  }
0x94: {  	_ =	strace s3  }
0x95: {  	s3 =	sld [smem:$0x3FFD];
	_ =	sdelay $0x3  }
0x96: {  	_ =	strace s3  }
0x97: {  	_ =	strace $0x8FFFFFFF  }
0x98: {  	s19 =	sld [smem:$0x3FDB];
	_ =	sdelay $0x1  }
0x99: {  	s4 =	simm.s32 $_scs_section_size  }
0x9a: {  	s5 =	simm.s32 $_size__tile_overlayer_lowered;
	s6 =	simm.s32 $_tile_overlayer_lowered  }
0x9b: {  	s22 =	simm.s32 $0x1BFF;
	s21 =	sshll.u32 s6, $0x1;
	s3 =	sadd.s32 s4, s19  }
0x9c: {  	s7 =	simm.s32 $0x0;
	s20 =	sshll.u32 s5, $0x1;
	s5 =	sadd.s32 s21, s3  }
0x9d: {  	[timem:s7], [sflag:s22] =	dma.local [hbm:s5], s20  }
0x9e: {  	_ =	swait.ge [sflag:s22], s20  }
0x9f: {  	s4 =	ssub.s32 $0x0, s20;
	[sflag:s22] =	ssyncset.done $0x0  }
0xa0: {  	[sflag:s22] =	ssyncadd.s32 s4;
	_ =	sdelay $0x1  }
0xa1: {  	s23 =	simm.s32 $0x1B8B  }
0xa2: {  	_ =	swait.ge [sflag:s23], $0x1  }
0xa3: {  	[sflag:s23] =	ssyncset.done $0x0  }
0xa4: {  	s25 =	simm.s32 $0x1B8E;
	s24 =	sld [smem:$0x3FFE];
	[sflag:s23] =	ssyncadd.s32 $0xFFFFFFFF  }
0xa5: {  	s26 =	simm.s32 $execute0_lowered;
	[smem:$0x3FD2] =	sst s25  }
0xa6: {  	s5 =	sshll.u32 s26, $0x1;
	_ =	strace $0x80000046;
	[dreg:$0x1] =	wrdreg $0xFFFFFFFF  }
0xa7: {  	s28 =	simm.s32 $_size_execute0_lowered;
	s3 =	sadd.s32 s3, s5;
	[dreg:$0x0] =	wrdreg $0x0  }
0xa8: {  	s5 =	sshll.u32 s28, $0x1;
	[dreg:$0x2] =	wrdreg s3  }
0xa9: {  	[dreg:$0x3] =	wrdreg s5  }
0xaa: {  	[dreg:$0x4] =	wrdreg $0xC0  }
0xab: {  	_ =	task [dreg:s7], $0x5FFFF  }
0xac: {  	[dreg:$0x1] =	wrdreg $0xFFFFFFFF  }
0xad: {  	[dreg:$0x0] =	wrdreg $0x60  }
0xae: {  	[dreg:$0x2] =	wrdreg s24  }
0xaf: {  	[dreg:$0x3] =	wrdreg s2  }
0xb0: {  	[dreg:$0x4] =	wrdreg $0x9  }
0xb1: {  	_ =	task.clear_ibuf [dreg:s7], $0x5FFFF;
	_ =	strace $0x90000046  }
0xb2: {  	s29 =	simm.s32 $0x9;
	_ =	strace $0x80000048  }
0xb3: {  	_ =	swait.ge [sflag:s29], $0x1  }
0xb4: {  	[sflag:s29] =	ssyncadd.s32 $0xFFFFFFFF  }
0xb5: {  	_ =	strace $0x90000048  }
0xb6: {  	_ =	sfence  }
0xb7: {  	s30 =	sld [smem:$0x0];
	_ =	sdelay $0x2  }
0xb8: {  	s31 =	sshll.u32 s1, $0xD;
	s1 =	sshrl.u32 s1, $0x2  }
0xb9: {  	s3 =	sand.u32 $0x4000, s31;
	s1 =	sadd.s32 s1, s30  }
0xba: {  	s0 =	sor.u32 s3, s0;
	s1 =	sshll.u32 s1, $0x11  }
0xbb: {  	s0 =	sor.u32 s1, s0  }
0xbc: {  	s0 =	sadd.s32 $0x8F2B, s0  }
0xbd: {  	[sflag:s0] =	ssyncadd.remote.s32 $0x1  }
0xbe: {  	_ =	sfence.sel $0xFFFF  }
0xbf: {  	[dreg:$0x0] =	wrdreg $0xFFFFFFFF;
	(pc) =	sbr.abs _section_cstart, $3  }
0xc0: {  	[dreg:$0x1] =	wrdreg $0xFFFFFFFF  }
0xc1: {  	_ =	task.clear_ibuf [dreg:s7], $0x2FFFF;
	_ =	strace $0x9FFFFFFF  }
0xc2: {  	(tm) =	ssettm $0x7FFFFFFF  }
0xc3: {  	_ =	shalt  }
tec
execute0_lowered:
.L_overlay_start_1:
0x0: {  	(tag) =	ssettag $0x1  }
0x1: {  	s6 =	rddreg [dreg:$0x0]  }
0x2: {  	s1 =	rddreg [dreg:$0x1]  }
0x3: {  	s0 =	rddreg [dreg:$0x2];
	s2 =	simm.s32 $0x0  }
0x4: {  	s9 =	srdreg.scid;
	s14 =	simm.s32 $0x1300;
	s15 =	simm.s32 $0x2600  }
0x5: {  	s16 =	simm.s32 $0x2680;
	s17 =	simm.s32 $0x2700;
	s18 =	simm.s32 $0x2780  }
0x6: {  	s19 =	simm.s32 $0x0;
	[smem:$0x7FF] =	sst s2;
	s3 =	sadd.s32 $0x1E00, s6  }
0x7: {  	s4 =	sadd.s32 $0x1A00, s6;
	s5 =	sadd.s32 $0x1600, s6;
	s7 =	sadd.s32 $0x1200, s6  }
0x8: {  	s8 =	sadd.s32 $0xE00, s6;
	s10 =	sand.u32 $0x1, s9;
	s9 =	sadd.s32 $0x2200, s6  }
0x9: {  	s6 =	stileid.u32;
	_ =	strace $0x80000047;
	s11 =	ssub.s32 $0x2, s10  }
0xa: {  	s13 =	sshll.u32 s6, $0x2;
	s10 =	sshll.u32 s10, $0x1;
	s12 =	sshrl.u32 s11, $0x1  }
0xb: {  	v0 =	vimm.f32 $1.000000000e+00;
	s31 =	sshll.u32 s6, $0x6;
	s10 =	sor.u32 s10, s13;
	s12 =	ssub.s32 s11, s12  }
0xc: {  	v0 =	vand.u32 $0x7FFFFFFF, v0;
	s13 =	simm.s32 $0x1;
	s11 =	sand.u32 $0x380, s31;
	s12 =	smax.u32 s12, $0x1  }
.LBB2_1:
0xd: {  	[tilespmem:s2], [sflag:$0x1] =	stream.linear.gather [hbm4b:s3+s2], $0x1300, $0x38;
	[tilespmem:$0x6380] =	vst v63  }
0xe: {  	_ =	swait.ge [sflag:s13], $0x1300  }
0xf: {  	[sflag:s13] =	ssyncset.done $0x0  }
0x10: {  	[sflag:s13] =	ssyncadd.s32 $0xFFFFED00  }
0x11: {  	[tilespmem:s14], [sflag:$0x1] =	stream.linear.gather [hbm4b:s4+s2], $0x1300, $0x38;
	[tilespmem:$0x6380] =	vst v63  }
0x12: {  	_ =	swait.ge [sflag:s13], $0x1300  }
0x13: {  	[sflag:s13] =	ssyncset.done $0x0  }
0x14: {  	p1 =	por $0x1, $0x1;
	s20 =	simm.s32 $0x0;
	[sflag:s13] =	ssyncadd.s32 $0xFFFFED00  }
.LBB2_2:
0x15: {  	s20 =	sor.u32 s10, s20  }
0x16: {  	s21 =	sshll.u32 s20, $0x4  }
0x17: {  	s21 =	sand.u32 $0x70, s21  }
0x18: {  	s22 =	sor.u32 s11, s21  }
0x19: {  	s21 =	simm.s32 $0x0;
	s23 =	sadd.s32 s5, s22  }
0x1a: {  	[tilespmem:s15], [sflag:$0x1] =	stream.linear.gather [hbm4b:s23+s21], $0x80, $0x38;
	[tilespmem:$0x6380] =	vst v63  }
0x1b: {  	_ =	swait.ge [sflag:s13], $0x80  }
0x1c: {  	[sflag:s13] =	ssyncset.done $0x0  }
0x1d: {  	s31 =	sadd.s32 s7, s22;
	[sflag:s13] =	ssyncadd.s32 $0xFFFFFF80  }
0x1e: {  	[tilespmem:s16], [sflag:$0x1] =	stream.linear.gather [hbm4b:s31+s21], $0x80, $0x38;
	[tilespmem:$0x6380] =	vst v63  }
0x1f: {  	_ =	swait.ge [sflag:s13], $0x80  }
0x20: {  	[sflag:s13] =	ssyncset.done $0x0  }
0x21: {  	s22 =	sadd.s32 s8, s22;
	[sflag:s13] =	ssyncadd.s32 $0xFFFFFF80  }
0x22: {  	[tilespmem:s17], [sflag:$0x1] =	stream.linear.gather [hbm4b:s22+s21], $0x80, $0x38;
	[tilespmem:$0x6380] =	vst v63  }
0x23: {  	_ =	swait.ge [sflag:s13], $0x80  }
0x24: {  	[sflag:s13] =	ssyncset.done $0x0  }
0x25: {  	[sflag:s13] =	ssyncadd.s32 $0xFFFFFF80  }
0x26: {  	[tilespmem:s18], [sflag:$0x1] =	stream.linear.gather [hbm4b:s1+s21], $0x3C00, $0x38;
	[tilespmem:$0x6380] =	vst v63  }
0x27: {  	_ =	swait.ge [sflag:s13], $0x3C00  }
0x28: {  	[sflag:s13] =	ssyncset.done $0x0  }
0x29: {  	p0 =	por p1, p1;
	[sflag:s13] =	ssyncadd.s32 $0xFFFFC400  }
.LBB2_3:
0x2a: {  	s22 =	sshra.s32 s21, $0x2  }
0x2b: {  	v2 =	vld [tilespmem:s22+$0x0];
	_ =	sdelay $0x2  }
0x2c: {  	v1 =	vld [tilespmem:s22+$0x1300];
	_ =	sdelay $0x4  }
0x2d: {  	v5 =	vld.idx.msk [tilespmem:v2+s15+$0x0], $0xffff  }
0x2e: {  	v3 =	vadd.s32 $0x1, v2;
	v7 =	vld.idx.msk [tilespmem:v2+s16+$0x0], $0xffff  }
0x2f: {  	v8 =	vld.idx.msk [tilespmem:v2+s17+$0x0], $0xffff  }
0x30: {  	v9 =	vld.idx.msk [tilespmem:v1+s15+$0x0], $0xffff  }
0x31: {  	v2 =	vadd.s32 $0x1, v1;
	v13 =	vld.idx.msk [tilespmem:v1+s16+$0x0], $0xffff  }
0x32: {  	v14 =	vld.idx.msk [tilespmem:v1+s17+$0x0], $0xffff  }
0x33: {  	v6 =	vld.idx.msk [tilespmem:v3+s15+$0x0], $0xffff  }
0x34: {  	v10 =	vld.idx.msk [tilespmem:v3+s16+$0x0], $0xffff  }
0x35: {  	v11 =	vld.idx.msk [tilespmem:v3+s17+$0x0], $0xffff  }
0x36: {  	v12 =	vld.idx.msk [tilespmem:v2+s15+$0x0], $0xffff  }
0x37: {  	v15 =	vld.idx.msk [tilespmem:v2+s16+$0x0], $0xffff  }
0x38: {  	v16 =	vld.idx.msk [tilespmem:v2+s17+$0x0], $0xffff;
	v17 =	vsub.f32 v9, v5;
	v19 =	vsub.f32 v13, v7;
	_ =	sdelay $0x1  }
0x39: {  	v3 =	vmul.f32 v17, v17;
	v4 =	vmul.f32 v19, v19  }
0x3a: {  	v20 =	vsub.f32 v14, v8;
	v33 =	vsub.f32 v9, v6  }
0x3b: {  	v3 =	vadd.f32 v4, v3;
	v21 =	vsub.f32 v12, v6  }
0x3c: {  	v18 =	vmul.f32 v20, v20;
	v22 =	vsub.f32 v15, v10;
	v23 =	vsub.f32 v16, v11  }
0x3d: {  	v25 =	vsub.f32 v12, v5;
	v51 =	vsub.f32 v15, v7;
	v49 =	vmul.f32 v21, v21  }
0x3e: {  	v3 =	vadd.f32 v18, v3;
	v24 =	vmul.f32 v22, v22;
	v50 =	vmul.f32 v23, v23  }
0x3f: {  	v26 =	vsub.f32 v16, v8;
	v28 =	vmul.f32 v25, v25;
	v29 =	vmul.f32 v51, v51  }
0x40: {  	v52 =	vshra.s32 v3, $0x1;
	v27 =	vmul.f32 $5.000000000e-01, v3;
	v4 =	vadd.f32 v24, v49  }
0x41: {  	v53 =	vmul.f32 v26, v26;
	v18 =	vsub.s32 $0x5F3759DF, v52;
	v28 =	vadd.f32 v29, v28  }
0x42: {  	v30 =	vmul.f32 v18, v27;
	v4 =	vadd.f32 v50, v4  }
0x43: {  	v34 =	vsub.f32 v13, v10;
	v37 =	vmul.f32 v33, v33;
	v28 =	vadd.f32 v53, v28  }
0x44: {  	v30 =	vmul.f32 v18, v30;
	v31 =	vshra.s32 v4, $0x1;
	v32 =	vmul.f32 $5.000000000e-01, v4  }
0x45: {  	v36 =	vshra.s32 v28, $0x1;
	v28 =	vmul.f32 $5.000000000e-01, v28;
	v31 =	vsub.s32 $0x5F3759DF, v31  }
0x46: {  	v30 =	vsub.f32 $1.500000000e+00, v30;
	v36 =	vsub.s32 $0x5F3759DF, v36;
	v35 =	vmul.f32 v31, v32  }
0x47: {  	v38 =	vmul.f32 v34, v34;
	v29 =	vsub.f32 v14, v11;
	v54 =	vmul.f32 v36, v28  }
0x48: {  	v18 =	vmul.f32 v18, v30;
	v35 =	vmul.f32 v31, v35  }
0x49: {  	v37 =	vadd.f32 v38, v37;
	v55 =	vmul.f32 v29, v29;
	v30 =	vmul.f32 v36, v54  }
0x4a: {  	v27 =	vmul.f32 v18, v27;
	v35 =	vsub.f32 $1.500000000e+00, v35  }
0x4b: {  	v56 =	vadd.f32 v55, v37;
	v30 =	vsub.f32 $1.500000000e+00, v30  }
0x4c: {  	v27 =	vmul.f32 v27, v18;
	v31 =	vmul.f32 v31, v35  }
0x4d: {  	v37 =	vshra.s32 v56, $0x1;
	v35 =	vmul.f32 $5.000000000e-01, v56;
	v30 =	vmul.f32 v36, v30  }
0x4e: {  	v57 =	vsub.s32 $0x5F3759DF, v37;
	v27 =	vsub.f32 $1.500000000e+00, v27;
	v32 =	vmul.f32 v31, v32  }
0x4f: {  	v37 =	vmul.f32 v57, v35;
	v28 =	vmul.f32 v30, v28  }
0x50: {  	v27 =	vmul.f32 v27, v18;
	v32 =	vmul.f32 v32, v31  }
0x51: {  	v59 =	vmul.f32 v57, v37;
	v28 =	vmul.f32 v28, v30  }
0x52: {  	v18 =	vmul.f32 v27, v17;
	v58 =	vsub.f32 $1.500000000e+00, v32  }
0x53: {  	v19 =	vmul.f32 v27, v19;
	v32 =	vsub.f32 $1.500000000e+00, v59;
	v60 =	vsub.f32 $1.500000000e+00, v28  }
0x54: {  	v17 =	vmul.f32 v27, v20;
	v31 =	vmul.f32 v58, v31  }
0x55: {  	v61 =	vmul.f32 v57, v32;
	v20 =	vmul.f32 v60, v30  }
0x56: {  	v21 =	vmul.f32 v31, v21;
	v22 =	vmul.f32 v31, v22  }
0x57: {  	v23 =	vmul.f32 v31, v23;
	v62 =	vmul.f32 v61, v35  }
0x58: {  	v24 =	vmul.f32 v20, v51;
	v26 =	vmul.f32 v20, v26  }
0x59: {  	v20 =	vmul.f32 v20, v25;
	v63 =	vmul.f32 v62, v61  }
0x5a: {  	v40 =	vmul.f32 v26, v19;
	v41 =	vmul.f32 v24, v17  }
0x5b: {  	v42 =	vmul.f32 v20, v17;
	v43 =	vmul.f32 v26, v18  }
0x5c: {  	v44 =	vmul.f32 v24, v18;
	v45 =	vmul.f32 v20, v19  }
0x5d: {  	v46 =	vmul.f32 v23, v24;
	v47 =	vmul.f32 v22, v26  }
0x5e: {  	v26 =	vmul.f32 v21, v26;
	v48 =	vmul.f32 v23, v20  }
0x5f: {  	v20 =	vmul.f32 v22, v20;
	v28 =	vsub.f32 v40, v41;
	v25 =	vsub.f32 $1.500000000e+00, v63  }
0x60: {  	v24 =	vmul.f32 v21, v24;
	v31 =	vsub.f32 v42, v43;
	v32 =	vsub.f32 v46, v47  }
0x61: {  	v26 =	vsub.f32 v26, v48;
	v49 =	vmul.f32 v28, v28;
	v25 =	vmul.f32 v25, v61  }
0x62: {  	v50 =	vmul.f32 v31, v31;
	v53 =	vmul.f32 v32, v32  }
0x63: {  	v30 =	vsub.f32 v44, v45;
	v54 =	vmul.f32 v26, v26;
	v33 =	vmul.f32 v25, v33  }
0x64: {  	v20 =	vsub.f32 v20, v24;
	v34 =	vmul.f32 v25, v34;
	v25 =	vmul.f32 v25, v29  }
0x65: {  	v52 =	vmul.f32 v30, v30;
	v51 =	vadd.f32 v50, v49  }
0x66: {  	v56 =	vmul.f32 v20, v20;
	v24 =	vadd.f32 v54, v53;
	v60 =	vmul.f32 v22, v25  }
0x67: {  	v55 =	vadd.f32 v51, v52;
	v61 =	vmul.f32 v23, v34;
	v23 =	vmul.f32 v23, v33  }
0x68: {  	v24 =	vadd.f32 v24, v56;
	v39 =	vmul.f32 v21, v25;
	v21 =	vmul.f32 v21, v34  }
0x69: {  	v22 =	vmul.f32 v22, v33;
	v36 =	vshra.s32 v55, $0x1;
	v27 =	vmul.f32 $5.000000000e-01, v55  }
0x6a: {  	v59 =	vmul.f32 $5.000000000e-01, v24;
	v24 =	vshra.s32 v24, $0x1;
	v37 =	vsub.f32 v60, v61  }
0x6b: {  	v23 =	vsub.f32 v23, v39;
	v57 =	vsub.s32 $0x5F3759DF, v36;
	v24 =	vsub.s32 $0x5F3759DF, v24  }
0x6c: {  	v58 =	vmul.f32 v57, v27;
	v40 =	vmul.f32 v24, v59  }
0x6d: {  	v21 =	vsub.f32 v21, v22;
	v63 =	vmul.f32 v37, v37;
	v39 =	vmul.f32 v23, v23  }
0x6e: {  	v35 =	vmul.f32 v57, v58  }
0x6f: {  	v43 =	vmul.f32 v21, v21;
	v62 =	vmul.f32 v24, v40;
	v22 =	vadd.f32 v39, v63  }
0x70: {  	v35 =	vsub.f32 $1.500000000e+00, v35  }
0x71: {  	v42 =	vsub.f32 $1.500000000e+00, v62;
	v22 =	vadd.f32 v22, v43  }
0x72: {  	v29 =	vmul.f32 v57, v35  }
0x73: {  	v24 =	vmul.f32 v24, v42;
	v44 =	vshra.s32 v22, $0x1;
	v22 =	vmul.f32 $5.000000000e-01, v22  }
0x74: {  	v36 =	vsub.s32 $0x5F3759DF, v44;
	v27 =	vmul.f32 v29, v27  }
0x75: {  	v35 =	vmul.f32 v24, v59;
	v45 =	vmul.f32 v36, v22  }
0x76: {  	v50 =	vmul.f32 v17, v34;
	v27 =	vmul.f32 v27, v29  }
0x77: {  	v35 =	vmul.f32 v35, v24;
	v47 =	vmul.f32 v36, v45  }
0x78: {  	v52 =	vmul.f32 v19, v25;
	v25 =	vmul.f32 v18, v25;
	v27 =	vsub.f32 $1.500000000e+00, v27  }
0x79: {  	v53 =	vmul.f32 v17, v33;
	v46 =	vsub.f32 $1.500000000e+00, v35;
	v48 =	vsub.f32 $1.500000000e+00, v47  }
0x7a: {  	v33 =	vmul.f32 v19, v33;
	v27 =	vmul.f32 v27, v29  }
0x7b: {  	v24 =	vmul.f32 v46, v24;
	v29 =	vmul.f32 v36, v48  }
0x7c: {  	v28 =	vmul.f32 v27, v28;
	v31 =	vmul.f32 v27, v31  }
0x7d: {  	v49 =	vmul.f32 v24, v32;
	v26 =	vmul.f32 v24, v26  }
0x7e: {  	v27 =	vmul.f32 v27, v30;
	v20 =	vmul.f32 v24, v20  }
0x7f: {  	v32 =	vmul.f32 v49, v28;
	v51 =	vmul.f32 v26, v31  }
0x80: {  	v34 =	vmul.f32 v18, v34;
	v25 =	vsub.f32 v25, v53;
	v24 =	vsub.f32 v50, v52  }
0x81: {  	v22 =	vmul.f32 v29, v22;
	v54 =	vmul.f32 v20, v27;
	v32 =	vadd.f32 v51, v32  }
0x82: {  	v33 =	vsub.f32 v33, v34;
	v56 =	vmul.f32 v25, v25;
	v55 =	vmul.f32 v24, v24  }
0x83: {  	v22 =	vmul.f32 v22, v29;
	v32 =	vadd.f32 v32, v54  }
0x84: {  	v57 =	vmul.f32 v33, v33;
	v34 =	vadd.f32 v56, v55  }
0x85: {  	v13 =	vsub.f32 v15, v13;
	v22 =	vsub.f32 $1.500000000e+00, v22;
	v32 =	vmax.f32 v32, $-1.000000000e+00  }
0x86: {  	v7 =	vsub.f32 v10, v7;
	v34 =	vadd.f32 v34, v57;
	v32 =	vmin.f32 v32, $1.000000000e+00  }
0x87: {  	v8 =	vsub.f32 v11, v8;
	v22 =	vmul.f32 v22, v29;
	v58 =	vand.u32 $0x7FFFFFFF, v32  }
0x88: {  	v61 =	vshra.s32 v34, $0x1;
	v34 =	vmul.f32 $5.000000000e-01, v34;
	v59 =	vmul.f32 $1.262491100e-03, v58  }
0x89: {  	v60 =	vmul.f32 v22, v37;
	v23 =	vmul.f32 v22, v23;
	v37 =	vsub.s32 $0x5F3759DF, v61  }
0x8a: {  	v21 =	vmul.f32 v22, v21;
	v63 =	vmul.f32 v37, v34;
	v29 =	vsub.f32 $6.670089900e-03, v59  }
0x8b: {  	v9 =	vsub.f32 v12, v9;
	v30 =	vmul.f32 v60, v49;
	v26 =	vmul.f32 v23, v26  }
0x8c: {  	v62 =	vsub.f32 $1.000000000e+00, v58;
	v22 =	vmul.f32 v37, v63;
	v29 =	vmul.f32 v29, v58  }
0x8d: {  	v5 =	vsub.f32 v6, v5;
	v20 =	vmul.f32 v21, v20;
	v26 =	vadd.f32 v26, v30  }
0x8e: {  	v38 =	vmax.f32 v62, $0.0e+00;
	v22 =	vsub.f32 $1.500000000e+00, v22;
	v29 =	vadd.f32 $-1.708812640e-02, v29  }
0x8f: {  	v44 =	vshra.s32 v38, $0x1;
	v45 =	vmul.f32 $5.000000000e-01, v38;
	v20 =	vadd.f32 v26, v20  }
0x90: {  	v39 =	vsub.s32 $0x5F3759DF, v44;
	v22 =	vmul.f32 v37, v22;
	v29 =	vmul.f32 v29, v58  }
0x91: {  	v14 =	vsub.f32 v16, v14;
	v55 =	vand.u32 $0x80000000, v32;
	v41 =	vmul.f32 v39, v45  }
0x92: {  	v20 =	vmax.f32 v20, $-1.000000000e+00;
	v49 =	vmul.f32 v22, v34;
	v29 =	vadd.f32 $3.089188040e-02, v29  }
0x93: {  	vm0 =	vlt.f32 v32, $0.0e+00;
	v20 =	vmin.f32 v20, $1.000000000e+00;
	v46 =	vmul.f32 v39, v41  }
0x94: {  	v51 =	vand.u32 $0x7FFFFFFF, v20;
	v30 =	vmul.f32 v49, v22;
	v47 =	vmul.f32 v29, v58  }
0x95: {  	vm1 =	vgt.f32 v32, $0.0e+00;
	v52 =	vmul.f32 $1.262491100e-03, v51;
	v48 =	vsub.f32 $1.500000000e+00, v46  }
0x96: {  	vm0 =	vmor vm1, vm0;
	v30 =	vsub.f32 $1.500000000e+00, v30;
	v26 =	vadd.f32 $-5.017430340e-02, v47  }
0x97: {  	vm15 =	vlt.f32 v20, $0.0e+00;
	v29 =	vmul.f32 v39, v48;
	v39 =	vsub.f32 $6.670089900e-03, v52  }
0x98: {  	vm4 =	vgt.f32 v20, $0.0e+00;
	v22 =	vmul.f32 v30, v22;
	v26 =	vmul.f32 v26, v58  }
0x99: {  	v56 =	vsub.f32 $1.000000000e+00, v51;
	v50 =	vmul.f32 v29, v45;
	v53 =	vmul.f32 v39, v51  }
0x9a: {  	v24 =	vmul.f32 v22, v24;
	v25 =	vmul.f32 v22, v25;
	v26 =	vadd.f32 $8.897899090e-02, v26  }
0x9b: {  	v22 =	vmul.f32 v22, v33;
	v34 =	vmul.f32 v50, v29;
	v30 =	vadd.f32 $-1.708812640e-02, v53  }
0x9c: {  	v57 =	vmax.f32 v56, $0.0e+00;
	v54 =	vmul.f32 v60, v24;
	v26 =	vmul.f32 v26, v58  }
0x9d: {  	v35 =	vshra.s32 v57, $0x1;
	v23 =	vmul.f32 v23, v25;
	v30 =	vmul.f32 v30, v51  }
0x9e: {  	v21 =	vmul.f32 v21, v22;
	v24 =	vmul.f32 v28, v24;
	v26 =	vadd.f32 $-2.145988050e-01, v26  }
0x9f: {  	v25 =	vmul.f32 v31, v25;
	v23 =	vadd.f32 v23, v54;
	v30 =	vadd.f32 $3.089188040e-02, v30  }
0xa0: {  	v35 =	vsub.s32 $0x5F3759DF, v35;
	v26 =	vmul.f32 v26, v58;
	v58 =	vmul.f32 $5.000000000e-01, v57  }
0xa1: {  	v34 =	vsub.f32 $1.500000000e+00, v34;
	v21 =	vadd.f32 v23, v21;
	v30 =	vmul.f32 v30, v51  }
0xa2: {  	v22 =	vmul.f32 v27, v22;
	v24 =	vadd.f32 v25, v24;
	v59 =	vmul.f32 v35, v58  }
0xa3: {  	v29 =	vmul.f32 v34, v29;
	v21 =	vmax.f32 v21, $-1.000000000e+00;
	v30 =	vadd.f32 $-5.017430340e-02, v30  }
0xa4: {  	v22 =	vadd.f32 v24, v22;
	v21 =	vmin.f32 v21, $1.000000000e+00;
	v28 =	vmul.f32 v35, v59  }
0xa5: {  	v34 =	vor.u32 v55, v0;
	v60 =	vand.u32 $0x7FFFFFFF, v21;
	v30 =	vmul.f32 v30, v51  }
0xa6: {  	v22 =	vmax.f32 v22, $-1.000000000e+00;
	v61 =	vmul.f32 $1.262491100e-03, v60;
	v28 =	vsub.f32 $1.500000000e+00, v28  }
0xa7: {  	v63 =	vsel vm0, v34, v32;
	v22 =	vmin.f32 v22, $1.000000000e+00;
	v30 =	vadd.f32 $8.897899090e-02, v30  }
0xa8: {  	v36 =	vsub.f32 $1.000000000e+00, v60;
	v27 =	vsub.f32 $6.670089900e-03, v61;
	v28 =	vmul.f32 v35, v28  }
0xa9: {  	v29 =	vmul.f32 v29, v38;
	v38 =	vand.u32 $0x7FFFFFFF, v22;
	v62 =	vmul.f32 v30, v51  }
0xaa: {  	v27 =	vmul.f32 v27, v60;
	v30 =	vmax.f32 v36, $0.0e+00;
	v23 =	vmul.f32 v28, v58  }
0xab: {  	v26 =	vadd.f32 $1.570796250e+00, v26;
	v39 =	vmul.f32 $1.262491100e-03, v38;
	v40 =	vshra.s32 v30, $0x1  }
0xac: {  	v41 =	vmul.f32 $5.000000000e-01, v30;
	v27 =	vadd.f32 $-1.708812640e-02, v27;
	v23 =	vmul.f32 v23, v28  }
0xad: {  	v26 =	vmul.f32 v29, v26;
	v29 =	vadd.f32 $-2.145988050e-01, v62;
	v34 =	vsub.s32 $0x5F3759DF, v40  }
0xae: {  	v43 =	vmul.f32 v34, v41;
	v27 =	vmul.f32 v27, v60;
	v23 =	vsub.f32 $1.500000000e+00, v23  }
0xaf: {  	v45 =	vand.u32 $0x80000000, v20;
	v32 =	vsub.f32 $6.670089900e-03, v39;
	v29 =	vmul.f32 v29, v51  }
0xb0: {  	v42 =	vadd.f32 $3.089188040e-02, v27;
	v27 =	vmul.f32 v34, v43;
	v23 =	vmul.f32 v23, v28  }
0xb1: {  	vm0 =	vmor vm4, vm15;
	v46 =	vsub.f32 $1.000000000e+00, v38;
	v44 =	vmul.f32 v32, v38  }
0xb2: {  	v29 =	vadd.f32 $1.570796250e+00, v29;
	v27 =	vsub.f32 $1.500000000e+00, v27;
	v23 =	vmul.f32 v23, v57  }
0xb3: {  	v26 =	vsub.f32 $1.570796370e+00, v26;
	v32 =	vor.u32 v45, v0;
	v28 =	vadd.f32 $-1.708812640e-02, v44  }
0xb4: {  	v27 =	vmul.f32 v34, v27;
	v23 =	vmul.f32 v23, v29;
	v29 =	vmax.f32 v46, $0.0e+00  }
0xb5: {  	v28 =	vmul.f32 v28, v38;
	v48 =	vshra.s32 v29, $0x1;
	v49 =	vmul.f32 $5.000000000e-01, v29  }
0xb6: {  	v24 =	vmul.f32 v26, v63;
	v47 =	vmul.f32 v27, v41;
	v34 =	vsub.s32 $0x5F3759DF, v48  }
0xb7: {  	v26 =	vmul.f32 v42, v60;
	v28 =	vadd.f32 $3.089188040e-02, v28;
	v50 =	vmul.f32 v34, v49  }
0xb8: {  	v11 =	vmul.f32 v13, v8;
	v20 =	vsel vm0, v32, v20;
	v33 =	vmul.f32 v47, v27  }
0xb9: {  	v26 =	vadd.f32 $-5.017430340e-02, v26;
	v28 =	vmul.f32 v28, v38;
	v32 =	vmul.f32 v34, v50  }
0xba: {  	v8 =	vmul.f32 v9, v8;
	vm5 =	vlt.f32 v21, $0.0e+00;
	v52 =	vsub.f32 $1.500000000e+00, v33  }
0xbb: {  	v26 =	vmul.f32 v26, v60;
	v28 =	vadd.f32 $-5.017430340e-02, v28;
	v55 =	vsub.f32 $1.500000000e+00, v32  }
0xbc: {  	vm6 =	vgt.f32 v21, $0.0e+00;
	v16 =	vand.u32 $0x80000000, v22;
	v53 =	vmul.f32 v52, v27  }
0xbd: {  	v26 =	vadd.f32 $8.897899090e-02, v26;
	v28 =	vmul.f32 v28, v38;
	v27 =	vmul.f32 v34, v55  }
0xbe: {  	vm7 =	vlt.f32 v22, $0.0e+00;
	vm8 =	vgt.f32 v22, $0.0e+00;
	v62 =	vmul.f32 v14, v7  }
0xbf: {  	v26 =	vmul.f32 v26, v60;
	v54 =	vadd.f32 $8.897899090e-02, v28;
	v58 =	vmul.f32 v27, v49  }
0xc0: {  	v14 =	vmul.f32 v14, v5;
	v7 =	vmul.f32 v9, v7;
	v23 =	vsub.f32 $1.570796370e+00, v23  }
0xc1: {  	v51 =	vadd.f32 $-2.145988050e-01, v26;
	v26 =	vmul.f32 v54, v38;
	v59 =	vmul.f32 v58, v27  }
0xc2: {  	vm0 =	vmor vm6, vm5;
	v5 =	vmul.f32 v13, v5;
	v20 =	vmul.f32 v23, v20  }
0xc3: {  	v23 =	vmul.f32 v51, v60;
	v26 =	vadd.f32 $-2.145988050e-01, v26;
	v61 =	vsub.f32 $1.500000000e+00, v59  }
0xc4: {  	v11 =	vsub.f32 v11, v62;
	v8 =	vsub.f32 v14, v8;
	v56 =	vmul.f32 v53, v30  }
0xc5: {  	v23 =	vadd.f32 $1.570796250e+00, v23;
	v63 =	vmul.f32 v26, v38;
	v6 =	vmul.f32 v61, v27  }
0xc6: {  	v5 =	vsub.f32 v7, v5;
	v15 =	vmul.f32 v18, v11;
	v8 =	vmul.f32 v19, v8  }
0xc7: {  	v60 =	vmul.f32 v56, v23;
	v14 =	vadd.f32 $1.570796250e+00, v63;
	v6 =	vmul.f32 v6, v29  }
0xc8: {  	v5 =	vmul.f32 v17, v5;
	v18 =	vor.u32 v16, v0;
	v57 =	vand.u32 $0x80000000, v21  }
0xc9: {  	v25 =	vor.u32 v57, v0;
	v10 =	vsub.f32 $1.570796370e+00, v60;
	v6 =	vmul.f32 v6, v14  }
0xca: {  	v7 =	vadd.f32 v8, v15;
	v21 =	vsel vm0, v25, v21;
	vm0 =	vmor vm8, vm7  }
0xcb: {  	v20 =	vadd.f32 v20, v24;
	v13 =	vmul.f32 v10, v21;
	v6 =	vsub.f32 $1.570796370e+00, v6  }
0xcc: {  	v5 =	vadd.f32 v7, v5;
	v8 =	vsel vm0, v18, v22  }
0xcd: {  	v19 =	vadd.f32 v20, v13;
	v6 =	vmul.f32 v6, v8  }
0xce: {  	vm9 =	vlt.f32 v5, $0.0e+00;
	vm10 =	vgt.f32 v5, $0.0e+00;
	v20 =	vand.u32 $0x80000000, v5  }
0xcf: {  	vm0 =	vmor vm10, vm9;
	v21 =	vor.u32 v20, v0;
	v6 =	vadd.f32 v19, v6  }
0xd0: {  	v5 =	vsel vm0, v21, v5  }
0xd1: {  	v5 =	vmul.f32 v6, v5;
	_ =	sdelay $0x1  }
0xd2: {  	v5 =	vmul.f32 $5.013380530e+00, v5;
	_ =	sdelay $0x1  }
0xd3: {  	v5 =	vadd.f32 $3.150000000e+01, v5;
	_ =	sdelay $0x1  }
0xd4: {  	v22 =	vadd.f32 $5.000000000e-01, v5;
	_ =	sdelay $0x1  }
0xd5: {  	v6 =	vtrunc.f32 v22  }
0xd6: {  	v6 =	vcvt.f32.s32 v6;
	_ =	sdelay $0x1  }
0xd7: {  	v23 =	vadd.s32 $0xFFFFFFFD, v6  }
0xd8: {  	v24 =	vcvt.s32.f32 v23;
	_ =	sdelay $0x1  }
0xd9: {  	v5 =	vsub.f32 v5, v24  }
0xda: {  	v3 =	vsub.f32 $0.0e+00, v3  }
0xdb: {  	v4 =	vsub.f32 $0.0e+00, v4;
	v8 =	vmul.f32 v5, v5  }
0xdc: {  	v3 =	vmul.f32 $1.442695020e+00, v3  }
0xdd: {  	v4 =	vmul.f32 $1.442695020e+00, v4;
	v5 =	vadd.f32 v5, v5;
	v8 =	vsub.f32 $0.0e+00, v8  }
0xde: {  	v1 =	vshll.u32 v1, $0x7;
	v2 =	vshll.u32 v2, $0x7;
	(erf) = vpow2.f32 v3  }
0xdf: {  	(erf) = vpow2.f32 v4;
	v5 =	vadd.f32 $-1.000000000e+00, v5;
	v3 =	vmul.f32 $1.442695020e+00, v8  }
0xe0: {  	v25 =	vor.u32 $0x40, v1;
	v26 =	vor.u32 $0x40, v2;
	v33 =	vadd.s32 $0xFFFFFFFE, v6  }
0xe1: {  	v38 =	vadd.s32 $0xFFFFFFFF, v6;
	(erf) = vpow2.f32 v3;
	v3 =	vmul.f32 $1.442695020e+00, v5  }
0xe2: {  	vm3 =	vlt.u32 v6, $0x40;
	v45 =	vand.u32 $0xFFFFFF80, v6;
	v47 =	vand.u32 $0x7F, v6  }
0xe3: {  	v51 =	vadd.s32 $0x1, v6;
	v57 =	vadd.s32 $0x2, v6;
	(erf) = vpow2.f32 v3  }
0xe4: {  	v6 =	vadd.s32 $0x3, v6;
	v27 =	vand.u32 $0xFFFFFF80, v23;
	vm11 =	vlt.u32 v23, $0x40  }
0xe5: {  	v7 =	vand.u32 $0x7F, v23;
	v34 =	vand.u32 $0xFFFFFF80, v33;
	vm12 =	vlt.u32 v33, $0x40  }
0xe6: {  	v39 =	vand.u32 $0xFFFFFF80, v38;
	v40 =	vand.u32 $0x7F, v38;
	v48 =	vadd.s32 v1, v45  }
0xe7: {  	v52 =	vand.u32 $0xFFFFFF80, v51;
	v53 =	vand.u32 $0x7F, v51;
	v58 =	vand.u32 $0xFFFFFF80, v57  }
0xe8: {  	v61 =	vand.u32 $0xFFFFFF80, v6;
	vm15 =	vlt.u32 v6, $0x40;
	v6 =	vand.u32 $0x7F, v6  }
0xe9: {  	v29 =	vadd.s32 v1, v27;
	v9 =	vadd.s32 v2, v27;
	v35 =	vadd.s32 v1, v34;
	v3 =	vpop (erf)  }
0xea: {  	v15 =	vadd.s32 v2, v34;
	v41 =	vadd.s32 v1, v39;
	v19 =	vadd.s32 v2, v39;
	v4 =	vpop (erf)  }
0xeb: {  	v54 =	vadd.s32 v1, v52;
	v59 =	vadd.s32 v1, v58;
	v1 =	vadd.s32 v1, v61;
	v28 =	vpop (erf)  }
0xec: {  	v11 =	vor.u32 v7, v29;
	v7 =	vor.u32 v7, v9;
	v9 =	vand.u32 $0x7F, v33;
	v31 =	vpop (erf)  }
0xed: {  	v12 =	vor.u32 v53, v54;
	v1 =	vor.u32 v6, v1;
	v10 =	vmul.f32 v31, v28  }
0xee: {  	v16 =	vor.u32 v9, v35;
	v9 =	vor.u32 v9, v15;
	v13 =	vmul.f32 $1.353352810e-01, v31  }
0xef: {  	v15 =	vor.u32 v40, v41;
	v30 =	vmul.f32 v28, v3;
	v36 =	vmul.f32 v10, v3  }
0xf0: {  	vm2 =	vlt.u32 v38, $0x40;
	[tilespmem:v25+s18+$0x0] =	vst.idx.add.f32.msk $0xffff, v3;
	v37 =	vmul.f32 v10, v4;
	v10 =	vmul.f32 v13, v10  }
0xf1: {  	v5 =	vor.u32 v40, v19;
	[tilespmem:v26+s18+$0x0] =	vst.idx.add.f32.msk $0xffff, v4;
	v32 =	vmul.f32 v28, v4;
	v13 =	vmul.f32 $1.353352810e-01, v13  }
0xf2: {  	[tilespmem:v11+s18+$0x0] =	vst.idx.add.f32.msk vm11, v30;
	v42 =	vmul.f32 v10, v3;
	v43 =	vmul.f32 v10, v4  }
0xf3: {  	[tilespmem:v7+s18+$0x0] =	vst.idx.add.f32.msk vm11, v32;
	v10 =	vmul.f32 v13, v10;
	v44 =	vmul.f32 $1.353352810e-01, v13;
	v13 =	vadd.s32 v2, v45  }
0xf4: {  	vm13 =	vlt.u32 v51, $0x40;
	v19 =	vor.u32 v47, v48;
	[tilespmem:v16+s18+$0x0] =	vst.idx.add.f32.msk vm12, v36;
	v50 =	vor.u32 v47, v13  }
0xf5: {  	vm14 =	vlt.u32 v57, $0x40;
	[tilespmem:v9+s18+$0x0] =	vst.idx.add.f32.msk vm12, v37;
	v46 =	vmul.f32 v10, v3;
	v49 =	vmul.f32 v10, v4  }
0xf6: {  	v13 =	vadd.s32 v2, v52;
	v10 =	vmul.f32 v44, v10;
	v8 =	vmul.f32 $1.353352810e-01, v44;
	[tilespmem:v15+s18+$0x0] =	vst.idx.add.f32.msk vm2, v42  }
0xf7: {  	v9 =	vor.u32 v53, v13;
	v15 =	vand.u32 $0x7F, v57;
	[tilespmem:v5+s18+$0x0] =	vst.idx.add.f32.msk vm2, v43;
	v5 =	vadd.s32 v2, v58  }
0xf8: {  	v60 =	vor.u32 v15, v59;
	v2 =	vadd.s32 v2, v61;
	v55 =	vmul.f32 v10, v3  }
0xf9: {  	v56 =	vmul.f32 v8, v10;
	v8 =	vmul.f32 $1.353352810e-01, v8;
	[tilespmem:v19+s18+$0x0] =	vst.idx.add.f32.msk vm3, v46;
	v5 =	vor.u32 v15, v5  }
0xfa: {  	v10 =	vmul.f32 v10, v4;
	v2 =	vor.u32 v6, v2;
	[tilespmem:v50+s18+$0x0] =	vst.idx.add.f32.msk vm3, v49  }
0xfb: {  	p1 =	sne.s32 s21, $0x4A40;
	v62 =	vmul.f32 v56, v3;
	v8 =	vmul.f32 v8, v56;
	[tilespmem:v12+s18+$0x0] =	vst.idx.add.f32.msk vm13, v55  }
.Ltmp0:
0xfc: {  	v63 =	vmul.f32 v56, v4;
	[tilespmem:v9+s18+$0x0] =	vst.idx.add.f32.msk vm13, v10;
	(pc) =	sbr.rel @p1 .LBB2_3-.Ltmp0, $4  }
0xfd: {  	v3 =	vmul.f32 v8, v3;
	[tilespmem:v60+s18+$0x0] =	vst.idx.add.f32.msk vm14, v62  }
0xfe: {  	v4 =	vmul.f32 v8, v4;
	[tilespmem:v5+s18+$0x0] =	vst.idx.add.f32.msk vm14, v63  }
0xff: {  	[tilespmem:v1+s18+$0x0] =	vst.idx.add.f32.msk vm15, v3  }
0x100: {  	s21 =	sadd.s32 $0x40, s21;
	[tilespmem:v2+s18+$0x0] =	vst.idx.add.f32.msk vm15, v4  }
0x101: {  	s20 =	smul.u32 $0x780, s20;
	_ =	sdelay $0x1  }
0x102: {  	s20 =	sadd.s32 s9, s20  }
0x103: {  	[hbm4b:s20+s2] =	stream.linear.scatter [tilespmem:s18], [sflag:$0x1], $0x3C00, $0x38;
	[tilespmem:$0x6380] =	vst v63  }
.Ltmp1:
0x104: {  	_ = 	snop;
	(pc) =	sbr.rel @p0 .LBB2_2-.Ltmp1, $4  }
0x105: {  	s20 =	simm.s32 $0x1  }
0x106: {  	_ =	swait.ge [sflag:s20], $0x3C00  }
0x107: {  	[sflag:s20] =	ssyncset.done $0x0  }
0x108: {  	p1 =	por $0x0, $0x0;
	[sflag:s20] =	ssyncadd.s32 $0xFFFFC400  }
0x109: {  	s19 =	sadd.s32 $0x1, s19  }
0x10a: {  	p0 =	sne.s32 s19, s12  }
.Ltmp2:
0x10b: {  	_ = 	snop;
	(pc) =	sbr.rel @p0 .LBB2_1-.Ltmp2, $1  }
0x10c: {  	_ =	sdelay $0x3  }
0x10d: {  	_ =	sfence.sel $0x180000  }
0x10e: {  	[bflag:$0x0] =	sbarrier.arrive $0xFFFF  }
0x10f: {  	p0 =	sne.s32 s6, $0x0;
	_ =	strace $0x90000047  }
0x110: {  	s0 =	sadd.s32 @!p0 $0x100000, s0;
	[bflag:$0x2] =	sbarrier.arrive $0xFFFF  }
0x111: {  	[sflag:s0] =	ssyncadd.tile.s32 @!p0 $0x1;
	_ =	shalt  }
.Lfunc_end2:
_tile_overlayer_lowered:
.L_overlay_start_2:
0x112: {  	(tag) =	ssettag $0x2  }
0x113: {  	s0 =	rddreg [dreg:$0x0];
	s2 =	stileid.u32  }
0x114: {  	s1 =	rddreg [dreg:$0x1];
	p0 =	sne.s32 s2, $0x0  }
0x115: {  	s3 =	rddreg [dreg:$0x2];
	[bflag:$0x3] =	sbarrier.arrive $0xFFFF;
	s2 =	simm.s32 @!p0 $0x1C01  }
0x116: {  	[timem:s3], [sflag:s2] =	dma.local @!p0 [hbm:s0], s1  }
0x117: {  	s0 =	simm.s32 @!p0 $0x1  }
0x118: {  	_ =	swait.ge @!p0 [sflag:s0], s1  }
0x119: {  	s1 =	ssub.s32 @!p0 $0x0, s1;
	[sflag:s0] =	ssyncset.done @!p0 $0x0  }
0x11a: {  	[sflag:s0] =	ssyncadd.s32 @!p0 s1  }
0x11b: {  	[bflag:$0x3] =	sbarrier.arrive $0xFFFF  }
0x11c: {  	_ =	shalt  }

</sc_bundles>
